<compile_context>
chip_gen: v7x
topology: tpu7x:2x2x1
jax: 0.10.2.dev20260603
libtpu: 0.0.44.dev20260713+nightly
codegen_flags: <defaults>
</compile_context>

<pallas_src>
import functools

import jax
import jax.numpy as jnp
from jax import lax
from jax.experimental import pallas as pl
from jax.experimental.pallas import tpu as pltpu
from jax.experimental.pallas import tpu_sc as plsc

NN = 32
NQ = 1024
DIM = 64
NK = 100000
KB = 2048
NBLK = 50
K_PAD = KB * NBLK
NC, NS, L = 2, 16, 16
NW = NC * NS
ROWS_PER_W = NQ // NW
CH = 20480
NCH = K_PAD // CH
BPC = CH // KB
R = 8
SEG = KB // R
INF = float("inf")
BIGI = 2**30



KGM = K_PAD // R


def _dist_body(q_ref, k_ref, qs_ref, ks_ref, o_ref, g_ref):
    j = pl.program_id(0)
    q = q_ref[...]
    k = k_ref[...]
    q_sq = qs_ref[...][:, 0]
    k_sq = ks_ref[...][0, 0, :]
    dot = lax.dot_general(q, k, (((1,), (1,)), ((), ())),
                          preferred_element_type=jnp.float32)
    d = (q_sq[:, None] - 2.0 * dot) + k_sq[None, :]
    col = j * KB + jax.lax.broadcasted_iota(jnp.int32, d.shape, 1)
    d = jnp.where(col < NK, d, INF)
    o_ref[...] = d
    g = d[:, 0:SEG]
    for t in range(1, R):
        g = jnp.minimum(g, d[:, t * SEG:(t + 1) * SEG])
    g_ref[...] = g


def _distances(queries, keys):
    keys_pad = jnp.concatenate(
        [keys, jnp.zeros((K_PAD - NK, DIM), keys.dtype)], axis=0)
    q_sq = jnp.sum(queries * queries, axis=1, keepdims=True)
    k_sq = jnp.sum(keys * keys, axis=1)
    k_sq = jnp.concatenate([k_sq, jnp.zeros((K_PAD - NK,), k_sq.dtype)])
    k_sq3 = k_sq.reshape(NBLK, 1, KB)
    return pl.pallas_call(
        _dist_body,
        grid=(NBLK,),
        in_specs=[
            pl.BlockSpec((NQ, DIM), lambda j: (0, 0)),
            pl.BlockSpec((KB, DIM), lambda j: (j, 0)),
            pl.BlockSpec((NQ, 1), lambda j: (0, 0)),
            pl.BlockSpec((1, 1, KB), lambda j: (j, 0, 0)),
        ],
        out_specs=[
            pl.BlockSpec((NQ, KB), lambda j: (0, j)),
            pl.BlockSpec((NQ, SEG), lambda j: (0, j)),
        ],
        out_shape=[
            jax.ShapeDtypeStruct((NQ, K_PAD), jnp.float32),
            jax.ShapeDtypeStruct((NQ, KGM), jnp.float32),
        ],
    )(queries, keys_pad, q_sq, k_sq3)



def _splat(x):
    return jnp.broadcast_to(x, (L,))


def _merge16(state, v, base):
    A, Ai, B, Bi, tau = state
    iota = lax.broadcasted_iota(jnp.int32, (L,), 0)
    msk = v < tau
    vc = jnp.where(msk, v, INF)
    ic = jnp.where(msk, _splat(base) + iota, BIGI)
    vc, ic = plsc.sort_key_val(vc, ic)
    rv = lax.rev(vc, (0,))
    ri = lax.rev(ic, (0,))
    m = A <= rv
    lo = jnp.where(m, A, rv)
    loi = jnp.where(m, Ai, ri)
    hi = jnp.where(m, rv, A)
    hii = jnp.where(m, ri, Ai)
    A2, Ai2 = plsc.sort_key_val(lo, loi)
    hs, hsi = plsc.sort_key_val(hi, hii)
    rh = lax.rev(hs, (0,))
    rhi = lax.rev(hsi, (0,))
    m2 = B <= rh
    lo2 = jnp.where(m2, B, rh)
    lo2i = jnp.where(m2, Bi, rhi)
    B2, Bi2 = plsc.sort_key_val(lo2, lo2i)
    tau2 = B2.at[jnp.full((L,), L - 1, jnp.int32)].get(mode="promise_in_bounds")
    return A2, Ai2, B2, Bi2, tau2


def _sc_topk_body(dist_hbm, gmin_hbm, vals_hbm, idx_hbm, buf_a, buf_b, gbuf,
                  ov, oi, sem_a, sem_b, sem_g):
    wid = lax.axis_index("s") * NC + lax.axis_index("c")
    row0 = wid * ROWS_PER_W

    def do_row(r, _):
        row = row0 + r

        pltpu.make_async_copy(
            gmin_hbm.at[row, pl.ds(0, KGM)], gbuf, sem_g).start()
        pltpu.make_async_copy(
            dist_hbm.at[row, pl.ds(0, CH)], buf_a, sem_a).start()
        pltpu.make_async_copy(
            gmin_hbm.at[row, pl.ds(0, KGM)], gbuf, sem_g).wait()

        def blk_step(cbase, buf):
            def bstep(blk, state):
                boff = pl.multiple_of(blk * KB, KB)

                def gstep(gg, st):
                    goff = pl.multiple_of(gg * L, L)
                    gm = gbuf[pl.ds(cbase // R + blk * SEG + goff, L)]

                    def slow(s2):
                        for t in range(R):
                            v = buf[pl.ds(boff + t * SEG + goff, L)]
                            base = cbase + boff + t * SEG + goff
                            hit = jnp.any(v < s2[4])
                            s2 = lax.cond(
                                hit,
                                functools.partial(_merge16, v=v, base=base),
                                lambda s: s, s2)
                        return s2

                    return lax.cond(jnp.any(gm < st[4]), slow,
                                    lambda s: s, st)

                return lax.fori_loop(0, SEG // L, gstep, state)
            return bstep

        state = (
            jnp.full((L,), INF, jnp.float32), jnp.full((L,), BIGI, jnp.int32),
            jnp.full((L,), INF, jnp.float32), jnp.full((L,), BIGI, jnp.int32),
            jnp.full((L,), INF, jnp.float32),
        )
        for c in range(NCH):
            buf, sem = (buf_a, sem_a) if c % 2 == 0 else (buf_b, sem_b)
            pltpu.make_async_copy(
                dist_hbm.at[row, pl.ds(c * CH, CH)], buf, sem).wait()
            if c + 1 < NCH:
                nbuf, nsem = (buf_b, sem_b) if c % 2 == 0 else (buf_a, sem_a)
                pltpu.make_async_copy(
                    dist_hbm.at[row, pl.ds((c + 1) * CH, CH)],
                    nbuf, nsem).start()
            state = lax.fori_loop(0, BPC, blk_step(c * CH, buf), state)

        A, Ai, B, Bi, _ = state
        ov[pl.ds(0, L)] = A
        ov[pl.ds(L, L)] = B
        oi[pl.ds(0, L)] = Ai
        oi[pl.ds(L, L)] = Bi
        obase = pl.multiple_of(row * NN, NN)
        pltpu.sync_copy(ov, vals_hbm.at[pl.ds(obase, NN)])
        pltpu.sync_copy(oi, idx_hbm.at[pl.ds(obase, NN)])
        return 0

    lax.fori_loop(0, ROWS_PER_W, do_row, 0)


def _sc_topk(dist, gmin):
    mesh = plsc.VectorSubcoreMesh(core_axis_name="c", subcore_axis_name="s")
    kern = pl.kernel(
        _sc_topk_body,
        out_type=[
            jax.ShapeDtypeStruct((NQ * NN,), jnp.float32),
            jax.ShapeDtypeStruct((NQ * NN,), jnp.int32),
        ],
        mesh=mesh,
        scratch_types=[
            pltpu.VMEM((CH,), jnp.float32),
            pltpu.VMEM((CH,), jnp.float32),
            pltpu.VMEM((KGM,), jnp.float32),
            pltpu.VMEM((NN,), jnp.float32),
            pltpu.VMEM((NN,), jnp.int32),
            pltpu.SemaphoreType.DMA,
            pltpu.SemaphoreType.DMA,
            pltpu.SemaphoreType.DMA,
        ],
        compiler_params=pltpu.CompilerParams(needs_layout_passes=False),
    )
    return kern(dist, gmin)


@jax.jit
def kernel(queries, keys):
    dist, gmin = _distances(queries, keys)
    vals, idx = _sc_topk(dist, gmin)
    return vals.reshape(NQ, NN), idx.reshape(NQ, NN)

# --- scband reference (transcript-rebuilt; emitter-appended) ---
"""Pipeline reference for scband-fixed-number-neighbors-33698313404550 (READ-ONLY COPY).

The authoritative reference and input builder live on the scoring server;
editing this copy changes nothing except your own understanding.
"""

import jax, jax.numpy as jnp
import numpy as np

N_NEIGHBOR = 32

def setup_inputs(seed: int = 0) -> dict:
    key = jax.random.key(seed)
    kq, kk = jax.random.split(key)
    queries = jax.random.normal(kq, (1024, 64), dtype=jnp.float32)
    keys = jax.random.normal(kk, (100000, 64), dtype=jnp.float32)
    return {"queries": queries, "keys": keys}

def reference(queries, keys):
    # Fixed-number-of-neighbors kNN: squared-L2 distance, keep n_neighbor closest.
    q_sq = jnp.sum(queries * queries, axis=1, keepdims=True)          # [Q, 1]
    k_sq = jnp.sum(keys * keys, axis=1)[None, :]                      # [1, K]
    dist = q_sq - 2.0 * (queries @ keys.T) + k_sq                     # [Q, K]
    neg_vals, idx = jax.lax.top_k(-dist, N_NEIGHBOR)                  # closest = largest -dist
    return (-neg_vals, idx)

if __name__ == "__main__":
    import jax
    _d = setup_inputs()
    print(jax.jit(kernel)(*tuple(_d.values())))

</pallas_src>

<mosaic_0001>
#map = affine_map<(d0, d1) -> (0, 0)>
#map1 = affine_map<(d0, d1) -> (0)>
module attributes {stable_mosaic.version = 14 : i64} {
  func.func @_sc_topk_body(%arg0: i32, %arg1: i32, %arg2: memref<1024x102400xf32, #tpu.memory_space<hbm>>, %arg3: memref<1024x12800xf32, #tpu.memory_space<hbm>>, %arg4: memref<32768xf32, #tpu.memory_space<hbm>>, %arg5: memref<32768xi32, #tpu.memory_space<hbm>>, %arg6: memref<20480xf32, #tpu.memory_space<vmem>>, %arg7: memref<20480xf32, #tpu.memory_space<vmem>>, %arg8: memref<12800xf32, #tpu.memory_space<vmem>>, %arg9: memref<32xf32, #tpu.memory_space<vmem>>, %arg10: memref<32xi32, #tpu.memory_space<vmem>>, %arg11: memref<!tpu.dma_semaphore, #tpu.memory_space<semaphore_mem>>, %arg12: memref<!tpu.dma_semaphore, #tpu.memory_space<semaphore_mem>>, %arg13: memref<!tpu.dma_semaphore, #tpu.memory_space<semaphore_mem>>) attributes {dimension_semantics = [#tpu.dimension_semantics<core_parallel>, #tpu.dimension_semantics<subcore_parallel>], iteration_bounds = array<i64: 2, 16>, scalar_prefetch = 0 : i64, scratch_operands = 8 : i64, tpu.core_type = #tpu.core_type<sc_vector_subcore>, window_params = [{transform_indices = #map}, {transform_indices = #map}, {transform_indices = #map1}, {transform_indices = #map1}]} {
    %mul3A = arith.constant 2 : i32
    %mul3A_0 = arith.muli %arg1, %mul3A : i32
    %add3A = arith.addi %mul3A_0, %arg0 : i32
    %mul3A_1 = arith.constant 32 : i32
    %mul3A_2 = arith.muli %add3A, %mul3A_1 : i32
    %scan3A = arith.constant 0 : i32
    %scan3A_3 = arith.constant 0 : i32
    %scan3A_4 = arith.constant 32 : i32
    %scan3A_5 = arith.addi %scan3A_3, %scan3A_4 : i32
    %scan3A_6 = arith.constant 1 : i32
    %scan3A_7 = scf.for %scan3A_9 = %scan3A_3 to %scan3A_5 step %scan3A_6 iter_args(%scan3A_10 = %scan3A) -> (i32)  : i32 {
      %add3A_11 = arith.addi %mul3A_2, %scan3A_9 : i32
      %dma_start3A = arith.constant 0 : i32
      %dma_start3A_12 = tpu.memref_slice %arg3[%add3A_11, %dma_start3A] : memref<1024x12800xf32, #tpu.memory_space<hbm>> -> memref<1x12800xf32, #tpu.memory_space<hbm>>
      %dma_start3A_13 = tpu.memref_squeeze %dma_start3A_12 : memref<1x12800xf32, #tpu.memory_space<hbm>> -> memref<12800xf32, #tpu.memory_space<hbm>>
      %dma_start3A_14 = arith.constant 0 : i32
      %dma_start3A_15 = tpu.memref_slice %arg3[%add3A_11, %dma_start3A_14] : memref<1024x12800xf32, #tpu.memory_space<hbm>> -> memref<1x12800xf32, #tpu.memory_space<hbm>>
      %dma_start3A_16 = tpu.memref_squeeze %dma_start3A_15 : memref<1x12800xf32, #tpu.memory_space<hbm>> -> memref<12800xf32, #tpu.memory_space<hbm>>
      tpu.enqueue_dma source(%dma_start3A_16 : memref<12800xf32, #tpu.memory_space<hbm>>) target(%arg8 : memref<12800xf32, #tpu.memory_space<vmem>>) target_semaphore(%arg13 : memref<!tpu.dma_semaphore, #tpu.memory_space<semaphore_mem>>)
      %dma_start3A_17 = arith.constant 0 : i32
      %dma_start3A_18 = tpu.memref_slice %arg2[%add3A_11, %dma_start3A_17] : memref<1024x102400xf32, #tpu.memory_space<hbm>> -> memref<1x20480xf32, #tpu.memory_space<hbm>>
      %dma_start3A_19 = tpu.memref_squeeze %dma_start3A_18 : memref<1x20480xf32, #tpu.memory_space<hbm>> -> memref<20480xf32, #tpu.memory_space<hbm>>
      %dma_start3A_20 = arith.constant 0 : i32
      %dma_start3A_21 = tpu.memref_slice %arg2[%add3A_11, %dma_start3A_20] : memref<1024x102400xf32, #tpu.memory_space<hbm>> -> memref<1x20480xf32, #tpu.memory_space<hbm>>
      %dma_start3A_22 = tpu.memref_squeeze %dma_start3A_21 : memref<1x20480xf32, #tpu.memory_space<hbm>> -> memref<20480xf32, #tpu.memory_space<hbm>>
      tpu.enqueue_dma source(%dma_start3A_22 : memref<20480xf32, #tpu.memory_space<hbm>>) target(%arg6 : memref<20480xf32, #tpu.memory_space<vmem>>) target_semaphore(%arg11 : memref<!tpu.dma_semaphore, #tpu.memory_space<semaphore_mem>>)
      %dma_wait3A = arith.constant 0 : i32
      %dma_wait3A_23 = tpu.memref_slice %arg3[%add3A_11, %dma_wait3A] : memref<1024x12800xf32, #tpu.memory_space<hbm>> -> memref<1x12800xf32, #tpu.memory_space<hbm>>
      %dma_wait3A_24 = tpu.memref_squeeze %dma_wait3A_23 : memref<1x12800xf32, #tpu.memory_space<hbm>> -> memref<12800xf32, #tpu.memory_space<hbm>>
      %dma_wait3A_25 = arith.constant 0 : i32
      %dma_wait3A_26 = tpu.memref_slice %arg3[%add3A_11, %dma_wait3A_25] : memref<1024x12800xf32, #tpu.memory_space<hbm>> -> memref<1x12800xf32, #tpu.memory_space<hbm>>
      %dma_wait3A_27 = tpu.memref_squeeze %dma_wait3A_26 : memref<1x12800xf32, #tpu.memory_space<hbm>> -> memref<12800xf32, #tpu.memory_space<hbm>>
      tpu.wait_dma2 semaphore(%arg13 : memref<!tpu.dma_semaphore, #tpu.memory_space<semaphore_mem>>) src(%dma_wait3A_27 : memref<12800xf32, #tpu.memory_space<hbm>>) dst(%arg8 : memref<12800xf32, #tpu.memory_space<vmem>>)
      %broadcast_in_dim3A = arith.constant 0x7F800000 : f32
      %broadcast_in_dim3A_28 = vector.broadcast %broadcast_in_dim3A : f32 to vector<16xf32>
      %broadcast_in_dim3A_29 = arith.constant 1073741824 : i32
      %broadcast_in_dim3A_30 = vector.broadcast %broadcast_in_dim3A_29 : i32 to vector<16xi32>
      %broadcast_in_dim3A_31 = arith.constant 0x7F800000 : f32
      %broadcast_in_dim3A_32 = vector.broadcast %broadcast_in_dim3A_31 : f32 to vector<16xf32>
      %broadcast_in_dim3A_33 = arith.constant 1073741824 : i32
      %broadcast_in_dim3A_34 = vector.broadcast %broadcast_in_dim3A_33 : i32 to vector<16xi32>
      %broadcast_in_dim3A_35 = arith.constant 0x7F800000 : f32
      %broadcast_in_dim3A_36 = vector.broadcast %broadcast_in_dim3A_35 : f32 to vector<16xf32>
      %dma_wait3A_37 = arith.constant 0 : i32
      %dma_wait3A_38 = tpu.memref_slice %arg2[%add3A_11, %dma_wait3A_37] : memref<1024x102400xf32, #tpu.memory_space<hbm>> -> memref<1x20480xf32, #tpu.memory_space<hbm>>
      %dma_wait3A_39 = tpu.memref_squeeze %dma_wait3A_38 : memref<1x20480xf32, #tpu.memory_space<hbm>> -> memref<20480xf32, #tpu.memory_space<hbm>>
      %dma_wait3A_40 = arith.constant 0 : i32
      %dma_wait3A_41 = tpu.memref_slice %arg2[%add3A_11, %dma_wait3A_40] : memref<1024x102400xf32, #tpu.memory_space<hbm>> -> memref<1x20480xf32, #tpu.memory_space<hbm>>
      %dma_wait3A_42 = tpu.memref_squeeze %dma_wait3A_41 : memref<1x20480xf32, #tpu.memory_space<hbm>> -> memref<20480xf32, #tpu.memory_space<hbm>>
      tpu.wait_dma2 semaphore(%arg11 : memref<!tpu.dma_semaphore, #tpu.memory_space<semaphore_mem>>) src(%dma_wait3A_42 : memref<20480xf32, #tpu.memory_space<hbm>>) dst(%arg6 : memref<20480xf32, #tpu.memory_space<vmem>>)
      %dma_start3A_43 = arith.constant 20480 : i32
      %dma_start3A_44 = tpu.memref_slice %arg2[%add3A_11, %dma_start3A_43] : memref<1024x102400xf32, #tpu.memory_space<hbm>> -> memref<1x20480xf32, #tpu.memory_space<hbm>>
      %dma_start3A_45 = tpu.memref_squeeze %dma_start3A_44 : memref<1x20480xf32, #tpu.memory_space<hbm>> -> memref<20480xf32, #tpu.memory_space<hbm>>
      %dma_start3A_46 = arith.constant 20480 : i32
      %dma_start3A_47 = tpu.memref_slice %arg2[%add3A_11, %dma_start3A_46] : memref<1024x102400xf32, #tpu.memory_space<hbm>> -> memref<1x20480xf32, #tpu.memory_space<hbm>>
      %dma_start3A_48 = tpu.memref_squeeze %dma_start3A_47 : memref<1x20480xf32, #tpu.memory_space<hbm>> -> memref<20480xf32, #tpu.memory_space<hbm>>
      tpu.enqueue_dma source(%dma_start3A_48 : memref<20480xf32, #tpu.memory_space<hbm>>) target(%arg7 : memref<20480xf32, #tpu.memory_space<vmem>>) target_semaphore(%arg12 : memref<!tpu.dma_semaphore, #tpu.memory_space<semaphore_mem>>)
      %scan3A_49 = arith.constant 0 : i32
      %scan3A_50 = arith.constant 10 : i32
      %scan3A_51 = arith.addi %scan3A_49, %scan3A_50 : i32
      %scan3A_52 = arith.constant 1 : i32
      %scan3A_53:5 = scf.for %scan3A_131 = %scan3A_49 to %scan3A_51 step %scan3A_52 iter_args(%scan3A_132 = %broadcast_in_dim3A_28, %scan3A_133 = %broadcast_in_dim3A_30, %scan3A_134 = %broadcast_in_dim3A_32, %scan3A_135 = %broadcast_in_dim3A_34, %scan3A_136 = %broadcast_in_dim3A_36) -> (vector<16xf32>, vector<16xi32>, vector<16xf32>, vector<16xi32>, vector<16xf32>)  : i32 {
        %mul3A_137 = arith.constant 2048 : i32
        %mul3A_138 = arith.muli %scan3A_131, %mul3A_137 : i32
        %multiple_of3A_139 = tpu.assume_multiple %mul3A_138, 2048 : i32
        %scan3A_140 = arith.constant 0 : i32
        %scan3A_141 = arith.constant 16 : i32
        %scan3A_142 = arith.addi %scan3A_140, %scan3A_141 : i32
        %scan3A_143 = arith.constant 1 : i32
        %scan3A_144:5 = scf.for %scan3A_146 = %scan3A_140 to %scan3A_142 step %scan3A_143 iter_args(%scan3A_147 = %scan3A_132, %scan3A_148 = %scan3A_133, %scan3A_149 = %scan3A_134, %scan3A_150 = %scan3A_135, %scan3A_151 = %scan3A_136) -> (vector<16xf32>, vector<16xi32>, vector<16xf32>, vector<16xi32>, vector<16xf32>)  : i32 {
          %mul3A_152 = arith.constant 16 : i32
          %mul3A_153 = arith.muli %scan3A_146, %mul3A_152 : i32
          %multiple_of3A_154 = tpu.assume_multiple %mul3A_153, 16 : i32
          %mul3A_155 = arith.constant 256 : i32
          %mul3A_156 = arith.muli %scan3A_131, %mul3A_155 : i32
          %add3A_157 = arith.constant 0 : i32
          %add3A_158 = arith.addi %add3A_157, %mul3A_156 : i32
          %add3A_159 = arith.addi %add3A_158, %multiple_of3A_154 : i32
          %get3A = arith.index_cast %add3A_159 : i32 to index
          %get3A_160 = tpu.vector_load %arg8[%get3A] {strides = array<i32>} : memref<12800xf32, #tpu.memory_space<vmem>>, vector<16xf32>,
          %lt3A = arith.cmpf olt, %get3A_160, %scan3A_151 : vector<16xf32>
          %reduce_or3A = arith.constant 1.000000e+00 : f32
          %reduce_or3A_161 = arith.constant 0.000000e+00 : f32
          %reduce_or3A_162 = vector.broadcast %reduce_or3A : f32 to vector<16xf32>
          %reduce_or3A_163 = vector.broadcast %reduce_or3A_161 : f32 to vector<16xf32>
          %reduce_or3A_164 = arith.select %lt3A, %reduce_or3A_162, %reduce_or3A_163 : vector<16xi1>, vector<16xf32>
          %reduce_or3A_165 = arith.constant true
          %reduce_or3A_166 = vector.broadcast %reduce_or3A_165 : i1 to vector<16xi1>
          %reduce_or3A_167 = tpu.scan <max>, %reduce_or3A_164 masked %reduce_or3A_166 : vector<16xf32>, vector<16xi1> -> vector<16xf32>
          %reduce_or3A_168 = vector.extract %reduce_or3A_167[15] : f32 from vector<16xf32>
          %reduce_or3A_169 = arith.constant 0.000000e+00 : f32
          %reduce_or3A_170 = arith.cmpf ogt, %reduce_or3A_168, %reduce_or3A_169 : f32
          %convert_element_type3A = arith.extui %reduce_or3A_170 : i1 to i32
          %cond3A = arith.constant 0 : i32
          %cond3A_171 = arith.cmpi ne, %convert_element_type3A, %cond3A : i32
          %cond3A_172:5 = scf.if %cond3A_171 -> (vector<16xf32>, vector<16xi32>, vector<16xf32>, vector<16xi32>, vector<16xf32>) {
            %add3A_173 = arith.constant 0 : i32
            %add3A_174 = arith.addi %multiple_of3A_139, %add3A_173 : i32
            %add3A_175 = arith.addi %add3A_174, %multiple_of3A_154 : i32
            %get3A_176 = arith.index_cast %add3A_175 : i32 to index
            %get3A_177 = tpu.vector_load %arg6[%get3A_176] {strides = array<i32>} : memref<20480xf32, #tpu.memory_space<vmem>>, vector<16xf32>,
            %add3A_178 = arith.constant 0 : i32
            %add3A_179 = arith.addi %add3A_178, %multiple_of3A_139 : i32
            %add3A_180 = arith.constant 0 : i32
            %add3A_181 = arith.addi %add3A_179, %add3A_180 : i32
            %add3A_182 = arith.addi %add3A_181, %multiple_of3A_154 : i32
            %lt3A_183 = arith.cmpf olt, %get3A_177, %scan3A_151 : vector<16xf32>
            %reduce_or3A_184 = arith.constant 1.000000e+00 : f32
            %reduce_or3A_185 = arith.constant 0.000000e+00 : f32
            %reduce_or3A_186 = vector.broadcast %reduce_or3A_184 : f32 to vector<16xf32>
            %reduce_or3A_187 = vector.broadcast %reduce_or3A_185 : f32 to vector<16xf32>
            %reduce_or3A_188 = arith.select %lt3A_183, %reduce_or3A_186, %reduce_or3A_187 : vector<16xi1>, vector<16xf32>
            %reduce_or3A_189 = arith.constant true
            %reduce_or3A_190 = vector.broadcast %reduce_or3A_189 : i1 to vector<16xi1>
            %reduce_or3A_191 = tpu.scan <max>, %reduce_or3A_188 masked %reduce_or3A_190 : vector<16xf32>, vector<16xi1> -> vector<16xf32>
            %reduce_or3A_192 = vector.extract %reduce_or3A_191[15] : f32 from vector<16xf32>
            %reduce_or3A_193 = arith.constant 0.000000e+00 : f32
            %reduce_or3A_194 = arith.cmpf ogt, %reduce_or3A_192, %reduce_or3A_193 : f32
            %convert_element_type3A_195 = arith.extui %reduce_or3A_194 : i1 to i32
            %cond3A_196 = arith.constant 0 : i32
            %cond3A_197 = arith.cmpi ne, %convert_element_type3A_195, %cond3A_196 : i32
            %cond3A_198:5 = scf.if %cond3A_197 -> (vector<16xf32>, vector<16xi32>, vector<16xf32>, vector<16xi32>, vector<16xf32>) {
              %iota3A = tpu.iota {dimensions = array<i32: 0>} : vector<16xi32>
              %lt3A_381 = arith.cmpf olt, %get3A_177, %scan3A_151 : vector<16xf32>
              %jit3A = arith.constant 0x7F800000 : f32
              %broadcast_in_dim3A_382 = vector.broadcast %jit3A : f32 to vector<16xf32>
              %select_n3A = arith.select %lt3A_381, %get3A_177, %broadcast_in_dim3A_382 : vector<16xi1>, vector<16xf32>
              %broadcast_in_dim3A_383 = vector.broadcast %add3A_182 : i32 to vector<16xi32>
              %add3A_384 = arith.addi %broadcast_in_dim3A_383, %iota3A : vector<16xi32>
              %jit3A_385 = arith.constant 1073741824 : i32
              %broadcast_in_dim3A_386 = vector.broadcast %jit3A_385 : i32 to vector<16xi32>
              %select_n3A_387 = arith.select %lt3A_381, %add3A_384, %broadcast_in_dim3A_386 : vector<16xi1>, vector<16xi32>
              %masked_sort3A = arith.constant dense<true> : vector<16xi1>
              %masked_sort3A_388, %masked_sort3A_389, %masked_sort3A_390 = tpu.sort %select_n3A, %select_n3A_387 masked %masked_sort3A : (vector<16xf32>, vector<16xi32>, vector<16xi1>) -> (vector<16xi1>, vector<16xf32>, vector<16xi32>)
              %rev3A = arith.constant 15 : i32
              %rev3A_391 = vector.broadcast %rev3A : i32 to vector<16xi32>
              %rev3A_392 = tpu.iota {dimensions = array<i32: 0>} : vector<16xi32>
              %rev3A_393 = arith.subi %rev3A_391, %rev3A_392 : vector<16xi32>
              %rev3A_394 = tpu.dynamic_gather %masked_sort3A_389[%rev3A_393] in [0] : vector<16xf32>, vector<16xi32> -> vector<16xf32>
              %rev3A_395 = arith.constant 15 : i32
              %rev3A_396 = vector.broadcast %rev3A_395 : i32 to vector<16xi32>
              %rev3A_397 = tpu.iota {dimensions = array<i32: 0>} : vector<16xi32>
              %rev3A_398 = arith.subi %rev3A_396, %rev3A_397 : vector<16xi32>
              %rev3A_399 = tpu.dynamic_gather %masked_sort3A_390[%rev3A_398] in [0] : vector<16xi32>, vector<16xi32> -> vector<16xi32>
              %le3A = arith.cmpf ole, %scan3A_147, %rev3A_394 : vector<16xf32>
              %select_n3A_400 = arith.select %le3A, %scan3A_147, %rev3A_394 : vector<16xi1>, vector<16xf32>
              %select_n3A_401 = arith.select %le3A, %scan3A_148, %rev3A_399 : vector<16xi1>, vector<16xi32>
              %select_n3A_402 = arith.select %le3A, %rev3A_394, %scan3A_147 : vector<16xi1>, vector<16xf32>
              %select_n3A_403 = arith.select %le3A, %rev3A_399, %scan3A_148 : vector<16xi1>, vector<16xi32>
              %masked_sort3A_404 = arith.constant dense<true> : vector<16xi1>
              %masked_sort3A_405, %masked_sort3A_406, %masked_sort3A_407 = tpu.sort %select_n3A_400, %select_n3A_401 masked %masked_sort3A_404 : (vector<16xf32>, vector<16xi32>, vector<16xi1>) -> (vector<16xi1>, vector<16xf32>, vector<16xi32>)
              %masked_sort3A_408 = arith.constant dense<true> : vector<16xi1>
              %masked_sort3A_409, %masked_sort3A_410, %masked_sort3A_411 = tpu.sort %select_n3A_402, %select_n3A_403 masked %masked_sort3A_408 : (vector<16xf32>, vector<16xi32>, vector<16xi1>) -> (vector<16xi1>, vector<16xf32>, vector<16xi32>)
              %rev3A_412 = arith.constant 15 : i32
              %rev3A_413 = vector.broadcast %rev3A_412 : i32 to vector<16xi32>
              %rev3A_414 = tpu.iota {dimensions = array<i32: 0>} : vector<16xi32>
              %rev3A_415 = arith.subi %rev3A_413, %rev3A_414 : vector<16xi32>
              %rev3A_416 = tpu.dynamic_gather %masked_sort3A_410[%rev3A_415] in [0] : vector<16xf32>, vector<16xi32> -> vector<16xf32>
              %rev3A_417 = arith.constant 15 : i32
              %rev3A_418 = vector.broadcast %rev3A_417 : i32 to vector<16xi32>
              %rev3A_419 = tpu.iota {dimensions = array<i32: 0>} : vector<16xi32>
              %rev3A_420 = arith.subi %rev3A_418, %rev3A_419 : vector<16xi32>
              %rev3A_421 = tpu.dynamic_gather %masked_sort3A_411[%rev3A_420] in [0] : vector<16xi32>, vector<16xi32> -> vector<16xi32>
              %le3A_422 = arith.cmpf ole, %scan3A_149, %rev3A_416 : vector<16xf32>
              %select_n3A_423 = arith.select %le3A_422, %scan3A_149, %rev3A_416 : vector<16xi1>, vector<16xf32>
              %select_n3A_424 = arith.select %le3A_422, %scan3A_150, %rev3A_421 : vector<16xi1>, vector<16xi32>
              %masked_sort3A_425 = arith.constant dense<true> : vector<16xi1>
              %masked_sort3A_426, %masked_sort3A_427, %masked_sort3A_428 = tpu.sort %select_n3A_423, %select_n3A_424 masked %masked_sort3A_425 : (vector<16xf32>, vector<16xi32>, vector<16xi1>) -> (vector<16xi1>, vector<16xf32>, vector<16xi32>)
              %broadcast_in_dim3A_429 = arith.constant 15 : i32
              %broadcast_in_dim3A_430 = vector.broadcast %broadcast_in_dim3A_429 : i32 to vector<16xi32>
              %lt3A_431 = arith.constant 0 : i32
              %lt3A_432 = vector.broadcast %lt3A_431 : i32 to vector<16xi32>
              %lt3A_433 = arith.cmpi slt, %broadcast_in_dim3A_430, %lt3A_432 : vector<16xi32>
              %add3A_434 = arith.constant 16 : i32
              %add3A_435 = vector.broadcast %add3A_434 : i32 to vector<16xi32>
              %add3A_436 = arith.addi %broadcast_in_dim3A_430, %add3A_435 : vector<16xi32>
              %select_n3A_437 = arith.select %lt3A_433, %add3A_436, %broadcast_in_dim3A_430 : vector<16xi1>, vector<16xi32>
              %broadcast_in_dim3A_438 = vector.shape_cast %select_n3A_437 : vector<16xi32> to vector<16x1xi32>
              %gather3A = vector.shape_cast %broadcast_in_dim3A_438 : vector<16x1xi32> to vector<16xi32>
              %gather3A_439 = tpu.dynamic_gather %masked_sort3A_427[%gather3A] in [0] : vector<16xf32>, vector<16xi32> -> vector<16xf32>
              scf.yield %masked_sort3A_406, %masked_sort3A_407, %masked_sort3A_427, %masked_sort3A_428, %gather3A_439 : vector<16xf32>, vector<16xi32>, vector<16xf32>, vector<16xi32>, vector<16xf32>
            } else {
              scf.yield %scan3A_147, %scan3A_148, %scan3A_149, %scan3A_150, %scan3A_151 : vector<16xf32>, vector<16xi32>, vector<16xf32>, vector<16xi32>, vector<16xf32>
            }
            %add3A_199 = arith.constant 256 : i32
            %add3A_200 = arith.addi %multiple_of3A_139, %add3A_199 : i32
            %add3A_201 = arith.addi %add3A_200, %multiple_of3A_154 : i32
            %get3A_202 = arith.index_cast %add3A_201 : i32 to index
            %get3A_203 = tpu.vector_load %arg6[%get3A_202] {strides = array<i32>} : memref<20480xf32, #tpu.memory_space<vmem>>, vector<16xf32>,
            %add3A_204 = arith.constant 0 : i32
            %add3A_205 = arith.addi %add3A_204, %multiple_of3A_139 : i32
            %add3A_206 = arith.constant 256 : i32
            %add3A_207 = arith.addi %add3A_205, %add3A_206 : i32
            %add3A_208 = arith.addi %add3A_207, %multiple_of3A_154 : i32
            %lt3A_209 = arith.cmpf olt, %get3A_203, %cond3A_198#4 : vector<16xf32>
            %reduce_or3A_210 = arith.constant 1.000000e+00 : f32
            %reduce_or3A_211 = arith.constant 0.000000e+00 : f32
            %reduce_or3A_212 = vector.broadcast %reduce_or3A_210 : f32 to vector<16xf32>
            %reduce_or3A_213 = vector.broadcast %reduce_or3A_211 : f32 to vector<16xf32>
            %reduce_or3A_214 = arith.select %lt3A_209, %reduce_or3A_212, %reduce_or3A_213 : vector<16xi1>, vector<16xf32>
            %reduce_or3A_215 = arith.constant true
            %reduce_or3A_216 = vector.broadcast %reduce_or3A_215 : i1 to vector<16xi1>
            %reduce_or3A_217 = tpu.scan <max>, %reduce_or3A_214 masked %reduce_or3A_216 : vector<16xf32>, vector<16xi1> -> vector<16xf32>
            %reduce_or3A_218 = vector.extract %reduce_or3A_217[15] : f32 from vector<16xf32>
            %reduce_or3A_219 = arith.constant 0.000000e+00 : f32
            %reduce_or3A_220 = arith.cmpf ogt, %reduce_or3A_218, %reduce_or3A_219 : f32
            %convert_element_type3A_221 = arith.extui %reduce_or3A_220 : i1 to i32
            %cond3A_222 = arith.constant 0 : i32
            %cond3A_223 = arith.cmpi ne, %convert_element_type3A_221, %cond3A_222 : i32
            %cond3A_224:5 = scf.if %cond3A_223 -> (vector<16xf32>, vector<16xi32>, vector<16xf32>, vector<16xi32>, vector<16xf32>) {
              %iota3A = tpu.iota {dimensions = array<i32: 0>} : vector<16xi32>
              %lt3A_381 = arith.cmpf olt, %get3A_203, %cond3A_198#4 : vector<16xf32>
              %jit3A = arith.constant 0x7F800000 : f32
              %broadcast_in_dim3A_382 = vector.broadcast %jit3A : f32 to vector<16xf32>
              %select_n3A = arith.select %lt3A_381, %get3A_203, %broadcast_in_dim3A_382 : vector<16xi1>, vector<16xf32>
              %broadcast_in_dim3A_383 = vector.broadcast %add3A_208 : i32 to vector<16xi32>
              %add3A_384 = arith.addi %broadcast_in_dim3A_383, %iota3A : vector<16xi32>
              %jit3A_385 = arith.constant 1073741824 : i32
              %broadcast_in_dim3A_386 = vector.broadcast %jit3A_385 : i32 to vector<16xi32>
              %select_n3A_387 = arith.select %lt3A_381, %add3A_384, %broadcast_in_dim3A_386 : vector<16xi1>, vector<16xi32>
              %masked_sort3A = arith.constant dense<true> : vector<16xi1>
              %masked_sort3A_388, %masked_sort3A_389, %masked_sort3A_390 = tpu.sort %select_n3A, %select_n3A_387 masked %masked_sort3A : (vector<16xf32>, vector<16xi32>, vector<16xi1>) -> (vector<16xi1>, vector<16xf32>, vector<16xi32>)
              %rev3A = arith.constant 15 : i32
              %rev3A_391 = vector.broadcast %rev3A : i32 to vector<16xi32>
              %rev3A_392 = tpu.iota {dimensions = array<i32: 0>} : vector<16xi32>
              %rev3A_393 = arith.subi %rev3A_391, %rev3A_392 : vector<16xi32>
              %rev3A_394 = tpu.dynamic_gather %masked_sort3A_389[%rev3A_393] in [0] : vector<16xf32>, vector<16xi32> -> vector<16xf32>
              %rev3A_395 = arith.constant 15 : i32
              %rev3A_396 = vector.broadcast %rev3A_395 : i32 to vector<16xi32>
              %rev3A_397 = tpu.iota {dimensions = array<i32: 0>} : vector<16xi32>
              %rev3A_398 = arith.subi %rev3A_396, %rev3A_397 : vector<16xi32>
              %rev3A_399 = tpu.dynamic_gather %masked_sort3A_390[%rev3A_398] in [0] : vector<16xi32>, vector<16xi32> -> vector<16xi32>
              %le3A = arith.cmpf ole, %cond3A_198#0, %rev3A_394 : vector<16xf32>
              %select_n3A_400 = arith.select %le3A, %cond3A_198#0, %rev3A_394 : vector<16xi1>, vector<16xf32>
              %select_n3A_401 = arith.select %le3A, %cond3A_198#1, %rev3A_399 : vector<16xi1>, vector<16xi32>
              %select_n3A_402 = arith.select %le3A, %rev3A_394, %cond3A_198#0 : vector<16xi1>, vector<16xf32>
              %select_n3A_403 = arith.select %le3A, %rev3A_399, %cond3A_198#1 : vector<16xi1>, vector<16xi32>
              %masked_sort3A_404 = arith.constant dense<true> : vector<16xi1>
              %masked_sort3A_405, %masked_sort3A_406, %masked_sort3A_407 = tpu.sort %select_n3A_400, %select_n3A_401 masked %masked_sort3A_404 : (vector<16xf32>, vector<16xi32>, vector<16xi1>) -> (vector<16xi1>, vector<16xf32>, vector<16xi32>)
              %masked_sort3A_408 = arith.constant dense<true> : vector<16xi1>
              %masked_sort3A_409, %masked_sort3A_410, %masked_sort3A_411 = tpu.sort %select_n3A_402, %select_n3A_403 masked %masked_sort3A_408 : (vector<16xf32>, vector<16xi32>, vector<16xi1>) -> (vector<16xi1>, vector<16xf32>, vector<16xi32>)
              %rev3A_412 = arith.constant 15 : i32
              %rev3A_413 = vector.broadcast %rev3A_412 : i32 to vector<16xi32>
              %rev3A_414 = tpu.iota {dimensions = array<i32: 0>} : vector<16xi32>
              %rev3A_415 = arith.subi %rev3A_413, %rev3A_414 : vector<16xi32>
              %rev3A_416 = tpu.dynamic_gather %masked_sort3A_410[%rev3A_415] in [0] : vector<16xf32>, vector<16xi32> -> vector<16xf32>
              %rev3A_417 = arith.constant 15 : i32
              %rev3A_418 = vector.broadcast %rev3A_417 : i32 to vector<16xi32>
              %rev3A_419 = tpu.iota {dimensions = array<i32: 0>} : vector<16xi32>
              %rev3A_420 = arith.subi %rev3A_418, %rev3A_419 : vector<16xi32>
              %rev3A_421 = tpu.dynamic_gather %masked_sort3A_411[%rev3A_420] in [0] : vector<16xi32>, vector<16xi32> -> vector<16xi32>
              %le3A_422 = arith.cmpf ole, %cond3A_198#2, %rev3A_416 : vector<16xf32>
              %select_n3A_423 = arith.select %le3A_422, %cond3A_198#2, %rev3A_416 : vector<16xi1>, vector<16xf32>
              %select_n3A_424 = arith.select %le3A_422, %cond3A_198#3, %rev3A_421 : vector<16xi1>, vector<16xi32>
              %masked_sort3A_425 = arith.constant dense<true> : vector<16xi1>
              %masked_sort3A_426, %masked_sort3A_427, %masked_sort3A_428 = tpu.sort %select_n3A_423, %select_n3A_424 masked %masked_sort3A_425 : (vector<16xf32>, vector<16xi32>, vector<16xi1>) -> (vector<16xi1>, vector<16xf32>, vector<16xi32>)
              %broadcast_in_dim3A_429 = arith.constant 15 : i32
              %broadcast_in_dim3A_430 = vector.broadcast %broadcast_in_dim3A_429 : i32 to vector<16xi32>
              %lt3A_431 = arith.constant 0 : i32
              %lt3A_432 = vector.broadcast %lt3A_431 : i32 to vector<16xi32>
              %lt3A_433 = arith.cmpi slt, %broadcast_in_dim3A_430, %lt3A_432 : vector<16xi32>
              %add3A_434 = arith.constant 16 : i32
              %add3A_435 = vector.broadcast %add3A_434 : i32 to vector<16xi32>
              %add3A_436 = arith.addi %broadcast_in_dim3A_430, %add3A_435 : vector<16xi32>
              %select_n3A_437 = arith.select %lt3A_433, %add3A_436, %broadcast_in_dim3A_430 : vector<16xi1>, vector<16xi32>
              %broadcast_in_dim3A_438 = vector.shape_cast %select_n3A_437 : vector<16xi32> to vector<16x1xi32>
              %gather3A = vector.shape_cast %broadcast_in_dim3A_438 : vector<16x1xi32> to vector<16xi32>
              %gather3A_439 = tpu.dynamic_gather %masked_sort3A_427[%gather3A] in [0] : vector<16xf32>, vector<16xi32> -> vector<16xf32>
              scf.yield %masked_sort3A_406, %masked_sort3A_407, %masked_sort3A_427, %masked_sort3A_428, %gather3A_439 : vector<16xf32>, vector<16xi32>, vector<16xf32>, vector<16xi32>, vector<16xf32>
            } else {
              scf.yield %cond3A_198#0, %cond3A_198#1, %cond3A_198#2, %cond3A_198#3, %cond3A_198#4 : vector<16xf32>, vector<16xi32>, vector<16xf32>, vector<16xi32>, vector<16xf32>
            }
            %add3A_225 = arith.constant 512 : i32
            %add3A_226 = arith.addi %multiple_of3A_139, %add3A_225 : i32
            %add3A_227 = arith.addi %add3A_226, %multiple_of3A_154 : i32
            %get3A_228 = arith.index_cast %add3A_227 : i32 to index
            %get3A_229 = tpu.vector_load %arg6[%get3A_228] {strides = array<i32>} : memref<20480xf32, #tpu.memory_space<vmem>>, vector<16xf32>,
            %add3A_230 = arith.constant 0 : i32
            %add3A_231 = arith.addi %add3A_230, %multiple_of3A_139 : i32
            %add3A_232 = arith.constant 512 : i32
            %add3A_233 = arith.addi %add3A_231, %add3A_232 : i32
            %add3A_234 = arith.addi %add3A_233, %multiple_of3A_154 : i32
            %lt3A_235 = arith.cmpf olt, %get3A_229, %cond3A_224#4 : vector<16xf32>
            %reduce_or3A_236 = arith.constant 1.000000e+00 : f32
            %reduce_or3A_237 = arith.constant 0.000000e+00 : f32
            %reduce_or3A_238 = vector.broadcast %reduce_or3A_236 : f32 to vector<16xf32>
            %reduce_or3A_239 = vector.broadcast %reduce_or3A_237 : f32 to vector<16xf32>
            %reduce_or3A_240 = arith.select %lt3A_235, %reduce_or3A_238, %reduce_or3A_239 : vector<16xi1>, vector<16xf32>
            %reduce_or3A_241 = arith.constant true
            %reduce_or3A_242 = vector.broadcast %reduce_or3A_241 : i1 to vector<16xi1>
            %reduce_or3A_243 = tpu.scan <max>, %reduce_or3A_240 masked %reduce_or3A_242 : vector<16xf32>, vector<16xi1> -> vector<16xf32>
            %reduce_or3A_244 = vector.extract %reduce_or3A_243[15] : f32 from vector<16xf32>
            %reduce_or3A_245 = arith.constant 0.000000e+00 : f32
            %reduce_or3A_246 = arith.cmpf ogt, %reduce_or3A_244, %reduce_or3A_245 : f32
            %convert_element_type3A_247 = arith.extui %reduce_or3A_246 : i1 to i32
            %cond3A_248 = arith.constant 0 : i32
            %cond3A_249 = arith.cmpi ne, %convert_element_type3A_247, %cond3A_248 : i32
            %cond3A_250:5 = scf.if %cond3A_249 -> (vector<16xf32>, vector<16xi32>, vector<16xf32>, vector<16xi32>, vector<16xf32>) {
              %iota3A = tpu.iota {dimensions = array<i32: 0>} : vector<16xi32>
              %lt3A_381 = arith.cmpf olt, %get3A_229, %cond3A_224#4 : vector<16xf32>
              %jit3A = arith.constant 0x7F800000 : f32
              %broadcast_in_dim3A_382 = vector.broadcast %jit3A : f32 to vector<16xf32>
              %select_n3A = arith.select %lt3A_381, %get3A_229, %broadcast_in_dim3A_382 : vector<16xi1>, vector<16xf32>
              %broadcast_in_dim3A_383 = vector.broadcast %add3A_234 : i32 to vector<16xi32>
              %add3A_384 = arith.addi %broadcast_in_dim3A_383, %iota3A : vector<16xi32>
              %jit3A_385 = arith.constant 1073741824 : i32
              %broadcast_in_dim3A_386 = vector.broadcast %jit3A_385 : i32 to vector<16xi32>
              %select_n3A_387 = arith.select %lt3A_381, %add3A_384, %broadcast_in_dim3A_386 : vector<16xi1>, vector<16xi32>
              %masked_sort3A = arith.constant dense<true> : vector<16xi1>
              %masked_sort3A_388, %masked_sort3A_389, %masked_sort3A_390 = tpu.sort %select_n3A, %select_n3A_387 masked %masked_sort3A : (vector<16xf32>, vector<16xi32>, vector<16xi1>) -> (vector<16xi1>, vector<16xf32>, vector<16xi32>)
              %rev3A = arith.constant 15 : i32
              %rev3A_391 = vector.broadcast %rev3A : i32 to vector<16xi32>
              %rev3A_392 = tpu.iota {dimensions = array<i32: 0>} : vector<16xi32>
              %rev3A_393 = arith.subi %rev3A_391, %rev3A_392 : vector<16xi32>
              %rev3A_394 = tpu.dynamic_gather %masked_sort3A_389[%rev3A_393] in [0] : vector<16xf32>, vector<16xi32> -> vector<16xf32>
              %rev3A_395 = arith.constant 15 : i32
              %rev3A_396 = vector.broadcast %rev3A_395 : i32 to vector<16xi32>
              %rev3A_397 = tpu.iota {dimensions = array<i32: 0>} : vector<16xi32>
              %rev3A_398 = arith.subi %rev3A_396, %rev3A_397 : vector<16xi32>
              %rev3A_399 = tpu.dynamic_gather %masked_sort3A_390[%rev3A_398] in [0] : vector<16xi32>, vector<16xi32> -> vector<16xi32>
              %le3A = arith.cmpf ole, %cond3A_224#0, %rev3A_394 : vector<16xf32>
              %select_n3A_400 = arith.select %le3A, %cond3A_224#0, %rev3A_394 : vector<16xi1>, vector<16xf32>
              %select_n3A_401 = arith.select %le3A, %cond3A_224#1, %rev3A_399 : vector<16xi1>, vector<16xi32>
              %select_n3A_402 = arith.select %le3A, %rev3A_394, %cond3A_224#0 : vector<16xi1>, vector<16xf32>
              %select_n3A_403 = arith.select %le3A, %rev3A_399, %cond3A_224#1 : vector<16xi1>, vector<16xi32>
              %masked_sort3A_404 = arith.constant dense<true> : vector<16xi1>
              %masked_sort3A_405, %masked_sort3A_406, %masked_sort3A_407 = tpu.sort %select_n3A_400, %select_n3A_401 masked %masked_sort3A_404 : (vector<16xf32>, vector<16xi32>, vector<16xi1>) -> (vector<16xi1>, vector<16xf32>, vector<16xi32>)
              %masked_sort3A_408 = arith.constant dense<true> : vector<16xi1>
              %masked_sort3A_409, %masked_sort3A_410, %masked_sort3A_411 = tpu.sort %select_n3A_402, %select_n3A_403 masked %masked_sort3A_408 : (vector<16xf32>, vector<16xi32>, vector<16xi1>) -> (vector<16xi1>, vector<16xf32>, vector<16xi32>)
              %rev3A_412 = arith.constant 15 : i32
              %rev3A_413 = vector.broadcast %rev3A_412 : i32 to vector<16xi32>
              %rev3A_414 = tpu.iota {dimensions = array<i32: 0>} : vector<16xi32>
              %rev3A_415 = arith.subi %rev3A_413, %rev3A_414 : vector<16xi32>
              %rev3A_416 = tpu.dynamic_gather %masked_sort3A_410[%rev3A_415] in [0] : vector<16xf32>, vector<16xi32> -> vector<16xf32>
              %rev3A_417 = arith.constant 15 : i32
              %rev3A_418 = vector.broadcast %rev3A_417 : i32 to vector<16xi32>
              %rev3A_419 = tpu.iota {dimensions = array<i32: 0>} : vector<16xi32>
              %rev3A_420 = arith.subi %rev3A_418, %rev3A_419 : vector<16xi32>
              %rev3A_421 = tpu.dynamic_gather %masked_sort3A_411[%rev3A_420] in [0] : vector<16xi32>, vector<16xi32> -> vector<16xi32>
              %le3A_422 = arith.cmpf ole, %cond3A_224#2, %rev3A_416 : vector<16xf32>
              %select_n3A_423 = arith.select %le3A_422, %cond3A_224#2, %rev3A_416 : vector<16xi1>, vector<16xf32>
              %select_n3A_424 = arith.select %le3A_422, %cond3A_224#3, %rev3A_421 : vector<16xi1>, vector<16xi32>
              %masked_sort3A_425 = arith.constant dense<true> : vector<16xi1>
              %masked_sort3A_426, %masked_sort3A_427, %masked_sort3A_428 = tpu.sort %select_n3A_423, %select_n3A_424 masked %masked_sort3A_425 : (vector<16xf32>, vector<16xi32>, vector<16xi1>) -> (vector<16xi1>, vector<16xf32>, vector<16xi32>)
              %broadcast_in_dim3A_429 = arith.constant 15 : i32
              %broadcast_in_dim3A_430 = vector.broadcast %broadcast_in_dim3A_429 : i32 to vector<16xi32>
              %lt3A_431 = arith.constant 0 : i32
              %lt3A_432 = vector.broadcast %lt3A_431 : i32 to vector<16xi32>
              %lt3A_433 = arith.cmpi slt, %broadcast_in_dim3A_430, %lt3A_432 : vector<16xi32>
              %add3A_434 = arith.constant 16 : i32
              %add3A_435 = vector.broadcast %add3A_434 : i32 to vector<16xi32>
              %add3A_436 = arith.addi %broadcast_in_dim3A_430, %add3A_435 : vector<16xi32>
              %select_n3A_437 = arith.select %lt3A_433, %add3A_436, %broadcast_in_dim3A_430 : vector<16xi1>, vector<16xi32>
              %broadcast_in_dim3A_438 = vector.shape_cast %select_n3A_437 : vector<16xi32> to vector<16x1xi32>
              %gather3A = vector.shape_cast %broadcast_in_dim3A_438 : vector<16x1xi32> to vector<16xi32>
              %gather3A_439 = tpu.dynamic_gather %masked_sort3A_427[%gather3A] in [0] : vector<16xf32>, vector<16xi32> -> vector<16xf32>
              scf.yield %masked_sort3A_406, %masked_sort3A_407, %masked_sort3A_427, %masked_sort3A_428, %gather3A_439 : vector<16xf32>, vector<16xi32>, vector<16xf32>, vector<16xi32>, vector<16xf32>
            } else {
              scf.yield %cond3A_224#0, %cond3A_224#1, %cond3A_224#2, %cond3A_224#3, %cond3A_224#4 : vector<16xf32>, vector<16xi32>, vector<16xf32>, vector<16xi32>, vector<16xf32>
            }
            %add3A_251 = arith.constant 768 : i32
            %add3A_252 = arith.addi %multiple_of3A_139, %add3A_251 : i32
            %add3A_253 = arith.addi %add3A_252, %multiple_of3A_154 : i32
            %get3A_254 = arith.index_cast %add3A_253 : i32 to index
            %get3A_255 = tpu.vector_load %arg6[%get3A_254] {strides = array<i32>} : memref<20480xf32, #tpu.memory_space<vmem>>, vector<16xf32>,
            %add3A_256 = arith.constant 0 : i32
            %add3A_257 = arith.addi %add3A_256, %multiple_of3A_139 : i32
            %add3A_258 = arith.constant 768 : i32
            %add3A_259 = arith.addi %add3A_257, %add3A_258 : i32
            %add3A_260 = arith.addi %add3A_259, %multiple_of3A_154 : i32
            %lt3A_261 = arith.cmpf olt, %get3A_255, %cond3A_250#4 : vector<16xf32>
            %reduce_or3A_262 = arith.constant 1.000000e+00 : f32
            %reduce_or3A_263 = arith.constant 0.000000e+00 : f32
            %reduce_or3A_264 = vector.broadcast %reduce_or3A_262 : f32 to vector<16xf32>
            %reduce_or3A_265 = vector.broadcast %reduce_or3A_263 : f32 to vector<16xf32>
            %reduce_or3A_266 = arith.select %lt3A_261, %reduce_or3A_264, %reduce_or3A_265 : vector<16xi1>, vector<16xf32>
            %reduce_or3A_267 = arith.constant true
            %reduce_or3A_268 = vector.broadcast %reduce_or3A_267 : i1 to vector<16xi1>
            %reduce_or3A_269 = tpu.scan <max>, %reduce_or3A_266 masked %reduce_or3A_268 : vector<16xf32>, vector<16xi1> -> vector<16xf32>
            %reduce_or3A_270 = vector.extract %reduce_or3A_269[15] : f32 from vector<16xf32>
            %reduce_or3A_271 = arith.constant 0.000000e+00 : f32
            %reduce_or3A_272 = arith.cmpf ogt, %reduce_or3A_270, %reduce_or3A_271 : f32
            %convert_element_type3A_273 = arith.extui %reduce_or3A_272 : i1 to i32
            %cond3A_274 = arith.constant 0 : i32
            %cond3A_275 = arith.cmpi ne, %convert_element_type3A_273, %cond3A_274 : i32
            %cond3A_276:5 = scf.if %cond3A_275 -> (vector<16xf32>, vector<16xi32>, vector<16xf32>, vector<16xi32>, vector<16xf32>) {
              %iota3A = tpu.iota {dimensions = array<i32: 0>} : vector<16xi32>
              %lt3A_381 = arith.cmpf olt, %get3A_255, %cond3A_250#4 : vector<16xf32>
              %jit3A = arith.constant 0x7F800000 : f32
              %broadcast_in_dim3A_382 = vector.broadcast %jit3A : f32 to vector<16xf32>
              %select_n3A = arith.select %lt3A_381, %get3A_255, %broadcast_in_dim3A_382 : vector<16xi1>, vector<16xf32>
              %broadcast_in_dim3A_383 = vector.broadcast %add3A_260 : i32 to vector<16xi32>
              %add3A_384 = arith.addi %broadcast_in_dim3A_383, %iota3A : vector<16xi32>
              %jit3A_385 = arith.constant 1073741824 : i32
              %broadcast_in_dim3A_386 = vector.broadcast %jit3A_385 : i32 to vector<16xi32>
              %select_n3A_387 = arith.select %lt3A_381, %add3A_384, %broadcast_in_dim3A_386 : vector<16xi1>, vector<16xi32>
              %masked_sort3A = arith.constant dense<true> : vector<16xi1>
              %masked_sort3A_388, %masked_sort3A_389, %masked_sort3A_390 = tpu.sort %select_n3A, %select_n3A_387 masked %masked_sort3A : (vector<16xf32>, vector<16xi32>, vector<16xi1>) -> (vector<16xi1>, vector<16xf32>, vector<16xi32>)
              %rev3A = arith.constant 15 : i32
              %rev3A_391 = vector.broadcast %rev3A : i32 to vector<16xi32>
              %rev3A_392 = tpu.iota {dimensions = array<i32: 0>} : vector<16xi32>
              %rev3A_393 = arith.subi %rev3A_391, %rev3A_392 : vector<16xi32>
              %rev3A_394 = tpu.dynamic_gather %masked_sort3A_389[%rev3A_393] in [0] : vector<16xf32>, vector<16xi32> -> vector<16xf32>
              %rev3A_395 = arith.constant 15 : i32
              %rev3A_396 = vector.broadcast %rev3A_395 : i32 to vector<16xi32>
              %rev3A_397 = tpu.iota {dimensions = array<i32: 0>} : vector<16xi32>
              %rev3A_398 = arith.subi %rev3A_396, %rev3A_397 : vector<16xi32>
              %rev3A_399 = tpu.dynamic_gather %masked_sort3A_390[%rev3A_398] in [0] : vector<16xi32>, vector<16xi32> -> vector<16xi32>
              %le3A = arith.cmpf ole, %cond3A_250#0, %rev3A_394 : vector<16xf32>
              %select_n3A_400 = arith.select %le3A, %cond3A_250#0, %rev3A_394 : vector<16xi1>, vector<16xf32>
              %select_n3A_401 = arith.select %le3A, %cond3A_250#1, %rev3A_399 : vector<16xi1>, vector<16xi32>
              %select_n3A_402 = arith.select %le3A, %rev3A_394, %cond3A_250#0 : vector<16xi1>, vector<16xf32>
              %select_n3A_403 = arith.select %le3A, %rev3A_399, %cond3A_250#1 : vector<16xi1>, vector<16xi32>
              %masked_sort3A_404 = arith.constant dense<true> : vector<16xi1>
              %masked_sort3A_405, %masked_sort3A_406, %masked_sort3A_407 = tpu.sort %select_n3A_400, %select_n3A_401 masked %masked_sort3A_404 : (vector<16xf32>, vector<16xi32>, vector<16xi1>) -> (vector<16xi1>, vector<16xf32>, vector<16xi32>)
              %masked_sort3A_408 = arith.constant dense<true> : vector<16xi1>
              %masked_sort3A_409, %masked_sort3A_410, %masked_sort3A_411 = tpu.sort %select_n3A_402, %select_n3A_403 masked %masked_sort3A_408 : (vector<16xf32>, vector<16xi32>, vector<16xi1>) -> (vector<16xi1>, vector<16xf32>, vector<16xi32>)
              %rev3A_412 = arith.constant 15 : i32
              %rev3A_413 = vector.broadcast %rev3A_412 : i32 to vector<16xi32>
              %rev3A_414 = tpu.iota {dimensions = array<i32: 0>} : vector<16xi32>
              %rev3A_415 = arith.subi %rev3A_413, %rev3A_414 : vector<16xi32>
              %rev3A_416 = tpu.dynamic_gather %masked_sort3A_410[%rev3A_415] in [0] : vector<16xf32>, vector<16xi32> -> vector<16xf32>
              %rev3A_417 = arith.constant 15 : i32
              %rev3A_418 = vector.broadcast %rev3A_417 : i32 to vector<16xi32>
              %rev3A_419 = tpu.iota {dimensions = array<i32: 0>} : vector<16xi32>
              %rev3A_420 = arith.subi %rev3A_418, %rev3A_419 : vector<16xi32>
              %rev3A_421 = tpu.dynamic_gather %masked_sort3A_411[%rev3A_420] in [0] : vector<16xi32>, vector<16xi32> -> vector<16xi32>
              %le3A_422 = arith.cmpf ole, %cond3A_250#2, %rev3A_416 : vector<16xf32>
              %select_n3A_423 = arith.select %le3A_422, %cond3A_250#2, %rev3A_416 : vector<16xi1>, vector<16xf32>
              %select_n3A_424 = arith.select %le3A_422, %cond3A_250#3, %rev3A_421 : vector<16xi1>, vector<16xi32>
              %masked_sort3A_425 = arith.constant dense<true> : vector<16xi1>
              %masked_sort3A_426, %masked_sort3A_427, %masked_sort3A_428 = tpu.sort %select_n3A_423, %select_n3A_424 masked %masked_sort3A_425 : (vector<16xf32>, vector<16xi32>, vector<16xi1>) -> (vector<16xi1>, vector<16xf32>, vector<16xi32>)
              %broadcast_in_dim3A_429 = arith.constant 15 : i32
              %broadcast_in_dim3A_430 = vector.broadcast %broadcast_in_dim3A_429 : i32 to vector<16xi32>
              %lt3A_431 = arith.constant 0 : i32
              %lt3A_432 = vector.broadcast %lt3A_431 : i32 to vector<16xi32>
              %lt3A_433 = arith.cmpi slt, %broadcast_in_dim3A_430, %lt3A_432 : vector<16xi32>
              %add3A_434 = arith.constant 16 : i32
              %add3A_435 = vector.broadcast %add3A_434 : i32 to vector<16xi32>
              %add3A_436 = arith.addi %broadcast_in_dim3A_430, %add3A_435 : vector<16xi32>
              %select_n3A_437 = arith.select %lt3A_433, %add3A_436, %broadcast_in_dim3A_430 : vector<16xi1>, vector<16xi32>
              %broadcast_in_dim3A_438 = vector.shape_cast %select_n3A_437 : vector<16xi32> to vector<16x1xi32>
              %gather3A = vector.shape_cast %broadcast_in_dim3A_438 : vector<16x1xi32> to vector<16xi32>
              %gather3A_439 = tpu.dynamic_gather %masked_sort3A_427[%gather3A] in [0] : vector<16xf32>, vector<16xi32> -> vector<16xf32>
              scf.yield %masked_sort3A_406, %masked_sort3A_407, %masked_sort3A_427, %masked_sort3A_428, %gather3A_439 : vector<16xf32>, vector<16xi32>, vector<16xf32>, vector<16xi32>, vector<16xf32>
            } else {
              scf.yield %cond3A_250#0, %cond3A_250#1, %cond3A_250#2, %cond3A_250#3, %cond3A_250#4 : vector<16xf32>, vector<16xi32>, vector<16xf32>, vector<16xi32>, vector<16xf32>
            }
            %add3A_277 = arith.constant 1024 : i32
            %add3A_278 = arith.addi %multiple_of3A_139, %add3A_277 : i32
            %add3A_279 = arith.addi %add3A_278, %multiple_of3A_154 : i32
            %get3A_280 = arith.index_cast %add3A_279 : i32 to index
            %get3A_281 = tpu.vector_load %arg6[%get3A_280] {strides = array<i32>} : memref<20480xf32, #tpu.memory_space<vmem>>, vector<16xf32>,
            %add3A_282 = arith.constant 0 : i32
            %add3A_283 = arith.addi %add3A_282, %multiple_of3A_139 : i32
            %add3A_284 = arith.constant 1024 : i32
            %add3A_285 = arith.addi %add3A_283, %add3A_284 : i32
            %add3A_286 = arith.addi %add3A_285, %multiple_of3A_154 : i32
            %lt3A_287 = arith.cmpf olt, %get3A_281, %cond3A_276#4 : vector<16xf32>
            %reduce_or3A_288 = arith.constant 1.000000e+00 : f32
            %reduce_or3A_289 = arith.constant 0.000000e+00 : f32
            %reduce_or3A_290 = vector.broadcast %reduce_or3A_288 : f32 to vector<16xf32>
            %reduce_or3A_291 = vector.broadcast %reduce_or3A_289 : f32 to vector<16xf32>
            %reduce_or3A_292 = arith.select %lt3A_287, %reduce_or3A_290, %reduce_or3A_291 : vector<16xi1>, vector<16xf32>
            %reduce_or3A_293 = arith.constant true
            %reduce_or3A_294 = vector.broadcast %reduce_or3A_293 : i1 to vector<16xi1>
            %reduce_or3A_295 = tpu.scan <max>, %reduce_or3A_292 masked %reduce_or3A_294 : vector<16xf32>, vector<16xi1> -> vector<16xf32>
            %reduce_or3A_296 = vector.extract %reduce_or3A_295[15] : f32 from vector<16xf32>
            %reduce_or3A_297 = arith.constant 0.000000e+00 : f32
            %reduce_or3A_298 = arith.cmpf ogt, %reduce_or3A_296, %reduce_or3A_297 : f32
            %convert_element_type3A_299 = arith.extui %reduce_or3A_298 : i1 to i32
            %cond3A_300 = arith.constant 0 : i32
            %cond3A_301 = arith.cmpi ne, %convert_element_type3A_299, %cond3A_300 : i32
            %cond3A_302:5 = scf.if %cond3A_301 -> (vector<16xf32>, vector<16xi32>, vector<16xf32>, vector<16xi32>, vector<16xf32>) {
              %iota3A = tpu.iota {dimensions = array<i32: 0>} : vector<16xi32>
              %lt3A_381 = arith.cmpf olt, %get3A_281, %cond3A_276#4 : vector<16xf32>
              %jit3A = arith.constant 0x7F800000 : f32
              %broadcast_in_dim3A_382 = vector.broadcast %jit3A : f32 to vector<16xf32>
              %select_n3A = arith.select %lt3A_381, %get3A_281, %broadcast_in_dim3A_382 : vector<16xi1>, vector<16xf32>
              %broadcast_in_dim3A_383 = vector.broadcast %add3A_286 : i32 to vector<16xi32>
              %add3A_384 = arith.addi %broadcast_in_dim3A_383, %iota3A : vector<16xi32>
              %jit3A_385 = arith.constant 1073741824 : i32
              %broadcast_in_dim3A_386 = vector.broadcast %jit3A_385 : i32 to vector<16xi32>
              %select_n3A_387 = arith.select %lt3A_381, %add3A_384, %broadcast_in_dim3A_386 : vector<16xi1>, vector<16xi32>
              %masked_sort3A = arith.constant dense<true> : vector<16xi1>
              %masked_sort3A_388, %masked_sort3A_389, %masked_sort3A_390 = tpu.sort %select_n3A, %select_n3A_387 masked %masked_sort3A : (vector<16xf32>, vector<16xi32>, vector<16xi1>) -> (vector<16xi1>, vector<16xf32>, vector<16xi32>)
              %rev3A = arith.constant 15 : i32
              %rev3A_391 = vector.broadcast %rev3A : i32 to vector<16xi32>
              %rev3A_392 = tpu.iota {dimensions = array<i32: 0>} : vector<16xi32>
              %rev3A_393 = arith.subi %rev3A_391, %rev3A_392 : vector<16xi32>
              %rev3A_394 = tpu.dynamic_gather %masked_sort3A_389[%rev3A_393] in [0] : vector<16xf32>, vector<16xi32> -> vector<16xf32>
              %rev3A_395 = arith.constant 15 : i32
              %rev3A_396 = vector.broadcast %rev3A_395 : i32 to vector<16xi32>
              %rev3A_397 = tpu.iota {dimensions = array<i32: 0>} : vector<16xi32>
              %rev3A_398 = arith.subi %rev3A_396, %rev3A_397 : vector<16xi32>
              %rev3A_399 = tpu.dynamic_gather %masked_sort3A_390[%rev3A_398] in [0] : vector<16xi32>, vector<16xi32> -> vector<16xi32>
              %le3A = arith.cmpf ole, %cond3A_276#0, %rev3A_394 : vector<16xf32>
              %select_n3A_400 = arith.select %le3A, %cond3A_276#0, %rev3A_394 : vector<16xi1>, vector<16xf32>
              %select_n3A_401 = arith.select %le3A, %cond3A_276#1, %rev3A_399 : vector<16xi1>, vector<16xi32>
              %select_n3A_402 = arith.select %le3A, %rev3A_394, %cond3A_276#0 : vector<16xi1>, vector<16xf32>
              %select_n3A_403 = arith.select %le3A, %rev3A_399, %cond3A_276#1 : vector<16xi1>, vector<16xi32>
              %masked_sort3A_404 = arith.constant dense<true> : vector<16xi1>
              %masked_sort3A_405, %masked_sort3A_406, %masked_sort3A_407 = tpu.sort %select_n3A_400, %select_n3A_401 masked %masked_sort3A_404 : (vector<16xf32>, vector<16xi32>, vector<16xi1>) -> (vector<16xi1>, vector<16xf32>, vector<16xi32>)
              %masked_sort3A_408 = arith.constant dense<true> : vector<16xi1>
              %masked_sort3A_409, %masked_sort3A_410, %masked_sort3A_411 = tpu.sort %select_n3A_402, %select_n3A_403 masked %masked_sort3A_408 : (vector<16xf32>, vector<16xi32>, vector<16xi1>) -> (vector<16xi1>, vector<16xf32>, vector<16xi32>)
              %rev3A_412 = arith.constant 15 : i32
              %rev3A_413 = vector.broadcast %rev3A_412 : i32 to vector<16xi32>
              %rev3A_414 = tpu.iota {dimensions = array<i32: 0>} : vector<16xi32>
              %rev3A_415 = arith.subi %rev3A_413, %rev3A_414 : vector<16xi32>
              %rev3A_416 = tpu.dynamic_gather %masked_sort3A_410[%rev3A_415] in [0] : vector<16xf32>, vector<16xi32> -> vector<16xf32>
              %rev3A_417 = arith.constant 15 : i32
              %rev3A_418 = vector.broadcast %rev3A_417 : i32 to vector<16xi32>
              %rev3A_419 = tpu.iota {dimensions = array<i32: 0>} : vector<16xi32>
              %rev3A_420 = arith.subi %rev3A_418, %rev3A_419 : vector<16xi32>
              %rev3A_421 = tpu.dynamic_gather %masked_sort3A_411[%rev3A_420] in [0] : vector<16xi32>, vector<16xi32> -> vector<16xi32>
              %le3A_422 = arith.cmpf ole, %cond3A_276#2, %rev3A_416 : vector<16xf32>
              %select_n3A_423 = arith.select %le3A_422, %cond3A_276#2, %rev3A_416 : vector<16xi1>, vector<16xf32>
              %select_n3A_424 = arith.select %le3A_422, %cond3A_276#3, %rev3A_421 : vector<16xi1>, vector<16xi32>
              %masked_sort3A_425 = arith.constant dense<true> : vector<16xi1>
              %masked_sort3A_426, %masked_sort3A_427, %masked_sort3A_428 = tpu.sort %select_n3A_423, %select_n3A_424 masked %masked_sort3A_425 : (vector<16xf32>, vector<16xi32>, vector<16xi1>) -> (vector<16xi1>, vector<16xf32>, vector<16xi32>)
              %broadcast_in_dim3A_429 = arith.constant 15 : i32
              %broadcast_in_dim3A_430 = vector.broadcast %broadcast_in_dim3A_429 : i32 to vector<16xi32>
              %lt3A_431 = arith.constant 0 : i32
              %lt3A_432 = vector.broadcast %lt3A_431 : i32 to vector<16xi32>
              %lt3A_433 = arith.cmpi slt, %broadcast_in_dim3A_430, %lt3A_432 : vector<16xi32>
              %add3A_434 = arith.constant 16 : i32
              %add3A_435 = vector.broadcast %add3A_434 : i32 to vector<16xi32>
              %add3A_436 = arith.addi %broadcast_in_dim3A_430, %add3A_435 : vector<16xi32>
              %select_n3A_437 = arith.select %lt3A_433, %add3A_436, %broadcast_in_dim3A_430 : vector<16xi1>, vector<16xi32>
              %broadcast_in_dim3A_438 = vector.shape_cast %select_n3A_437 : vector<16xi32> to vector<16x1xi32>
              %gather3A = vector.shape_cast %broadcast_in_dim3A_438 : vector<16x1xi32> to vector<16xi32>
              %gather3A_439 = tpu.dynamic_gather %masked_sort3A_427[%gather3A] in [0] : vector<16xf32>, vector<16xi32> -> vector<16xf32>
              scf.yield %masked_sort3A_406, %masked_sort3A_407, %masked_sort3A_427, %masked_sort3A_428, %gather3A_439 : vector<16xf32>, vector<16xi32>, vector<16xf32>, vector<16xi32>, vector<16xf32>
            } else {
              scf.yield %cond3A_276#0, %cond3A_276#1, %cond3A_276#2, %cond3A_276#3, %cond3A_276#4 : vector<16xf32>, vector<16xi32>, vector<16xf32>, vector<16xi32>, vector<16xf32>
            }
            %add3A_303 = arith.constant 1280 : i32
            %add3A_304 = arith.addi %multiple_of3A_139, %add3A_303 : i32
            %add3A_305 = arith.addi %add3A_304, %multiple_of3A_154 : i32
            %get3A_306 = arith.index_cast %add3A_305 : i32 to index
            %get3A_307 = tpu.vector_load %arg6[%get3A_306] {strides = array<i32>} : memref<20480xf32, #tpu.memory_space<vmem>>, vector<16xf32>,
            %add3A_308 = arith.constant 0 : i32
            %add3A_309 = arith.addi %add3A_308, %multiple_of3A_139 : i32
            %add3A_310 = arith.constant 1280 : i32
            %add3A_311 = arith.addi %add3A_309, %add3A_310 : i32
            %add3A_312 = arith.addi %add3A_311, %multiple_of3A_154 : i32
            %lt3A_313 = arith.cmpf olt, %get3A_307, %cond3A_302#4 : vector<16xf32>
            %reduce_or3A_314 = arith.constant 1.000000e+00 : f32
            %reduce_or3A_315 = arith.constant 0.000000e+00 : f32
            %reduce_or3A_316 = vector.broadcast %reduce_or3A_314 : f32 to vector<16xf32>
            %reduce_or3A_317 = vector.broadcast %reduce_or3A_315 : f32 to vector<16xf32>
            %reduce_or3A_318 = arith.select %lt3A_313, %reduce_or3A_316, %reduce_or3A_317 : vector<16xi1>, vector<16xf32>
            %reduce_or3A_319 = arith.constant true
            %reduce_or3A_320 = vector.broadcast %reduce_or3A_319 : i1 to vector<16xi1>
            %reduce_or3A_321 = tpu.scan <max>, %reduce_or3A_318 masked %reduce_or3A_320 : vector<16xf32>, vector<16xi1> -> vector<16xf32>
            %reduce_or3A_322 = vector.extract %reduce_or3A_321[15] : f32 from vector<16xf32>
            %reduce_or3A_323 = arith.constant 0.000000e+00 : f32
            %reduce_or3A_324 = arith.cmpf ogt, %reduce_or3A_322, %reduce_or3A_323 : f32
            %convert_element_type3A_325 = arith.extui %reduce_or3A_324 : i1 to i32
            %cond3A_326 = arith.constant 0 : i32
            %cond3A_327 = arith.cmpi ne, %convert_element_type3A_325, %cond3A_326 : i32
            %cond3A_328:5 = scf.if %cond3A_327 -> (vector<16xf32>, vector<16xi32>, vector<16xf32>, vector<16xi32>, vector<16xf32>) {
              %iota3A = tpu.iota {dimensions = array<i32: 0>} : vector<16xi32>
              %lt3A_381 = arith.cmpf olt, %get3A_307, %cond3A_302#4 : vector<16xf32>
              %jit3A = arith.constant 0x7F800000 : f32
              %broadcast_in_dim3A_382 = vector.broadcast %jit3A : f32 to vector<16xf32>
              %select_n3A = arith.select %lt3A_381, %get3A_307, %broadcast_in_dim3A_382 : vector<16xi1>, vector<16xf32>
              %broadcast_in_dim3A_383 = vector.broadcast %add3A_312 : i32 to vector<16xi32>
              %add3A_384 = arith.addi %broadcast_in_dim3A_383, %iota3A : vector<16xi32>
              %jit3A_385 = arith.constant 1073741824 : i32
              %broadcast_in_dim3A_386 = vector.broadcast %jit3A_385 : i32 to vector<16xi32>
              %select_n3A_387 = arith.select %lt3A_381, %add3A_384, %broadcast_in_dim3A_386 : vector<16xi1>, vector<16xi32>
              %masked_sort3A = arith.constant dense<true> : vector<16xi1>
              %masked_sort3A_388, %masked_sort3A_389, %masked_sort3A_390 = tpu.sort %select_n3A, %select_n3A_387 masked %masked_sort3A : (vector<16xf32>, vector<16xi32>, vector<16xi1>) -> (vector<16xi1>, vector<16xf32>, vector<16xi32>)
              %rev3A = arith.constant 15 : i32
              %rev3A_391 = vector.broadcast %rev3A : i32 to vector<16xi32>
              %rev3A_392 = tpu.iota {dimensions = array<i32: 0>} : vector<16xi32>
              %rev3A_393 = arith.subi %rev3A_391, %rev3A_392 : vector<16xi32>
              %rev3A_394 = tpu.dynamic_gather %masked_sort3A_389[%rev3A_393] in [0] : vector<16xf32>, vector<16xi32> -> vector<16xf32>
              %rev3A_395 = arith.constant 15 : i32
              %rev3A_396 = vector.broadcast %rev3A_395 : i32 to vector<16xi32>
              %rev3A_397 = tpu.iota {dimensions = array<i32: 0>} : vector<16xi32>
              %rev3A_398 = arith.subi %rev3A_396, %rev3A_397 : vector<16xi32>
              %rev3A_399 = tpu.dynamic_gather %masked_sort3A_390[%rev3A_398] in [0] : vector<16xi32>, vector<16xi32> -> vector<16xi32>
              %le3A = arith.cmpf ole, %cond3A_302#0, %rev3A_394 : vector<16xf32>
              %select_n3A_400 = arith.select %le3A, %cond3A_302#0, %rev3A_394 : vector<16xi1>, vector<16xf32>
              %select_n3A_401 = arith.select %le3A, %cond3A_302#1, %rev3A_399 : vector<16xi1>, vector<16xi32>
              %select_n3A_402 = arith.select %le3A, %rev3A_394, %cond3A_302#0 : vector<16xi1>, vector<16xf32>
              %select_n3A_403 = arith.select %le3A, %rev3A_399, %cond3A_302#1 : vector<16xi1>, vector<16xi32>
              %masked_sort3A_404 = arith.constant dense<true> : vector<16xi1>
              %masked_sort3A_405, %masked_sort3A_406, %masked_sort3A_407 = tpu.sort %select_n3A_400, %select_n3A_401 masked %masked_sort3A_404 : (vector<16xf32>, vector<16xi32>, vector<16xi1>) -> (vector<16xi1>, vector<16xf32>, vector<16xi32>)
              %masked_sort3A_408 = arith.constant dense<true> : vector<16xi1>
              %masked_sort3A_409, %masked_sort3A_410, %masked_sort3A_411 = tpu.sort %select_n3A_402, %select_n3A_403 masked %masked_sort3A_408 : (vector<16xf32>, vector<16xi32>, vector<16xi1>) -> (vector<16xi1>, vector<16xf32>, vector<16xi32>)
              %rev3A_412 = arith.constant 15 : i32
              %rev3A_413 = vector.broadcast %rev3A_412 : i32 to vector<16xi32>
              %rev3A_414 = tpu.iota {dimensions = array<i32: 0>} : vector<16xi32>
              %rev3A_415 = arith.subi %rev3A_413, %rev3A_414 : vector<16xi32>
              %rev3A_416 = tpu.dynamic_gather %masked_sort3A_410[%rev3A_415] in [0] : vector<16xf32>, vector<16xi32> -> vector<16xf32>
              %rev3A_417 = arith.constant 15 : i32
              %rev3A_418 = vector.broadcast %rev3A_417 : i32 to vector<16xi32>
              %rev3A_419 = tpu.iota {dimensions = array<i32: 0>} : vector<16xi32>
              %rev3A_420 = arith.subi %rev3A_418, %rev3A_419 : vector<16xi32>
              %rev3A_421 = tpu.dynamic_gather %masked_sort3A_411[%rev3A_420] in [0] : vector<16xi32>, vector<16xi32> -> vector<16xi32>
              %le3A_422 = arith.cmpf ole, %cond3A_302#2, %rev3A_416 : vector<16xf32>
              %select_n3A_423 = arith.select %le3A_422, %cond3A_302#2, %rev3A_416 : vector<16xi1>, vector<16xf32>
              %select_n3A_424 = arith.select %le3A_422, %cond3A_302#3, %rev3A_421 : vector<16xi1>, vector<16xi32>
              %masked_sort3A_425 = arith.constant dense<true> : vector<16xi1>
              %masked_sort3A_426, %masked_sort3A_427, %masked_sort3A_428 = tpu.sort %select_n3A_423, %select_n3A_424 masked %masked_sort3A_425 : (vector<16xf32>, vector<16xi32>, vector<16xi1>) -> (vector<16xi1>, vector<16xf32>, vector<16xi32>)
              %broadcast_in_dim3A_429 = arith.constant 15 : i32
              %broadcast_in_dim3A_430 = vector.broadcast %broadcast_in_dim3A_429 : i32 to vector<16xi32>
              %lt3A_431 = arith.constant 0 : i32
              %lt3A_432 = vector.broadcast %lt3A_431 : i32 to vector<16xi32>
              %lt3A_433 = arith.cmpi slt, %broadcast_in_dim3A_430, %lt3A_432 : vector<16xi32>
              %add3A_434 = arith.constant 16 : i32
              %add3A_435 = vector.broadcast %add3A_434 : i32 to vector<16xi32>
              %add3A_436 = arith.addi %broadcast_in_dim3A_430, %add3A_435 : vector<16xi32>
              %select_n3A_437 = arith.select %lt3A_433, %add3A_436, %broadcast_in_dim3A_430 : vector<16xi1>, vector<16xi32>
              %broadcast_in_dim3A_438 = vector.shape_cast %select_n3A_437 : vector<16xi32> to vector<16x1xi32>
              %gather3A = vector.shape_cast %broadcast_in_dim3A_438 : vector<16x1xi32> to vector<16xi32>
              %gather3A_439 = tpu.dynamic_gather %masked_sort3A_427[%gather3A] in [0] : vector<16xf32>, vector<16xi32> -> vector<16xf32>
              scf.yield %masked_sort3A_406, %masked_sort3A_407, %masked_sort3A_427, %masked_sort3A_428, %gather3A_439 : vector<16xf32>, vector<16xi32>, vector<16xf32>, vector<16xi32>, vector<16xf32>
            } else {
              scf.yield %cond3A_302#0, %cond3A_302#1, %cond3A_302#2, %cond3A_302#3, %cond3A_302#4 : vector<16xf32>, vector<16xi32>, vector<16xf32>, vector<16xi32>, vector<16xf32>
            }
            %add3A_329 = arith.constant 1536 : i32
            %add3A_330 = arith.addi %multiple_of3A_139, %add3A_329 : i32
            %add3A_331 = arith.addi %add3A_330, %multiple_of3A_154 : i32
            %get3A_332 = arith.index_cast %add3A_331 : i32 to index
            %get3A_333 = tpu.vector_load %arg6[%get3A_332] {strides = array<i32>} : memref<20480xf32, #tpu.memory_space<vmem>>, vector<16xf32>,
            %add3A_334 = arith.constant 0 : i32
            %add3A_335 = arith.addi %add3A_334, %multiple_of3A_139 : i32
            %add3A_336 = arith.constant 1536 : i32
            %add3A_337 = arith.addi %add3A_335, %add3A_336 : i32
            %add3A_338 = arith.addi %add3A_337, %multiple_of3A_154 : i32
            %lt3A_339 = arith.cmpf olt, %get3A_333, %cond3A_328#4 : vector<16xf32>
            %reduce_or3A_340 = arith.constant 1.000000e+00 : f32
            %reduce_or3A_341 = arith.constant 0.000000e+00 : f32
            %reduce_or3A_342 = vector.broadcast %reduce_or3A_340 : f32 to vector<16xf32>
            %reduce_or3A_343 = vector.broadcast %reduce_or3A_341 : f32 to vector<16xf32>
            %reduce_or3A_344 = arith.select %lt3A_339, %reduce_or3A_342, %reduce_or3A_343 : vector<16xi1>, vector<16xf32>
            %reduce_or3A_345 = arith.constant true
            %reduce_or3A_346 = vector.broadcast %reduce_or3A_345 : i1 to vector<16xi1>
            %reduce_or3A_347 = tpu.scan <max>, %reduce_or3A_344 masked %reduce_or3A_346 : vector<16xf32>, vector<16xi1> -> vector<16xf32>
            %reduce_or3A_348 = vector.extract %reduce_or3A_347[15] : f32 from vector<16xf32>
            %reduce_or3A_349 = arith.constant 0.000000e+00 : f32
            %reduce_or3A_350 = arith.cmpf ogt, %reduce_or3A_348, %reduce_or3A_349 : f32
            %convert_element_type3A_351 = arith.extui %reduce_or3A_350 : i1 to i32
            %cond3A_352 = arith.constant 0 : i32
            %cond3A_353 = arith.cmpi ne, %convert_element_type3A_351, %cond3A_352 : i32
            %cond3A_354:5 = scf.if %cond3A_353 -> (vector<16xf32>, vector<16xi32>, vector<16xf32>, vector<16xi32>, vector<16xf32>) {
              %iota3A = tpu.iota {dimensions = array<i32: 0>} : vector<16xi32>
              %lt3A_381 = arith.cmpf olt, %get3A_333, %cond3A_328#4 : vector<16xf32>
              %jit3A = arith.constant 0x7F800000 : f32
              %broadcast_in_dim3A_382 = vector.broadcast %jit3A : f32 to vector<16xf32>
              %select_n3A = arith.select %lt3A_381, %get3A_333, %broadcast_in_dim3A_382 : vector<16xi1>, vector<16xf32>
              %broadcast_in_dim3A_383 = vector.broadcast %add3A_338 : i32 to vector<16xi32>
              %add3A_384 = arith.addi %broadcast_in_dim3A_383, %iota3A : vector<16xi32>
              %jit3A_385 = arith.constant 1073741824 : i32
              %broadcast_in_dim3A_386 = vector.broadcast %jit3A_385 : i32 to vector<16xi32>
              %select_n3A_387 = arith.select %lt3A_381, %add3A_384, %broadcast_in_dim3A_386 : vector<16xi1>, vector<16xi32>
              %masked_sort3A = arith.constant dense<true> : vector<16xi1>
              %masked_sort3A_388, %masked_sort3A_389, %masked_sort3A_390 = tpu.sort %select_n3A, %select_n3A_387 masked %masked_sort3A : (vector<16xf32>, vector<16xi32>, vector<16xi1>) -> (vector<16xi1>, vector<16xf32>, vector<16xi32>)
              %rev3A = arith.constant 15 : i32
              %rev3A_391 = vector.broadcast %rev3A : i32 to vector<16xi32>
              %rev3A_392 = tpu.iota {dimensions = array<i32: 0>} : vector<16xi32>
              %rev3A_393 = arith.subi %rev3A_391, %rev3A_392 : vector<16xi32>
              %rev3A_394 = tpu.dynamic_gather %masked_sort3A_389[%rev3A_393] in [0] : vector<16xf32>, vector<16xi32> -> vector<16xf32>
              %rev3A_395 = arith.constant 15 : i32
              %rev3A_396 = vector.broadcast %rev3A_395 : i32 to vector<16xi32>
              %rev3A_397 = tpu.iota {dimensions = array<i32: 0>} : vector<16xi32>
              %rev3A_398 = arith.subi %rev3A_396, %rev3A_397 : vector<16xi32>
              %rev3A_399 = tpu.dynamic_gather %masked_sort3A_390[%rev3A_398] in [0] : vector<16xi32>, vector<16xi32> -> vector<16xi32>
              %le3A = arith.cmpf ole, %cond3A_328#0, %rev3A_394 : vector<16xf32>
              %select_n3A_400 = arith.select %le3A, %cond3A_328#0, %rev3A_394 : vector<16xi1>, vector<16xf32>
              %select_n3A_401 = arith.select %le3A, %cond3A_328#1, %rev3A_399 : vector<16xi1>, vector<16xi32>
              %select_n3A_402 = arith.select %le3A, %rev3A_394, %cond3A_328#0 : vector<16xi1>, vector<16xf32>
              %select_n3A_403 = arith.select %le3A, %rev3A_399, %cond3A_328#1 : vector<16xi1>, vector<16xi32>
              %masked_sort3A_404 = arith.constant dense<true> : vector<16xi1>
              %masked_sort3A_405, %masked_sort3A_406, %masked_sort3A_407 = tpu.sort %select_n3A_400, %select_n3A_401 masked %masked_sort3A_404 : (vector<16xf32>, vector<16xi32>, vector<16xi1>) -> (vector<16xi1>, vector<16xf32>, vector<16xi32>)
              %masked_sort3A_408 = arith.constant dense<true> : vector<16xi1>
              %masked_sort3A_409, %masked_sort3A_410, %masked_sort3A_411 = tpu.sort %select_n3A_402, %select_n3A_403 masked %masked_sort3A_408 : (vector<16xf32>, vector<16xi32>, vector<16xi1>) -> (vector<16xi1>, vector<16xf32>, vector<16xi32>)
              %rev3A_412 = arith.constant 15 : i32
              %rev3A_413 = vector.broadcast %rev3A_412 : i32 to vector<16xi32>
              %rev3A_414 = tpu.iota {dimensions = array<i32: 0>} : vector<16xi32>
              %rev3A_415 = arith.subi %rev3A_413, %rev3A_414 : vector<16xi32>
              %rev3A_416 = tpu.dynamic_gather %masked_sort3A_410[%rev3A_415] in [0] : vector<16xf32>, vector<16xi32> -> vector<16xf32>
              %rev3A_417 = arith.constant 15 : i32
              %rev3A_418 = vector.broadcast %rev3A_417 : i32 to vector<16xi32>
              %rev3A_419 = tpu.iota {dimensions = array<i32: 0>} : vector<16xi32>
              %rev3A_420 = arith.subi %rev3A_418, %rev3A_419 : vector<16xi32>
              %rev3A_421 = tpu.dynamic_gather %masked_sort3A_411[%rev3A_420] in [0] : vector<16xi32>, vector<16xi32> -> vector<16xi32>
              %le3A_422 = arith.cmpf ole, %cond3A_328#2, %rev3A_416 : vector<16xf32>
              %select_n3A_423 = arith.select %le3A_422, %cond3A_328#2, %rev3A_416 : vector<16xi1>, vector<16xf32>
              %select_n3A_424 = arith.select %le3A_422, %cond3A_328#3, %rev3A_421 : vector<16xi1>, vector<16xi32>
              %masked_sort3A_425 = arith.constant dense<true> : vector<16xi1>
              %masked_sort3A_426, %masked_sort3A_427, %masked_sort3A_428 = tpu.sort %select_n3A_423, %select_n3A_424 masked %masked_sort3A_425 : (vector<16xf32>, vector<16xi32>, vector<16xi1>) -> (vector<16xi1>, vector<16xf32>, vector<16xi32>)
              %broadcast_in_dim3A_429 = arith.constant 15 : i32
              %broadcast_in_dim3A_430 = vector.broadcast %broadcast_in_dim3A_429 : i32 to vector<16xi32>
              %lt3A_431 = arith.constant 0 : i32
              %lt3A_432 = vector.broadcast %lt3A_431 : i32 to vector<16xi32>
              %lt3A_433 = arith.cmpi slt, %broadcast_in_dim3A_430, %lt3A_432 : vector<16xi32>
              %add3A_434 = arith.constant 16 : i32
              %add3A_435 = vector.broadcast %add3A_434 : i32 to vector<16xi32>
              %add3A_436 = arith.addi %broadcast_in_dim3A_430, %add3A_435 : vector<16xi32>
              %select_n3A_437 = arith.select %lt3A_433, %add3A_436, %broadcast_in_dim3A_430 : vector<16xi1>, vector<16xi32>
              %broadcast_in_dim3A_438 = vector.shape_cast %select_n3A_437 : vector<16xi32> to vector<16x1xi32>
              %gather3A = vector.shape_cast %broadcast_in_dim3A_438 : vector<16x1xi32> to vector<16xi32>
              %gather3A_439 = tpu.dynamic_gather %masked_sort3A_427[%gather3A] in [0] : vector<16xf32>, vector<16xi32> -> vector<16xf32>
              scf.yield %masked_sort3A_406, %masked_sort3A_407, %masked_sort3A_427, %masked_sort3A_428, %gather3A_439 : vector<16xf32>, vector<16xi32>, vector<16xf32>, vector<16xi32>, vector<16xf32>
            } else {
              scf.yield %cond3A_328#0, %cond3A_328#1, %cond3A_328#2, %cond3A_328#3, %cond3A_328#4 : vector<16xf32>, vector<16xi32>, vector<16xf32>, vector<16xi32>, vector<16xf32>
            }
            %add3A_355 = arith.constant 1792 : i32
            %add3A_356 = arith.addi %multiple_of3A_139, %add3A_355 : i32
            %add3A_357 = arith.addi %add3A_356, %multiple_of3A_154 : i32
            %get3A_358 = arith.index_cast %add3A_357 : i32 to index
            %get3A_359 = tpu.vector_load %arg6[%get3A_358] {strides = array<i32>} : memref<20480xf32, #tpu.memory_space<vmem>>, vector<16xf32>,
            %add3A_360 = arith.constant 0 : i32
            %add3A_361 = arith.addi %add3A_360, %multiple_of3A_139 : i32
            %add3A_362 = arith.constant 1792 : i32
            %add3A_363 = arith.addi %add3A_361, %add3A_362 : i32
            %add3A_364 = arith.addi %add3A_363, %multiple_of3A_154 : i32
            %lt3A_365 = arith.cmpf olt, %get3A_359, %cond3A_354#4 : vector<16xf32>
            %reduce_or3A_366 = arith.constant 1.000000e+00 : f32
            %reduce_or3A_367 = arith.constant 0.000000e+00 : f32
            %reduce_or3A_368 = vector.broadcast %reduce_or3A_366 : f32 to vector<16xf32>
            %reduce_or3A_369 = vector.broadcast %reduce_or3A_367 : f32 to vector<16xf32>
            %reduce_or3A_370 = arith.select %lt3A_365, %reduce_or3A_368, %reduce_or3A_369 : vector<16xi1>, vector<16xf32>
            %reduce_or3A_371 = arith.constant true
            %reduce_or3A_372 = vector.broadcast %reduce_or3A_371 : i1 to vector<16xi1>
            %reduce_or3A_373 = tpu.scan <max>, %reduce_or3A_370 masked %reduce_or3A_372 : vector<16xf32>, vector<16xi1> -> vector<16xf32>
            %reduce_or3A_374 = vector.extract %reduce_or3A_373[15] : f32 from vector<16xf32>
            %reduce_or3A_375 = arith.constant 0.000000e+00 : f32
            %reduce_or3A_376 = arith.cmpf ogt, %reduce_or3A_374, %reduce_or3A_375 : f32
            %convert_element_type3A_377 = arith.extui %reduce_or3A_376 : i1 to i32
            %cond3A_378 = arith.constant 0 : i32
            %cond3A_379 = arith.cmpi ne, %convert_element_type3A_377, %cond3A_378 : i32
            %cond3A_380:5 = scf.if %cond3A_379 -> (vector<16xf32>, vector<16xi32>, vector<16xf32>, vector<16xi32>, vector<16xf32>) {
              %iota3A = tpu.iota {dimensions = array<i32: 0>} : vector<16xi32>
              %lt3A_381 = arith.cmpf olt, %get3A_359, %cond3A_354#4 : vector<16xf32>
              %jit3A = arith.constant 0x7F800000 : f32
              %broadcast_in_dim3A_382 = vector.broadcast %jit3A : f32 to vector<16xf32>
              %select_n3A = arith.select %lt3A_381, %get3A_359, %broadcast_in_dim3A_382 : vector<16xi1>, vector<16xf32>
              %broadcast_in_dim3A_383 = vector.broadcast %add3A_364 : i32 to vector<16xi32>
              %add3A_384 = arith.addi %broadcast_in_dim3A_383, %iota3A : vector<16xi32>
              %jit3A_385 = arith.constant 1073741824 : i32
              %broadcast_in_dim3A_386 = vector.broadcast %jit3A_385 : i32 to vector<16xi32>
              %select_n3A_387 = arith.select %lt3A_381, %add3A_384, %broadcast_in_dim3A_386 : vector<16xi1>, vector<16xi32>
              %masked_sort3A = arith.constant dense<true> : vector<16xi1>
              %masked_sort3A_388, %masked_sort3A_389, %masked_sort3A_390 = tpu.sort %select_n3A, %select_n3A_387 masked %masked_sort3A : (vector<16xf32>, vector<16xi32>, vector<16xi1>) -> (vector<16xi1>, vector<16xf32>, vector<16xi32>)
              %rev3A = arith.constant 15 : i32
              %rev3A_391 = vector.broadcast %rev3A : i32 to vector<16xi32>
              %rev3A_392 = tpu.iota {dimensions = array<i32: 0>} : vector<16xi32>
              %rev3A_393 = arith.subi %rev3A_391, %rev3A_392 : vector<16xi32>
              %rev3A_394 = tpu.dynamic_gather %masked_sort3A_389[%rev3A_393] in [0] : vector<16xf32>, vector<16xi32> -> vector<16xf32>
              %rev3A_395 = arith.constant 15 : i32
              %rev3A_396 = vector.broadcast %rev3A_395 : i32 to vector<16xi32>
              %rev3A_397 = tpu.iota {dimensions = array<i32: 0>} : vector<16xi32>
              %rev3A_398 = arith.subi %rev3A_396, %rev3A_397 : vector<16xi32>
              %rev3A_399 = tpu.dynamic_gather %masked_sort3A_390[%rev3A_398] in [0] : vector<16xi32>, vector<16xi32> -> vector<16xi32>
              %le3A = arith.cmpf ole, %cond3A_354#0, %rev3A_394 : vector<16xf32>
              %select_n3A_400 = arith.select %le3A, %cond3A_354#0, %rev3A_394 : vector<16xi1>, vector<16xf32>
              %select_n3A_401 = arith.select %le3A, %cond3A_354#1, %rev3A_399 : vector<16xi1>, vector<16xi32>
              %select_n3A_402 = arith.select %le3A, %rev3A_394, %cond3A_354#0 : vector<16xi1>, vector<16xf32>
              %select_n3A_403 = arith.select %le3A, %rev3A_399, %cond3A_354#1 : vector<16xi1>, vector<16xi32>
              %masked_sort3A_404 = arith.constant dense<true> : vector<16xi1>
              %masked_sort3A_405, %masked_sort3A_406, %masked_sort3A_407 = tpu.sort %select_n3A_400, %select_n3A_401 masked %masked_sort3A_404 : (vector<16xf32>, vector<16xi32>, vector<16xi1>) -> (vector<16xi1>, vector<16xf32>, vector<16xi32>)
              %masked_sort3A_408 = arith.constant dense<true> : vector<16xi1>
              %masked_sort3A_409, %masked_sort3A_410, %masked_sort3A_411 = tpu.sort %select_n3A_402, %select_n3A_403 masked %masked_sort3A_408 : (vector<16xf32>, vector<16xi32>, vector<16xi1>) -> (vector<16xi1>, vector<16xf32>, vector<16xi32>)
              %rev3A_412 = arith.constant 15 : i32
              %rev3A_413 = vector.broadcast %rev3A_412 : i32 to vector<16xi32>
              %rev3A_414 = tpu.iota {dimensions = array<i32: 0>} : vector<16xi32>
              %rev3A_415 = arith.subi %rev3A_413, %rev3A_414 : vector<16xi32>
              %rev3A_416 = tpu.dynamic_gather %masked_sort3A_410[%rev3A_415] in [0] : vector<16xf32>, vector<16xi32> -> vector<16xf32>
              %rev3A_417 = arith.constant 15 : i32
              %rev3A_418 = vector.broadcast %rev3A_417 : i32 to vector<16xi32>
              %rev3A_419 = tpu.iota {dimensions = array<i32: 0>} : vector<16xi32>
              %rev3A_420 = arith.subi %rev3A_418, %rev3A_419 : vector<16xi32>
              %rev3A_421 = tpu.dynamic_gather %masked_sort3A_411[%rev3A_420] in [0] : vector<16xi32>, vector<16xi32> -> vector<16xi32>
              %le3A_422 = arith.cmpf ole, %cond3A_354#2, %rev3A_416 : vector<16xf32>
              %select_n3A_423 = arith.select %le3A_422, %cond3A_354#2, %rev3A_416 : vector<16xi1>, vector<16xf32>
              %select_n3A_424 = arith.select %le3A_422, %cond3A_354#3, %rev3A_421 : vector<16xi1>, vector<16xi32>
              %masked_sort3A_425 = arith.constant dense<true> : vector<16xi1>
              %masked_sort3A_426, %masked_sort3A_427, %masked_sort3A_428 = tpu.sort %select_n3A_423, %select_n3A_424 masked %masked_sort3A_425 : (vector<16xf32>, vector<16xi32>, vector<16xi1>) -> (vector<16xi1>, vector<16xf32>, vector<16xi32>)
              %broadcast_in_dim3A_429 = arith.constant 15 : i32
              %broadcast_in_dim3A_430 = vector.broadcast %broadcast_in_dim3A_429 : i32 to vector<16xi32>
              %lt3A_431 = arith.constant 0 : i32
              %lt3A_432 = vector.broadcast %lt3A_431 : i32 to vector<16xi32>
              %lt3A_433 = arith.cmpi slt, %broadcast_in_dim3A_430, %lt3A_432 : vector<16xi32>
              %add3A_434 = arith.constant 16 : i32
              %add3A_435 = vector.broadcast %add3A_434 : i32 to vector<16xi32>
              %add3A_436 = arith.addi %broadcast_in_dim3A_430, %add3A_435 : vector<16xi32>
              %select_n3A_437 = arith.select %lt3A_433, %add3A_436, %broadcast_in_dim3A_430 : vector<16xi1>, vector<16xi32>
              %broadcast_in_dim3A_438 = vector.shape_cast %select_n3A_437 : vector<16xi32> to vector<16x1xi32>
              %gather3A = vector.shape_cast %broadcast_in_dim3A_438 : vector<16x1xi32> to vector<16xi32>
              %gather3A_439 = tpu.dynamic_gather %masked_sort3A_427[%gather3A] in [0] : vector<16xf32>, vector<16xi32> -> vector<16xf32>
              scf.yield %masked_sort3A_406, %masked_sort3A_407, %masked_sort3A_427, %masked_sort3A_428, %gather3A_439 : vector<16xf32>, vector<16xi32>, vector<16xf32>, vector<16xi32>, vector<16xf32>
            } else {
              scf.yield %cond3A_354#0, %cond3A_354#1, %cond3A_354#2, %cond3A_354#3, %cond3A_354#4 : vector<16xf32>, vector<16xi32>, vector<16xf32>, vector<16xi32>, vector<16xf32>
            }
            scf.yield %cond3A_380#0, %cond3A_380#1, %cond3A_380#2, %cond3A_380#3, %cond3A_380#4 : vector<16xf32>, vector<16xi32>, vector<16xf32>, vector<16xi32>, vector<16xf32>
          } else {
            scf.yield %scan3A_147, %scan3A_148, %scan3A_149, %scan3A_150, %scan3A_151 : vector<16xf32>, vector<16xi32>, vector<16xf32>, vector<16xi32>, vector<16xf32>
          }
          scf.yield %cond3A_172#0, %cond3A_172#1, %cond3A_172#2, %cond3A_172#3, %cond3A_172#4 : vector<16xf32>, vector<16xi32>, vector<16xf32>, vector<16xi32>, vector<16xf32>
        }
        %scan3A_145 = arith.constant 16 : i32
        scf.yield %scan3A_144#0, %scan3A_144#1, %scan3A_144#2, %scan3A_144#3, %scan3A_144#4 : vector<16xf32>, vector<16xi32>, vector<16xf32>, vector<16xi32>, vector<16xf32>
      }
      %scan3A_54 = arith.constant 10 : i32
      %dma_wait3A_55 = arith.constant 20480 : i32
      %dma_wait3A_56 = tpu.memref_slice %arg2[%add3A_11, %dma_wait3A_55] : memref<1024x102400xf32, #tpu.memory_space<hbm>> -> memref<1x20480xf32, #tpu.memory_space<hbm>>
      %dma_wait3A_57 = tpu.memref_squeeze %dma_wait3A_56 : memref<1x20480xf32, #tpu.memory_space<hbm>> -> memref<20480xf32, #tpu.memory_space<hbm>>
      %dma_wait3A_58 = arith.constant 20480 : i32
      %dma_wait3A_59 = tpu.memref_slice %arg2[%add3A_11, %dma_wait3A_58] : memref<1024x102400xf32, #tpu.memory_space<hbm>> -> memref<1x20480xf32, #tpu.memory_space<hbm>>
      %dma_wait3A_60 = tpu.memref_squeeze %dma_wait3A_59 : memref<1x20480xf32, #tpu.memory_space<hbm>> -> memref<20480xf32, #tpu.memory_space<hbm>>
      tpu.wait_dma2 semaphore(%arg12 : memref<!tpu.dma_semaphore, #tpu.memory_space<semaphore_mem>>) src(%dma_wait3A_60 : memref<20480xf32, #tpu.memory_space<hbm>>) dst(%arg7 : memref<20480xf32, #tpu.memory_space<vmem>>)
      %dma_start3A_61 = arith.constant 40960 : i32
      %dma_start3A_62 = tpu.memref_slice %arg2[%add3A_11, %dma_start3A_61] : memref<1024x102400xf32, #tpu.memory_space<hbm>> -> memref<1x20480xf32, #tpu.memory_space<hbm>>
      %dma_start3A_63 = tpu.memref_squeeze %dma_start3A_62 : memref<1x20480xf32, #tpu.memory_space<hbm>> -> memref<20480xf32, #tpu.memory_space<hbm>>
      %dma_start3A_64 = arith.constant 40960 : i32
      %dma_start3A_65 = tpu.memref_slice %arg2[%add3A_11, %dma_start3A_64] : memref<1024x102400xf32, #tpu.memory_space<hbm>> -> memref<1x20480xf32, #tpu.memory_space<hbm>>
      %dma_start3A_66 = tpu.memref_squeeze %dma_start3A_65 : memref<1x20480xf32, #tpu.memory_space<hbm>> -> memref<20480xf32, #tpu.memory_space<hbm>>
      tpu.enqueue_dma source(%dma_start3A_66 : memref<20480xf32, #tpu.memory_space<hbm>>) target(%arg6 : memref<20480xf32, #tpu.memory_space<vmem>>) target_semaphore(%arg11 : memref<!tpu.dma_semaphore, #tpu.memory_space<semaphore_mem>>)
      %scan3A_67 = arith.constant 0 : i32
      %scan3A_68 = arith.constant 10 : i32
      %scan3A_69 = arith.addi %scan3A_67, %scan3A_68 : i32
      %scan3A_70 = arith.constant 1 : i32
      %scan3A_71:5 = scf.for %scan3A_131 = %scan3A_67 to %scan3A_69 step %scan3A_70 iter_args(%scan3A_132 = %scan3A_53#0, %scan3A_133 = %scan3A_53#1, %scan3A_134 = %scan3A_53#2, %scan3A_135 = %scan3A_53#3, %scan3A_136 = %scan3A_53#4) -> (vector<16xf32>, vector<16xi32>, vector<16xf32>, vector<16xi32>, vector<16xf32>)  : i32 {
        %mul3A_137 = arith.constant 2048 : i32
        %mul3A_138 = arith.muli %scan3A_131, %mul3A_137 : i32
        %multiple_of3A_139 = tpu.assume_multiple %mul3A_138, 2048 : i32
        %scan3A_140 = arith.constant 0 : i32
        %scan3A_141 = arith.constant 16 : i32
        %scan3A_142 = arith.addi %scan3A_140, %scan3A_141 : i32
        %scan3A_143 = arith.constant 1 : i32
        %scan3A_144:5 = scf.for %scan3A_146 = %scan3A_140 to %scan3A_142 step %scan3A_143 iter_args(%scan3A_147 = %scan3A_132, %scan3A_148 = %scan3A_133, %scan3A_149 = %scan3A_134, %scan3A_150 = %scan3A_135, %scan3A_151 = %scan3A_136) -> (vector<16xf32>, vector<16xi32>, vector<16xf32>, vector<16xi32>, vector<16xf32>)  : i32 {
          %mul3A_152 = arith.constant 16 : i32
          %mul3A_153 = arith.muli %scan3A_146, %mul3A_152 : i32
          %multiple_of3A_154 = tpu.assume_multiple %mul3A_153, 16 : i32
          %mul3A_155 = arith.constant 256 : i32
          %mul3A_156 = arith.muli %scan3A_131, %mul3A_155 : i32
          %add3A_157 = arith.constant 2560 : i32
          %add3A_158 = arith.addi %add3A_157, %mul3A_156 : i32
          %add3A_159 = arith.addi %add3A_158, %multiple_of3A_154 : i32
          %get3A = arith.index_cast %add3A_159 : i32 to index
          %get3A_160 = tpu.vector_load %arg8[%get3A] {strides = array<i32>} : memref<12800xf32, #tpu.memory_space<vmem>>, vector<16xf32>,
          %lt3A = arith.cmpf olt, %get3A_160, %scan3A_151 : vector<16xf32>
          %reduce_or3A = arith.constant 1.000000e+00 : f32
          %reduce_or3A_161 = arith.constant 0.000000e+00 : f32
          %reduce_or3A_162 = vector.broadcast %reduce_or3A : f32 to vector<16xf32>
          %reduce_or3A_163 = vector.broadcast %reduce_or3A_161 : f32 to vector<16xf32>
          %reduce_or3A_164 = arith.select %lt3A, %reduce_or3A_162, %reduce_or3A_163 : vector<16xi1>, vector<16xf32>
          %reduce_or3A_165 = arith.constant true
          %reduce_or3A_166 = vector.broadcast %reduce_or3A_165 : i1 to vector<16xi1>
          %reduce_or3A_167 = tpu.scan <max>, %reduce_or3A_164 masked %reduce_or3A_166 : vector<16xf32>, vector<16xi1> -> vector<16xf32>
          %reduce_or3A_168 = vector.extract %reduce_or3A_167[15] : f32 from vector<16xf32>
          %reduce_or3A_169 = arith.constant 0.000000e+00 : f32
          %reduce_or3A_170 = arith.cmpf ogt, %reduce_or3A_168, %reduce_or3A_169 : f32
          %convert_element_type3A = arith.extui %reduce_or3A_170 : i1 to i32
          %cond3A = arith.constant 0 : i32
          %cond3A_171 = arith.cmpi ne, %convert_element_type3A, %cond3A : i32
          %cond3A_172:5 = scf.if %cond3A_171 -> (vector<16xf32>, vector<16xi32>, vector<16xf32>, vector<16xi32>, vector<16xf32>) {
            %add3A_173 = arith.constant 0 : i32
            %add3A_174 = arith.addi %multiple_of3A_139, %add3A_173 : i32
            %add3A_175 = arith.addi %add3A_174, %multiple_of3A_154 : i32
            %get3A_176 = arith.index_cast %add3A_175 : i32 to index
            %get3A_177 = tpu.vector_load %arg7[%get3A_176] {strides = array<i32>} : memref<20480xf32, #tpu.memory_space<vmem>>, vector<16xf32>,
            %add3A_178 = arith.constant 20480 : i32
            %add3A_179 = arith.addi %add3A_178, %multiple_of3A_139 : i32
            %add3A_180 = arith.constant 0 : i32
            %add3A_181 = arith.addi %add3A_179, %add3A_180 : i32
            %add3A_182 = arith.addi %add3A_181, %multiple_of3A_154 : i32
            %lt3A_183 = arith.cmpf olt, %get3A_177, %scan3A_151 : vector<16xf32>
            %reduce_or3A_184 = arith.constant 1.000000e+00 : f32
            %reduce_or3A_185 = arith.constant 0.000000e+00 : f32
            %reduce_or3A_186 = vector.broadcast %reduce_or3A_184 : f32 to vector<16xf32>
            %reduce_or3A_187 = vector.broadcast %reduce_or3A_185 : f32 to vector<16xf32>
            %reduce_or3A_188 = arith.select %lt3A_183, %reduce_or3A_186, %reduce_or3A_187 : vector<16xi1>, vector<16xf32>
            %reduce_or3A_189 = arith.constant true
            %reduce_or3A_190 = vector.broadcast %reduce_or3A_189 : i1 to vector<16xi1>
            %reduce_or3A_191 = tpu.scan <max>, %reduce_or3A_188 masked %reduce_or3A_190 : vector<16xf32>, vector<16xi1> -> vector<16xf32>
            %reduce_or3A_192 = vector.extract %reduce_or3A_191[15] : f32 from vector<16xf32>
            %reduce_or3A_193 = arith.constant 0.000000e+00 : f32
            %reduce_or3A_194 = arith.cmpf ogt, %reduce_or3A_192, %reduce_or3A_193 : f32
            %convert_element_type3A_195 = arith.extui %reduce_or3A_194 : i1 to i32
            %cond3A_196 = arith.constant 0 : i32
            %cond3A_197 = arith.cmpi ne, %convert_element_type3A_195, %cond3A_196 : i32
            %cond3A_198:5 = scf.if %cond3A_197 -> (vector<16xf32>, vector<16xi32>, vector<16xf32>, vector<16xi32>, vector<16xf32>) {
              %iota3A = tpu.iota {dimensions = array<i32: 0>} : vector<16xi32>
              %lt3A_381 = arith.cmpf olt, %get3A_177, %scan3A_151 : vector<16xf32>
              %jit3A = arith.constant 0x7F800000 : f32
              %broadcast_in_dim3A_382 = vector.broadcast %jit3A : f32 to vector<16xf32>
              %select_n3A = arith.select %lt3A_381, %get3A_177, %broadcast_in_dim3A_382 : vector<16xi1>, vector<16xf32>
              %broadcast_in_dim3A_383 = vector.broadcast %add3A_182 : i32 to vector<16xi32>
              %add3A_384 = arith.addi %broadcast_in_dim3A_383, %iota3A : vector<16xi32>
              %jit3A_385 = arith.constant 1073741824 : i32
              %broadcast_in_dim3A_386 = vector.broadcast %jit3A_385 : i32 to vector<16xi32>
              %select_n3A_387 = arith.select %lt3A_381, %add3A_384, %broadcast_in_dim3A_386 : vector<16xi1>, vector<16xi32>
              %masked_sort3A = arith.constant dense<true> : vector<16xi1>
              %masked_sort3A_388, %masked_sort3A_389, %masked_sort3A_390 = tpu.sort %select_n3A, %select_n3A_387 masked %masked_sort3A : (vector<16xf32>, vector<16xi32>, vector<16xi1>) -> (vector<16xi1>, vector<16xf32>, vector<16xi32>)
              %rev3A = arith.constant 15 : i32
              %rev3A_391 = vector.broadcast %rev3A : i32 to vector<16xi32>
              %rev3A_392 = tpu.iota {dimensions = array<i32: 0>} : vector<16xi32>
              %rev3A_393 = arith.subi %rev3A_391, %rev3A_392 : vector<16xi32>
              %rev3A_394 = tpu.dynamic_gather %masked_sort3A_389[%rev3A_393] in [0] : vector<16xf32>, vector<16xi32> -> vector<16xf32>
              %rev3A_395 = arith.constant 15 : i32
              %rev3A_396 = vector.broadcast %rev3A_395 : i32 to vector<16xi32>
              %rev3A_397 = tpu.iota {dimensions = array<i32: 0>} : vector<16xi32>
              %rev3A_398 = arith.subi %rev3A_396, %rev3A_397 : vector<16xi32>
              %rev3A_399 = tpu.dynamic_gather %masked_sort3A_390[%rev3A_398] in [0] : vector<16xi32>, vector<16xi32> -> vector<16xi32>
              %le3A = arith.cmpf ole, %scan3A_147, %rev3A_394 : vector<16xf32>
              %select_n3A_400 = arith.select %le3A, %scan3A_147, %rev3A_394 : vector<16xi1>, vector<16xf32>
              %select_n3A_401 = arith.select %le3A, %scan3A_148, %rev3A_399 : vector<16xi1>, vector<16xi32>
              %select_n3A_402 = arith.select %le3A, %rev3A_394, %scan3A_147 : vector<16xi1>, vector<16xf32>
              %select_n3A_403 = arith.select %le3A, %rev3A_399, %scan3A_148 : vector<16xi1>, vector<16xi32>
              %masked_sort3A_404 = arith.constant dense<true> : vector<16xi1>
              %masked_sort3A_405, %masked_sort3A_406, %masked_sort3A_407 = tpu.sort %select_n3A_400, %select_n3A_401 masked %masked_sort3A_404 : (vector<16xf32>, vector<16xi32>, vector<16xi1>) -> (vector<16xi1>, vector<16xf32>, vector<16xi32>)
              %masked_sort3A_408 = arith.constant dense<true> : vector<16xi1>
              %masked_sort3A_409, %masked_sort3A_410, %masked_sort3A_411 = tpu.sort %select_n3A_402, %select_n3A_403 masked %masked_sort3A_408 : (vector<16xf32>, vector<16xi32>, vector<16xi1>) -> (vector<16xi1>, vector<16xf32>, vector<16xi32>)
              %rev3A_412 = arith.constant 15 : i32
              %rev3A_413 = vector.broadcast %rev3A_412 : i32 to vector<16xi32>
              %rev3A_414 = tpu.iota {dimensions = array<i32: 0>} : vector<16xi32>
              %rev3A_415 = arith.subi %rev3A_413, %rev3A_414 : vector<16xi32>
              %rev3A_416 = tpu.dynamic_gather %masked_sort3A_410[%rev3A_415] in [0] : vector<16xf32>, vector<16xi32> -> vector<16xf32>
              %rev3A_417 = arith.constant 15 : i32
              %rev3A_418 = vector.broadcast %rev3A_417 : i32 to vector<16xi32>
              %rev3A_419 = tpu.iota {dimensions = array<i32: 0>} : vector<16xi32>
              %rev3A_420 = arith.subi %rev3A_418, %rev3A_419 : vector<16xi32>
              %rev3A_421 = tpu.dynamic_gather %masked_sort3A_411[%rev3A_420] in [0] : vector<16xi32>, vector<16xi32> -> vector<16xi32>
              %le3A_422 = arith.cmpf ole, %scan3A_149, %rev3A_416 : vector<16xf32>
              %select_n3A_423 = arith.select %le3A_422, %scan3A_149, %rev3A_416 : vector<16xi1>, vector<16xf32>
              %select_n3A_424 = arith.select %le3A_422, %scan3A_150, %rev3A_421 : vector<16xi1>, vector<16xi32>
              %masked_sort3A_425 = arith.constant dense<true> : vector<16xi1>
              %masked_sort3A_426, %masked_sort3A_427, %masked_sort3A_428 = tpu.sort %select_n3A_423, %select_n3A_424 masked %masked_sort3A_425 : (vector<16xf32>, vector<16xi32>, vector<16xi1>) -> (vector<16xi1>, vector<16xf32>, vector<16xi32>)
              %broadcast_in_dim3A_429 = arith.constant 15 : i32
              %broadcast_in_dim3A_430 = vector.broadcast %broadcast_in_dim3A_429 : i32 to vector<16xi32>
              %lt3A_431 = arith.constant 0 : i32
              %lt3A_432 = vector.broadcast %lt3A_431 : i32 to vector<16xi32>
              %lt3A_433 = arith.cmpi slt, %broadcast_in_dim3A_430, %lt3A_432 : vector<16xi32>
              %add3A_434 = arith.constant 16 : i32
              %add3A_435 = vector.broadcast %add3A_434 : i32 to vector<16xi32>
              %add3A_436 = arith.addi %broadcast_in_dim3A_430, %add3A_435 : vector<16xi32>
              %select_n3A_437 = arith.select %lt3A_433, %add3A_436, %broadcast_in_dim3A_430 : vector<16xi1>, vector<16xi32>
              %broadcast_in_dim3A_438 = vector.shape_cast %select_n3A_437 : vector<16xi32> to vector<16x1xi32>
              %gather3A = vector.shape_cast %broadcast_in_dim3A_438 : vector<16x1xi32> to vector<16xi32>
              %gather3A_439 = tpu.dynamic_gather %masked_sort3A_427[%gather3A] in [0] : vector<16xf32>, vector<16xi32> -> vector<16xf32>
              scf.yield %masked_sort3A_406, %masked_sort3A_407, %masked_sort3A_427, %masked_sort3A_428, %gather3A_439 : vector<16xf32>, vector<16xi32>, vector<16xf32>, vector<16xi32>, vector<16xf32>
            } else {
              scf.yield %scan3A_147, %scan3A_148, %scan3A_149, %scan3A_150, %scan3A_151 : vector<16xf32>, vector<16xi32>, vector<16xf32>, vector<16xi32>, vector<16xf32>
            }
            %add3A_199 = arith.constant 256 : i32
            %add3A_200 = arith.addi %multiple_of3A_139, %add3A_199 : i32
            %add3A_201 = arith.addi %add3A_200, %multiple_of3A_154 : i32
            %get3A_202 = arith.index_cast %add3A_201 : i32 to index
            %get3A_203 = tpu.vector_load %arg7[%get3A_202] {strides = array<i32>} : memref<20480xf32, #tpu.memory_space<vmem>>, vector<16xf32>,
            %add3A_204 = arith.constant 20480 : i32
            %add3A_205 = arith.addi %add3A_204, %multiple_of3A_139 : i32
            %add3A_206 = arith.constant 256 : i32
            %add3A_207 = arith.addi %add3A_205, %add3A_206 : i32
            %add3A_208 = arith.addi %add3A_207, %multiple_of3A_154 : i32
            %lt3A_209 = arith.cmpf olt, %get3A_203, %cond3A_198#4 : vector<16xf32>
            %reduce_or3A_210 = arith.constant 1.000000e+00 : f32
            %reduce_or3A_211 = arith.constant 0.000000e+00 : f32
            %reduce_or3A_212 = vector.broadcast %reduce_or3A_210 : f32 to vector<16xf32>
            %reduce_or3A_213 = vector.broadcast %reduce_or3A_211 : f32 to vector<16xf32>
            %reduce_or3A_214 = arith.select %lt3A_209, %reduce_or3A_212, %reduce_or3A_213 : vector<16xi1>, vector<16xf32>
            %reduce_or3A_215 = arith.constant true
            %reduce_or3A_216 = vector.broadcast %reduce_or3A_215 : i1 to vector<16xi1>
            %reduce_or3A_217 = tpu.scan <max>, %reduce_or3A_214 masked %reduce_or3A_216 : vector<16xf32>, vector<16xi1> -> vector<16xf32>
            %reduce_or3A_218 = vector.extract %reduce_or3A_217[15] : f32 from vector<16xf32>
            %reduce_or3A_219 = arith.constant 0.000000e+00 : f32
            %reduce_or3A_220 = arith.cmpf ogt, %reduce_or3A_218, %reduce_or3A_219 : f32
            %convert_element_type3A_221 = arith.extui %reduce_or3A_220 : i1 to i32
            %cond3A_222 = arith.constant 0 : i32
            %cond3A_223 = arith.cmpi ne, %convert_element_type3A_221, %cond3A_222 : i32
            %cond3A_224:5 = scf.if %cond3A_223 -> (vector<16xf32>, vector<16xi32>, vector<16xf32>, vector<16xi32>, vector<16xf32>) {
              %iota3A = tpu.iota {dimensions = array<i32: 0>} : vector<16xi32>
              %lt3A_381 = arith.cmpf olt, %get3A_203, %cond3A_198#4 : vector<16xf32>
              %jit3A = arith.constant 0x7F800000 : f32
              %broadcast_in_dim3A_382 = vector.broadcast %jit3A : f32 to vector<16xf32>
              %select_n3A = arith.select %lt3A_381, %get3A_203, %broadcast_in_dim3A_382 : vector<16xi1>, vector<16xf32>
              %broadcast_in_dim3A_383 = vector.broadcast %add3A_208 : i32 to vector<16xi32>
              %add3A_384 = arith.addi %broadcast_in_dim3A_383, %iota3A : vector<16xi32>
              %jit3A_385 = arith.constant 1073741824 : i32
              %broadcast_in_dim3A_386 = vector.broadcast %jit3A_385 : i32 to vector<16xi32>
              %select_n3A_387 = arith.select %lt3A_381, %add3A_384, %broadcast_in_dim3A_386 : vector<16xi1>, vector<16xi32>
              %masked_sort3A = arith.constant dense<true> : vector<16xi1>
              %masked_sort3A_388, %masked_sort3A_389, %masked_sort3A_390 = tpu.sort %select_n3A, %select_n3A_387 masked %masked_sort3A : (vector<16xf32>, vector<16xi32>, vector<16xi1>) -> (vector<16xi1>, vector<16xf32>, vector<16xi32>)
              %rev3A = arith.constant 15 : i32
              %rev3A_391 = vector.broadcast %rev3A : i32 to vector<16xi32>
              %rev3A_392 = tpu.iota {dimensions = array<i32: 0>} : vector<16xi32>
              %rev3A_393 = arith.subi %rev3A_391, %rev3A_392 : vector<16xi32>
              %rev3A_394 = tpu.dynamic_gather %masked_sort3A_389[%rev3A_393] in [0] : vector<16xf32>, vector<16xi32> -> vector<16xf32>
              %rev3A_395 = arith.constant 15 : i32
              %rev3A_396 = vector.broadcast %rev3A_395 : i32 to vector<16xi32>
              %rev3A_397 = tpu.iota {dimensions = array<i32: 0>} : vector<16xi32>
              %rev3A_398 = arith.subi %rev3A_396, %rev3A_397 : vector<16xi32>
              %rev3A_399 = tpu.dynamic_gather %masked_sort3A_390[%rev3A_398] in [0] : vector<16xi32>, vector<16xi32> -> vector<16xi32>
              %le3A = arith.cmpf ole, %cond3A_198#0, %rev3A_394 : vector<16xf32>
              %select_n3A_400 = arith.select %le3A, %cond3A_198#0, %rev3A_394 : vector<16xi1>, vector<16xf32>
              %select_n3A_401 = arith.select %le3A, %cond3A_198#1, %rev3A_399 : vector<16xi1>, vector<16xi32>
              %select_n3A_402 = arith.select %le3A, %rev3A_394, %cond3A_198#0 : vector<16xi1>, vector<16xf32>
              %select_n3A_403 = arith.select %le3A, %rev3A_399, %cond3A_198#1 : vector<16xi1>, vector<16xi32>
              %masked_sort3A_404 = arith.constant dense<true> : vector<16xi1>
              %masked_sort3A_405, %masked_sort3A_406, %masked_sort3A_407 = tpu.sort %select_n3A_400, %select_n3A_401 masked %masked_sort3A_404 : (vector<16xf32>, vector<16xi32>, vector<16xi1>) -> (vector<16xi1>, vector<16xf32>, vector<16xi32>)
              %masked_sort3A_408 = arith.constant dense<true> : vector<16xi1>
              %masked_sort3A_409, %masked_sort3A_410, %masked_sort3A_411 = tpu.sort %select_n3A_402, %select_n3A_403 masked %masked_sort3A_408 : (vector<16xf32>, vector<16xi32>, vector<16xi1>) -> (vector<16xi1>, vector<16xf32>, vector<16xi32>)
              %rev3A_412 = arith.constant 15 : i32
              %rev3A_413 = vector.broadcast %rev3A_412 : i32 to vector<16xi32>
              %rev3A_414 = tpu.iota {dimensions = array<i32: 0>} : vector<16xi32>
              %rev3A_415 = arith.subi %rev3A_413, %rev3A_414 : vector<16xi32>
              %rev3A_416 = tpu.dynamic_gather %masked_sort3A_410[%rev3A_415] in [0] : vector<16xf32>, vector<16xi32> -> vector<16xf32>
              %rev3A_417 = arith.constant 15 : i32
              %rev3A_418 = vector.broadcast %rev3A_417 : i32 to vector<16xi32>
              %rev3A_419 = tpu.iota {dimensions = array<i32: 0>} : vector<16xi32>
              %rev3A_420 = arith.subi %rev3A_418, %rev3A_419 : vector<16xi32>
              %rev3A_421 = tpu.dynamic_gather %masked_sort3A_411[%rev3A_420] in [0] : vector<16xi32>, vector<16xi32> -> vector<16xi32>
              %le3A_422 = arith.cmpf ole, %cond3A_198#2, %rev3A_416 : vector<16xf32>
              %select_n3A_423 = arith.select %le3A_422, %cond3A_198#2, %rev3A_416 : vector<16xi1>, vector<16xf32>
              %select_n3A_424 = arith.select %le3A_422, %cond3A_198#3, %rev3A_421 : vector<16xi1>, vector<16xi32>
              %masked_sort3A_425 = arith.constant dense<true> : vector<16xi1>
              %masked_sort3A_426, %masked_sort3A_427, %masked_sort3A_428 = tpu.sort %select_n3A_423, %select_n3A_424 masked %masked_sort3A_425 : (vector<16xf32>, vector<16xi32>, vector<16xi1>) -> (vector<16xi1>, vector<16xf32>, vector<16xi32>)
              %broadcast_in_dim3A_429 = arith.constant 15 : i32
              %broadcast_in_dim3A_430 = vector.broadcast %broadcast_in_dim3A_429 : i32 to vector<16xi32>
              %lt3A_431 = arith.constant 0 : i32
              %lt3A_432 = vector.broadcast %lt3A_431 : i32 to vector<16xi32>
              %lt3A_433 = arith.cmpi slt, %broadcast_in_dim3A_430, %lt3A_432 : vector<16xi32>
              %add3A_434 = arith.constant 16 : i32
              %add3A_435 = vector.broadcast %add3A_434 : i32 to vector<16xi32>
              %add3A_436 = arith.addi %broadcast_in_dim3A_430, %add3A_435 : vector<16xi32>
              %select_n3A_437 = arith.select %lt3A_433, %add3A_436, %broadcast_in_dim3A_430 : vector<16xi1>, vector<16xi32>
              %broadcast_in_dim3A_438 = vector.shape_cast %select_n3A_437 : vector<16xi32> to vector<16x1xi32>
              %gather3A = vector.shape_cast %broadcast_in_dim3A_438 : vector<16x1xi32> to vector<16xi32>
              %gather3A_439 = tpu.dynamic_gather %masked_sort3A_427[%gather3A] in [0] : vector<16xf32>, vector<16xi32> -> vector<16xf32>
              scf.yield %masked_sort3A_406, %masked_sort3A_407, %masked_sort3A_427, %masked_sort3A_428, %gather3A_439 : vector<16xf32>, vector<16xi32>, vector<16xf32>, vector<16xi32>, vector<16xf32>
            } else {
              scf.yield %cond3A_198#0, %cond3A_198#1, %cond3A_198#2, %cond3A_198#3, %cond3A_198#4 : vector<16xf32>, vector<16xi32>, vector<16xf32>, vector<16xi32>, vector<16xf32>
            }
            %add3A_225 = arith.constant 512 : i32
            %add3A_226 = arith.addi %multiple_of3A_139, %add3A_225 : i32
            %add3A_227 = arith.addi %add3A_226, %multiple_of3A_154 : i32
            %get3A_228 = arith.index_cast %add3A_227 : i32 to index
            %get3A_229 = tpu.vector_load %arg7[%get3A_228] {strides = array<i32>} : memref<20480xf32, #tpu.memory_space<vmem>>, vector<16xf32>,
            %add3A_230 = arith.constant 20480 : i32
            %add3A_231 = arith.addi %add3A_230, %multiple_of3A_139 : i32
            %add3A_232 = arith.constant 512 : i32
            %add3A_233 = arith.addi %add3A_231, %add3A_232 : i32
            %add3A_234 = arith.addi %add3A_233, %multiple_of3A_154 : i32
            %lt3A_235 = arith.cmpf olt, %get3A_229, %cond3A_224#4 : vector<16xf32>
            %reduce_or3A_236 = arith.constant 1.000000e+00 : f32
            %reduce_or3A_237 = arith.constant 0.000000e+00 : f32
            %reduce_or3A_238 = vector.broadcast %reduce_or3A_236 : f32 to vector<16xf32>
            %reduce_or3A_239 = vector.broadcast %reduce_or3A_237 : f32 to vector<16xf32>
            %reduce_or3A_240 = arith.select %lt3A_235, %reduce_or3A_238, %reduce_or3A_239 : vector<16xi1>, vector<16xf32>
            %reduce_or3A_241 = arith.constant true
            %reduce_or3A_242 = vector.broadcast %reduce_or3A_241 : i1 to vector<16xi1>
            %reduce_or3A_243 = tpu.scan <max>, %reduce_or3A_240 masked %reduce_or3A_242 : vector<16xf32>, vector<16xi1> -> vector<16xf32>
            %reduce_or3A_244 = vector.extract %reduce_or3A_243[15] : f32 from vector<16xf32>
            %reduce_or3A_245 = arith.constant 0.000000e+00 : f32
            %reduce_or3A_246 = arith.cmpf ogt, %reduce_or3A_244, %reduce_or3A_245 : f32
            %convert_element_type3A_247 = arith.extui %reduce_or3A_246 : i1 to i32
            %cond3A_248 = arith.constant 0 : i32
            %cond3A_249 = arith.cmpi ne, %convert_element_type3A_247, %cond3A_248 : i32
            %cond3A_250:5 = scf.if %cond3A_249 -> (vector<16xf32>, vector<16xi32>, vector<16xf32>, vector<16xi32>, vector<16xf32>) {
              %iota3A = tpu.iota {dimensions = array<i32: 0>} : vector<16xi32>
              %lt3A_381 = arith.cmpf olt, %get3A_229, %cond3A_224#4 : vector<16xf32>
              %jit3A = arith.constant 0x7F800000 : f32
              %broadcast_in_dim3A_382 = vector.broadcast %jit3A : f32 to vector<16xf32>
              %select_n3A = arith.select %lt3A_381, %get3A_229, %broadcast_in_dim3A_382 : vector<16xi1>, vector<16xf32>
              %broadcast_in_dim3A_383 = vector.broadcast %add3A_234 : i32 to vector<16xi32>
              %add3A_384 = arith.addi %broadcast_in_dim3A_383, %iota3A : vector<16xi32>
              %jit3A_385 = arith.constant 1073741824 : i32
              %broadcast_in_dim3A_386 = vector.broadcast %jit3A_385 : i32 to vector<16xi32>
              %select_n3A_387 = arith.select %lt3A_381, %add3A_384, %broadcast_in_dim3A_386 : vector<16xi1>, vector<16xi32>
              %masked_sort3A = arith.constant dense<true> : vector<16xi1>
              %masked_sort3A_388, %masked_sort3A_389, %masked_sort3A_390 = tpu.sort %select_n3A, %select_n3A_387 masked %masked_sort3A : (vector<16xf32>, vector<16xi32>, vector<16xi1>) -> (vector<16xi1>, vector<16xf32>, vector<16xi32>)
              %rev3A = arith.constant 15 : i32
              %rev3A_391 = vector.broadcast %rev3A : i32 to vector<16xi32>
              %rev3A_392 = tpu.iota {dimensions = array<i32: 0>} : vector<16xi32>
              %rev3A_393 = arith.subi %rev3A_391, %rev3A_392 : vector<16xi32>
              %rev3A_394 = tpu.dynamic_gather %masked_sort3A_389[%rev3A_393] in [0] : vector<16xf32>, vector<16xi32> -> vector<16xf32>
              %rev3A_395 = arith.constant 15 : i32
              %rev3A_396 = vector.broadcast %rev3A_395 : i32 to vector<16xi32>
              %rev3A_397 = tpu.iota {dimensions = array<i32: 0>} : vector<16xi32>
              %rev3A_398 = arith.subi %rev3A_396, %rev3A_397 : vector<16xi32>
              %rev3A_399 = tpu.dynamic_gather %masked_sort3A_390[%rev3A_398] in [0] : vector<16xi32>, vector<16xi32> -> vector<16xi32>
              %le3A = arith.cmpf ole, %cond3A_224#0, %rev3A_394 : vector<16xf32>
              %select_n3A_400 = arith.select %le3A, %cond3A_224#0, %rev3A_394 : vector<16xi1>, vector<16xf32>
              %select_n3A_401 = arith.select %le3A, %cond3A_224#1, %rev3A_399 : vector<16xi1>, vector<16xi32>
              %select_n3A_402 = arith.select %le3A, %rev3A_394, %cond3A_224#0 : vector<16xi1>, vector<16xf32>
              %select_n3A_403 = arith.select %le3A, %rev3A_399, %cond3A_224#1 : vector<16xi1>, vector<16xi32>
              %masked_sort3A_404 = arith.constant dense<true> : vector<16xi1>
              %masked_sort3A_405, %masked_sort3A_406, %masked_sort3A_407 = tpu.sort %select_n3A_400, %select_n3A_401 masked %masked_sort3A_404 : (vector<16xf32>, vector<16xi32>, vector<16xi1>) -> (vector<16xi1>, vector<16xf32>, vector<16xi32>)
              %masked_sort3A_408 = arith.constant dense<true> : vector<16xi1>
              %masked_sort3A_409, %masked_sort3A_410, %masked_sort3A_411 = tpu.sort %select_n3A_402, %select_n3A_403 masked %masked_sort3A_408 : (vector<16xf32>, vector<16xi32>, vector<16xi1>) -> (vector<16xi1>, vector<16xf32>, vector<16xi32>)
              %rev3A_412 = arith.constant 15 : i32
              %rev3A_413 = vector.broadcast %rev3A_412 : i32 to vector<16xi32>
              %rev3A_414 = tpu.iota {dimensions = array<i32: 0>} : vector<16xi32>
              %rev3A_415 = arith.subi %rev3A_413, %rev3A_414 : vector<16xi32>
              %rev3A_416 = tpu.dynamic_gather %masked_sort3A_410[%rev3A_415] in [0] : vector<16xf32>, vector<16xi32> -> vector<16xf32>
              %rev3A_417 = arith.constant 15 : i32
              %rev3A_418 = vector.broadcast %rev3A_417 : i32 to vector<16xi32>
              %rev3A_419 = tpu.iota {dimensions = array<i32: 0>} : vector<16xi32>
              %rev3A_420 = arith.subi %rev3A_418, %rev3A_419 : vector<16xi32>
              %rev3A_421 = tpu.dynamic_gather %masked_sort3A_411[%rev3A_420] in [0] : vector<16xi32>, vector<16xi32> -> vector<16xi32>
              %le3A_422 = arith.cmpf ole, %cond3A_224#2, %rev3A_416 : vector<16xf32>
              %select_n3A_423 = arith.select %le3A_422, %cond3A_224#2, %rev3A_416 : vector<16xi1>, vector<16xf32>
              %select_n3A_424 = arith.select %le3A_422, %cond3A_224#3, %rev3A_421 : vector<16xi1>, vector<16xi32>
              %masked_sort3A_425 = arith.constant dense<true> : vector<16xi1>
              %masked_sort3A_426, %masked_sort3A_427, %masked_sort3A_428 = tpu.sort %select_n3A_423, %select_n3A_424 masked %masked_sort3A_425 : (vector<16xf32>, vector<16xi32>, vector<16xi1>) -> (vector<16xi1>, vector<16xf32>, vector<16xi32>)
              %broadcast_in_dim3A_429 = arith.constant 15 : i32
              %broadcast_in_dim3A_430 = vector.broadcast %broadcast_in_dim3A_429 : i32 to vector<16xi32>
              %lt3A_431 = arith.constant 0 : i32
              %lt3A_432 = vector.broadcast %lt3A_431 : i32 to vector<16xi32>
              %lt3A_433 = arith.cmpi slt, %broadcast_in_dim3A_430, %lt3A_432 : vector<16xi32>
              %add3A_434 = arith.constant 16 : i32
              %add3A_435 = vector.broadcast %add3A_434 : i32 to vector<16xi32>
              %add3A_436 = arith.addi %broadcast_in_dim3A_430, %add3A_435 : vector<16xi32>
              %select_n3A_437 = arith.select %lt3A_433, %add3A_436, %broadcast_in_dim3A_430 : vector<16xi1>, vector<16xi32>
              %broadcast_in_dim3A_438 = vector.shape_cast %select_n3A_437 : vector<16xi32> to vector<16x1xi32>
              %gather3A = vector.shape_cast %broadcast_in_dim3A_438 : vector<16x1xi32> to vector<16xi32>
              %gather3A_439 = tpu.dynamic_gather %masked_sort3A_427[%gather3A] in [0] : vector<16xf32>, vector<16xi32> -> vector<16xf32>
              scf.yield %masked_sort3A_406, %masked_sort3A_407, %masked_sort3A_427, %masked_sort3A_428, %gather3A_439 : vector<16xf32>, vector<16xi32>, vector<16xf32>, vector<16xi32>, vector<16xf32>
            } else {
              scf.yield %cond3A_224#0, %cond3A_224#1, %cond3A_224#2, %cond3A_224#3, %cond3A_224#4 : vector<16xf32>, vector<16xi32>, vector<16xf32>, vector<16xi32>, vector<16xf32>
            }
            %add3A_251 = arith.constant 768 : i32
            %add3A_252 = arith.addi %multiple_of3A_139, %add3A_251 : i32
            %add3A_253 = arith.addi %add3A_252, %multiple_of3A_154 : i32
            %get3A_254 = arith.index_cast %add3A_253 : i32 to index
            %get3A_255 = tpu.vector_load %arg7[%get3A_254] {strides = array<i32>} : memref<20480xf32, #tpu.memory_space<vmem>>, vector<16xf32>,
            %add3A_256 = arith.constant 20480 : i32
            %add3A_257 = arith.addi %add3A_256, %multiple_of3A_139 : i32
            %add3A_258 = arith.constant 768 : i32
            %add3A_259 = arith.addi %add3A_257, %add3A_258 : i32
            %add3A_260 = arith.addi %add3A_259, %multiple_of3A_154 : i32
            %lt3A_261 = arith.cmpf olt, %get3A_255, %cond3A_250#4 : vector<16xf32>
            %reduce_or3A_262 = arith.constant 1.000000e+00 : f32
            %reduce_or3A_263 = arith.constant 0.000000e+00 : f32
            %reduce_or3A_264 = vector.broadcast %reduce_or3A_262 : f32 to vector<16xf32>
            %reduce_or3A_265 = vector.broadcast %reduce_or3A_263 : f32 to vector<16xf32>
            %reduce_or3A_266 = arith.select %lt3A_261, %reduce_or3A_264, %reduce_or3A_265 : vector<16xi1>, vector<16xf32>
            %reduce_or3A_267 = arith.constant true
            %reduce_or3A_268 = vector.broadcast %reduce_or3A_267 : i1 to vector<16xi1>
            %reduce_or3A_269 = tpu.scan <max>, %reduce_or3A_266 masked %reduce_or3A_268 : vector<16xf32>, vector<16xi1> -> vector<16xf32>
            %reduce_or3A_270 = vector.extract %reduce_or3A_269[15] : f32 from vector<16xf32>
            %reduce_or3A_271 = arith.constant 0.000000e+00 : f32
            %reduce_or3A_272 = arith.cmpf ogt, %reduce_or3A_270, %reduce_or3A_271 : f32
            %convert_element_type3A_273 = arith.extui %reduce_or3A_272 : i1 to i32
            %cond3A_274 = arith.constant 0 : i32
            %cond3A_275 = arith.cmpi ne, %convert_element_type3A_273, %cond3A_274 : i32
            %cond3A_276:5 = scf.if %cond3A_275 -> (vector<16xf32>, vector<16xi32>, vector<16xf32>, vector<16xi32>, vector<16xf32>) {
              %iota3A = tpu.iota {dimensions = array<i32: 0>} : vector<16xi32>
              %lt3A_381 = arith.cmpf olt, %get3A_255, %cond3A_250#4 : vector<16xf32>
              %jit3A = arith.constant 0x7F800000 : f32
              %broadcast_in_dim3A_382 = vector.broadcast %jit3A : f32 to vector<16xf32>
              %select_n3A = arith.select %lt3A_381, %get3A_255, %broadcast_in_dim3A_382 : vector<16xi1>, vector<16xf32>
              %broadcast_in_dim3A_383 = vector.broadcast %add3A_260 : i32 to vector<16xi32>
              %add3A_384 = arith.addi %broadcast_in_dim3A_383, %iota3A : vector<16xi32>
              %jit3A_385 = arith.constant 1073741824 : i32
              %broadcast_in_dim3A_386 = vector.broadcast %jit3A_385 : i32 to vector<16xi32>
              %select_n3A_387 = arith.select %lt3A_381, %add3A_384, %broadcast_in_dim3A_386 : vector<16xi1>, vector<16xi32>
              %masked_sort3A = arith.constant dense<true> : vector<16xi1>
              %masked_sort3A_388, %masked_sort3A_389, %masked_sort3A_390 = tpu.sort %select_n3A, %select_n3A_387 masked %masked_sort3A : (vector<16xf32>, vector<16xi32>, vector<16xi1>) -> (vector<16xi1>, vector<16xf32>, vector<16xi32>)
              %rev3A = arith.constant 15 : i32
              %rev3A_391 = vector.broadcast %rev3A : i32 to vector<16xi32>
              %rev3A_392 = tpu.iota {dimensions = array<i32: 0>} : vector<16xi32>
              %rev3A_393 = arith.subi %rev3A_391, %rev3A_392 : vector<16xi32>
              %rev3A_394 = tpu.dynamic_gather %masked_sort3A_389[%rev3A_393] in [0] : vector<16xf32>, vector<16xi32> -> vector<16xf32>
              %rev3A_395 = arith.constant 15 : i32
              %rev3A_396 = vector.broadcast %rev3A_395 : i32 to vector<16xi32>
              %rev3A_397 = tpu.iota {dimensions = array<i32: 0>} : vector<16xi32>
              %rev3A_398 = arith.subi %rev3A_396, %rev3A_397 : vector<16xi32>
              %rev3A_399 = tpu.dynamic_gather %masked_sort3A_390[%rev3A_398] in [0] : vector<16xi32>, vector<16xi32> -> vector<16xi32>
              %le3A = arith.cmpf ole, %cond3A_250#0, %rev3A_394 : vector<16xf32>
              %select_n3A_400 = arith.select %le3A, %cond3A_250#0, %rev3A_394 : vector<16xi1>, vector<16xf32>
              %select_n3A_401 = arith.select %le3A, %cond3A_250#1, %rev3A_399 : vector<16xi1>, vector<16xi32>
              %select_n3A_402 = arith.select %le3A, %rev3A_394, %cond3A_250#0 : vector<16xi1>, vector<16xf32>
              %select_n3A_403 = arith.select %le3A, %rev3A_399, %cond3A_250#1 : vector<16xi1>, vector<16xi32>
              %masked_sort3A_404 = arith.constant dense<true> : vector<16xi1>
              %masked_sort3A_405, %masked_sort3A_406, %masked_sort3A_407 = tpu.sort %select_n3A_400, %select_n3A_401 masked %masked_sort3A_404 : (vector<16xf32>, vector<16xi32>, vector<16xi1>) -> (vector<16xi1>, vector<16xf32>, vector<16xi32>)
              %masked_sort3A_408 = arith.constant dense<true> : vector<16xi1>
              %masked_sort3A_409, %masked_sort3A_410, %masked_sort3A_411 = tpu.sort %select_n3A_402, %select_n3A_403 masked %masked_sort3A_408 : (vector<16xf32>, vector<16xi32>, vector<16xi1>) -> (vector<16xi1>, vector<16xf32>, vector<16xi32>)
              %rev3A_412 = arith.constant 15 : i32
              %rev3A_413 = vector.broadcast %rev3A_412 : i32 to vector<16xi32>
              %rev3A_414 = tpu.iota {dimensions = array<i32: 0>} : vector<16xi32>
              %rev3A_415 = arith.subi %rev3A_413, %rev3A_414 : vector<16xi32>
              %rev3A_416 = tpu.dynamic_gather %masked_sort3A_410[%rev3A_415] in [0] : vector<16xf32>, vector<16xi32> -> vector<16xf32>
              %rev3A_417 = arith.constant 15 : i32
              %rev3A_418 = vector.broadcast %rev3A_417 : i32 to vector<16xi32>
              %rev3A_419 = tpu.iota {dimensions = array<i32: 0>} : vector<16xi32>
              %rev3A_420 = arith.subi %rev3A_418, %rev3A_419 : vector<16xi32>
              %rev3A_421 = tpu.dynamic_gather %masked_sort3A_411[%rev3A_420] in [0] : vector<16xi32>, vector<16xi32> -> vector<16xi32>
              %le3A_422 = arith.cmpf ole, %cond3A_250#2, %rev3A_416 : vector<16xf32>
              %select_n3A_423 = arith.select %le3A_422, %cond3A_250#2, %rev3A_416 : vector<16xi1>, vector<16xf32>
              %select_n3A_424 = arith.select %le3A_422, %cond3A_250#3, %rev3A_421 : vector<16xi1>, vector<16xi32>
              %masked_sort3A_425 = arith.constant dense<true> : vector<16xi1>
              %masked_sort3A_426, %masked_sort3A_427, %masked_sort3A_428 = tpu.sort %select_n3A_423, %select_n3A_424 masked %masked_sort3A_425 : (vector<16xf32>, vector<16xi32>, vector<16xi1>) -> (vector<16xi1>, vector<16xf32>, vector<16xi32>)
              %broadcast_in_dim3A_429 = arith.constant 15 : i32
              %broadcast_in_dim3A_430 = vector.broadcast %broadcast_in_dim3A_429 : i32 to vector<16xi32>
              %lt3A_431 = arith.constant 0 : i32
              %lt3A_432 = vector.broadcast %lt3A_431 : i32 to vector<16xi32>
              %lt3A_433 = arith.cmpi slt, %broadcast_in_dim3A_430, %lt3A_432 : vector<16xi32>
              %add3A_434 = arith.constant 16 : i32
              %add3A_435 = vector.broadcast %add3A_434 : i32 to vector<16xi32>
              %add3A_436 = arith.addi %broadcast_in_dim3A_430, %add3A_435 : vector<16xi32>
              %select_n3A_437 = arith.select %lt3A_433, %add3A_436, %broadcast_in_dim3A_430 : vector<16xi1>, vector<16xi32>
              %broadcast_in_dim3A_438 = vector.shape_cast %select_n3A_437 : vector<16xi32> to vector<16x1xi32>
              %gather3A = vector.shape_cast %broadcast_in_dim3A_438 : vector<16x1xi32> to vector<16xi32>
              %gather3A_439 = tpu.dynamic_gather %masked_sort3A_427[%gather3A] in [0] : vector<16xf32>, vector<16xi32> -> vector<16xf32>
              scf.yield %masked_sort3A_406, %masked_sort3A_407, %masked_sort3A_427, %masked_sort3A_428, %gather3A_439 : vector<16xf32>, vector<16xi32>, vector<16xf32>, vector<16xi32>, vector<16xf32>
            } else {
              scf.yield %cond3A_250#0, %cond3A_250#1, %cond3A_250#2, %cond3A_250#3, %cond3A_250#4 : vector<16xf32>, vector<16xi32>, vector<16xf32>, vector<16xi32>, vector<16xf32>
            }
            %add3A_277 = arith.constant 1024 : i32
            %add3A_278 = arith.addi %multiple_of3A_139, %add3A_277 : i32
            %add3A_279 = arith.addi %add3A_278, %multiple_of3A_154 : i32
            %get3A_280 = arith.index_cast %add3A_279 : i32 to index
            %get3A_281 = tpu.vector_load %arg7[%get3A_280] {strides = array<i32>} : memref<20480xf32, #tpu.memory_space<vmem>>, vector<16xf32>,
            %add3A_282 = arith.constant 20480 : i32
            %add3A_283 = arith.addi %add3A_282, %multiple_of3A_139 : i32
            %add3A_284 = arith.constant 1024 : i32
            %add3A_285 = arith.addi %add3A_283, %add3A_284 : i32
            %add3A_286 = arith.addi %add3A_285, %multiple_of3A_154 : i32
            %lt3A_287 = arith.cmpf olt, %get3A_281, %cond3A_276#4 : vector<16xf32>
            %reduce_or3A_288 = arith.constant 1.000000e+00 : f32
            %reduce_or3A_289 = arith.constant 0.000000e+00 : f32
            %reduce_or3A_290 = vector.broadcast %reduce_or3A_288 : f32 to vector<16xf32>
            %reduce_or3A_291 = vector.broadcast %reduce_or3A_289 : f32 to vector<16xf32>
            %reduce_or3A_292 = arith.select %lt3A_287, %reduce_or3A_290, %reduce_or3A_291 : vector<16xi1>, vector<16xf32>
            %reduce_or3A_293 = arith.constant true
            %reduce_or3A_294 = vector.broadcast %reduce_or3A_293 : i1 to vector<16xi1>
            %reduce_or3A_295 = tpu.scan <max>, %reduce_or3A_292 masked %reduce_or3A_294 : vector<16xf32>, vector<16xi1> -> vector<16xf32>
            %reduce_or3A_296 = vector.extract %reduce_or3A_295[15] : f32 from vector<16xf32>
            %reduce_or3A_297 = arith.constant 0.000000e+00 : f32
            %reduce_or3A_298 = arith.cmpf ogt, %reduce_or3A_296, %reduce_or3A_297 : f32
            %convert_element_type3A_299 = arith.extui %reduce_or3A_298 : i1 to i32
            %cond3A_300 = arith.constant 0 : i32
            %cond3A_301 = arith.cmpi ne, %convert_element_type3A_299, %cond3A_300 : i32
            %cond3A_302:5 = scf.if %cond3A_301 -> (vector<16xf32>, vector<16xi32>, vector<16xf32>, vector<16xi32>, vector<16xf32>) {
              %iota3A = tpu.iota {dimensions = array<i32: 0>} : vector<16xi32>
              %lt3A_381 = arith.cmpf olt, %get3A_281, %cond3A_276#4 : vector<16xf32>
              %jit3A = arith.constant 0x7F800000 : f32
              %broadcast_in_dim3A_382 = vector.broadcast %jit3A : f32 to vector<16xf32>
              %select_n3A = arith.select %lt3A_381, %get3A_281, %broadcast_in_dim3A_382 : vector<16xi1>, vector<16xf32>
              %broadcast_in_dim3A_383 = vector.broadcast %add3A_286 : i32 to vector<16xi32>
              %add3A_384 = arith.addi %broadcast_in_dim3A_383, %iota3A : vector<16xi32>
              %jit3A_385 = arith.constant 1073741824 : i32
              %broadcast_in_dim3A_386 = vector.broadcast %jit3A_385 : i32 to vector<16xi32>
              %select_n3A_387 = arith.select %lt3A_381, %add3A_384, %broadcast_in_dim3A_386 : vector<16xi1>, vector<16xi32>
              %masked_sort3A = arith.constant dense<true> : vector<16xi1>
              %masked_sort3A_388, %masked_sort3A_389, %masked_sort3A_390 = tpu.sort %select_n3A, %select_n3A_387 masked %masked_sort3A : (vector<16xf32>, vector<16xi32>, vector<16xi1>) -> (vector<16xi1>, vector<16xf32>, vector<16xi32>)
              %rev3A = arith.constant 15 : i32
              %rev3A_391 = vector.broadcast %rev3A : i32 to vector<16xi32>
              %rev3A_392 = tpu.iota {dimensions = array<i32: 0>} : vector<16xi32>
              %rev3A_393 = arith.subi %rev3A_391, %rev3A_392 : vector<16xi32>
              %rev3A_394 = tpu.dynamic_gather %masked_sort3A_389[%rev3A_393] in [0] : vector<16xf32>, vector<16xi32> -> vector<16xf32>
              %rev3A_395 = arith.constant 15 : i32
              %rev3A_396 = vector.broadcast %rev3A_395 : i32 to vector<16xi32>
              %rev3A_397 = tpu.iota {dimensions = array<i32: 0>} : vector<16xi32>
              %rev3A_398 = arith.subi %rev3A_396, %rev3A_397 : vector<16xi32>
              %rev3A_399 = tpu.dynamic_gather %masked_sort3A_390[%rev3A_398] in [0] : vector<16xi32>, vector<16xi32> -> vector<16xi32>
              %le3A = arith.cmpf ole, %cond3A_276#0, %rev3A_394 : vector<16xf32>
              %select_n3A_400 = arith.select %le3A, %cond3A_276#0, %rev3A_394 : vector<16xi1>, vector<16xf32>
              %select_n3A_401 = arith.select %le3A, %cond3A_276#1, %rev3A_399 : vector<16xi1>, vector<16xi32>
              %select_n3A_402 = arith.select %le3A, %rev3A_394, %cond3A_276#0 : vector<16xi1>, vector<16xf32>
              %select_n3A_403 = arith.select %le3A, %rev3A_399, %cond3A_276#1 : vector<16xi1>, vector<16xi32>
              %masked_sort3A_404 = arith.constant dense<true> : vector<16xi1>
              %masked_sort3A_405, %masked_sort3A_406, %masked_sort3A_407 = tpu.sort %select_n3A_400, %select_n3A_401 masked %masked_sort3A_404 : (vector<16xf32>, vector<16xi32>, vector<16xi1>) -> (vector<16xi1>, vector<16xf32>, vector<16xi32>)
              %masked_sort3A_408 = arith.constant dense<true> : vector<16xi1>
              %masked_sort3A_409, %masked_sort3A_410, %masked_sort3A_411 = tpu.sort %select_n3A_402, %select_n3A_403 masked %masked_sort3A_408 : (vector<16xf32>, vector<16xi32>, vector<16xi1>) -> (vector<16xi1>, vector<16xf32>, vector<16xi32>)
              %rev3A_412 = arith.constant 15 : i32
              %rev3A_413 = vector.broadcast %rev3A_412 : i32 to vector<16xi32>
              %rev3A_414 = tpu.iota {dimensions = array<i32: 0>} : vector<16xi32>
              %rev3A_415 = arith.subi %rev3A_413, %rev3A_414 : vector<16xi32>
              %rev3A_416 = tpu.dynamic_gather %masked_sort3A_410[%rev3A_415] in [0] : vector<16xf32>, vector<16xi32> -> vector<16xf32>
              %rev3A_417 = arith.constant 15 : i32
              %rev3A_418 = vector.broadcast %rev3A_417 : i32 to vector<16xi32>
              %rev3A_419 = tpu.iota {dimensions = array<i32: 0>} : vector<16xi32>
              %rev3A_420 = arith.subi %rev3A_418, %rev3A_419 : vector<16xi32>
              %rev3A_421 = tpu.dynamic_gather %masked_sort3A_411[%rev3A_420] in [0] : vector<16xi32>, vector<16xi32> -> vector<16xi32>
              %le3A_422 = arith.cmpf ole, %cond3A_276#2, %rev3A_416 : vector<16xf32>
              %select_n3A_423 = arith.select %le3A_422, %cond3A_276#2, %rev3A_416 : vector<16xi1>, vector<16xf32>
              %select_n3A_424 = arith.select %le3A_422, %cond3A_276#3, %rev3A_421 : vector<16xi1>, vector<16xi32>
              %masked_sort3A_425 = arith.constant dense<true> : vector<16xi1>
              %masked_sort3A_426, %masked_sort3A_427, %masked_sort3A_428 = tpu.sort %select_n3A_423, %select_n3A_424 masked %masked_sort3A_425 : (vector<16xf32>, vector<16xi32>, vector<16xi1>) -> (vector<16xi1>, vector<16xf32>, vector<16xi32>)
              %broadcast_in_dim3A_429 = arith.constant 15 : i32
              %broadcast_in_dim3A_430 = vector.broadcast %broadcast_in_dim3A_429 : i32 to vector<16xi32>
              %lt3A_431 = arith.constant 0 : i32
              %lt3A_432 = vector.broadcast %lt3A_431 : i32 to vector<16xi32>
              %lt3A_433 = arith.cmpi slt, %broadcast_in_dim3A_430, %lt3A_432 : vector<16xi32>
              %add3A_434 = arith.constant 16 : i32
              %add3A_435 = vector.broadcast %add3A_434 : i32 to vector<16xi32>
              %add3A_436 = arith.addi %broadcast_in_dim3A_430, %add3A_435 : vector<16xi32>
              %select_n3A_437 = arith.select %lt3A_433, %add3A_436, %broadcast_in_dim3A_430 : vector<16xi1>, vector<16xi32>
              %broadcast_in_dim3A_438 = vector.shape_cast %select_n3A_437 : vector<16xi32> to vector<16x1xi32>
              %gather3A = vector.shape_cast %broadcast_in_dim3A_438 : vector<16x1xi32> to vector<16xi32>
              %gather3A_439 = tpu.dynamic_gather %masked_sort3A_427[%gather3A] in [0] : vector<16xf32>, vector<16xi32> -> vector<16xf32>
              scf.yield %masked_sort3A_406, %masked_sort3A_407, %masked_sort3A_427, %masked_sort3A_428, %gather3A_439 : vector<16xf32>, vector<16xi32>, vector<16xf32>, vector<16xi32>, vector<16xf32>
            } else {
              scf.yield %cond3A_276#0, %cond3A_276#1, %cond3A_276#2, %cond3A_276#3, %cond3A_276#4 : vector<16xf32>, vector<16xi32>, vector<16xf32>, vector<16xi32>, vector<16xf32>
            }
            %add3A_303 = arith.constant 1280 : i32
            %add3A_304 = arith.addi %multiple_of3A_139, %add3A_303 : i32
            %add3A_305 = arith.addi %add3A_304, %multiple_of3A_154 : i32
            %get3A_306 = arith.index_cast %add3A_305 : i32 to index
            %get3A_307 = tpu.vector_load %arg7[%get3A_306] {strides = array<i32>} : memref<20480xf32, #tpu.memory_space<vmem>>, vector<16xf32>,
            %add3A_308 = arith.constant 20480 : i32
            %add3A_309 = arith.addi %add3A_308, %multiple_of3A_139 : i32
            %add3A_310 = arith.constant 1280 : i32
            %add3A_311 = arith.addi %add3A_309, %add3A_310 : i32
            %add3A_312 = arith.addi %add3A_311, %multiple_of3A_154 : i32
            %lt3A_313 = arith.cmpf olt, %get3A_307, %cond3A_302#4 : vector<16xf32>
            %reduce_or3A_314 = arith.constant 1.000000e+00 : f32
            %reduce_or3A_315 = arith.constant 0.000000e+00 : f32
            %reduce_or3A_316 = vector.broadcast %reduce_or3A_314 : f32 to vector<16xf32>
            %reduce_or3A_317 = vector.broadcast %reduce_or3A_315 : f32 to vector<16xf32>
            %reduce_or3A_318 = arith.select %lt3A_313, %reduce_or3A_316, %reduce_or3A_317 : vector<16xi1>, vector<16xf32>
            %reduce_or3A_319 = arith.constant true
            %reduce_or3A_320 = vector.broadcast %reduce_or3A_319 : i1 to vector<16xi1>
            %reduce_or3A_321 = tpu.scan <max>, %reduce_or3A_318 masked %reduce_or3A_320 : vector<16xf32>, vector<16xi1> -> vector<16xf32>
            %reduce_or3A_322 = vector.extract %reduce_or3A_321[15] : f32 from vector<16xf32>
            %reduce_or3A_323 = arith.constant 0.000000e+00 : f32
            %reduce_or3A_324 = arith.cmpf ogt, %reduce_or3A_322, %reduce_or3A_323 : f32
            %convert_element_type3A_325 = arith.extui %reduce_or3A_324 : i1 to i32
            %cond3A_326 = arith.constant 0 : i32
            %cond3A_327 = arith.cmpi ne, %convert_element_type3A_325, %cond3A_326 : i32
            %cond3A_328:5 = scf.if %cond3A_327 -> (vector<16xf32>, vector<16xi32>, vector<16xf32>, vector<16xi32>, vector<16xf32>) {
              %iota3A = tpu.iota {dimensions = array<i32: 0>} : vector<16xi32>
              %lt3A_381 = arith.cmpf olt, %get3A_307, %cond3A_302#4 : vector<16xf32>
              %jit3A = arith.constant 0x7F800000 : f32
              %broadcast_in_dim3A_382 = vector.broadcast %jit3A : f32 to vector<16xf32>
              %select_n3A = arith.select %lt3A_381, %get3A_307, %broadcast_in_dim3A_382 : vector<16xi1>, vector<16xf32>
              %broadcast_in_dim3A_383 = vector.broadcast %add3A_312 : i32 to vector<16xi32>
              %add3A_384 = arith.addi %broadcast_in_dim3A_383, %iota3A : vector<16xi32>
              %jit3A_385 = arith.constant 1073741824 : i32
              %broadcast_in_dim3A_386 = vector.broadcast %jit3A_385 : i32 to vector<16xi32>
              %select_n3A_387 = arith.select %lt3A_381, %add3A_384, %broadcast_in_dim3A_386 : vector<16xi1>, vector<16xi32>
              %masked_sort3A = arith.constant dense<true> : vector<16xi1>
              %masked_sort3A_388, %masked_sort3A_389, %masked_sort3A_390 = tpu.sort %select_n3A, %select_n3A_387 masked %masked_sort3A : (vector<16xf32>, vector<16xi32>, vector<16xi1>) -> (vector<16xi1>, vector<16xf32>, vector<16xi32>)
              %rev3A = arith.constant 15 : i32
              %rev3A_391 = vector.broadcast %rev3A : i32 to vector<16xi32>
              %rev3A_392 = tpu.iota {dimensions = array<i32: 0>} : vector<16xi32>
              %rev3A_393 = arith.subi %rev3A_391, %rev3A_392 : vector<16xi32>
              %rev3A_394 = tpu.dynamic_gather %masked_sort3A_389[%rev3A_393] in [0] : vector<16xf32>, vector<16xi32> -> vector<16xf32>
              %rev3A_395 = arith.constant 15 : i32
              %rev3A_396 = vector.broadcast %rev3A_395 : i32 to vector<16xi32>
              %rev3A_397 = tpu.iota {dimensions = array<i32: 0>} : vector<16xi32>
              %rev3A_398 = arith.subi %rev3A_396, %rev3A_397 : vector<16xi32>
              %rev3A_399 = tpu.dynamic_gather %masked_sort3A_390[%rev3A_398] in [0] : vector<16xi32>, vector<16xi32> -> vector<16xi32>
              %le3A = arith.cmpf ole, %cond3A_302#0, %rev3A_394 : vector<16xf32>
              %select_n3A_400 = arith.select %le3A, %cond3A_302#0, %rev3A_394 : vector<16xi1>, vector<16xf32>
              %select_n3A_401 = arith.select %le3A, %cond3A_302#1, %rev3A_399 : vector<16xi1>, vector<16xi32>
              %select_n3A_402 = arith.select %le3A, %rev3A_394, %cond3A_302#0 : vector<16xi1>, vector<16xf32>
              %select_n3A_403 = arith.select %le3A, %rev3A_399, %cond3A_302#1 : vector<16xi1>, vector<16xi32>
              %masked_sort3A_404 = arith.constant dense<true> : vector<16xi1>
              %masked_sort3A_405, %masked_sort3A_406, %masked_sort3A_407 = tpu.sort %select_n3A_400, %select_n3A_401 masked %masked_sort3A_404 : (vector<16xf32>, vector<16xi32>, vector<16xi1>) -> (vector<16xi1>, vector<16xf32>, vector<16xi32>)
              %masked_sort3A_408 = arith.constant dense<true> : vector<16xi1>
              %masked_sort3A_409, %masked_sort3A_410, %masked_sort3A_411 = tpu.sort %select_n3A_402, %select_n3A_403 masked %masked_sort3A_408 : (vector<16xf32>, vector<16xi32>, vector<16xi1>) -> (vector<16xi1>, vector<16xf32>, vector<16xi32>)
              %rev3A_412 = arith.constant 15 : i32
              %rev3A_413 = vector.broadcast %rev3A_412 : i32 to vector<16xi32>
              %rev3A_414 = tpu.iota {dimensions = array<i32: 0>} : vector<16xi32>
              %rev3A_415 = arith.subi %rev3A_413, %rev3A_414 : vector<16xi32>
              %rev3A_416 = tpu.dynamic_gather %masked_sort3A_410[%rev3A_415] in [0] : vector<16xf32>, vector<16xi32> -> vector<16xf32>
              %rev3A_417 = arith.constant 15 : i32
              %rev3A_418 = vector.broadcast %rev3A_417 : i32 to vector<16xi32>
              %rev3A_419 = tpu.iota {dimensions = array<i32: 0>} : vector<16xi32>
              %rev3A_420 = arith.subi %rev3A_418, %rev3A_419 : vector<16xi32>
              %rev3A_421 = tpu.dynamic_gather %masked_sort3A_411[%rev3A_420] in [0] : vector<16xi32>, vector<16xi32> -> vector<16xi32>
              %le3A_422 = arith.cmpf ole, %cond3A_302#2, %rev3A_416 : vector<16xf32>
              %select_n3A_423 = arith.select %le3A_422, %cond3A_302#2, %rev3A_416 : vector<16xi1>, vector<16xf32>
              %select_n3A_424 = arith.select %le3A_422, %cond3A_302#3, %rev3A_421 : vector<16xi1>, vector<16xi32>
              %masked_sort3A_425 = arith.constant dense<true> : vector<16xi1>
              %masked_sort3A_426, %masked_sort3A_427, %masked_sort3A_428 = tpu.sort %select_n3A_423, %select_n3A_424 masked %masked_sort3A_425 : (vector<16xf32>, vector<16xi32>, vector<16xi1>) -> (vector<16xi1>, vector<16xf32>, vector<16xi32>)
              %broadcast_in_dim3A_429 = arith.constant 15 : i32
              %broadcast_in_dim3A_430 = vector.broadcast %broadcast_in_dim3A_429 : i32 to vector<16xi32>
              %lt3A_431 = arith.constant 0 : i32
              %lt3A_432 = vector.broadcast %lt3A_431 : i32 to vector<16xi32>
              %lt3A_433 = arith.cmpi slt, %broadcast_in_dim3A_430, %lt3A_432 : vector<16xi32>
              %add3A_434 = arith.constant 16 : i32
              %add3A_435 = vector.broadcast %add3A_434 : i32 to vector<16xi32>
              %add3A_436 = arith.addi %broadcast_in_dim3A_430, %add3A_435 : vector<16xi32>
              %select_n3A_437 = arith.select %lt3A_433, %add3A_436, %broadcast_in_dim3A_430 : vector<16xi1>, vector<16xi32>
              %broadcast_in_dim3A_438 = vector.shape_cast %select_n3A_437 : vector<16xi32> to vector<16x1xi32>
              %gather3A = vector.shape_cast %broadcast_in_dim3A_438 : vector<16x1xi32> to vector<16xi32>
              %gather3A_439 = tpu.dynamic_gather %masked_sort3A_427[%gather3A] in [0] : vector<16xf32>, vector<16xi32> -> vector<16xf32>
              scf.yield %masked_sort3A_406, %masked_sort3A_407, %masked_sort3A_427, %masked_sort3A_428, %gather3A_439 : vector<16xf32>, vector<16xi32>, vector<16xf32>, vector<16xi32>, vector<16xf32>
            } else {
              scf.yield %cond3A_302#0, %cond3A_302#1, %cond3A_302#2, %cond3A_302#3, %cond3A_302#4 : vector<16xf32>, vector<16xi32>, vector<16xf32>, vector<16xi32>, vector<16xf32>
            }
            %add3A_329 = arith.constant 1536 : i32
            %add3A_330 = arith.addi %multiple_of3A_139, %add3A_329 : i32
            %add3A_331 = arith.addi %add3A_330, %multiple_of3A_154 : i32
            %get3A_332 = arith.index_cast %add3A_331 : i32 to index
            %get3A_333 = tpu.vector_load %arg7[%get3A_332] {strides = array<i32>} : memref<20480xf32, #tpu.memory_space<vmem>>, vector<16xf32>,
            %add3A_334 = arith.constant 20480 : i32
            %add3A_335 = arith.addi %add3A_334, %multiple_of3A_139 : i32
            %add3A_336 = arith.constant 1536 : i32
            %add3A_337 = arith.addi %add3A_335, %add3A_336 : i32
            %add3A_338 = arith.addi %add3A_337, %multiple_of3A_154 : i32
            %lt3A_339 = arith.cmpf olt, %get3A_333, %cond3A_328#4 : vector<16xf32>
            %reduce_or3A_340 = arith.constant 1.000000e+00 : f32
            %reduce_or3A_341 = arith.constant 0.000000e+00 : f32
            %reduce_or3A_342 = vector.broadcast %reduce_or3A_340 : f32 to vector<16xf32>
            %reduce_or3A_343 = vector.broadcast %reduce_or3A_341 : f32 to vector<16xf32>
            %reduce_or3A_344 = arith.select %lt3A_339, %reduce_or3A_342, %reduce_or3A_343 : vector<16xi1>, vector<16xf32>
            %reduce_or3A_345 = arith.constant true
            %reduce_or3A_346 = vector.broadcast %reduce_or3A_345 : i1 to vector<16xi1>
            %reduce_or3A_347 = tpu.scan <max>, %reduce_or3A_344 masked %reduce_or3A_346 : vector<16xf32>, vector<16xi1> -> vector<16xf32>
            %reduce_or3A_348 = vector.extract %reduce_or3A_347[15] : f32 from vector<16xf32>
            %reduce_or3A_349 = arith.constant 0.000000e+00 : f32
            %reduce_or3A_350 = arith.cmpf ogt, %reduce_or3A_348, %reduce_or3A_349 : f32
            %convert_element_type3A_351 = arith.extui %reduce_or3A_350 : i1 to i32
            %cond3A_352 = arith.constant 0 : i32
            %cond3A_353 = arith.cmpi ne, %convert_element_type3A_351, %cond3A_352 : i32
            %cond3A_354:5 = scf.if %cond3A_353 -> (vector<16xf32>, vector<16xi32>, vector<16xf32>, vector<16xi32>, vector<16xf32>) {
              %iota3A = tpu.iota {dimensions = array<i32: 0>} : vector<16xi32>
              %lt3A_381 = arith.cmpf olt, %get3A_333, %cond3A_328#4 : vector<16xf32>
              %jit3A = arith.constant 0x7F800000 : f32
              %broadcast_in_dim3A_382 = vector.broadcast %jit3A : f32 to vector<16xf32>
              %select_n3A = arith.select %lt3A_381, %get3A_333, %broadcast_in_dim3A_382 : vector<16xi1>, vector<16xf32>
              %broadcast_in_dim3A_383 = vector.broadcast %add3A_338 : i32 to vector<16xi32>
              %add3A_384 = arith.addi %broadcast_in_dim3A_383, %iota3A : vector<16xi32>
              %jit3A_385 = arith.constant 1073741824 : i32
              %broadcast_in_dim3A_386 = vector.broadcast %jit3A_385 : i32 to vector<16xi32>
              %select_n3A_387 = arith.select %lt3A_381, %add3A_384, %broadcast_in_dim3A_386 : vector<16xi1>, vector<16xi32>
              %masked_sort3A = arith.constant dense<true> : vector<16xi1>
              %masked_sort3A_388, %masked_sort3A_389, %masked_sort3A_390 = tpu.sort %select_n3A, %select_n3A_387 masked %masked_sort3A : (vector<16xf32>, vector<16xi32>, vector<16xi1>) -> (vector<16xi1>, vector<16xf32>, vector<16xi32>)
              %rev3A = arith.constant 15 : i32
              %rev3A_391 = vector.broadcast %rev3A : i32 to vector<16xi32>
              %rev3A_392 = tpu.iota {dimensions = array<i32: 0>} : vector<16xi32>
              %rev3A_393 = arith.subi %rev3A_391, %rev3A_392 : vector<16xi32>
              %rev3A_394 = tpu.dynamic_gather %masked_sort3A_389[%rev3A_393] in [0] : vector<16xf32>, vector<16xi32> -> vector<16xf32>
              %rev3A_395 = arith.constant 15 : i32
              %rev3A_396 = vector.broadcast %rev3A_395 : i32 to vector<16xi32>
              %rev3A_397 = tpu.iota {dimensions = array<i32: 0>} : vector<16xi32>
              %rev3A_398 = arith.subi %rev3A_396, %rev3A_397 : vector<16xi32>
              %rev3A_399 = tpu.dynamic_gather %masked_sort3A_390[%rev3A_398] in [0] : vector<16xi32>, vector<16xi32> -> vector<16xi32>
              %le3A = arith.cmpf ole, %cond3A_328#0, %rev3A_394 : vector<16xf32>
              %select_n3A_400 = arith.select %le3A, %cond3A_328#0, %rev3A_394 : vector<16xi1>, vector<16xf32>
              %select_n3A_401 = arith.select %le3A, %cond3A_328#1, %rev3A_399 : vector<16xi1>, vector<16xi32>
              %select_n3A_402 = arith.select %le3A, %rev3A_394, %cond3A_328#0 : vector<16xi1>, vector<16xf32>
              %select_n3A_403 = arith.select %le3A, %rev3A_399, %cond3A_328#1 : vector<16xi1>, vector<16xi32>
              %masked_sort3A_404 = arith.constant dense<true> : vector<16xi1>
              %masked_sort3A_405, %masked_sort3A_406, %masked_sort3A_407 = tpu.sort %select_n3A_400, %select_n3A_401 masked %masked_sort3A_404 : (vector<16xf32>, vector<16xi32>, vector<16xi1>) -> (vector<16xi1>, vector<16xf32>, vector<16xi32>)
              %masked_sort3A_408 = arith.constant dense<true> : vector<16xi1>
              %masked_sort3A_409, %masked_sort3A_410, %masked_sort3A_411 = tpu.sort %select_n3A_402, %select_n3A_403 masked %masked_sort3A_408 : (vector<16xf32>, vector<16xi32>, vector<16xi1>) -> (vector<16xi1>, vector<16xf32>, vector<16xi32>)
              %rev3A_412 = arith.constant 15 : i32
              %rev3A_413 = vector.broadcast %rev3A_412 : i32 to vector<16xi32>
              %rev3A_414 = tpu.iota {dimensions = array<i32: 0>} : vector<16xi32>
              %rev3A_415 = arith.subi %rev3A_413, %rev3A_414 : vector<16xi32>
              %rev3A_416 = tpu.dynamic_gather %masked_sort3A_410[%rev3A_415] in [0] : vector<16xf32>, vector<16xi32> -> vector<16xf32>
              %rev3A_417 = arith.constant 15 : i32
              %rev3A_418 = vector.broadcast %rev3A_417 : i32 to vector<16xi32>
              %rev3A_419 = tpu.iota {dimensions = array<i32: 0>} : vector<16xi32>
              %rev3A_420 = arith.subi %rev3A_418, %rev3A_419 : vector<16xi32>
              %rev3A_421 = tpu.dynamic_gather %masked_sort3A_411[%rev3A_420] in [0] : vector<16xi32>, vector<16xi32> -> vector<16xi32>
              %le3A_422 = arith.cmpf ole, %cond3A_328#2, %rev3A_416 : vector<16xf32>
              %select_n3A_423 = arith.select %le3A_422, %cond3A_328#2, %rev3A_416 : vector<16xi1>, vector<16xf32>
              %select_n3A_424 = arith.select %le3A_422, %cond3A_328#3, %rev3A_421 : vector<16xi1>, vector<16xi32>
              %masked_sort3A_425 = arith.constant dense<true> : vector<16xi1>
              %masked_sort3A_426, %masked_sort3A_427, %masked_sort3A_428 = tpu.sort %select_n3A_423, %select_n3A_424 masked %masked_sort3A_425 : (vector<16xf32>, vector<16xi32>, vector<16xi1>) -> (vector<16xi1>, vector<16xf32>, vector<16xi32>)
              %broadcast_in_dim3A_429 = arith.constant 15 : i32
              %broadcast_in_dim3A_430 = vector.broadcast %broadcast_in_dim3A_429 : i32 to vector<16xi32>
              %lt3A_431 = arith.constant 0 : i32
              %lt3A_432 = vector.broadcast %lt3A_431 : i32 to vector<16xi32>
              %lt3A_433 = arith.cmpi slt, %broadcast_in_dim3A_430, %lt3A_432 : vector<16xi32>
              %add3A_434 = arith.constant 16 : i32
              %add3A_435 = vector.broadcast %add3A_434 : i32 to vector<16xi32>
              %add3A_436 = arith.addi %broadcast_in_dim3A_430, %add3A_435 : vector<16xi32>
              %select_n3A_437 = arith.select %lt3A_433, %add3A_436, %broadcast_in_dim3A_430 : vector<16xi1>, vector<16xi32>
              %broadcast_in_dim3A_438 = vector.shape_cast %select_n3A_437 : vector<16xi32> to vector<16x1xi32>
              %gather3A = vector.shape_cast %broadcast_in_dim3A_438 : vector<16x1xi32> to vector<16xi32>
              %gather3A_439 = tpu.dynamic_gather %masked_sort3A_427[%gather3A] in [0] : vector<16xf32>, vector<16xi32> -> vector<16xf32>
              scf.yield %masked_sort3A_406, %masked_sort3A_407, %masked_sort3A_427, %masked_sort3A_428, %gather3A_439 : vector<16xf32>, vector<16xi32>, vector<16xf32>, vector<16xi32>, vector<16xf32>
            } else {
              scf.yield %cond3A_328#0, %cond3A_328#1, %cond3A_328#2, %cond3A_328#3, %cond3A_328#4 : vector<16xf32>, vector<16xi32>, vector<16xf32>, vector<16xi32>, vector<16xf32>
            }
            %add3A_355 = arith.constant 1792 : i32
            %add3A_356 = arith.addi %multiple_of3A_139, %add3A_355 : i32
            %add3A_357 = arith.addi %add3A_356, %multiple_of3A_154 : i32
            %get3A_358 = arith.index_cast %add3A_357 : i32 to index
            %get3A_359 = tpu.vector_load %arg7[%get3A_358] {strides = array<i32>} : memref<20480xf32, #tpu.memory_space<vmem>>, vector<16xf32>,
            %add3A_360 = arith.constant 20480 : i32
            %add3A_361 = arith.addi %add3A_360, %multiple_of3A_139 : i32
            %add3A_362 = arith.constant 1792 : i32
            %add3A_363 = arith.addi %add3A_361, %add3A_362 : i32
            %add3A_364 = arith.addi %add3A_363, %multiple_of3A_154 : i32
            %lt3A_365 = arith.cmpf olt, %get3A_359, %cond3A_354#4 : vector<16xf32>
            %reduce_or3A_366 = arith.constant 1.000000e+00 : f32
            %reduce_or3A_367 = arith.constant 0.000000e+00 : f32
            %reduce_or3A_368 = vector.broadcast %reduce_or3A_366 : f32 to vector<16xf32>
            %reduce_or3A_369 = vector.broadcast %reduce_or3A_367 : f32 to vector<16xf32>
            %reduce_or3A_370 = arith.select %lt3A_365, %reduce_or3A_368, %reduce_or3A_369 : vector<16xi1>, vector<16xf32>
            %reduce_or3A_371 = arith.constant true
            %reduce_or3A_372 = vector.broadcast %reduce_or3A_371 : i1 to vector<16xi1>
            %reduce_or3A_373 = tpu.scan <max>, %reduce_or3A_370 masked %reduce_or3A_372 : vector<16xf32>, vector<16xi1> -> vector<16xf32>
            %reduce_or3A_374 = vector.extract %reduce_or3A_373[15] : f32 from vector<16xf32>
            %reduce_or3A_375 = arith.constant 0.000000e+00 : f32
            %reduce_or3A_376 = arith.cmpf ogt, %reduce_or3A_374, %reduce_or3A_375 : f32
            %convert_element_type3A_377 = arith.extui %reduce_or3A_376 : i1 to i32
            %cond3A_378 = arith.constant 0 : i32
            %cond3A_379 = arith.cmpi ne, %convert_element_type3A_377, %cond3A_378 : i32
            %cond3A_380:5 = scf.if %cond3A_379 -> (vector<16xf32>, vector<16xi32>, vector<16xf32>, vector<16xi32>, vector<16xf32>) {
              %iota3A = tpu.iota {dimensions = array<i32: 0>} : vector<16xi32>
              %lt3A_381 = arith.cmpf olt, %get3A_359, %cond3A_354#4 : vector<16xf32>
              %jit3A = arith.constant 0x7F800000 : f32
              %broadcast_in_dim3A_382 = vector.broadcast %jit3A : f32 to vector<16xf32>
              %select_n3A = arith.select %lt3A_381, %get3A_359, %broadcast_in_dim3A_382 : vector<16xi1>, vector<16xf32>
              %broadcast_in_dim3A_383 = vector.broadcast %add3A_364 : i32 to vector<16xi32>
              %add3A_384 = arith.addi %broadcast_in_dim3A_383, %iota3A : vector<16xi32>
              %jit3A_385 = arith.constant 1073741824 : i32
              %broadcast_in_dim3A_386 = vector.broadcast %jit3A_385 : i32 to vector<16xi32>
              %select_n3A_387 = arith.select %lt3A_381, %add3A_384, %broadcast_in_dim3A_386 : vector<16xi1>, vector<16xi32>
              %masked_sort3A = arith.constant dense<true> : vector<16xi1>
              %masked_sort3A_388, %masked_sort3A_389, %masked_sort3A_390 = tpu.sort %select_n3A, %select_n3A_387 masked %masked_sort3A : (vector<16xf32>, vector<16xi32>, vector<16xi1>) -> (vector<16xi1>, vector<16xf32>, vector<16xi32>)
              %rev3A = arith.constant 15 : i32
              %rev3A_391 = vector.broadcast %rev3A : i32 to vector<16xi32>
              %rev3A_392 = tpu.iota {dimensions = array<i32: 0>} : vector<16xi32>
              %rev3A_393 = arith.subi %rev3A_391, %rev3A_392 : vector<16xi32>
              %rev3A_394 = tpu.dynamic_gather %masked_sort3A_389[%rev3A_393] in [0] : vector<16xf32>, vector<16xi32> -> vector<16xf32>
              %rev3A_395 = arith.constant 15 : i32
              %rev3A_396 = vector.broadcast %rev3A_395 : i32 to vector<16xi32>
              %rev3A_397 = tpu.iota {dimensions = array<i32: 0>} : vector<16xi32>
              %rev3A_398 = arith.subi %rev3A_396, %rev3A_397 : vector<16xi32>
              %rev3A_399 = tpu.dynamic_gather %masked_sort3A_390[%rev3A_398] in [0] : vector<16xi32>, vector<16xi32> -> vector<16xi32>
              %le3A = arith.cmpf ole, %cond3A_354#0, %rev3A_394 : vector<16xf32>
              %select_n3A_400 = arith.select %le3A, %cond3A_354#0, %rev3A_394 : vector<16xi1>, vector<16xf32>
              %select_n3A_401 = arith.select %le3A, %cond3A_354#1, %rev3A_399 : vector<16xi1>, vector<16xi32>
              %select_n3A_402 = arith.select %le3A, %rev3A_394, %cond3A_354#0 : vector<16xi1>, vector<16xf32>
              %select_n3A_403 = arith.select %le3A, %rev3A_399, %cond3A_354#1 : vector<16xi1>, vector<16xi32>
              %masked_sort3A_404 = arith.constant dense<true> : vector<16xi1>
              %masked_sort3A_405, %masked_sort3A_406, %masked_sort3A_407 = tpu.sort %select_n3A_400, %select_n3A_401 masked %masked_sort3A_404 : (vector<16xf32>, vector<16xi32>, vector<16xi1>) -> (vector<16xi1>, vector<16xf32>, vector<16xi32>)
              %masked_sort3A_408 = arith.constant dense<true> : vector<16xi1>
              %masked_sort3A_409, %masked_sort3A_410, %masked_sort3A_411 = tpu.sort %select_n3A_402, %select_n3A_403 masked %masked_sort3A_408 : (vector<16xf32>, vector<16xi32>, vector<16xi1>) -> (vector<16xi1>, vector<16xf32>, vector<16xi32>)
              %rev3A_412 = arith.constant 15 : i32
              %rev3A_413 = vector.broadcast %rev3A_412 : i32 to vector<16xi32>
              %rev3A_414 = tpu.iota {dimensions = array<i32: 0>} : vector<16xi32>
              %rev3A_415 = arith.subi %rev3A_413, %rev3A_414 : vector<16xi32>
              %rev3A_416 = tpu.dynamic_gather %masked_sort3A_410[%rev3A_415] in [0] : vector<16xf32>, vector<16xi32> -> vector<16xf32>
              %rev3A_417 = arith.constant 15 : i32
              %rev3A_418 = vector.broadcast %rev3A_417 : i32 to vector<16xi32>
              %rev3A_419 = tpu.iota {dimensions = array<i32: 0>} : vector<16xi32>
              %rev3A_420 = arith.subi %rev3A_418, %rev3A_419 : vector<16xi32>
              %rev3A_421 = tpu.dynamic_gather %masked_sort3A_411[%rev3A_420] in [0] : vector<16xi32>, vector<16xi32> -> vector<16xi32>
              %le3A_422 = arith.cmpf ole, %cond3A_354#2, %rev3A_416 : vector<16xf32>
              %select_n3A_423 = arith.select %le3A_422, %cond3A_354#2, %rev3A_416 : vector<16xi1>, vector<16xf32>
              %select_n3A_424 = arith.select %le3A_422, %cond3A_354#3, %rev3A_421 : vector<16xi1>, vector<16xi32>
              %masked_sort3A_425 = arith.constant dense<true> : vector<16xi1>
              %masked_sort3A_426, %masked_sort3A_427, %masked_sort3A_428 = tpu.sort %select_n3A_423, %select_n3A_424 masked %masked_sort3A_425 : (vector<16xf32>, vector<16xi32>, vector<16xi1>) -> (vector<16xi1>, vector<16xf32>, vector<16xi32>)
              %broadcast_in_dim3A_429 = arith.constant 15 : i32
              %broadcast_in_dim3A_430 = vector.broadcast %broadcast_in_dim3A_429 : i32 to vector<16xi32>
              %lt3A_431 = arith.constant 0 : i32
              %lt3A_432 = vector.broadcast %lt3A_431 : i32 to vector<16xi32>
              %lt3A_433 = arith.cmpi slt, %broadcast_in_dim3A_430, %lt3A_432 : vector<16xi32>
              %add3A_434 = arith.constant 16 : i32
              %add3A_435 = vector.broadcast %add3A_434 : i32 to vector<16xi32>
              %add3A_436 = arith.addi %broadcast_in_dim3A_430, %add3A_435 : vector<16xi32>
              %select_n3A_437 = arith.select %lt3A_433, %add3A_436, %broadcast_in_dim3A_430 : vector<16xi1>, vector<16xi32>
              %broadcast_in_dim3A_438 = vector.shape_cast %select_n3A_437 : vector<16xi32> to vector<16x1xi32>
              %gather3A = vector.shape_cast %broadcast_in_dim3A_438 : vector<16x1xi32> to vector<16xi32>
              %gather3A_439 = tpu.dynamic_gather %masked_sort3A_427[%gather3A] in [0] : vector<16xf32>, vector<16xi32> -> vector<16xf32>
              scf.yield %masked_sort3A_406, %masked_sort3A_407, %masked_sort3A_427, %masked_sort3A_428, %gather3A_439 : vector<16xf32>, vector<16xi32>, vector<16xf32>, vector<16xi32>, vector<16xf32>
            } else {
              scf.yield %cond3A_354#0, %cond3A_354#1, %cond3A_354#2, %cond3A_354#3, %cond3A_354#4 : vector<16xf32>, vector<16xi32>, vector<16xf32>, vector<16xi32>, vector<16xf32>
            }
            scf.yield %cond3A_380#0, %cond3A_380#1, %cond3A_380#2, %cond3A_380#3, %cond3A_380#4 : vector<16xf32>, vector<16xi32>, vector<16xf32>, vector<16xi32>, vector<16xf32>
          } else {
            scf.yield %scan3A_147, %scan3A_148, %scan3A_149, %scan3A_150, %scan3A_151 : vector<16xf32>, vector<16xi32>, vector<16xf32>, vector<16xi32>, vector<16xf32>
          }
          scf.yield %cond3A_172#0, %cond3A_172#1, %cond3A_172#2, %cond3A_172#3, %cond3A_172#4 : vector<16xf32>, vector<16xi32>, vector<16xf32>, vector<16xi32>, vector<16xf32>
        }
        %scan3A_145 = arith.constant 16 : i32
        scf.yield %scan3A_144#0, %scan3A_144#1, %scan3A_144#2, %scan3A_144#3, %scan3A_144#4 : vector<16xf32>, vector<16xi32>, vector<16xf32>, vector<16xi32>, vector<16xf32>
      }
      %scan3A_72 = arith.constant 10 : i32
      %dma_wait3A_73 = arith.constant 40960 : i32
      %dma_wait3A_74 = tpu.memref_slice %arg2[%add3A_11, %dma_wait3A_73] : memref<1024x102400xf32, #tpu.memory_space<hbm>> -> memref<1x20480xf32, #tpu.memory_space<hbm>>
      %dma_wait3A_75 = tpu.memref_squeeze %dma_wait3A_74 : memref<1x20480xf32, #tpu.memory_space<hbm>> -> memref<20480xf32, #tpu.memory_space<hbm>>
      %dma_wait3A_76 = arith.constant 40960 : i32
      %dma_wait3A_77 = tpu.memref_slice %arg2[%add3A_11, %dma_wait3A_76] : memref<1024x102400xf32, #tpu.memory_space<hbm>> -> memref<1x20480xf32, #tpu.memory_space<hbm>>
      %dma_wait3A_78 = tpu.memref_squeeze %dma_wait3A_77 : memref<1x20480xf32, #tpu.memory_space<hbm>> -> memref<20480xf32, #tpu.memory_space<hbm>>
      tpu.wait_dma2 semaphore(%arg11 : memref<!tpu.dma_semaphore, #tpu.memory_space<semaphore_mem>>) src(%dma_wait3A_78 : memref<20480xf32, #tpu.memory_space<hbm>>) dst(%arg6 : memref<20480xf32, #tpu.memory_space<vmem>>)
      %dma_start3A_79 = arith.constant 61440 : i32
      %dma_start3A_80 = tpu.memref_slice %arg2[%add3A_11, %dma_start3A_79] : memref<1024x102400xf32, #tpu.memory_space<hbm>> -> memref<1x20480xf32, #tpu.memory_space<hbm>>
      %dma_start3A_81 = tpu.memref_squeeze %dma_start3A_80 : memref<1x20480xf32, #tpu.memory_space<hbm>> -> memref<20480xf32, #tpu.memory_space<hbm>>
      %dma_start3A_82 = arith.constant 61440 : i32
      %dma_start3A_83 = tpu.memref_slice %arg2[%add3A_11, %dma_start3A_82] : memref<1024x102400xf32, #tpu.memory_space<hbm>> -> memref<1x20480xf32, #tpu.memory_space<hbm>>
      %dma_start3A_84 = tpu.memref_squeeze %dma_start3A_83 : memref<1x20480xf32, #tpu.memory_space<hbm>> -> memref<20480xf32, #tpu.memory_space<hbm>>
      tpu.enqueue_dma source(%dma_start3A_84 : memref<20480xf32, #tpu.memory_space<hbm>>) target(%arg7 : memref<20480xf32, #tpu.memory_space<vmem>>) target_semaphore(%arg12 : memref<!tpu.dma_semaphore, #tpu.memory_space<semaphore_mem>>)
      %scan3A_85 = arith.constant 0 : i32
      %scan3A_86 = arith.constant 10 : i32
      %scan3A_87 = arith.addi %scan3A_85, %scan3A_86 : i32
      %scan3A_88 = arith.constant 1 : i32
      %scan3A_89:5 = scf.for %scan3A_131 = %scan3A_85 to %scan3A_87 step %scan3A_88 iter_args(%scan3A_132 = %scan3A_71#0, %scan3A_133 = %scan3A_71#1, %scan3A_134 = %scan3A_71#2, %scan3A_135 = %scan3A_71#3, %scan3A_136 = %scan3A_71#4) -> (vector<16xf32>, vector<16xi32>, vector<16xf32>, vector<16xi32>, vector<16xf32>)  : i32 {
        %mul3A_137 = arith.constant 2048 : i32
        %mul3A_138 = arith.muli %scan3A_131, %mul3A_137 : i32
        %multiple_of3A_139 = tpu.assume_multiple %mul3A_138, 2048 : i32
        %scan3A_140 = arith.constant 0 : i32
        %scan3A_141 = arith.constant 16 : i32
        %scan3A_142 = arith.addi %scan3A_140, %scan3A_141 : i32
        %scan3A_143 = arith.constant 1 : i32
        %scan3A_144:5 = scf.for %scan3A_146 = %scan3A_140 to %scan3A_142 step %scan3A_143 iter_args(%scan3A_147 = %scan3A_132, %scan3A_148 = %scan3A_133, %scan3A_149 = %scan3A_134, %scan3A_150 = %scan3A_135, %scan3A_151 = %scan3A_136) -> (vector<16xf32>, vector<16xi32>, vector<16xf32>, vector<16xi32>, vector<16xf32>)  : i32 {
          %mul3A_152 = arith.constant 16 : i32
          %mul3A_153 = arith.muli %scan3A_146, %mul3A_152 : i32
          %multiple_of3A_154 = tpu.assume_multiple %mul3A_153, 16 : i32
          %mul3A_155 = arith.constant 256 : i32
          %mul3A_156 = arith.muli %scan3A_131, %mul3A_155 : i32
          %add3A_157 = arith.constant 5120 : i32
          %add3A_158 = arith.addi %add3A_157, %mul3A_156 : i32
          %add3A_159 = arith.addi %add3A_158, %multiple_of3A_154 : i32
          %get3A = arith.index_cast %add3A_159 : i32 to index
          %get3A_160 = tpu.vector_load %arg8[%get3A] {strides = array<i32>} : memref<12800xf32, #tpu.memory_space<vmem>>, vector<16xf32>,
          %lt3A = arith.cmpf olt, %get3A_160, %scan3A_151 : vector<16xf32>
          %reduce_or3A = arith.constant 1.000000e+00 : f32
          %reduce_or3A_161 = arith.constant 0.000000e+00 : f32
          %reduce_or3A_162 = vector.broadcast %reduce_or3A : f32 to vector<16xf32>
          %reduce_or3A_163 = vector.broadcast %reduce_or3A_161 : f32 to vector<16xf32>
          %reduce_or3A_164 = arith.select %lt3A, %reduce_or3A_162, %reduce_or3A_163 : vector<16xi1>, vector<16xf32>
          %reduce_or3A_165 = arith.constant true
          %reduce_or3A_166 = vector.broadcast %reduce_or3A_165 : i1 to vector<16xi1>
          %reduce_or3A_167 = tpu.scan <max>, %reduce_or3A_164 masked %reduce_or3A_166 : vector<16xf32>, vector<16xi1> -> vector<16xf32>
          %reduce_or3A_168 = vector.extract %reduce_or3A_167[15] : f32 from vector<16xf32>
          %reduce_or3A_169 = arith.constant 0.000000e+00 : f32
          %reduce_or3A_170 = arith.cmpf ogt, %reduce_or3A_168, %reduce_or3A_169 : f32
          %convert_element_type3A = arith.extui %reduce_or3A_170 : i1 to i32
          %cond3A = arith.constant 0 : i32
          %cond3A_171 = arith.cmpi ne, %convert_element_type3A, %cond3A : i32
          %cond3A_172:5 = scf.if %cond3A_171 -> (vector<16xf32>, vector<16xi32>, vector<16xf32>, vector<16xi32>, vector<16xf32>) {
            %add3A_173 = arith.constant 0 : i32
            %add3A_174 = arith.addi %multiple_of3A_139, %add3A_173 : i32
            %add3A_175 = arith.addi %add3A_174, %multiple_of3A_154 : i32
            %get3A_176 = arith.index_cast %add3A_175 : i32 to index
            %get3A_177 = tpu.vector_load %arg6[%get3A_176] {strides = array<i32>} : memref<20480xf32, #tpu.memory_space<vmem>>, vector<16xf32>,
            %add3A_178 = arith.constant 40960 : i32
            %add3A_179 = arith.addi %add3A_178, %multiple_of3A_139 : i32
            %add3A_180 = arith.constant 0 : i32
            %add3A_181 = arith.addi %add3A_179, %add3A_180 : i32
            %add3A_182 = arith.addi %add3A_181, %multiple_of3A_154 : i32
            %lt3A_183 = arith.cmpf olt, %get3A_177, %scan3A_151 : vector<16xf32>
            %reduce_or3A_184 = arith.constant 1.000000e+00 : f32
            %reduce_or3A_185 = arith.constant 0.000000e+00 : f32
            %reduce_or3A_186 = vector.broadcast %reduce_or3A_184 : f32 to vector<16xf32>
            %reduce_or3A_187 = vector.broadcast %reduce_or3A_185 : f32 to vector<16xf32>
            %reduce_or3A_188 = arith.select %lt3A_183, %reduce_or3A_186, %reduce_or3A_187 : vector<16xi1>, vector<16xf32>
            %reduce_or3A_189 = arith.constant true
            %reduce_or3A_190 = vector.broadcast %reduce_or3A_189 : i1 to vector<16xi1>
            %reduce_or3A_191 = tpu.scan <max>, %reduce_or3A_188 masked %reduce_or3A_190 : vector<16xf32>, vector<16xi1> -> vector<16xf32>
            %reduce_or3A_192 = vector.extract %reduce_or3A_191[15] : f32 from vector<16xf32>
            %reduce_or3A_193 = arith.constant 0.000000e+00 : f32
            %reduce_or3A_194 = arith.cmpf ogt, %reduce_or3A_192, %reduce_or3A_193 : f32
            %convert_element_type3A_195 = arith.extui %reduce_or3A_194 : i1 to i32
            %cond3A_196 = arith.constant 0 : i32
            %cond3A_197 = arith.cmpi ne, %convert_element_type3A_195, %cond3A_196 : i32
            %cond3A_198:5 = scf.if %cond3A_197 -> (vector<16xf32>, vector<16xi32>, vector<16xf32>, vector<16xi32>, vector<16xf32>) {
              %iota3A = tpu.iota {dimensions = array<i32: 0>} : vector<16xi32>
              %lt3A_381 = arith.cmpf olt, %get3A_177, %scan3A_151 : vector<16xf32>
              %jit3A = arith.constant 0x7F800000 : f32
              %broadcast_in_dim3A_382 = vector.broadcast %jit3A : f32 to vector<16xf32>
              %select_n3A = arith.select %lt3A_381, %get3A_177, %broadcast_in_dim3A_382 : vector<16xi1>, vector<16xf32>
              %broadcast_in_dim3A_383 = vector.broadcast %add3A_182 : i32 to vector<16xi32>
              %add3A_384 = arith.addi %broadcast_in_dim3A_383, %iota3A : vector<16xi32>
              %jit3A_385 = arith.constant 1073741824 : i32
              %broadcast_in_dim3A_386 = vector.broadcast %jit3A_385 : i32 to vector<16xi32>
              %select_n3A_387 = arith.select %lt3A_381, %add3A_384, %broadcast_in_dim3A_386 : vector<16xi1>, vector<16xi32>
              %masked_sort3A = arith.constant dense<true> : vector<16xi1>
              %masked_sort3A_388, %masked_sort3A_389, %masked_sort3A_390 = tpu.sort %select_n3A, %select_n3A_387 masked %masked_sort3A : (vector<16xf32>, vector<16xi32>, vector<16xi1>) -> (vector<16xi1>, vector<16xf32>, vector<16xi32>)
              %rev3A = arith.constant 15 : i32
              %rev3A_391 = vector.broadcast %rev3A : i32 to vector<16xi32>
              %rev3A_392 = tpu.iota {dimensions = array<i32: 0>} : vector<16xi32>
              %rev3A_393 = arith.subi %rev3A_391, %rev3A_392 : vector<16xi32>
              %rev3A_394 = tpu.dynamic_gather %masked_sort3A_389[%rev3A_393] in [0] : vector<16xf32>, vector<16xi32> -> vector<16xf32>
              %rev3A_395 = arith.constant 15 : i32
              %rev3A_396 = vector.broadcast %rev3A_395 : i32 to vector<16xi32>
              %rev3A_397 = tpu.iota {dimensions = array<i32: 0>} : vector<16xi32>
              %rev3A_398 = arith.subi %rev3A_396, %rev3A_397 : vector<16xi32>
              %rev3A_399 = tpu.dynamic_gather %masked_sort3A_390[%rev3A_398] in [0] : vector<16xi32>, vector<16xi32> -> vector<16xi32>
              %le3A = arith.cmpf ole, %scan3A_147, %rev3A_394 : vector<16xf32>
              %select_n3A_400 = arith.select %le3A, %scan3A_147, %rev3A_394 : vector<16xi1>, vector<16xf32>
              %select_n3A_401 = arith.select %le3A, %scan3A_148, %rev3A_399 : vector<16xi1>, vector<16xi32>
              %select_n3A_402 = arith.select %le3A, %rev3A_394, %scan3A_147 : vector<16xi1>, vector<16xf32>
              %select_n3A_403 = arith.select %le3A, %rev3A_399, %scan3A_148 : vector<16xi1>, vector<16xi32>
              %masked_sort3A_404 = arith.constant dense<true> : vector<16xi1>
              %masked_sort3A_405, %masked_sort3A_406, %masked_sort3A_407 = tpu.sort %select_n3A_400, %select_n3A_401 masked %masked_sort3A_404 : (vector<16xf32>, vector<16xi32>, vector<16xi1>) -> (vector<16xi1>, vector<16xf32>, vector<16xi32>)
              %masked_sort3A_408 = arith.constant dense<true> : vector<16xi1>
              %masked_sort3A_409, %masked_sort3A_410, %masked_sort3A_411 = tpu.sort %select_n3A_402, %select_n3A_403 masked %masked_sort3A_408 : (vector<16xf32>, vector<16xi32>, vector<16xi1>) -> (vector<16xi1>, vector<16xf32>, vector<16xi32>)
              %rev3A_412 = arith.constant 15 : i32
              %rev3A_413 = vector.broadcast %rev3A_412 : i32 to vector<16xi32>
              %rev3A_414 = tpu.iota {dimensions = array<i32: 0>} : vector<16xi32>
              %rev3A_415 = arith.subi %rev3A_413, %rev3A_414 : vector<16xi32>
              %rev3A_416 = tpu.dynamic_gather %masked_sort3A_410[%rev3A_415] in [0] : vector<16xf32>, vector<16xi32> -> vector<16xf32>
              %rev3A_417 = arith.constant 15 : i32
              %rev3A_418 = vector.broadcast %rev3A_417 : i32 to vector<16xi32>
              %rev3A_419 = tpu.iota {dimensions = array<i32: 0>} : vector<16xi32>
              %rev3A_420 = arith.subi %rev3A_418, %rev3A_419 : vector<16xi32>
              %rev3A_421 = tpu.dynamic_gather %masked_sort3A_411[%rev3A_420] in [0] : vector<16xi32>, vector<16xi32> -> vector<16xi32>
              %le3A_422 = arith.cmpf ole, %scan3A_149, %rev3A_416 : vector<16xf32>
              %select_n3A_423 = arith.select %le3A_422, %scan3A_149, %rev3A_416 : vector<16xi1>, vector<16xf32>
              %select_n3A_424 = arith.select %le3A_422, %scan3A_150, %rev3A_421 : vector<16xi1>, vector<16xi32>
              %masked_sort3A_425 = arith.constant dense<true> : vector<16xi1>
              %masked_sort3A_426, %masked_sort3A_427, %masked_sort3A_428 = tpu.sort %select_n3A_423, %select_n3A_424 masked %masked_sort3A_425 : (vector<16xf32>, vector<16xi32>, vector<16xi1>) -> (vector<16xi1>, vector<16xf32>, vector<16xi32>)
              %broadcast_in_dim3A_429 = arith.constant 15 : i32
              %broadcast_in_dim3A_430 = vector.broadcast %broadcast_in_dim3A_429 : i32 to vector<16xi32>
              %lt3A_431 = arith.constant 0 : i32
              %lt3A_432 = vector.broadcast %lt3A_431 : i32 to vector<16xi32>
              %lt3A_433 = arith.cmpi slt, %broadcast_in_dim3A_430, %lt3A_432 : vector<16xi32>
              %add3A_434 = arith.constant 16 : i32
              %add3A_435 = vector.broadcast %add3A_434 : i32 to vector<16xi32>
              %add3A_436 = arith.addi %broadcast_in_dim3A_430, %add3A_435 : vector<16xi32>
              %select_n3A_437 = arith.select %lt3A_433, %add3A_436, %broadcast_in_dim3A_430 : vector<16xi1>, vector<16xi32>
              %broadcast_in_dim3A_438 = vector.shape_cast %select_n3A_437 : vector<16xi32> to vector<16x1xi32>
              %gather3A = vector.shape_cast %broadcast_in_dim3A_438 : vector<16x1xi32> to vector<16xi32>
              %gather3A_439 = tpu.dynamic_gather %masked_sort3A_427[%gather3A] in [0] : vector<16xf32>, vector<16xi32> -> vector<16xf32>
              scf.yield %masked_sort3A_406, %masked_sort3A_407, %masked_sort3A_427, %masked_sort3A_428, %gather3A_439 : vector<16xf32>, vector<16xi32>, vector<16xf32>, vector<16xi32>, vector<16xf32>
            } else {
              scf.yield %scan3A_147, %scan3A_148, %scan3A_149, %scan3A_150, %scan3A_151 : vector<16xf32>, vector<16xi32>, vector<16xf32>, vector<16xi32>, vector<16xf32>
            }
            %add3A_199 = arith.constant 256 : i32
            %add3A_200 = arith.addi %multiple_of3A_139, %add3A_199 : i32
            %add3A_201 = arith.addi %add3A_200, %multiple_of3A_154 : i32
            %get3A_202 = arith.index_cast %add3A_201 : i32 to index
            %get3A_203 = tpu.vector_load %arg6[%get3A_202] {strides = array<i32>} : memref<20480xf32, #tpu.memory_space<vmem>>, vector<16xf32>,
            %add3A_204 = arith.constant 40960 : i32
            %add3A_205 = arith.addi %add3A_204, %multiple_of3A_139 : i32
            %add3A_206 = arith.constant 256 : i32
            %add3A_207 = arith.addi %add3A_205, %add3A_206 : i32
            %add3A_208 = arith.addi %add3A_207, %multiple_of3A_154 : i32
            %lt3A_209 = arith.cmpf olt, %get3A_203, %cond3A_198#4 : vector<16xf32>
            %reduce_or3A_210 = arith.constant 1.000000e+00 : f32
            %reduce_or3A_211 = arith.constant 0.000000e+00 : f32
            %reduce_or3A_212 = vector.broadcast %reduce_or3A_210 : f32 to vector<16xf32>
            %reduce_or3A_213 = vector.broadcast %reduce_or3A_211 : f32 to vector<16xf32>
            %reduce_or3A_214 = arith.select %lt3A_209, %reduce_or3A_212, %reduce_or3A_213 : vector<16xi1>, vector<16xf32>
            %reduce_or3A_215 = arith.constant true
            %reduce_or3A_216 = vector.broadcast %reduce_or3A_215 : i1 to vector<16xi1>
            %reduce_or3A_217 = tpu.scan <max>, %reduce_or3A_214 masked %reduce_or3A_216 : vector<16xf32>, vector<16xi1> -> vector<16xf32>
            %reduce_or3A_218 = vector.extract %reduce_or3A_217[15] : f32 from vector<16xf32>
            %reduce_or3A_219 = arith.constant 0.000000e+00 : f32
            %reduce_or3A_220 = arith.cmpf ogt, %reduce_or3A_218, %reduce_or3A_219 : f32
            %convert_element_type3A_221 = arith.extui %reduce_or3A_220 : i1 to i32
            %cond3A_222 = arith.constant 0 : i32
            %cond3A_223 = arith.cmpi ne, %convert_element_type3A_221, %cond3A_222 : i32
            %cond3A_224:5 = scf.if %cond3A_223 -> (vector<16xf32>, vector<16xi32>, vector<16xf32>, vector<16xi32>, vector<16xf32>) {
              %iota3A = tpu.iota {dimensions = array<i32: 0>} : vector<16xi32>
              %lt3A_381 = arith.cmpf olt, %get3A_203, %cond3A_198#4 : vector<16xf32>
              %jit3A = arith.constant 0x7F800000 : f32
              %broadcast_in_dim3A_382 = vector.broadcast %jit3A : f32 to vector<16xf32>
              %select_n3A = arith.select %lt3A_381, %get3A_203, %broadcast_in_dim3A_382 : vector<16xi1>, vector<16xf32>
              %broadcast_in_dim3A_383 = vector.broadcast %add3A_208 : i32 to vector<16xi32>
              %add3A_384 = arith.addi %broadcast_in_dim3A_383, %iota3A : vector<16xi32>
              %jit3A_385 = arith.constant 1073741824 : i32
              %broadcast_in_dim3A_386 = vector.broadcast %jit3A_385 : i32 to vector<16xi32>
              %select_n3A_387 = arith.select %lt3A_381, %add3A_384, %broadcast_in_dim3A_386 : vector<16xi1>, vector<16xi32>
              %masked_sort3A = arith.constant dense<true> : vector<16xi1>
              %masked_sort3A_388, %masked_sort3A_389, %masked_sort3A_390 = tpu.sort %select_n3A, %select_n3A_387 masked %masked_sort3A : (vector<16xf32>, vector<16xi32>, vector<16xi1>) -> (vector<16xi1>, vector<16xf32>, vector<16xi32>)
              %rev3A = arith.constant 15 : i32
              %rev3A_391 = vector.broadcast %rev3A : i32 to vector<16xi32>
              %rev3A_392 = tpu.iota {dimensions = array<i32: 0>} : vector<16xi32>
              %rev3A_393 = arith.subi %rev3A_391, %rev3A_392 : vector<16xi32>
              %rev3A_394 = tpu.dynamic_gather %masked_sort3A_389[%rev3A_393] in [0] : vector<16xf32>, vector<16xi32> -> vector<16xf32>
              %rev3A_395 = arith.constant 15 : i32
              %rev3A_396 = vector.broadcast %rev3A_395 : i32 to vector<16xi32>
              %rev3A_397 = tpu.iota {dimensions = array<i32: 0>} : vector<16xi32>
              %rev3A_398 = arith.subi %rev3A_396, %rev3A_397 : vector<16xi32>
              %rev3A_399 = tpu.dynamic_gather %masked_sort3A_390[%rev3A_398] in [0] : vector<16xi32>, vector<16xi32> -> vector<16xi32>
              %le3A = arith.cmpf ole, %cond3A_198#0, %rev3A_394 : vector<16xf32>
              %select_n3A_400 = arith.select %le3A, %cond3A_198#0, %rev3A_394 : vector<16xi1>, vector<16xf32>
              %select_n3A_401 = arith.select %le3A, %cond3A_198#1, %rev3A_399 : vector<16xi1>, vector<16xi32>
              %select_n3A_402 = arith.select %le3A, %rev3A_394, %cond3A_198#0 : vector<16xi1>, vector<16xf32>
              %select_n3A_403 = arith.select %le3A, %rev3A_399, %cond3A_198#1 : vector<16xi1>, vector<16xi32>
              %masked_sort3A_404 = arith.constant dense<true> : vector<16xi1>
              %masked_sort3A_405, %masked_sort3A_406, %masked_sort3A_407 = tpu.sort %select_n3A_400, %select_n3A_401 masked %masked_sort3A_404 : (vector<16xf32>, vector<16xi32>, vector<16xi1>) -> (vector<16xi1>, vector<16xf32>, vector<16xi32>)
              %masked_sort3A_408 = arith.constant dense<true> : vector<16xi1>
              %masked_sort3A_409, %masked_sort3A_410, %masked_sort3A_411 = tpu.sort %select_n3A_402, %select_n3A_403 masked %masked_sort3A_408 : (vector<16xf32>, vector<16xi32>, vector<16xi1>) -> (vector<16xi1>, vector<16xf32>, vector<16xi32>)
              %rev3A_412 = arith.constant 15 : i32
              %rev3A_413 = vector.broadcast %rev3A_412 : i32 to vector<16xi32>
              %rev3A_414 = tpu.iota {dimensions = array<i32: 0>} : vector<16xi32>
              %rev3A_415 = arith.subi %rev3A_413, %rev3A_414 : vector<16xi32>
              %rev3A_416 = tpu.dynamic_gather %masked_sort3A_410[%rev3A_415] in [0] : vector<16xf32>, vector<16xi32> -> vector<16xf32>
              %rev3A_417 = arith.constant 15 : i32
              %rev3A_418 = vector.broadcast %rev3A_417 : i32 to vector<16xi32>
              %rev3A_419 = tpu.iota {dimensions = array<i32: 0>} : vector<16xi32>
              %rev3A_420 = arith.subi %rev3A_418, %rev3A_419 : vector<16xi32>
              %rev3A_421 = tpu.dynamic_gather %masked_sort3A_411[%rev3A_420] in [0] : vector<16xi32>, vector<16xi32> -> vector<16xi32>
              %le3A_422 = arith.cmpf ole, %cond3A_198#2, %rev3A_416 : vector<16xf32>
              %select_n3A_423 = arith.select %le3A_422, %cond3A_198#2, %rev3A_416 : vector<16xi1>, vector<16xf32>
              %select_n3A_424 = arith.select %le3A_422, %cond3A_198#3, %rev3A_421 : vector<16xi1>, vector<16xi32>
              %masked_sort3A_425 = arith.constant dense<true> : vector<16xi1>
              %masked_sort3A_426, %masked_sort3A_427, %masked_sort3A_428 = tpu.sort %select_n3A_423, %select_n3A_424 masked %masked_sort3A_425 : (vector<16xf32>, vector<16xi32>, vector<16xi1>) -> (vector<16xi1>, vector<16xf32>, vector<16xi32>)
              %broadcast_in_dim3A_429 = arith.constant 15 : i32
              %broadcast_in_dim3A_430 = vector.broadcast %broadcast_in_dim3A_429 : i32 to vector<16xi32>
              %lt3A_431 = arith.constant 0 : i32
              %lt3A_432 = vector.broadcast %lt3A_431 : i32 to vector<16xi32>
              %lt3A_433 = arith.cmpi slt, %broadcast_in_dim3A_430, %lt3A_432 : vector<16xi32>
              %add3A_434 = arith.constant 16 : i32
              %add3A_435 = vector.broadcast %add3A_434 : i32 to vector<16xi32>
              %add3A_436 = arith.addi %broadcast_in_dim3A_430, %add3A_435 : vector<16xi32>
              %select_n3A_437 = arith.select %lt3A_433, %add3A_436, %broadcast_in_dim3A_430 : vector<16xi1>, vector<16xi32>
              %broadcast_in_dim3A_438 = vector.shape_cast %select_n3A_437 : vector<16xi32> to vector<16x1xi32>
              %gather3A = vector.shape_cast %broadcast_in_dim3A_438 : vector<16x1xi32> to vector<16xi32>
              %gather3A_439 = tpu.dynamic_gather %masked_sort3A_427[%gather3A] in [0] : vector<16xf32>, vector<16xi32> -> vector<16xf32>
              scf.yield %masked_sort3A_406, %masked_sort3A_407, %masked_sort3A_427, %masked_sort3A_428, %gather3A_439 : vector<16xf32>, vector<16xi32>, vector<16xf32>, vector<16xi32>, vector<16xf32>
            } else {
              scf.yield %cond3A_198#0, %cond3A_198#1, %cond3A_198#2, %cond3A_198#3, %cond3A_198#4 : vector<16xf32>, vector<16xi32>, vector<16xf32>, vector<16xi32>, vector<16xf32>
            }
            %add3A_225 = arith.constant 512 : i32
            %add3A_226 = arith.addi %multiple_of3A_139, %add3A_225 : i32
            %add3A_227 = arith.addi %add3A_226, %multiple_of3A_154 : i32
            %get3A_228 = arith.index_cast %add3A_227 : i32 to index
            %get3A_229 = tpu.vector_load %arg6[%get3A_228] {strides = array<i32>} : memref<20480xf32, #tpu.memory_space<vmem>>, vector<16xf32>,
            %add3A_230 = arith.constant 40960 : i32
            %add3A_231 = arith.addi %add3A_230, %multiple_of3A_139 : i32
            %add3A_232 = arith.constant 512 : i32
            %add3A_233 = arith.addi %add3A_231, %add3A_232 : i32
            %add3A_234 = arith.addi %add3A_233, %multiple_of3A_154 : i32
            %lt3A_235 = arith.cmpf olt, %get3A_229, %cond3A_224#4 : vector<16xf32>
            %reduce_or3A_236 = arith.constant 1.000000e+00 : f32
            %reduce_or3A_237 = arith.constant 0.000000e+00 : f32
            %reduce_or3A_238 = vector.broadcast %reduce_or3A_236 : f32 to vector<16xf32>
            %reduce_or3A_239 = vector.broadcast %reduce_or3A_237 : f32 to vector<16xf32>
            %reduce_or3A_240 = arith.select %lt3A_235, %reduce_or3A_238, %reduce_or3A_239 : vector<16xi1>, vector<16xf32>
            %reduce_or3A_241 = arith.constant true
            %reduce_or3A_242 = vector.broadcast %reduce_or3A_241 : i1 to vector<16xi1>
            %reduce_or3A_243 = tpu.scan <max>, %reduce_or3A_240 masked %reduce_or3A_242 : vector<16xf32>, vector<16xi1> -> vector<16xf32>
            %reduce_or3A_244 = vector.extract %reduce_or3A_243[15] : f32 from vector<16xf32>
            %reduce_or3A_245 = arith.constant 0.000000e+00 : f32
            %reduce_or3A_246 = arith.cmpf ogt, %reduce_or3A_244, %reduce_or3A_245 : f32
            %convert_element_type3A_247 = arith.extui %reduce_or3A_246 : i1 to i32
            %cond3A_248 = arith.constant 0 : i32
            %cond3A_249 = arith.cmpi ne, %convert_element_type3A_247, %cond3A_248 : i32
            %cond3A_250:5 = scf.if %cond3A_249 -> (vector<16xf32>, vector<16xi32>, vector<16xf32>, vector<16xi32>, vector<16xf32>) {
              %iota3A = tpu.iota {dimensions = array<i32: 0>} : vector<16xi32>
              %lt3A_381 = arith.cmpf olt, %get3A_229, %cond3A_224#4 : vector<16xf32>
              %jit3A = arith.constant 0x7F800000 : f32
              %broadcast_in_dim3A_382 = vector.broadcast %jit3A : f32 to vector<16xf32>
              %select_n3A = arith.select %lt3A_381, %get3A_229, %broadcast_in_dim3A_382 : vector<16xi1>, vector<16xf32>
              %broadcast_in_dim3A_383 = vector.broadcast %add3A_234 : i32 to vector<16xi32>
              %add3A_384 = arith.addi %broadcast_in_dim3A_383, %iota3A : vector<16xi32>
              %jit3A_385 = arith.constant 1073741824 : i32
              %broadcast_in_dim3A_386 = vector.broadcast %jit3A_385 : i32 to vector<16xi32>
              %select_n3A_387 = arith.select %lt3A_381, %add3A_384, %broadcast_in_dim3A_386 : vector<16xi1>, vector<16xi32>
              %masked_sort3A = arith.constant dense<true> : vector<16xi1>
              %masked_sort3A_388, %masked_sort3A_389, %masked_sort3A_390 = tpu.sort %select_n3A, %select_n3A_387 masked %masked_sort3A : (vector<16xf32>, vector<16xi32>, vector<16xi1>) -> (vector<16xi1>, vector<16xf32>, vector<16xi32>)
              %rev3A = arith.constant 15 : i32
              %rev3A_391 = vector.broadcast %rev3A : i32 to vector<16xi32>
              %rev3A_392 = tpu.iota {dimensions = array<i32: 0>} : vector<16xi32>
              %rev3A_393 = arith.subi %rev3A_391, %rev3A_392 : vector<16xi32>
              %rev3A_394 = tpu.dynamic_gather %masked_sort3A_389[%rev3A_393] in [0] : vector<16xf32>, vector<16xi32> -> vector<16xf32>
              %rev3A_395 = arith.constant 15 : i32
              %rev3A_396 = vector.broadcast %rev3A_395 : i32 to vector<16xi32>
              %rev3A_397 = tpu.iota {dimensions = array<i32: 0>} : vector<16xi32>
              %rev3A_398 = arith.subi %rev3A_396, %rev3A_397 : vector<16xi32>
              %rev3A_399 = tpu.dynamic_gather %masked_sort3A_390[%rev3A_398] in [0] : vector<16xi32>, vector<16xi32> -> vector<16xi32>
              %le3A = arith.cmpf ole, %cond3A_224#0, %rev3A_394 : vector<16xf32>
              %select_n3A_400 = arith.select %le3A, %cond3A_224#0, %rev3A_394 : vector<16xi1>, vector<16xf32>
              %select_n3A_401 = arith.select %le3A, %cond3A_224#1, %rev3A_399 : vector<16xi1>, vector<16xi32>
              %select_n3A_402 = arith.select %le3A, %rev3A_394, %cond3A_224#0 : vector<16xi1>, vector<16xf32>
              %select_n3A_403 = arith.select %le3A, %rev3A_399, %cond3A_224#1 : vector<16xi1>, vector<16xi32>
              %masked_sort3A_404 = arith.constant dense<true> : vector<16xi1>
              %masked_sort3A_405, %masked_sort3A_406, %masked_sort3A_407 = tpu.sort %select_n3A_400, %select_n3A_401 masked %masked_sort3A_404 : (vector<16xf32>, vector<16xi32>, vector<16xi1>) -> (vector<16xi1>, vector<16xf32>, vector<16xi32>)
              %masked_sort3A_408 = arith.constant dense<true> : vector<16xi1>
              %masked_sort3A_409, %masked_sort3A_410, %masked_sort3A_411 = tpu.sort %select_n3A_402, %select_n3A_403 masked %masked_sort3A_408 : (vector<16xf32>, vector<16xi32>, vector<16xi1>) -> (vector<16xi1>, vector<16xf32>, vector<16xi32>)
              %rev3A_412 = arith.constant 15 : i32
              %rev3A_413 = vector.broadcast %rev3A_412 : i32 to vector<16xi32>
              %rev3A_414 = tpu.iota {dimensions = array<i32: 0>} : vector<16xi32>
              %rev3A_415 = arith.subi %rev3A_413, %rev3A_414 : vector<16xi32>
              %rev3A_416 = tpu.dynamic_gather %masked_sort3A_410[%rev3A_415] in [0] : vector<16xf32>, vector<16xi32> -> vector<16xf32>
              %rev3A_417 = arith.constant 15 : i32
              %rev3A_418 = vector.broadcast %rev3A_417 : i32 to vector<16xi32>
              %rev3A_419 = tpu.iota {dimensions = array<i32: 0>} : vector<16xi32>
              %rev3A_420 = arith.subi %rev3A_418, %rev3A_419 : vector<16xi32>
              %rev3A_421 = tpu.dynamic_gather %masked_sort3A_411[%rev3A_420] in [0] : vector<16xi32>, vector<16xi32> -> vector<16xi32>
              %le3A_422 = arith.cmpf ole, %cond3A_224#2, %rev3A_416 : vector<16xf32>
              %select_n3A_423 = arith.select %le3A_422, %cond3A_224#2, %rev3A_416 : vector<16xi1>, vector<16xf32>
              %select_n3A_424 = arith.select %le3A_422, %cond3A_224#3, %rev3A_421 : vector<16xi1>, vector<16xi32>
              %masked_sort3A_425 = arith.constant dense<true> : vector<16xi1>
              %masked_sort3A_426, %masked_sort3A_427, %masked_sort3A_428 = tpu.sort %select_n3A_423, %select_n3A_424 masked %masked_sort3A_425 : (vector<16xf32>, vector<16xi32>, vector<16xi1>) -> (vector<16xi1>, vector<16xf32>, vector<16xi32>)
              %broadcast_in_dim3A_429 = arith.constant 15 : i32
              %broadcast_in_dim3A_430 = vector.broadcast %broadcast_in_dim3A_429 : i32 to vector<16xi32>
              %lt3A_431 = arith.constant 0 : i32
              %lt3A_432 = vector.broadcast %lt3A_431 : i32 to vector<16xi32>
              %lt3A_433 = arith.cmpi slt, %broadcast_in_dim3A_430, %lt3A_432 : vector<16xi32>
              %add3A_434 = arith.constant 16 : i32
              %add3A_435 = vector.broadcast %add3A_434 : i32 to vector<16xi32>
              %add3A_436 = arith.addi %broadcast_in_dim3A_430, %add3A_435 : vector<16xi32>
              %select_n3A_437 = arith.select %lt3A_433, %add3A_436, %broadcast_in_dim3A_430 : vector<16xi1>, vector<16xi32>
              %broadcast_in_dim3A_438 = vector.shape_cast %select_n3A_437 : vector<16xi32> to vector<16x1xi32>
              %gather3A = vector.shape_cast %broadcast_in_dim3A_438 : vector<16x1xi32> to vector<16xi32>
              %gather3A_439 = tpu.dynamic_gather %masked_sort3A_427[%gather3A] in [0] : vector<16xf32>, vector<16xi32> -> vector<16xf32>
              scf.yield %masked_sort3A_406, %masked_sort3A_407, %masked_sort3A_427, %masked_sort3A_428, %gather3A_439 : vector<16xf32>, vector<16xi32>, vector<16xf32>, vector<16xi32>, vector<16xf32>
            } else {
              scf.yield %cond3A_224#0, %cond3A_224#1, %cond3A_224#2, %cond3A_224#3, %cond3A_224#4 : vector<16xf32>, vector<16xi32>, vector<16xf32>, vector<16xi32>, vector<16xf32>
            }
            %add3A_251 = arith.constant 768 : i32
            %add3A_252 = arith.addi %multiple_of3A_139, %add3A_251 : i32
            %add3A_253 = arith.addi %add3A_252, %multiple_of3A_154 : i32
            %get3A_254 = arith.index_cast %add3A_253 : i32 to index
            %get3A_255 = tpu.vector_load %arg6[%get3A_254] {strides = array<i32>} : memref<20480xf32, #tpu.memory_space<vmem>>, vector<16xf32>,
            %add3A_256 = arith.constant 40960 : i32
            %add3A_257 = arith.addi %add3A_256, %multiple_of3A_139 : i32
            %add3A_258 = arith.constant 768 : i32
            %add3A_259 = arith.addi %add3A_257, %add3A_258 : i32
            %add3A_260 = arith.addi %add3A_259, %multiple_of3A_154 : i32
            %lt3A_261 = arith.cmpf olt, %get3A_255, %cond3A_250#4 : vector<16xf32>
            %reduce_or3A_262 = arith.constant 1.000000e+00 : f32
            %reduce_or3A_263 = arith.constant 0.000000e+00 : f32
            %reduce_or3A_264 = vector.broadcast %reduce_or3A_262 : f32 to vector<16xf32>
            %reduce_or3A_265 = vector.broadcast %reduce_or3A_263 : f32 to vector<16xf32>
            %reduce_or3A_266 = arith.select %lt3A_261, %reduce_or3A_264, %reduce_or3A_265 : vector<16xi1>, vector<16xf32>
            %reduce_or3A_267 = arith.constant true
            %reduce_or3A_268 = vector.broadcast %reduce_or3A_267 : i1 to vector<16xi1>
            %reduce_or3A_269 = tpu.scan <max>, %reduce_or3A_266 masked %reduce_or3A_268 : vector<16xf32>, vector<16xi1> -> vector<16xf32>
            %reduce_or3A_270 = vector.extract %reduce_or3A_269[15] : f32 from vector<16xf32>
            %reduce_or3A_271 = arith.constant 0.000000e+00 : f32
            %reduce_or3A_272 = arith.cmpf ogt, %reduce_or3A_270, %reduce_or3A_271 : f32
            %convert_element_type3A_273 = arith.extui %reduce_or3A_272 : i1 to i32
            %cond3A_274 = arith.constant 0 : i32
            %cond3A_275 = arith.cmpi ne, %convert_element_type3A_273, %cond3A_274 : i32
            %cond3A_276:5 = scf.if %cond3A_275 -> (vector<16xf32>, vector<16xi32>, vector<16xf32>, vector<16xi32>, vector<16xf32>) {
              %iota3A = tpu.iota {dimensions = array<i32: 0>} : vector<16xi32>
              %lt3A_381 = arith.cmpf olt, %get3A_255, %cond3A_250#4 : vector<16xf32>
              %jit3A = arith.constant 0x7F800000 : f32
              %broadcast_in_dim3A_382 = vector.broadcast %jit3A : f32 to vector<16xf32>
              %select_n3A = arith.select %lt3A_381, %get3A_255, %broadcast_in_dim3A_382 : vector<16xi1>, vector<16xf32>
              %broadcast_in_dim3A_383 = vector.broadcast %add3A_260 : i32 to vector<16xi32>
              %add3A_384 = arith.addi %broadcast_in_dim3A_383, %iota3A : vector<16xi32>
              %jit3A_385 = arith.constant 1073741824 : i32
              %broadcast_in_dim3A_386 = vector.broadcast %jit3A_385 : i32 to vector<16xi32>
              %select_n3A_387 = arith.select %lt3A_381, %add3A_384, %broadcast_in_dim3A_386 : vector<16xi1>, vector<16xi32>
              %masked_sort3A = arith.constant dense<true> : vector<16xi1>
              %masked_sort3A_388, %masked_sort3A_389, %masked_sort3A_390 = tpu.sort %select_n3A, %select_n3A_387 masked %masked_sort3A : (vector<16xf32>, vector<16xi32>, vector<16xi1>) -> (vector<16xi1>, vector<16xf32>, vector<16xi32>)
              %rev3A = arith.constant 15 : i32
              %rev3A_391 = vector.broadcast %rev3A : i32 to vector<16xi32>
              %rev3A_392 = tpu.iota {dimensions = array<i32: 0>} : vector<16xi32>
              %rev3A_393 = arith.subi %rev3A_391, %rev3A_392 : vector<16xi32>
              %rev3A_394 = tpu.dynamic_gather %masked_sort3A_389[%rev3A_393] in [0] : vector<16xf32>, vector<16xi32> -> vector<16xf32>
              %rev3A_395 = arith.constant 15 : i32
              %rev3A_396 = vector.broadcast %rev3A_395 : i32 to vector<16xi32>
              %rev3A_397 = tpu.iota {dimensions = array<i32: 0>} : vector<16xi32>
              %rev3A_398 = arith.subi %rev3A_396, %rev3A_397 : vector<16xi32>
              %rev3A_399 = tpu.dynamic_gather %masked_sort3A_390[%rev3A_398] in [0] : vector<16xi32>, vector<16xi32> -> vector<16xi32>
              %le3A = arith.cmpf ole, %cond3A_250#0, %rev3A_394 : vector<16xf32>
              %select_n3A_400 = arith.select %le3A, %cond3A_250#0, %rev3A_394 : vector<16xi1>, vector<16xf32>
              %select_n3A_401 = arith.select %le3A, %cond3A_250#1, %rev3A_399 : vector<16xi1>, vector<16xi32>
              %select_n3A_402 = arith.select %le3A, %rev3A_394, %cond3A_250#0 : vector<16xi1>, vector<16xf32>
              %select_n3A_403 = arith.select %le3A, %rev3A_399, %cond3A_250#1 : vector<16xi1>, vector<16xi32>
              %masked_sort3A_404 = arith.constant dense<true> : vector<16xi1>
              %masked_sort3A_405, %masked_sort3A_406, %masked_sort3A_407 = tpu.sort %select_n3A_400, %select_n3A_401 masked %masked_sort3A_404 : (vector<16xf32>, vector<16xi32>, vector<16xi1>) -> (vector<16xi1>, vector<16xf32>, vector<16xi32>)
              %masked_sort3A_408 = arith.constant dense<true> : vector<16xi1>
              %masked_sort3A_409, %masked_sort3A_410, %masked_sort3A_411 = tpu.sort %select_n3A_402, %select_n3A_403 masked %masked_sort3A_408 : (vector<16xf32>, vector<16xi32>, vector<16xi1>) -> (vector<16xi1>, vector<16xf32>, vector<16xi32>)
              %rev3A_412 = arith.constant 15 : i32
              %rev3A_413 = vector.broadcast %rev3A_412 : i32 to vector<16xi32>
              %rev3A_414 = tpu.iota {dimensions = array<i32: 0>} : vector<16xi32>
              %rev3A_415 = arith.subi %rev3A_413, %rev3A_414 : vector<16xi32>
              %rev3A_416 = tpu.dynamic_gather %masked_sort3A_410[%rev3A_415] in [0] : vector<16xf32>, vector<16xi32> -> vector<16xf32>
              %rev3A_417 = arith.constant 15 : i32
              %rev3A_418 = vector.broadcast %rev3A_417 : i32 to vector<16xi32>
              %rev3A_419 = tpu.iota {dimensions = array<i32: 0>} : vector<16xi32>
              %rev3A_420 = arith.subi %rev3A_418, %rev3A_419 : vector<16xi32>
              %rev3A_421 = tpu.dynamic_gather %masked_sort3A_411[%rev3A_420] in [0] : vector<16xi32>, vector<16xi32> -> vector<16xi32>
              %le3A_422 = arith.cmpf ole, %cond3A_250#2, %rev3A_416 : vector<16xf32>
              %select_n3A_423 = arith.select %le3A_422, %cond3A_250#2, %rev3A_416 : vector<16xi1>, vector<16xf32>
              %select_n3A_424 = arith.select %le3A_422, %cond3A_250#3, %rev3A_421 : vector<16xi1>, vector<16xi32>
              %masked_sort3A_425 = arith.constant dense<true> : vector<16xi1>
              %masked_sort3A_426, %masked_sort3A_427, %masked_sort3A_428 = tpu.sort %select_n3A_423, %select_n3A_424 masked %masked_sort3A_425 : (vector<16xf32>, vector<16xi32>, vector<16xi1>) -> (vector<16xi1>, vector<16xf32>, vector<16xi32>)
              %broadcast_in_dim3A_429 = arith.constant 15 : i32
              %broadcast_in_dim3A_430 = vector.broadcast %broadcast_in_dim3A_429 : i32 to vector<16xi32>
              %lt3A_431 = arith.constant 0 : i32
              %lt3A_432 = vector.broadcast %lt3A_431 : i32 to vector<16xi32>
              %lt3A_433 = arith.cmpi slt, %broadcast_in_dim3A_430, %lt3A_432 : vector<16xi32>
              %add3A_434 = arith.constant 16 : i32
              %add3A_435 = vector.broadcast %add3A_434 : i32 to vector<16xi32>
              %add3A_436 = arith.addi %broadcast_in_dim3A_430, %add3A_435 : vector<16xi32>
              %select_n3A_437 = arith.select %lt3A_433, %add3A_436, %broadcast_in_dim3A_430 : vector<16xi1>, vector<16xi32>
              %broadcast_in_dim3A_438 = vector.shape_cast %select_n3A_437 : vector<16xi32> to vector<16x1xi32>
              %gather3A = vector.shape_cast %broadcast_in_dim3A_438 : vector<16x1xi32> to vector<16xi32>
              %gather3A_439 = tpu.dynamic_gather %masked_sort3A_427[%gather3A] in [0] : vector<16xf32>, vector<16xi32> -> vector<16xf32>
              scf.yield %masked_sort3A_406, %masked_sort3A_407, %masked_sort3A_427, %masked_sort3A_428, %gather3A_439 : vector<16xf32>, vector<16xi32>, vector<16xf32>, vector<16xi32>, vector<16xf32>
            } else {
              scf.yield %cond3A_250#0, %cond3A_250#1, %cond3A_250#2, %cond3A_250#3, %cond3A_250#4 : vector<16xf32>, vector<16xi32>, vector<16xf32>, vector<16xi32>, vector<16xf32>
            }
            %add3A_277 = arith.constant 1024 : i32
            %add3A_278 = arith.addi %multiple_of3A_139, %add3A_277 : i32
            %add3A_279 = arith.addi %add3A_278, %multiple_of3A_154 : i32
            %get3A_280 = arith.index_cast %add3A_279 : i32 to index
            %get3A_281 = tpu.vector_load %arg6[%get3A_280] {strides = array<i32>} : memref<20480xf32, #tpu.memory_space<vmem>>, vector<16xf32>,
            %add3A_282 = arith.constant 40960 : i32
            %add3A_283 = arith.addi %add3A_282, %multiple_of3A_139 : i32
            %add3A_284 = arith.constant 1024 : i32
            %add3A_285 = arith.addi %add3A_283, %add3A_284 : i32
            %add3A_286 = arith.addi %add3A_285, %multiple_of3A_154 : i32
            %lt3A_287 = arith.cmpf olt, %get3A_281, %cond3A_276#4 : vector<16xf32>
            %reduce_or3A_288 = arith.constant 1.000000e+00 : f32
            %reduce_or3A_289 = arith.constant 0.000000e+00 : f32
            %reduce_or3A_290 = vector.broadcast %reduce_or3A_288 : f32 to vector<16xf32>
            %reduce_or3A_291 = vector.broadcast %reduce_or3A_289 : f32 to vector<16xf32>
            %reduce_or3A_292 = arith.select %lt3A_287, %reduce_or3A_290, %reduce_or3A_291 : vector<16xi1>, vector<16xf32>
            %reduce_or3A_293 = arith.constant true
            %reduce_or3A_294 = vector.broadcast %reduce_or3A_293 : i1 to vector<16xi1>
            %reduce_or3A_295 = tpu.scan <max>, %reduce_or3A_292 masked %reduce_or3A_294 : vector<16xf32>, vector<16xi1> -> vector<16xf32>
            %reduce_or3A_296 = vector.extract %reduce_or3A_295[15] : f32 from vector<16xf32>
            %reduce_or3A_297 = arith.constant 0.000000e+00 : f32
            %reduce_or3A_298 = arith.cmpf ogt, %reduce_or3A_296, %reduce_or3A_297 : f32
            %convert_element_type3A_299 = arith.extui %reduce_or3A_298 : i1 to i32
            %cond3A_300 = arith.constant 0 : i32
            %cond3A_301 = arith.cmpi ne, %convert_element_type3A_299, %cond3A_300 : i32
            %cond3A_302:5 = scf.if %cond3A_301 -> (vector<16xf32>, vector<16xi32>, vector<16xf32>, vector<16xi32>, vector<16xf32>) {
              %iota3A = tpu.iota {dimensions = array<i32: 0>} : vector<16xi32>
              %lt3A_381 = arith.cmpf olt, %get3A_281, %cond3A_276#4 : vector<16xf32>
              %jit3A = arith.constant 0x7F800000 : f32
              %broadcast_in_dim3A_382 = vector.broadcast %jit3A : f32 to vector<16xf32>
              %select_n3A = arith.select %lt3A_381, %get3A_281, %broadcast_in_dim3A_382 : vector<16xi1>, vector<16xf32>
              %broadcast_in_dim3A_383 = vector.broadcast %add3A_286 : i32 to vector<16xi32>
              %add3A_384 = arith.addi %broadcast_in_dim3A_383, %iota3A : vector<16xi32>
              %jit3A_385 = arith.constant 1073741824 : i32
              %broadcast_in_dim3A_386 = vector.broadcast %jit3A_385 : i32 to vector<16xi32>
              %select_n3A_387 = arith.select %lt3A_381, %add3A_384, %broadcast_in_dim3A_386 : vector<16xi1>, vector<16xi32>
              %masked_sort3A = arith.constant dense<true> : vector<16xi1>
              %masked_sort3A_388, %masked_sort3A_389, %masked_sort3A_390 = tpu.sort %select_n3A, %select_n3A_387 masked %masked_sort3A : (vector<16xf32>, vector<16xi32>, vector<16xi1>) -> (vector<16xi1>, vector<16xf32>, vector<16xi32>)
              %rev3A = arith.constant 15 : i32
              %rev3A_391 = vector.broadcast %rev3A : i32 to vector<16xi32>
              %rev3A_392 = tpu.iota {dimensions = array<i32: 0>} : vector<16xi32>
              %rev3A_393 = arith.subi %rev3A_391, %rev3A_392 : vector<16xi32>
              %rev3A_394 = tpu.dynamic_gather %masked_sort3A_389[%rev3A_393] in [0] : vector<16xf32>, vector<16xi32> -> vector<16xf32>
              %rev3A_395 = arith.constant 15 : i32
              %rev3A_396 = vector.broadcast %rev3A_395 : i32 to vector<16xi32>
              %rev3A_397 = tpu.iota {dimensions = array<i32: 0>} : vector<16xi32>
              %rev3A_398 = arith.subi %rev3A_396, %rev3A_397 : vector<16xi32>
              %rev3A_399 = tpu.dynamic_gather %masked_sort3A_390[%rev3A_398] in [0] : vector<16xi32>, vector<16xi32> -> vector<16xi32>
              %le3A = arith.cmpf ole, %cond3A_276#0, %rev3A_394 : vector<16xf32>
              %select_n3A_400 = arith.select %le3A, %cond3A_276#0, %rev3A_394 : vector<16xi1>, vector<16xf32>
              %select_n3A_401 = arith.select %le3A, %cond3A_276#1, %rev3A_399 : vector<16xi1>, vector<16xi32>
              %select_n3A_402 = arith.select %le3A, %rev3A_394, %cond3A_276#0 : vector<16xi1>, vector<16xf32>
              %select_n3A_403 = arith.select %le3A, %rev3A_399, %cond3A_276#1 : vector<16xi1>, vector<16xi32>
              %masked_sort3A_404 = arith.constant dense<true> : vector<16xi1>
              %masked_sort3A_405, %masked_sort3A_406, %masked_sort3A_407 = tpu.sort %select_n3A_400, %select_n3A_401 masked %masked_sort3A_404 : (vector<16xf32>, vector<16xi32>, vector<16xi1>) -> (vector<16xi1>, vector<16xf32>, vector<16xi32>)
              %masked_sort3A_408 = arith.constant dense<true> : vector<16xi1>
              %masked_sort3A_409, %masked_sort3A_410, %masked_sort3A_411 = tpu.sort %select_n3A_402, %select_n3A_403 masked %masked_sort3A_408 : (vector<16xf32>, vector<16xi32>, vector<16xi1>) -> (vector<16xi1>, vector<16xf32>, vector<16xi32>)
              %rev3A_412 = arith.constant 15 : i32
              %rev3A_413 = vector.broadcast %rev3A_412 : i32 to vector<16xi32>
              %rev3A_414 = tpu.iota {dimensions = array<i32: 0>} : vector<16xi32>
              %rev3A_415 = arith.subi %rev3A_413, %rev3A_414 : vector<16xi32>
              %rev3A_416 = tpu.dynamic_gather %masked_sort3A_410[%rev3A_415] in [0] : vector<16xf32>, vector<16xi32> -> vector<16xf32>
              %rev3A_417 = arith.constant 15 : i32
              %rev3A_418 = vector.broadcast %rev3A_417 : i32 to vector<16xi32>
              %rev3A_419 = tpu.iota {dimensions = array<i32: 0>} : vector<16xi32>
              %rev3A_420 = arith.subi %rev3A_418, %rev3A_419 : vector<16xi32>
              %rev3A_421 = tpu.dynamic_gather %masked_sort3A_411[%rev3A_420] in [0] : vector<16xi32>, vector<16xi32> -> vector<16xi32>
              %le3A_422 = arith.cmpf ole, %cond3A_276#2, %rev3A_416 : vector<16xf32>
              %select_n3A_423 = arith.select %le3A_422, %cond3A_276#2, %rev3A_416 : vector<16xi1>, vector<16xf32>
              %select_n3A_424 = arith.select %le3A_422, %cond3A_276#3, %rev3A_421 : vector<16xi1>, vector<16xi32>
              %masked_sort3A_425 = arith.constant dense<true> : vector<16xi1>
              %masked_sort3A_426, %masked_sort3A_427, %masked_sort3A_428 = tpu.sort %select_n3A_423, %select_n3A_424 masked %masked_sort3A_425 : (vector<16xf32>, vector<16xi32>, vector<16xi1>) -> (vector<16xi1>, vector<16xf32>, vector<16xi32>)
              %broadcast_in_dim3A_429 = arith.constant 15 : i32
              %broadcast_in_dim3A_430 = vector.broadcast %broadcast_in_dim3A_429 : i32 to vector<16xi32>
              %lt3A_431 = arith.constant 0 : i32
              %lt3A_432 = vector.broadcast %lt3A_431 : i32 to vector<16xi32>
              %lt3A_433 = arith.cmpi slt, %broadcast_in_dim3A_430, %lt3A_432 : vector<16xi32>
              %add3A_434 = arith.constant 16 : i32
              %add3A_435 = vector.broadcast %add3A_434 : i32 to vector<16xi32>
              %add3A_436 = arith.addi %broadcast_in_dim3A_430, %add3A_435 : vector<16xi32>
              %select_n3A_437 = arith.select %lt3A_433, %add3A_436, %broadcast_in_dim3A_430 : vector<16xi1>, vector<16xi32>
              %broadcast_in_dim3A_438 = vector.shape_cast %select_n3A_437 : vector<16xi32> to vector<16x1xi32>
              %gather3A = vector.shape_cast %broadcast_in_dim3A_438 : vector<16x1xi32> to vector<16xi32>
              %gather3A_439 = tpu.dynamic_gather %masked_sort3A_427[%gather3A] in [0] : vector<16xf32>, vector<16xi32> -> vector<16xf32>
              scf.yield %masked_sort3A_406, %masked_sort3A_407, %masked_sort3A_427, %masked_sort3A_428, %gather3A_439 : vector<16xf32>, vector<16xi32>, vector<16xf32>, vector<16xi32>, vector<16xf32>
            } else {
              scf.yield %cond3A_276#0, %cond3A_276#1, %cond3A_276#2, %cond3A_276#3, %cond3A_276#4 : vector<16xf32>, vector<16xi32>, vector<16xf32>, vector<16xi32>, vector<16xf32>
            }
            %add3A_303 = arith.constant 1280 : i32
            %add3A_304 = arith.addi %multiple_of3A_139, %add3A_303 : i32
            %add3A_305 = arith.addi %add3A_304, %multiple_of3A_154 : i32
            %get3A_306 = arith.index_cast %add3A_305 : i32 to index
            %get3A_307 = tpu.vector_load %arg6[%get3A_306] {strides = array<i32>} : memref<20480xf32, #tpu.memory_space<vmem>>, vector<16xf32>,
            %add3A_308 = arith.constant 40960 : i32
            %add3A_309 = arith.addi %add3A_308, %multiple_of3A_139 : i32
            %add3A_310 = arith.constant 1280 : i32
            %add3A_311 = arith.addi %add3A_309, %add3A_310 : i32
            %add3A_312 = arith.addi %add3A_311, %multiple_of3A_154 : i32
            %lt3A_313 = arith.cmpf olt, %get3A_307, %cond3A_302#4 : vector<16xf32>
            %reduce_or3A_314 = arith.constant 1.000000e+00 : f32
            %reduce_or3A_315 = arith.constant 0.000000e+00 : f32
            %reduce_or3A_316 = vector.broadcast %reduce_or3A_314 : f32 to vector<16xf32>
            %reduce_or3A_317 = vector.broadcast %reduce_or3A_315 : f32 to vector<16xf32>
            %reduce_or3A_318 = arith.select %lt3A_313, %reduce_or3A_316, %reduce_or3A_317 : vector<16xi1>, vector<16xf32>
            %reduce_or3A_319 = arith.constant true
            %reduce_or3A_320 = vector.broadcast %reduce_or3A_319 : i1 to vector<16xi1>
            %reduce_or3A_321 = tpu.scan <max>, %reduce_or3A_318 masked %reduce_or3A_320 : vector<16xf32>, vector<16xi1> -> vector<16xf32>
            %reduce_or3A_322 = vector.extract %reduce_or3A_321[15] : f32 from vector<16xf32>
            %reduce_or3A_323 = arith.constant 0.000000e+00 : f32
            %reduce_or3A_324 = arith.cmpf ogt, %reduce_or3A_322, %reduce_or3A_323 : f32
            %convert_element_type3A_325 = arith.extui %reduce_or3A_324 : i1 to i32
            %cond3A_326 = arith.constant 0 : i32
            %cond3A_327 = arith.cmpi ne, %convert_element_type3A_325, %cond3A_326 : i32
            %cond3A_328:5 = scf.if %cond3A_327 -> (vector<16xf32>, vector<16xi32>, vector<16xf32>, vector<16xi32>, vector<16xf32>) {
              %iota3A = tpu.iota {dimensions = array<i32: 0>} : vector<16xi32>
              %lt3A_381 = arith.cmpf olt, %get3A_307, %cond3A_302#4 : vector<16xf32>
              %jit3A = arith.constant 0x7F800000 : f32
              %broadcast_in_dim3A_382 = vector.broadcast %jit3A : f32 to vector<16xf32>
              %select_n3A = arith.select %lt3A_381, %get3A_307, %broadcast_in_dim3A_382 : vector<16xi1>, vector<16xf32>
              %broadcast_in_dim3A_383 = vector.broadcast %add3A_312 : i32 to vector<16xi32>
              %add3A_384 = arith.addi %broadcast_in_dim3A_383, %iota3A : vector<16xi32>
              %jit3A_385 = arith.constant 1073741824 : i32
              %broadcast_in_dim3A_386 = vector.broadcast %jit3A_385 : i32 to vector<16xi32>
              %select_n3A_387 = arith.select %lt3A_381, %add3A_384, %broadcast_in_dim3A_386 : vector<16xi1>, vector<16xi32>
              %masked_sort3A = arith.constant dense<true> : vector<16xi1>
              %masked_sort3A_388, %masked_sort3A_389, %masked_sort3A_390 = tpu.sort %select_n3A, %select_n3A_387 masked %masked_sort3A : (vector<16xf32>, vector<16xi32>, vector<16xi1>) -> (vector<16xi1>, vector<16xf32>, vector<16xi32>)
              %rev3A = arith.constant 15 : i32
              %rev3A_391 = vector.broadcast %rev3A : i32 to vector<16xi32>
              %rev3A_392 = tpu.iota {dimensions = array<i32: 0>} : vector<16xi32>
              %rev3A_393 = arith.subi %rev3A_391, %rev3A_392 : vector<16xi32>
              %rev3A_394 = tpu.dynamic_gather %masked_sort3A_389[%rev3A_393] in [0] : vector<16xf32>, vector<16xi32> -> vector<16xf32>
              %rev3A_395 = arith.constant 15 : i32
              %rev3A_396 = vector.broadcast %rev3A_395 : i32 to vector<16xi32>
              %rev3A_397 = tpu.iota {dimensions = array<i32: 0>} : vector<16xi32>
              %rev3A_398 = arith.subi %rev3A_396, %rev3A_397 : vector<16xi32>
              %rev3A_399 = tpu.dynamic_gather %masked_sort3A_390[%rev3A_398] in [0] : vector<16xi32>, vector<16xi32> -> vector<16xi32>
              %le3A = arith.cmpf ole, %cond3A_302#0, %rev3A_394 : vector<16xf32>
              %select_n3A_400 = arith.select %le3A, %cond3A_302#0, %rev3A_394 : vector<16xi1>, vector<16xf32>
              %select_n3A_401 = arith.select %le3A, %cond3A_302#1, %rev3A_399 : vector<16xi1>, vector<16xi32>
              %select_n3A_402 = arith.select %le3A, %rev3A_394, %cond3A_302#0 : vector<16xi1>, vector<16xf32>
              %select_n3A_403 = arith.select %le3A, %rev3A_399, %cond3A_302#1 : vector<16xi1>, vector<16xi32>
              %masked_sort3A_404 = arith.constant dense<true> : vector<16xi1>
              %masked_sort3A_405, %masked_sort3A_406, %masked_sort3A_407 = tpu.sort %select_n3A_400, %select_n3A_401 masked %masked_sort3A_404 : (vector<16xf32>, vector<16xi32>, vector<16xi1>) -> (vector<16xi1>, vector<16xf32>, vector<16xi32>)
              %masked_sort3A_408 = arith.constant dense<true> : vector<16xi1>
              %masked_sort3A_409, %masked_sort3A_410, %masked_sort3A_411 = tpu.sort %select_n3A_402, %select_n3A_403 masked %masked_sort3A_408 : (vector<16xf32>, vector<16xi32>, vector<16xi1>) -> (vector<16xi1>, vector<16xf32>, vector<16xi32>)
              %rev3A_412 = arith.constant 15 : i32
              %rev3A_413 = vector.broadcast %rev3A_412 : i32 to vector<16xi32>
              %rev3A_414 = tpu.iota {dimensions = array<i32: 0>} : vector<16xi32>
              %rev3A_415 = arith.subi %rev3A_413, %rev3A_414 : vector<16xi32>
              %rev3A_416 = tpu.dynamic_gather %masked_sort3A_410[%rev3A_415] in [0] : vector<16xf32>, vector<16xi32> -> vector<16xf32>
              %rev3A_417 = arith.constant 15 : i32
              %rev3A_418 = vector.broadcast %rev3A_417 : i32 to vector<16xi32>
              %rev3A_419 = tpu.iota {dimensions = array<i32: 0>} : vector<16xi32>
              %rev3A_420 = arith.subi %rev3A_418, %rev3A_419 : vector<16xi32>
              %rev3A_421 = tpu.dynamic_gather %masked_sort3A_411[%rev3A_420] in [0] : vector<16xi32>, vector<16xi32> -> vector<16xi32>
              %le3A_422 = arith.cmpf ole, %cond3A_302#2, %rev3A_416 : vector<16xf32>
              %select_n3A_423 = arith.select %le3A_422, %cond3A_302#2, %rev3A_416 : vector<16xi1>, vector<16xf32>
              %select_n3A_424 = arith.select %le3A_422, %cond3A_302#3, %rev3A_421 : vector<16xi1>, vector<16xi32>
              %masked_sort3A_425 = arith.constant dense<true> : vector<16xi1>
              %masked_sort3A_426, %masked_sort3A_427, %masked_sort3A_428 = tpu.sort %select_n3A_423, %select_n3A_424 masked %masked_sort3A_425 : (vector<16xf32>, vector<16xi32>, vector<16xi1>) -> (vector<16xi1>, vector<16xf32>, vector<16xi32>)
              %broadcast_in_dim3A_429 = arith.constant 15 : i32
              %broadcast_in_dim3A_430 = vector.broadcast %broadcast_in_dim3A_429 : i32 to vector<16xi32>
              %lt3A_431 = arith.constant 0 : i32
              %lt3A_432 = vector.broadcast %lt3A_431 : i32 to vector<16xi32>
              %lt3A_433 = arith.cmpi slt, %broadcast_in_dim3A_430, %lt3A_432 : vector<16xi32>
              %add3A_434 = arith.constant 16 : i32
              %add3A_435 = vector.broadcast %add3A_434 : i32 to vector<16xi32>
              %add3A_436 = arith.addi %broadcast_in_dim3A_430, %add3A_435 : vector<16xi32>
              %select_n3A_437 = arith.select %lt3A_433, %add3A_436, %broadcast_in_dim3A_430 : vector<16xi1>, vector<16xi32>
              %broadcast_in_dim3A_438 = vector.shape_cast %select_n3A_437 : vector<16xi32> to vector<16x1xi32>
              %gather3A = vector.shape_cast %broadcast_in_dim3A_438 : vector<16x1xi32> to vector<16xi32>
              %gather3A_439 = tpu.dynamic_gather %masked_sort3A_427[%gather3A] in [0] : vector<16xf32>, vector<16xi32> -> vector<16xf32>
              scf.yield %masked_sort3A_406, %masked_sort3A_407, %masked_sort3A_427, %masked_sort3A_428, %gather3A_439 : vector<16xf32>, vector<16xi32>, vector<16xf32>, vector<16xi32>, vector<16xf32>
            } else {
              scf.yield %cond3A_302#0, %cond3A_302#1, %cond3A_302#2, %cond3A_302#3, %cond3A_302#4 : vector<16xf32>, vector<16xi32>, vector<16xf32>, vector<16xi32>, vector<16xf32>
            }
            %add3A_329 = arith.constant 1536 : i32
            %add3A_330 = arith.addi %multiple_of3A_139, %add3A_329 : i32
            %add3A_331 = arith.addi %add3A_330, %multiple_of3A_154 : i32
            %get3A_332 = arith.index_cast %add3A_331 : i32 to index
            %get3A_333 = tpu.vector_load %arg6[%get3A_332] {strides = array<i32>} : memref<20480xf32, #tpu.memory_space<vmem>>, vector<16xf32>,
            %add3A_334 = arith.constant 40960 : i32
            %add3A_335 = arith.addi %add3A_334, %multiple_of3A_139 : i32
            %add3A_336 = arith.constant 1536 : i32
            %add3A_337 = arith.addi %add3A_335, %add3A_336 : i32
            %add3A_338 = arith.addi %add3A_337, %multiple_of3A_154 : i32
            %lt3A_339 = arith.cmpf olt, %get3A_333, %cond3A_328#4 : vector<16xf32>
            %reduce_or3A_340 = arith.constant 1.000000e+00 : f32
            %reduce_or3A_341 = arith.constant 0.000000e+00 : f32
            %reduce_or3A_342 = vector.broadcast %reduce_or3A_340 : f32 to vector<16xf32>
            %reduce_or3A_343 = vector.broadcast %reduce_or3A_341 : f32 to vector<16xf32>
            %reduce_or3A_344 = arith.select %lt3A_339, %reduce_or3A_342, %reduce_or3A_343 : vector<16xi1>, vector<16xf32>
            %reduce_or3A_345 = arith.constant true
            %reduce_or3A_346 = vector.broadcast %reduce_or3A_345 : i1 to vector<16xi1>
            %reduce_or3A_347 = tpu.scan <max>, %reduce_or3A_344 masked %reduce_or3A_346 : vector<16xf32>, vector<16xi1> -> vector<16xf32>
            %reduce_or3A_348 = vector.extract %reduce_or3A_347[15] : f32 from vector<16xf32>
            %reduce_or3A_349 = arith.constant 0.000000e+00 : f32
            %reduce_or3A_350 = arith.cmpf ogt, %reduce_or3A_348, %reduce_or3A_349 : f32
            %convert_element_type3A_351 = arith.extui %reduce_or3A_350 : i1 to i32
            %cond3A_352 = arith.constant 0 : i32
            %cond3A_353 = arith.cmpi ne, %convert_element_type3A_351, %cond3A_352 : i32
            %cond3A_354:5 = scf.if %cond3A_353 -> (vector<16xf32>, vector<16xi32>, vector<16xf32>, vector<16xi32>, vector<16xf32>) {
              %iota3A = tpu.iota {dimensions = array<i32: 0>} : vector<16xi32>
              %lt3A_381 = arith.cmpf olt, %get3A_333, %cond3A_328#4 : vector<16xf32>
              %jit3A = arith.constant 0x7F800000 : f32
              %broadcast_in_dim3A_382 = vector.broadcast %jit3A : f32 to vector<16xf32>
              %select_n3A = arith.select %lt3A_381, %get3A_333, %broadcast_in_dim3A_382 : vector<16xi1>, vector<16xf32>
              %broadcast_in_dim3A_383 = vector.broadcast %add3A_338 : i32 to vector<16xi32>
              %add3A_384 = arith.addi %broadcast_in_dim3A_383, %iota3A : vector<16xi32>
              %jit3A_385 = arith.constant 1073741824 : i32
              %broadcast_in_dim3A_386 = vector.broadcast %jit3A_385 : i32 to vector<16xi32>
              %select_n3A_387 = arith.select %lt3A_381, %add3A_384, %broadcast_in_dim3A_386 : vector<16xi1>, vector<16xi32>
              %masked_sort3A = arith.constant dense<true> : vector<16xi1>
              %masked_sort3A_388, %masked_sort3A_389, %masked_sort3A_390 = tpu.sort %select_n3A, %select_n3A_387 masked %masked_sort3A : (vector<16xf32>, vector<16xi32>, vector<16xi1>) -> (vector<16xi1>, vector<16xf32>, vector<16xi32>)
              %rev3A = arith.constant 15 : i32
              %rev3A_391 = vector.broadcast %rev3A : i32 to vector<16xi32>
              %rev3A_392 = tpu.iota {dimensions = array<i32: 0>} : vector<16xi32>
              %rev3A_393 = arith.subi %rev3A_391, %rev3A_392 : vector<16xi32>
              %rev3A_394 = tpu.dynamic_gather %masked_sort3A_389[%rev3A_393] in [0] : vector<16xf32>, vector<16xi32> -> vector<16xf32>
              %rev3A_395 = arith.constant 15 : i32
              %rev3A_396 = vector.broadcast %rev3A_395 : i32 to vector<16xi32>
              %rev3A_397 = tpu.iota {dimensions = array<i32: 0>} : vector<16xi32>
              %rev3A_398 = arith.subi %rev3A_396, %rev3A_397 : vector<16xi32>
              %rev3A_399 = tpu.dynamic_gather %masked_sort3A_390[%rev3A_398] in [0] : vector<16xi32>, vector<16xi32> -> vector<16xi32>
              %le3A = arith.cmpf ole, %cond3A_328#0, %rev3A_394 : vector<16xf32>
              %select_n3A_400 = arith.select %le3A, %cond3A_328#0, %rev3A_394 : vector<16xi1>, vector<16xf32>
              %select_n3A_401 = arith.select %le3A, %cond3A_328#1, %rev3A_399 : vector<16xi1>, vector<16xi32>
              %select_n3A_402 = arith.select %le3A, %rev3A_394, %cond3A_328#0 : vector<16xi1>, vector<16xf32>
              %select_n3A_403 = arith.select %le3A, %rev3A_399, %cond3A_328#1 : vector<16xi1>, vector<16xi32>
              %masked_sort3A_404 = arith.constant dense<true> : vector<16xi1>
              %masked_sort3A_405, %masked_sort3A_406, %masked_sort3A_407 = tpu.sort %select_n3A_400, %select_n3A_401 masked %masked_sort3A_404 : (vector<16xf32>, vector<16xi32>, vector<16xi1>) -> (vector<16xi1>, vector<16xf32>, vector<16xi32>)
              %masked_sort3A_408 = arith.constant dense<true> : vector<16xi1>
              %masked_sort3A_409, %masked_sort3A_410, %masked_sort3A_411 = tpu.sort %select_n3A_402, %select_n3A_403 masked %masked_sort3A_408 : (vector<16xf32>, vector<16xi32>, vector<16xi1>) -> (vector<16xi1>, vector<16xf32>, vector<16xi32>)
              %rev3A_412 = arith.constant 15 : i32
              %rev3A_413 = vector.broadcast %rev3A_412 : i32 to vector<16xi32>
              %rev3A_414 = tpu.iota {dimensions = array<i32: 0>} : vector<16xi32>
              %rev3A_415 = arith.subi %rev3A_413, %rev3A_414 : vector<16xi32>
              %rev3A_416 = tpu.dynamic_gather %masked_sort3A_410[%rev3A_415] in [0] : vector<16xf32>, vector<16xi32> -> vector<16xf32>
              %rev3A_417 = arith.constant 15 : i32
              %rev3A_418 = vector.broadcast %rev3A_417 : i32 to vector<16xi32>
              %rev3A_419 = tpu.iota {dimensions = array<i32: 0>} : vector<16xi32>
              %rev3A_420 = arith.subi %rev3A_418, %rev3A_419 : vector<16xi32>
              %rev3A_421 = tpu.dynamic_gather %masked_sort3A_411[%rev3A_420] in [0] : vector<16xi32>, vector<16xi32> -> vector<16xi32>
              %le3A_422 = arith.cmpf ole, %cond3A_328#2, %rev3A_416 : vector<16xf32>
              %select_n3A_423 = arith.select %le3A_422, %cond3A_328#2, %rev3A_416 : vector<16xi1>, vector<16xf32>
              %select_n3A_424 = arith.select %le3A_422, %cond3A_328#3, %rev3A_421 : vector<16xi1>, vector<16xi32>
              %masked_sort3A_425 = arith.constant dense<true> : vector<16xi1>
              %masked_sort3A_426, %masked_sort3A_427, %masked_sort3A_428 = tpu.sort %select_n3A_423, %select_n3A_424 masked %masked_sort3A_425 : (vector<16xf32>, vector<16xi32>, vector<16xi1>) -> (vector<16xi1>, vector<16xf32>, vector<16xi32>)
              %broadcast_in_dim3A_429 = arith.constant 15 : i32
              %broadcast_in_dim3A_430 = vector.broadcast %broadcast_in_dim3A_429 : i32 to vector<16xi32>
              %lt3A_431 = arith.constant 0 : i32
              %lt3A_432 = vector.broadcast %lt3A_431 : i32 to vector<16xi32>
              %lt3A_433 = arith.cmpi slt, %broadcast_in_dim3A_430, %lt3A_432 : vector<16xi32>
              %add3A_434 = arith.constant 16 : i32
              %add3A_435 = vector.broadcast %add3A_434 : i32 to vector<16xi32>
              %add3A_436 = arith.addi %broadcast_in_dim3A_430, %add3A_435 : vector<16xi32>
              %select_n3A_437 = arith.select %lt3A_433, %add3A_436, %broadcast_in_dim3A_430 : vector<16xi1>, vector<16xi32>
              %broadcast_in_dim3A_438 = vector.shape_cast %select_n3A_437 : vector<16xi32> to vector<16x1xi32>
              %gather3A = vector.shape_cast %broadcast_in_dim3A_438 : vector<16x1xi32> to vector<16xi32>
              %gather3A_439 = tpu.dynamic_gather %masked_sort3A_427[%gather3A] in [0] : vector<16xf32>, vector<16xi32> -> vector<16xf32>
              scf.yield %masked_sort3A_406, %masked_sort3A_407, %masked_sort3A_427, %masked_sort3A_428, %gather3A_439 : vector<16xf32>, vector<16xi32>, vector<16xf32>, vector<16xi32>, vector<16xf32>
            } else {
              scf.yield %cond3A_328#0, %cond3A_328#1, %cond3A_328#2, %cond3A_328#3, %cond3A_328#4 : vector<16xf32>, vector<16xi32>, vector<16xf32>, vector<16xi32>, vector<16xf32>
            }
            %add3A_355 = arith.constant 1792 : i32
            %add3A_356 = arith.addi %multiple_of3A_139, %add3A_355 : i32
            %add3A_357 = arith.addi %add3A_356, %multiple_of3A_154 : i32
            %get3A_358 = arith.index_cast %add3A_357 : i32 to index
            %get3A_359 = tpu.vector_load %arg6[%get3A_358] {strides = array<i32>} : memref<20480xf32, #tpu.memory_space<vmem>>, vector<16xf32>,
            %add3A_360 = arith.constant 40960 : i32
            %add3A_361 = arith.addi %add3A_360, %multiple_of3A_139 : i32
            %add3A_362 = arith.constant 1792 : i32
            %add3A_363 = arith.addi %add3A_361, %add3A_362 : i32
            %add3A_364 = arith.addi %add3A_363, %multiple_of3A_154 : i32
            %lt3A_365 = arith.cmpf olt, %get3A_359, %cond3A_354#4 : vector<16xf32>
            %reduce_or3A_366 = arith.constant 1.000000e+00 : f32
            %reduce_or3A_367 = arith.constant 0.000000e+00 : f32
            %reduce_or3A_368 = vector.broadcast %reduce_or3A_366 : f32 to vector<16xf32>
            %reduce_or3A_369 = vector.broadcast %reduce_or3A_367 : f32 to vector<16xf32>
            %reduce_or3A_370 = arith.select %lt3A_365, %reduce_or3A_368, %reduce_or3A_369 : vector<16xi1>, vector<16xf32>
            %reduce_or3A_371 = arith.constant true
            %reduce_or3A_372 = vector.broadcast %reduce_or3A_371 : i1 to vector<16xi1>
            %reduce_or3A_373 = tpu.scan <max>, %reduce_or3A_370 masked %reduce_or3A_372 : vector<16xf32>, vector<16xi1> -> vector<16xf32>
            %reduce_or3A_374 = vector.extract %reduce_or3A_373[15] : f32 from vector<16xf32>
            %reduce_or3A_375 = arith.constant 0.000000e+00 : f32
            %reduce_or3A_376 = arith.cmpf ogt, %reduce_or3A_374, %reduce_or3A_375 : f32
            %convert_element_type3A_377 = arith.extui %reduce_or3A_376 : i1 to i32
            %cond3A_378 = arith.constant 0 : i32
            %cond3A_379 = arith.cmpi ne, %convert_element_type3A_377, %cond3A_378 : i32
            %cond3A_380:5 = scf.if %cond3A_379 -> (vector<16xf32>, vector<16xi32>, vector<16xf32>, vector<16xi32>, vector<16xf32>) {
              %iota3A = tpu.iota {dimensions = array<i32: 0>} : vector<16xi32>
              %lt3A_381 = arith.cmpf olt, %get3A_359, %cond3A_354#4 : vector<16xf32>
              %jit3A = arith.constant 0x7F800000 : f32
              %broadcast_in_dim3A_382 = vector.broadcast %jit3A : f32 to vector<16xf32>
              %select_n3A = arith.select %lt3A_381, %get3A_359, %broadcast_in_dim3A_382 : vector<16xi1>, vector<16xf32>
              %broadcast_in_dim3A_383 = vector.broadcast %add3A_364 : i32 to vector<16xi32>
              %add3A_384 = arith.addi %broadcast_in_dim3A_383, %iota3A : vector<16xi32>
              %jit3A_385 = arith.constant 1073741824 : i32
              %broadcast_in_dim3A_386 = vector.broadcast %jit3A_385 : i32 to vector<16xi32>
              %select_n3A_387 = arith.select %lt3A_381, %add3A_384, %broadcast_in_dim3A_386 : vector<16xi1>, vector<16xi32>
              %masked_sort3A = arith.constant dense<true> : vector<16xi1>
              %masked_sort3A_388, %masked_sort3A_389, %masked_sort3A_390 = tpu.sort %select_n3A, %select_n3A_387 masked %masked_sort3A : (vector<16xf32>, vector<16xi32>, vector<16xi1>) -> (vector<16xi1>, vector<16xf32>, vector<16xi32>)
              %rev3A = arith.constant 15 : i32
              %rev3A_391 = vector.broadcast %rev3A : i32 to vector<16xi32>
              %rev3A_392 = tpu.iota {dimensions = array<i32: 0>} : vector<16xi32>
              %rev3A_393 = arith.subi %rev3A_391, %rev3A_392 : vector<16xi32>
              %rev3A_394 = tpu.dynamic_gather %masked_sort3A_389[%rev3A_393] in [0] : vector<16xf32>, vector<16xi32> -> vector<16xf32>
              %rev3A_395 = arith.constant 15 : i32
              %rev3A_396 = vector.broadcast %rev3A_395 : i32 to vector<16xi32>
              %rev3A_397 = tpu.iota {dimensions = array<i32: 0>} : vector<16xi32>
              %rev3A_398 = arith.subi %rev3A_396, %rev3A_397 : vector<16xi32>
              %rev3A_399 = tpu.dynamic_gather %masked_sort3A_390[%rev3A_398] in [0] : vector<16xi32>, vector<16xi32> -> vector<16xi32>
              %le3A = arith.cmpf ole, %cond3A_354#0, %rev3A_394 : vector<16xf32>
              %select_n3A_400 = arith.select %le3A, %cond3A_354#0, %rev3A_394 : vector<16xi1>, vector<16xf32>
              %select_n3A_401 = arith.select %le3A, %cond3A_354#1, %rev3A_399 : vector<16xi1>, vector<16xi32>
              %select_n3A_402 = arith.select %le3A, %rev3A_394, %cond3A_354#0 : vector<16xi1>, vector<16xf32>
              %select_n3A_403 = arith.select %le3A, %rev3A_399, %cond3A_354#1 : vector<16xi1>, vector<16xi32>
              %masked_sort3A_404 = arith.constant dense<true> : vector<16xi1>
              %masked_sort3A_405, %masked_sort3A_406, %masked_sort3A_407 = tpu.sort %select_n3A_400, %select_n3A_401 masked %masked_sort3A_404 : (vector<16xf32>, vector<16xi32>, vector<16xi1>) -> (vector<16xi1>, vector<16xf32>, vector<16xi32>)
              %masked_sort3A_408 = arith.constant dense<true> : vector<16xi1>
              %masked_sort3A_409, %masked_sort3A_410, %masked_sort3A_411 = tpu.sort %select_n3A_402, %select_n3A_403 masked %masked_sort3A_408 : (vector<16xf32>, vector<16xi32>, vector<16xi1>) -> (vector<16xi1>, vector<16xf32>, vector<16xi32>)
              %rev3A_412 = arith.constant 15 : i32
              %rev3A_413 = vector.broadcast %rev3A_412 : i32 to vector<16xi32>
              %rev3A_414 = tpu.iota {dimensions = array<i32: 0>} : vector<16xi32>
              %rev3A_415 = arith.subi %rev3A_413, %rev3A_414 : vector<16xi32>
              %rev3A_416 = tpu.dynamic_gather %masked_sort3A_410[%rev3A_415] in [0] : vector<16xf32>, vector<16xi32> -> vector<16xf32>
              %rev3A_417 = arith.constant 15 : i32
              %rev3A_418 = vector.broadcast %rev3A_417 : i32 to vector<16xi32>
              %rev3A_419 = tpu.iota {dimensions = array<i32: 0>} : vector<16xi32>
              %rev3A_420 = arith.subi %rev3A_418, %rev3A_419 : vector<16xi32>
              %rev3A_421 = tpu.dynamic_gather %masked_sort3A_411[%rev3A_420] in [0] : vector<16xi32>, vector<16xi32> -> vector<16xi32>
              %le3A_422 = arith.cmpf ole, %cond3A_354#2, %rev3A_416 : vector<16xf32>
              %select_n3A_423 = arith.select %le3A_422, %cond3A_354#2, %rev3A_416 : vector<16xi1>, vector<16xf32>
              %select_n3A_424 = arith.select %le3A_422, %cond3A_354#3, %rev3A_421 : vector<16xi1>, vector<16xi32>
              %masked_sort3A_425 = arith.constant dense<true> : vector<16xi1>
              %masked_sort3A_426, %masked_sort3A_427, %masked_sort3A_428 = tpu.sort %select_n3A_423, %select_n3A_424 masked %masked_sort3A_425 : (vector<16xf32>, vector<16xi32>, vector<16xi1>) -> (vector<16xi1>, vector<16xf32>, vector<16xi32>)
              %broadcast_in_dim3A_429 = arith.constant 15 : i32
              %broadcast_in_dim3A_430 = vector.broadcast %broadcast_in_dim3A_429 : i32 to vector<16xi32>
              %lt3A_431 = arith.constant 0 : i32
              %lt3A_432 = vector.broadcast %lt3A_431 : i32 to vector<16xi32>
              %lt3A_433 = arith.cmpi slt, %broadcast_in_dim3A_430, %lt3A_432 : vector<16xi32>
              %add3A_434 = arith.constant 16 : i32
              %add3A_435 = vector.broadcast %add3A_434 : i32 to vector<16xi32>
              %add3A_436 = arith.addi %broadcast_in_dim3A_430, %add3A_435 : vector<16xi32>
              %select_n3A_437 = arith.select %lt3A_433, %add3A_436, %broadcast_in_dim3A_430 : vector<16xi1>, vector<16xi32>
              %broadcast_in_dim3A_438 = vector.shape_cast %select_n3A_437 : vector<16xi32> to vector<16x1xi32>
              %gather3A = vector.shape_cast %broadcast_in_dim3A_438 : vector<16x1xi32> to vector<16xi32>
              %gather3A_439 = tpu.dynamic_gather %masked_sort3A_427[%gather3A] in [0] : vector<16xf32>, vector<16xi32> -> vector<16xf32>
              scf.yield %masked_sort3A_406, %masked_sort3A_407, %masked_sort3A_427, %masked_sort3A_428, %gather3A_439 : vector<16xf32>, vector<16xi32>, vector<16xf32>, vector<16xi32>, vector<16xf32>
            } else {
              scf.yield %cond3A_354#0, %cond3A_354#1, %cond3A_354#2, %cond3A_354#3, %cond3A_354#4 : vector<16xf32>, vector<16xi32>, vector<16xf32>, vector<16xi32>, vector<16xf32>
            }
            scf.yield %cond3A_380#0, %cond3A_380#1, %cond3A_380#2, %cond3A_380#3, %cond3A_380#4 : vector<16xf32>, vector<16xi32>, vector<16xf32>, vector<16xi32>, vector<16xf32>
          } else {
            scf.yield %scan3A_147, %scan3A_148, %scan3A_149, %scan3A_150, %scan3A_151 : vector<16xf32>, vector<16xi32>, vector<16xf32>, vector<16xi32>, vector<16xf32>
          }
          scf.yield %cond3A_172#0, %cond3A_172#1, %cond3A_172#2, %cond3A_172#3, %cond3A_172#4 : vector<16xf32>, vector<16xi32>, vector<16xf32>, vector<16xi32>, vector<16xf32>
        }
        %scan3A_145 = arith.constant 16 : i32
        scf.yield %scan3A_144#0, %scan3A_144#1, %scan3A_144#2, %scan3A_144#3, %scan3A_144#4 : vector<16xf32>, vector<16xi32>, vector<16xf32>, vector<16xi32>, vector<16xf32>
      }
      %scan3A_90 = arith.constant 10 : i32
      %dma_wait3A_91 = arith.constant 61440 : i32
      %dma_wait3A_92 = tpu.memref_slice %arg2[%add3A_11, %dma_wait3A_91] : memref<1024x102400xf32, #tpu.memory_space<hbm>> -> memref<1x20480xf32, #tpu.memory_space<hbm>>
      %dma_wait3A_93 = tpu.memref_squeeze %dma_wait3A_92 : memref<1x20480xf32, #tpu.memory_space<hbm>> -> memref<20480xf32, #tpu.memory_space<hbm>>
      %dma_wait3A_94 = arith.constant 61440 : i32
      %dma_wait3A_95 = tpu.memref_slice %arg2[%add3A_11, %dma_wait3A_94] : memref<1024x102400xf32, #tpu.memory_space<hbm>> -> memref<1x20480xf32, #tpu.memory_space<hbm>>
      %dma_wait3A_96 = tpu.memref_squeeze %dma_wait3A_95 : memref<1x20480xf32, #tpu.memory_space<hbm>> -> memref<20480xf32, #tpu.memory_space<hbm>>
      tpu.wait_dma2 semaphore(%arg12 : memref<!tpu.dma_semaphore, #tpu.memory_space<semaphore_mem>>) src(%dma_wait3A_96 : memref<20480xf32, #tpu.memory_space<hbm>>) dst(%arg7 : memref<20480xf32, #tpu.memory_space<vmem>>)
      %dma_start3A_97 = arith.constant 81920 : i32
      %dma_start3A_98 = tpu.memref_slice %arg2[%add3A_11, %dma_start3A_97] : memref<1024x102400xf32, #tpu.memory_space<hbm>> -> memref<1x20480xf32, #tpu.memory_space<hbm>>
      %dma_start3A_99 = tpu.memref_squeeze %dma_start3A_98 : memref<1x20480xf32, #tpu.memory_space<hbm>> -> memref<20480xf32, #tpu.memory_space<hbm>>
      %dma_start3A_100 = arith.constant 81920 : i32
      %dma_start3A_101 = tpu.memref_slice %arg2[%add3A_11, %dma_start3A_100] : memref<1024x102400xf32, #tpu.memory_space<hbm>> -> memref<1x20480xf32, #tpu.memory_space<hbm>>
      %dma_start3A_102 = tpu.memref_squeeze %dma_start3A_101 : memref<1x20480xf32, #tpu.memory_space<hbm>> -> memref<20480xf32, #tpu.memory_space<hbm>>
      tpu.enqueue_dma source(%dma_start3A_102 : memref<20480xf32, #tpu.memory_space<hbm>>) target(%arg6 : memref<20480xf32, #tpu.memory_space<vmem>>) target_semaphore(%arg11 : memref<!tpu.dma_semaphore, #tpu.memory_space<semaphore_mem>>)
      %scan3A_103 = arith.constant 0 : i32
      %scan3A_104 = arith.constant 10 : i32
      %scan3A_105 = arith.addi %scan3A_103, %scan3A_104 : i32
      %scan3A_106 = arith.constant 1 : i32
      %scan3A_107:5 = scf.for %scan3A_131 = %scan3A_103 to %scan3A_105 step %scan3A_106 iter_args(%scan3A_132 = %scan3A_89#0, %scan3A_133 = %scan3A_89#1, %scan3A_134 = %scan3A_89#2, %scan3A_135 = %scan3A_89#3, %scan3A_136 = %scan3A_89#4) -> (vector<16xf32>, vector<16xi32>, vector<16xf32>, vector<16xi32>, vector<16xf32>)  : i32 {
        %mul3A_137 = arith.constant 2048 : i32
        %mul3A_138 = arith.muli %scan3A_131, %mul3A_137 : i32
        %multiple_of3A_139 = tpu.assume_multiple %mul3A_138, 2048 : i32
        %scan3A_140 = arith.constant 0 : i32
        %scan3A_141 = arith.constant 16 : i32
        %scan3A_142 = arith.addi %scan3A_140, %scan3A_141 : i32
        %scan3A_143 = arith.constant 1 : i32
        %scan3A_144:5 = scf.for %scan3A_146 = %scan3A_140 to %scan3A_142 step %scan3A_143 iter_args(%scan3A_147 = %scan3A_132, %scan3A_148 = %scan3A_133, %scan3A_149 = %scan3A_134, %scan3A_150 = %scan3A_135, %scan3A_151 = %scan3A_136) -> (vector<16xf32>, vector<16xi32>, vector<16xf32>, vector<16xi32>, vector<16xf32>)  : i32 {
          %mul3A_152 = arith.constant 16 : i32
          %mul3A_153 = arith.muli %scan3A_146, %mul3A_152 : i32
          %multiple_of3A_154 = tpu.assume_multiple %mul3A_153, 16 : i32
          %mul3A_155 = arith.constant 256 : i32
          %mul3A_156 = arith.muli %scan3A_131, %mul3A_155 : i32
          %add3A_157 = arith.constant 7680 : i32
          %add3A_158 = arith.addi %add3A_157, %mul3A_156 : i32
          %add3A_159 = arith.addi %add3A_158, %multiple_of3A_154 : i32
          %get3A = arith.index_cast %add3A_159 : i32 to index
          %get3A_160 = tpu.vector_load %arg8[%get3A] {strides = array<i32>} : memref<12800xf32, #tpu.memory_space<vmem>>, vector<16xf32>,
          %lt3A = arith.cmpf olt, %get3A_160, %scan3A_151 : vector<16xf32>
          %reduce_or3A = arith.constant 1.000000e+00 : f32
          %reduce_or3A_161 = arith.constant 0.000000e+00 : f32
          %reduce_or3A_162 = vector.broadcast %reduce_or3A : f32 to vector<16xf32>
          %reduce_or3A_163 = vector.broadcast %reduce_or3A_161 : f32 to vector<16xf32>
          %reduce_or3A_164 = arith.select %lt3A, %reduce_or3A_162, %reduce_or3A_163 : vector<16xi1>, vector<16xf32>
          %reduce_or3A_165 = arith.constant true
          %reduce_or3A_166 = vector.broadcast %reduce_or3A_165 : i1 to vector<16xi1>
          %reduce_or3A_167 = tpu.scan <max>, %reduce_or3A_164 masked %reduce_or3A_166 : vector<16xf32>, vector<16xi1> -> vector<16xf32>
          %reduce_or3A_168 = vector.extract %reduce_or3A_167[15] : f32 from vector<16xf32>
          %reduce_or3A_169 = arith.constant 0.000000e+00 : f32
          %reduce_or3A_170 = arith.cmpf ogt, %reduce_or3A_168, %reduce_or3A_169 : f32
          %convert_element_type3A = arith.extui %reduce_or3A_170 : i1 to i32
          %cond3A = arith.constant 0 : i32
          %cond3A_171 = arith.cmpi ne, %convert_element_type3A, %cond3A : i32
          %cond3A_172:5 = scf.if %cond3A_171 -> (vector<16xf32>, vector<16xi32>, vector<16xf32>, vector<16xi32>, vector<16xf32>) {
            %add3A_173 = arith.constant 0 : i32
            %add3A_174 = arith.addi %multiple_of3A_139, %add3A_173 : i32
            %add3A_175 = arith.addi %add3A_174, %multiple_of3A_154 : i32
            %get3A_176 = arith.index_cast %add3A_175 : i32 to index
            %get3A_177 = tpu.vector_load %arg7[%get3A_176] {strides = array<i32>} : memref<20480xf32, #tpu.memory_space<vmem>>, vector<16xf32>,
            %add3A_178 = arith.constant 61440 : i32
            %add3A_179 = arith.addi %add3A_178, %multiple_of3A_139 : i32
            %add3A_180 = arith.constant 0 : i32
            %add3A_181 = arith.addi %add3A_179, %add3A_180 : i32
            %add3A_182 = arith.addi %add3A_181, %multiple_of3A_154 : i32
            %lt3A_183 = arith.cmpf olt, %get3A_177, %scan3A_151 : vector<16xf32>
            %reduce_or3A_184 = arith.constant 1.000000e+00 : f32
            %reduce_or3A_185 = arith.constant 0.000000e+00 : f32
            %reduce_or3A_186 = vector.broadcast %reduce_or3A_184 : f32 to vector<16xf32>
            %reduce_or3A_187 = vector.broadcast %reduce_or3A_185 : f32 to vector<16xf32>
            %reduce_or3A_188 = arith.select %lt3A_183, %reduce_or3A_186, %reduce_or3A_187 : vector<16xi1>, vector<16xf32>
            %reduce_or3A_189 = arith.constant true
            %reduce_or3A_190 = vector.broadcast %reduce_or3A_189 : i1 to vector<16xi1>
            %reduce_or3A_191 = tpu.scan <max>, %reduce_or3A_188 masked %reduce_or3A_190 : vector<16xf32>, vector<16xi1> -> vector<16xf32>
            %reduce_or3A_192 = vector.extract %reduce_or3A_191[15] : f32 from vector<16xf32>
            %reduce_or3A_193 = arith.constant 0.000000e+00 : f32
            %reduce_or3A_194 = arith.cmpf ogt, %reduce_or3A_192, %reduce_or3A_193 : f32
            %convert_element_type3A_195 = arith.extui %reduce_or3A_194 : i1 to i32
            %cond3A_196 = arith.constant 0 : i32
            %cond3A_197 = arith.cmpi ne, %convert_element_type3A_195, %cond3A_196 : i32
            %cond3A_198:5 = scf.if %cond3A_197 -> (vector<16xf32>, vector<16xi32>, vector<16xf32>, vector<16xi32>, vector<16xf32>) {
              %iota3A = tpu.iota {dimensions = array<i32: 0>} : vector<16xi32>
              %lt3A_381 = arith.cmpf olt, %get3A_177, %scan3A_151 : vector<16xf32>
              %jit3A = arith.constant 0x7F800000 : f32
              %broadcast_in_dim3A_382 = vector.broadcast %jit3A : f32 to vector<16xf32>
              %select_n3A = arith.select %lt3A_381, %get3A_177, %broadcast_in_dim3A_382 : vector<16xi1>, vector<16xf32>
              %broadcast_in_dim3A_383 = vector.broadcast %add3A_182 : i32 to vector<16xi32>
              %add3A_384 = arith.addi %broadcast_in_dim3A_383, %iota3A : vector<16xi32>
              %jit3A_385 = arith.constant 1073741824 : i32
              %broadcast_in_dim3A_386 = vector.broadcast %jit3A_385 : i32 to vector<16xi32>
              %select_n3A_387 = arith.select %lt3A_381, %add3A_384, %broadcast_in_dim3A_386 : vector<16xi1>, vector<16xi32>
              %masked_sort3A = arith.constant dense<true> : vector<16xi1>
              %masked_sort3A_388, %masked_sort3A_389, %masked_sort3A_390 = tpu.sort %select_n3A, %select_n3A_387 masked %masked_sort3A : (vector<16xf32>, vector<16xi32>, vector<16xi1>) -> (vector<16xi1>, vector<16xf32>, vector<16xi32>)
              %rev3A = arith.constant 15 : i32
              %rev3A_391 = vector.broadcast %rev3A : i32 to vector<16xi32>
              %rev3A_392 = tpu.iota {dimensions = array<i32: 0>} : vector<16xi32>
              %rev3A_393 = arith.subi %rev3A_391, %rev3A_392 : vector<16xi32>
              %rev3A_394 = tpu.dynamic_gather %masked_sort3A_389[%rev3A_393] in [0] : vector<16xf32>, vector<16xi32> -> vector<16xf32>
              %rev3A_395 = arith.constant 15 : i32
              %rev3A_396 = vector.broadcast %rev3A_395 : i32 to vector<16xi32>
              %rev3A_397 = tpu.iota {dimensions = array<i32: 0>} : vector<16xi32>
              %rev3A_398 = arith.subi %rev3A_396, %rev3A_397 : vector<16xi32>
              %rev3A_399 = tpu.dynamic_gather %masked_sort3A_390[%rev3A_398] in [0] : vector<16xi32>, vector<16xi32> -> vector<16xi32>
              %le3A = arith.cmpf ole, %scan3A_147, %rev3A_394 : vector<16xf32>
              %select_n3A_400 = arith.select %le3A, %scan3A_147, %rev3A_394 : vector<16xi1>, vector<16xf32>
              %select_n3A_401 = arith.select %le3A, %scan3A_148, %rev3A_399 : vector<16xi1>, vector<16xi32>
              %select_n3A_402 = arith.select %le3A, %rev3A_394, %scan3A_147 : vector<16xi1>, vector<16xf32>
              %select_n3A_403 = arith.select %le3A, %rev3A_399, %scan3A_148 : vector<16xi1>, vector<16xi32>
              %masked_sort3A_404 = arith.constant dense<true> : vector<16xi1>
              %masked_sort3A_405, %masked_sort3A_406, %masked_sort3A_407 = tpu.sort %select_n3A_400, %select_n3A_401 masked %masked_sort3A_404 : (vector<16xf32>, vector<16xi32>, vector<16xi1>) -> (vector<16xi1>, vector<16xf32>, vector<16xi32>)
              %masked_sort3A_408 = arith.constant dense<true> : vector<16xi1>
              %masked_sort3A_409, %masked_sort3A_410, %masked_sort3A_411 = tpu.sort %select_n3A_402, %select_n3A_403 masked %masked_sort3A_408 : (vector<16xf32>, vector<16xi32>, vector<16xi1>) -> (vector<16xi1>, vector<16xf32>, vector<16xi32>)
              %rev3A_412 = arith.constant 15 : i32
              %rev3A_413 = vector.broadcast %rev3A_412 : i32 to vector<16xi32>
              %rev3A_414 = tpu.iota {dimensions = array<i32: 0>} : vector<16xi32>
              %rev3A_415 = arith.subi %rev3A_413, %rev3A_414 : vector<16xi32>
              %rev3A_416 = tpu.dynamic_gather %masked_sort3A_410[%rev3A_415] in [0] : vector<16xf32>, vector<16xi32> -> vector<16xf32>
              %rev3A_417 = arith.constant 15 : i32
              %rev3A_418 = vector.broadcast %rev3A_417 : i32 to vector<16xi32>
              %rev3A_419 = tpu.iota {dimensions = array<i32: 0>} : vector<16xi32>
              %rev3A_420 = arith.subi %rev3A_418, %rev3A_419 : vector<16xi32>
              %rev3A_421 = tpu.dynamic_gather %masked_sort3A_411[%rev3A_420] in [0] : vector<16xi32>, vector<16xi32> -> vector<16xi32>
              %le3A_422 = arith.cmpf ole, %scan3A_149, %rev3A_416 : vector<16xf32>
              %select_n3A_423 = arith.select %le3A_422, %scan3A_149, %rev3A_416 : vector<16xi1>, vector<16xf32>
              %select_n3A_424 = arith.select %le3A_422, %scan3A_150, %rev3A_421 : vector<16xi1>, vector<16xi32>
              %masked_sort3A_425 = arith.constant dense<true> : vector<16xi1>
              %masked_sort3A_426, %masked_sort3A_427, %masked_sort3A_428 = tpu.sort %select_n3A_423, %select_n3A_424 masked %masked_sort3A_425 : (vector<16xf32>, vector<16xi32>, vector<16xi1>) -> (vector<16xi1>, vector<16xf32>, vector<16xi32>)
              %broadcast_in_dim3A_429 = arith.constant 15 : i32
              %broadcast_in_dim3A_430 = vector.broadcast %broadcast_in_dim3A_429 : i32 to vector<16xi32>
              %lt3A_431 = arith.constant 0 : i32
              %lt3A_432 = vector.broadcast %lt3A_431 : i32 to vector<16xi32>
              %lt3A_433 = arith.cmpi slt, %broadcast_in_dim3A_430, %lt3A_432 : vector<16xi32>
              %add3A_434 = arith.constant 16 : i32
              %add3A_435 = vector.broadcast %add3A_434 : i32 to vector<16xi32>
              %add3A_436 = arith.addi %broadcast_in_dim3A_430, %add3A_435 : vector<16xi32>
              %select_n3A_437 = arith.select %lt3A_433, %add3A_436, %broadcast_in_dim3A_430 : vector<16xi1>, vector<16xi32>
              %broadcast_in_dim3A_438 = vector.shape_cast %select_n3A_437 : vector<16xi32> to vector<16x1xi32>
              %gather3A = vector.shape_cast %broadcast_in_dim3A_438 : vector<16x1xi32> to vector<16xi32>
              %gather3A_439 = tpu.dynamic_gather %masked_sort3A_427[%gather3A] in [0] : vector<16xf32>, vector<16xi32> -> vector<16xf32>
              scf.yield %masked_sort3A_406, %masked_sort3A_407, %masked_sort3A_427, %masked_sort3A_428, %gather3A_439 : vector<16xf32>, vector<16xi32>, vector<16xf32>, vector<16xi32>, vector<16xf32>
            } else {
              scf.yield %scan3A_147, %scan3A_148, %scan3A_149, %scan3A_150, %scan3A_151 : vector<16xf32>, vector<16xi32>, vector<16xf32>, vector<16xi32>, vector<16xf32>
            }
            %add3A_199 = arith.constant 256 : i32
            %add3A_200 = arith.addi %multiple_of3A_139, %add3A_199 : i32
            %add3A_201 = arith.addi %add3A_200, %multiple_of3A_154 : i32
            %get3A_202 = arith.index_cast %add3A_201 : i32 to index
            %get3A_203 = tpu.vector_load %arg7[%get3A_202] {strides = array<i32>} : memref<20480xf32, #tpu.memory_space<vmem>>, vector<16xf32>,
            %add3A_204 = arith.constant 61440 : i32
            %add3A_205 = arith.addi %add3A_204, %multiple_of3A_139 : i32
            %add3A_206 = arith.constant 256 : i32
            %add3A_207 = arith.addi %add3A_205, %add3A_206 : i32
            %add3A_208 = arith.addi %add3A_207, %multiple_of3A_154 : i32
            %lt3A_209 = arith.cmpf olt, %get3A_203, %cond3A_198#4 : vector<16xf32>
            %reduce_or3A_210 = arith.constant 1.000000e+00 : f32
            %reduce_or3A_211 = arith.constant 0.000000e+00 : f32
            %reduce_or3A_212 = vector.broadcast %reduce_or3A_210 : f32 to vector<16xf32>
            %reduce_or3A_213 = vector.broadcast %reduce_or3A_211 : f32 to vector<16xf32>
            %reduce_or3A_214 = arith.select %lt3A_209, %reduce_or3A_212, %reduce_or3A_213 : vector<16xi1>, vector<16xf32>
            %reduce_or3A_215 = arith.constant true
            %reduce_or3A_216 = vector.broadcast %reduce_or3A_215 : i1 to vector<16xi1>
            %reduce_or3A_217 = tpu.scan <max>, %reduce_or3A_214 masked %reduce_or3A_216 : vector<16xf32>, vector<16xi1> -> vector<16xf32>
            %reduce_or3A_218 = vector.extract %reduce_or3A_217[15] : f32 from vector<16xf32>
            %reduce_or3A_219 = arith.constant 0.000000e+00 : f32
            %reduce_or3A_220 = arith.cmpf ogt, %reduce_or3A_218, %reduce_or3A_219 : f32
            %convert_element_type3A_221 = arith.extui %reduce_or3A_220 : i1 to i32
            %cond3A_222 = arith.constant 0 : i32
            %cond3A_223 = arith.cmpi ne, %convert_element_type3A_221, %cond3A_222 : i32
            %cond3A_224:5 = scf.if %cond3A_223 -> (vector<16xf32>, vector<16xi32>, vector<16xf32>, vector<16xi32>, vector<16xf32>) {
              %iota3A = tpu.iota {dimensions = array<i32: 0>} : vector<16xi32>
              %lt3A_381 = arith.cmpf olt, %get3A_203, %cond3A_198#4 : vector<16xf32>
              %jit3A = arith.constant 0x7F800000 : f32
              %broadcast_in_dim3A_382 = vector.broadcast %jit3A : f32 to vector<16xf32>
              %select_n3A = arith.select %lt3A_381, %get3A_203, %broadcast_in_dim3A_382 : vector<16xi1>, vector<16xf32>
              %broadcast_in_dim3A_383 = vector.broadcast %add3A_208 : i32 to vector<16xi32>
              %add3A_384 = arith.addi %broadcast_in_dim3A_383, %iota3A : vector<16xi32>
              %jit3A_385 = arith.constant 1073741824 : i32
              %broadcast_in_dim3A_386 = vector.broadcast %jit3A_385 : i32 to vector<16xi32>
              %select_n3A_387 = arith.select %lt3A_381, %add3A_384, %broadcast_in_dim3A_386 : vector<16xi1>, vector<16xi32>
              %masked_sort3A = arith.constant dense<true> : vector<16xi1>
              %masked_sort3A_388, %masked_sort3A_389, %masked_sort3A_390 = tpu.sort %select_n3A, %select_n3A_387 masked %masked_sort3A : (vector<16xf32>, vector<16xi32>, vector<16xi1>) -> (vector<16xi1>, vector<16xf32>, vector<16xi32>)
              %rev3A = arith.constant 15 : i32
              %rev3A_391 = vector.broadcast %rev3A : i32 to vector<16xi32>
              %rev3A_392 = tpu.iota {dimensions = array<i32: 0>} : vector<16xi32>
              %rev3A_393 = arith.subi %rev3A_391, %rev3A_392 : vector<16xi32>
              %rev3A_394 = tpu.dynamic_gather %masked_sort3A_389[%rev3A_393] in [0] : vector<16xf32>, vector<16xi32> -> vector<16xf32>
              %rev3A_395 = arith.constant 15 : i32
              %rev3A_396 = vector.broadcast %rev3A_395 : i32 to vector<16xi32>
              %rev3A_397 = tpu.iota {dimensions = array<i32: 0>} : vector<16xi32>
              %rev3A_398 = arith.subi %rev3A_396, %rev3A_397 : vector<16xi32>
              %rev3A_399 = tpu.dynamic_gather %masked_sort3A_390[%rev3A_398] in [0] : vector<16xi32>, vector<16xi32> -> vector<16xi32>
              %le3A = arith.cmpf ole, %cond3A_198#0, %rev3A_394 : vector<16xf32>
              %select_n3A_400 = arith.select %le3A, %cond3A_198#0, %rev3A_394 : vector<16xi1>, vector<16xf32>
              %select_n3A_401 = arith.select %le3A, %cond3A_198#1, %rev3A_399 : vector<16xi1>, vector<16xi32>
              %select_n3A_402 = arith.select %le3A, %rev3A_394, %cond3A_198#0 : vector<16xi1>, vector<16xf32>
              %select_n3A_403 = arith.select %le3A, %rev3A_399, %cond3A_198#1 : vector<16xi1>, vector<16xi32>
              %masked_sort3A_404 = arith.constant dense<true> : vector<16xi1>
              %masked_sort3A_405, %masked_sort3A_406, %masked_sort3A_407 = tpu.sort %select_n3A_400, %select_n3A_401 masked %masked_sort3A_404 : (vector<16xf32>, vector<16xi32>, vector<16xi1>) -> (vector<16xi1>, vector<16xf32>, vector<16xi32>)
              %masked_sort3A_408 = arith.constant dense<true> : vector<16xi1>
              %masked_sort3A_409, %masked_sort3A_410, %masked_sort3A_411 = tpu.sort %select_n3A_402, %select_n3A_403 masked %masked_sort3A_408 : (vector<16xf32>, vector<16xi32>, vector<16xi1>) -> (vector<16xi1>, vector<16xf32>, vector<16xi32>)
              %rev3A_412 = arith.constant 15 : i32
              %rev3A_413 = vector.broadcast %rev3A_412 : i32 to vector<16xi32>
              %rev3A_414 = tpu.iota {dimensions = array<i32: 0>} : vector<16xi32>
              %rev3A_415 = arith.subi %rev3A_413, %rev3A_414 : vector<16xi32>
              %rev3A_416 = tpu.dynamic_gather %masked_sort3A_410[%rev3A_415] in [0] : vector<16xf32>, vector<16xi32> -> vector<16xf32>
              %rev3A_417 = arith.constant 15 : i32
              %rev3A_418 = vector.broadcast %rev3A_417 : i32 to vector<16xi32>
              %rev3A_419 = tpu.iota {dimensions = array<i32: 0>} : vector<16xi32>
              %rev3A_420 = arith.subi %rev3A_418, %rev3A_419 : vector<16xi32>
              %rev3A_421 = tpu.dynamic_gather %masked_sort3A_411[%rev3A_420] in [0] : vector<16xi32>, vector<16xi32> -> vector<16xi32>
              %le3A_422 = arith.cmpf ole, %cond3A_198#2, %rev3A_416 : vector<16xf32>
              %select_n3A_423 = arith.select %le3A_422, %cond3A_198#2, %rev3A_416 : vector<16xi1>, vector<16xf32>
              %select_n3A_424 = arith.select %le3A_422, %cond3A_198#3, %rev3A_421 : vector<16xi1>, vector<16xi32>
              %masked_sort3A_425 = arith.constant dense<true> : vector<16xi1>
              %masked_sort3A_426, %masked_sort3A_427, %masked_sort3A_428 = tpu.sort %select_n3A_423, %select_n3A_424 masked %masked_sort3A_425 : (vector<16xf32>, vector<16xi32>, vector<16xi1>) -> (vector<16xi1>, vector<16xf32>, vector<16xi32>)
              %broadcast_in_dim3A_429 = arith.constant 15 : i32
              %broadcast_in_dim3A_430 = vector.broadcast %broadcast_in_dim3A_429 : i32 to vector<16xi32>
              %lt3A_431 = arith.constant 0 : i32
              %lt3A_432 = vector.broadcast %lt3A_431 : i32 to vector<16xi32>
              %lt3A_433 = arith.cmpi slt, %broadcast_in_dim3A_430, %lt3A_432 : vector<16xi32>
              %add3A_434 = arith.constant 16 : i32
              %add3A_435 = vector.broadcast %add3A_434 : i32 to vector<16xi32>
              %add3A_436 = arith.addi %broadcast_in_dim3A_430, %add3A_435 : vector<16xi32>
              %select_n3A_437 = arith.select %lt3A_433, %add3A_436, %broadcast_in_dim3A_430 : vector<16xi1>, vector<16xi32>
              %broadcast_in_dim3A_438 = vector.shape_cast %select_n3A_437 : vector<16xi32> to vector<16x1xi32>
              %gather3A = vector.shape_cast %broadcast_in_dim3A_438 : vector<16x1xi32> to vector<16xi32>
              %gather3A_439 = tpu.dynamic_gather %masked_sort3A_427[%gather3A] in [0] : vector<16xf32>, vector<16xi32> -> vector<16xf32>
              scf.yield %masked_sort3A_406, %masked_sort3A_407, %masked_sort3A_427, %masked_sort3A_428, %gather3A_439 : vector<16xf32>, vector<16xi32>, vector<16xf32>, vector<16xi32>, vector<16xf32>
            } else {
              scf.yield %cond3A_198#0, %cond3A_198#1, %cond3A_198#2, %cond3A_198#3, %cond3A_198#4 : vector<16xf32>, vector<16xi32>, vector<16xf32>, vector<16xi32>, vector<16xf32>
            }
            %add3A_225 = arith.constant 512 : i32
            %add3A_226 = arith.addi %multiple_of3A_139, %add3A_225 : i32
            %add3A_227 = arith.addi %add3A_226, %multiple_of3A_154 : i32
            %get3A_228 = arith.index_cast %add3A_227 : i32 to index
            %get3A_229 = tpu.vector_load %arg7[%get3A_228] {strides = array<i32>} : memref<20480xf32, #tpu.memory_space<vmem>>, vector<16xf32>,
            %add3A_230 = arith.constant 61440 : i32
            %add3A_231 = arith.addi %add3A_230, %multiple_of3A_139 : i32
            %add3A_232 = arith.constant 512 : i32
            %add3A_233 = arith.addi %add3A_231, %add3A_232 : i32
            %add3A_234 = arith.addi %add3A_233, %multiple_of3A_154 : i32
            %lt3A_235 = arith.cmpf olt, %get3A_229, %cond3A_224#4 : vector<16xf32>
            %reduce_or3A_236 = arith.constant 1.000000e+00 : f32
            %reduce_or3A_237 = arith.constant 0.000000e+00 : f32
            %reduce_or3A_238 = vector.broadcast %reduce_or3A_236 : f32 to vector<16xf32>
            %reduce_or3A_239 = vector.broadcast %reduce_or3A_237 : f32 to vector<16xf32>
            %reduce_or3A_240 = arith.select %lt3A_235, %reduce_or3A_238, %reduce_or3A_239 : vector<16xi1>, vector<16xf32>
            %reduce_or3A_241 = arith.constant true
            %reduce_or3A_242 = vector.broadcast %reduce_or3A_241 : i1 to vector<16xi1>
            %reduce_or3A_243 = tpu.scan <max>, %reduce_or3A_240 masked %reduce_or3A_242 : vector<16xf32>, vector<16xi1> -> vector<16xf32>
            %reduce_or3A_244 = vector.extract %reduce_or3A_243[15] : f32 from vector<16xf32>
            %reduce_or3A_245 = arith.constant 0.000000e+00 : f32
            %reduce_or3A_246 = arith.cmpf ogt, %reduce_or3A_244, %reduce_or3A_245 : f32
            %convert_element_type3A_247 = arith.extui %reduce_or3A_246 : i1 to i32
            %cond3A_248 = arith.constant 0 : i32
            %cond3A_249 = arith.cmpi ne, %convert_element_type3A_247, %cond3A_248 : i32
            %cond3A_250:5 = scf.if %cond3A_249 -> (vector<16xf32>, vector<16xi32>, vector<16xf32>, vector<16xi32>, vector<16xf32>) {
              %iota3A = tpu.iota {dimensions = array<i32: 0>} : vector<16xi32>
              %lt3A_381 = arith.cmpf olt, %get3A_229, %cond3A_224#4 : vector<16xf32>
              %jit3A = arith.constant 0x7F800000 : f32
              %broadcast_in_dim3A_382 = vector.broadcast %jit3A : f32 to vector<16xf32>
              %select_n3A = arith.select %lt3A_381, %get3A_229, %broadcast_in_dim3A_382 : vector<16xi1>, vector<16xf32>
              %broadcast_in_dim3A_383 = vector.broadcast %add3A_234 : i32 to vector<16xi32>
              %add3A_384 = arith.addi %broadcast_in_dim3A_383, %iota3A : vector<16xi32>
              %jit3A_385 = arith.constant 1073741824 : i32
              %broadcast_in_dim3A_386 = vector.broadcast %jit3A_385 : i32 to vector<16xi32>
              %select_n3A_387 = arith.select %lt3A_381, %add3A_384, %broadcast_in_dim3A_386 : vector<16xi1>, vector<16xi32>
              %masked_sort3A = arith.constant dense<true> : vector<16xi1>
              %masked_sort3A_388, %masked_sort3A_389, %masked_sort3A_390 = tpu.sort %select_n3A, %select_n3A_387 masked %masked_sort3A : (vector<16xf32>, vector<16xi32>, vector<16xi1>) -> (vector<16xi1>, vector<16xf32>, vector<16xi32>)
              %rev3A = arith.constant 15 : i32
              %rev3A_391 = vector.broadcast %rev3A : i32 to vector<16xi32>
              %rev3A_392 = tpu.iota {dimensions = array<i32: 0>} : vector<16xi32>
              %rev3A_393 = arith.subi %rev3A_391, %rev3A_392 : vector<16xi32>
              %rev3A_394 = tpu.dynamic_gather %masked_sort3A_389[%rev3A_393] in [0] : vector<16xf32>, vector<16xi32> -> vector<16xf32>
              %rev3A_395 = arith.constant 15 : i32
              %rev3A_396 = vector.broadcast %rev3A_395 : i32 to vector<16xi32>
              %rev3A_397 = tpu.iota {dimensions = array<i32: 0>} : vector<16xi32>
              %rev3A_398 = arith.subi %rev3A_396, %rev3A_397 : vector<16xi32>
              %rev3A_399 = tpu.dynamic_gather %masked_sort3A_390[%rev3A_398] in [0] : vector<16xi32>, vector<16xi32> -> vector<16xi32>
              %le3A = arith.cmpf ole, %cond3A_224#0, %rev3A_394 : vector<16xf32>
              %select_n3A_400 = arith.select %le3A, %cond3A_224#0, %rev3A_394 : vector<16xi1>, vector<16xf32>
              %select_n3A_401 = arith.select %le3A, %cond3A_224#1, %rev3A_399 : vector<16xi1>, vector<16xi32>
              %select_n3A_402 = arith.select %le3A, %rev3A_394, %cond3A_224#0 : vector<16xi1>, vector<16xf32>
              %select_n3A_403 = arith.select %le3A, %rev3A_399, %cond3A_224#1 : vector<16xi1>, vector<16xi32>
              %masked_sort3A_404 = arith.constant dense<true> : vector<16xi1>
              %masked_sort3A_405, %masked_sort3A_406, %masked_sort3A_407 = tpu.sort %select_n3A_400, %select_n3A_401 masked %masked_sort3A_404 : (vector<16xf32>, vector<16xi32>, vector<16xi1>) -> (vector<16xi1>, vector<16xf32>, vector<16xi32>)
              %masked_sort3A_408 = arith.constant dense<true> : vector<16xi1>
              %masked_sort3A_409, %masked_sort3A_410, %masked_sort3A_411 = tpu.sort %select_n3A_402, %select_n3A_403 masked %masked_sort3A_408 : (vector<16xf32>, vector<16xi32>, vector<16xi1>) -> (vector<16xi1>, vector<16xf32>, vector<16xi32>)
              %rev3A_412 = arith.constant 15 : i32
              %rev3A_413 = vector.broadcast %rev3A_412 : i32 to vector<16xi32>
              %rev3A_414 = tpu.iota {dimensions = array<i32: 0>} : vector<16xi32>
              %rev3A_415 = arith.subi %rev3A_413, %rev3A_414 : vector<16xi32>
              %rev3A_416 = tpu.dynamic_gather %masked_sort3A_410[%rev3A_415] in [0] : vector<16xf32>, vector<16xi32> -> vector<16xf32>
              %rev3A_417 = arith.constant 15 : i32
              %rev3A_418 = vector.broadcast %rev3A_417 : i32 to vector<16xi32>
              %rev3A_419 = tpu.iota {dimensions = array<i32: 0>} : vector<16xi32>
              %rev3A_420 = arith.subi %rev3A_418, %rev3A_419 : vector<16xi32>
              %rev3A_421 = tpu.dynamic_gather %masked_sort3A_411[%rev3A_420] in [0] : vector<16xi32>, vector<16xi32> -> vector<16xi32>
              %le3A_422 = arith.cmpf ole, %cond3A_224#2, %rev3A_416 : vector<16xf32>
              %select_n3A_423 = arith.select %le3A_422, %cond3A_224#2, %rev3A_416 : vector<16xi1>, vector<16xf32>
              %select_n3A_424 = arith.select %le3A_422, %cond3A_224#3, %rev3A_421 : vector<16xi1>, vector<16xi32>
              %masked_sort3A_425 = arith.constant dense<true> : vector<16xi1>
              %masked_sort3A_426, %masked_sort3A_427, %masked_sort3A_428 = tpu.sort %select_n3A_423, %select_n3A_424 masked %masked_sort3A_425 : (vector<16xf32>, vector<16xi32>, vector<16xi1>) -> (vector<16xi1>, vector<16xf32>, vector<16xi32>)
              %broadcast_in_dim3A_429 = arith.constant 15 : i32
              %broadcast_in_dim3A_430 = vector.broadcast %broadcast_in_dim3A_429 : i32 to vector<16xi32>
              %lt3A_431 = arith.constant 0 : i32
              %lt3A_432 = vector.broadcast %lt3A_431 : i32 to vector<16xi32>
              %lt3A_433 = arith.cmpi slt, %broadcast_in_dim3A_430, %lt3A_432 : vector<16xi32>
              %add3A_434 = arith.constant 16 : i32
              %add3A_435 = vector.broadcast %add3A_434 : i32 to vector<16xi32>
              %add3A_436 = arith.addi %broadcast_in_dim3A_430, %add3A_435 : vector<16xi32>
              %select_n3A_437 = arith.select %lt3A_433, %add3A_436, %broadcast_in_dim3A_430 : vector<16xi1>, vector<16xi32>
              %broadcast_in_dim3A_438 = vector.shape_cast %select_n3A_437 : vector<16xi32> to vector<16x1xi32>
              %gather3A = vector.shape_cast %broadcast_in_dim3A_438 : vector<16x1xi32> to vector<16xi32>
              %gather3A_439 = tpu.dynamic_gather %masked_sort3A_427[%gather3A] in [0] : vector<16xf32>, vector<16xi32> -> vector<16xf32>
              scf.yield %masked_sort3A_406, %masked_sort3A_407, %masked_sort3A_427, %masked_sort3A_428, %gather3A_439 : vector<16xf32>, vector<16xi32>, vector<16xf32>, vector<16xi32>, vector<16xf32>
            } else {
              scf.yield %cond3A_224#0, %cond3A_224#1, %cond3A_224#2, %cond3A_224#3, %cond3A_224#4 : vector<16xf32>, vector<16xi32>, vector<16xf32>, vector<16xi32>, vector<16xf32>
            }
            %add3A_251 = arith.constant 768 : i32
            %add3A_252 = arith.addi %multiple_of3A_139, %add3A_251 : i32
            %add3A_253 = arith.addi %add3A_252, %multiple_of3A_154 : i32
            %get3A_254 = arith.index_cast %add3A_253 : i32 to index
            %get3A_255 = tpu.vector_load %arg7[%get3A_254] {strides = array<i32>} : memref<20480xf32, #tpu.memory_space<vmem>>, vector<16xf32>,
            %add3A_256 = arith.constant 61440 : i32
            %add3A_257 = arith.addi %add3A_256, %multiple_of3A_139 : i32
            %add3A_258 = arith.constant 768 : i32
            %add3A_259 = arith.addi %add3A_257, %add3A_258 : i32
            %add3A_260 = arith.addi %add3A_259, %multiple_of3A_154 : i32
            %lt3A_261 = arith.cmpf olt, %get3A_255, %cond3A_250#4 : vector<16xf32>
            %reduce_or3A_262 = arith.constant 1.000000e+00 : f32
            %reduce_or3A_263 = arith.constant 0.000000e+00 : f32
            %reduce_or3A_264 = vector.broadcast %reduce_or3A_262 : f32 to vector<16xf32>
            %reduce_or3A_265 = vector.broadcast %reduce_or3A_263 : f32 to vector<16xf32>
            %reduce_or3A_266 = arith.select %lt3A_261, %reduce_or3A_264, %reduce_or3A_265 : vector<16xi1>, vector<16xf32>
            %reduce_or3A_267 = arith.constant true
            %reduce_or3A_268 = vector.broadcast %reduce_or3A_267 : i1 to vector<16xi1>
            %reduce_or3A_269 = tpu.scan <max>, %reduce_or3A_266 masked %reduce_or3A_268 : vector<16xf32>, vector<16xi1> -> vector<16xf32>
            %reduce_or3A_270 = vector.extract %reduce_or3A_269[15] : f32 from vector<16xf32>
            %reduce_or3A_271 = arith.constant 0.000000e+00 : f32
            %reduce_or3A_272 = arith.cmpf ogt, %reduce_or3A_270, %reduce_or3A_271 : f32
            %convert_element_type3A_273 = arith.extui %reduce_or3A_272 : i1 to i32
            %cond3A_274 = arith.constant 0 : i32
            %cond3A_275 = arith.cmpi ne, %convert_element_type3A_273, %cond3A_274 : i32
            %cond3A_276:5 = scf.if %cond3A_275 -> (vector<16xf32>, vector<16xi32>, vector<16xf32>, vector<16xi32>, vector<16xf32>) {
              %iota3A = tpu.iota {dimensions = array<i32: 0>} : vector<16xi32>
              %lt3A_381 = arith.cmpf olt, %get3A_255, %cond3A_250#4 : vector<16xf32>
              %jit3A = arith.constant 0x7F800000 : f32
              %broadcast_in_dim3A_382 = vector.broadcast %jit3A : f32 to vector<16xf32>
              %select_n3A = arith.select %lt3A_381, %get3A_255, %broadcast_in_dim3A_382 : vector<16xi1>, vector<16xf32>
              %broadcast_in_dim3A_383 = vector.broadcast %add3A_260 : i32 to vector<16xi32>
              %add3A_384 = arith.addi %broadcast_in_dim3A_383, %iota3A : vector<16xi32>
              %jit3A_385 = arith.constant 1073741824 : i32
              %broadcast_in_dim3A_386 = vector.broadcast %jit3A_385 : i32 to vector<16xi32>
              %select_n3A_387 = arith.select %lt3A_381, %add3A_384, %broadcast_in_dim3A_386 : vector<16xi1>, vector<16xi32>
              %masked_sort3A = arith.constant dense<true> : vector<16xi1>
              %masked_sort3A_388, %masked_sort3A_389, %masked_sort3A_390 = tpu.sort %select_n3A, %select_n3A_387 masked %masked_sort3A : (vector<16xf32>, vector<16xi32>, vector<16xi1>) -> (vector<16xi1>, vector<16xf32>, vector<16xi32>)
              %rev3A = arith.constant 15 : i32
              %rev3A_391 = vector.broadcast %rev3A : i32 to vector<16xi32>
              %rev3A_392 = tpu.iota {dimensions = array<i32: 0>} : vector<16xi32>
              %rev3A_393 = arith.subi %rev3A_391, %rev3A_392 : vector<16xi32>
              %rev3A_394 = tpu.dynamic_gather %masked_sort3A_389[%rev3A_393] in [0] : vector<16xf32>, vector<16xi32> -> vector<16xf32>
              %rev3A_395 = arith.constant 15 : i32
              %rev3A_396 = vector.broadcast %rev3A_395 : i32 to vector<16xi32>
              %rev3A_397 = tpu.iota {dimensions = array<i32: 0>} : vector<16xi32>
              %rev3A_398 = arith.subi %rev3A_396, %rev3A_397 : vector<16xi32>
              %rev3A_399 = tpu.dynamic_gather %masked_sort3A_390[%rev3A_398] in [0] : vector<16xi32>, vector<16xi32> -> vector<16xi32>
              %le3A = arith.cmpf ole, %cond3A_250#0, %rev3A_394 : vector<16xf32>
              %select_n3A_400 = arith.select %le3A, %cond3A_250#0, %rev3A_394 : vector<16xi1>, vector<16xf32>
              %select_n3A_401 = arith.select %le3A, %cond3A_250#1, %rev3A_399 : vector<16xi1>, vector<16xi32>
              %select_n3A_402 = arith.select %le3A, %rev3A_394, %cond3A_250#0 : vector<16xi1>, vector<16xf32>
              %select_n3A_403 = arith.select %le3A, %rev3A_399, %cond3A_250#1 : vector<16xi1>, vector<16xi32>
              %masked_sort3A_404 = arith.constant dense<true> : vector<16xi1>
              %masked_sort3A_405, %masked_sort3A_406, %masked_sort3A_407 = tpu.sort %select_n3A_400, %select_n3A_401 masked %masked_sort3A_404 : (vector<16xf32>, vector<16xi32>, vector<16xi1>) -> (vector<16xi1>, vector<16xf32>, vector<16xi32>)
              %masked_sort3A_408 = arith.constant dense<true> : vector<16xi1>
              %masked_sort3A_409, %masked_sort3A_410, %masked_sort3A_411 = tpu.sort %select_n3A_402, %select_n3A_403 masked %masked_sort3A_408 : (vector<16xf32>, vector<16xi32>, vector<16xi1>) -> (vector<16xi1>, vector<16xf32>, vector<16xi32>)
              %rev3A_412 = arith.constant 15 : i32
              %rev3A_413 = vector.broadcast %rev3A_412 : i32 to vector<16xi32>
              %rev3A_414 = tpu.iota {dimensions = array<i32: 0>} : vector<16xi32>
              %rev3A_415 = arith.subi %rev3A_413, %rev3A_414 : vector<16xi32>
              %rev3A_416 = tpu.dynamic_gather %masked_sort3A_410[%rev3A_415] in [0] : vector<16xf32>, vector<16xi32> -> vector<16xf32>
              %rev3A_417 = arith.constant 15 : i32
              %rev3A_418 = vector.broadcast %rev3A_417 : i32 to vector<16xi32>
              %rev3A_419 = tpu.iota {dimensions = array<i32: 0>} : vector<16xi32>
              %rev3A_420 = arith.subi %rev3A_418, %rev3A_419 : vector<16xi32>
              %rev3A_421 = tpu.dynamic_gather %masked_sort3A_411[%rev3A_420] in [0] : vector<16xi32>, vector<16xi32> -> vector<16xi32>
              %le3A_422 = arith.cmpf ole, %cond3A_250#2, %rev3A_416 : vector<16xf32>
              %select_n3A_423 = arith.select %le3A_422, %cond3A_250#2, %rev3A_416 : vector<16xi1>, vector<16xf32>
              %select_n3A_424 = arith.select %le3A_422, %cond3A_250#3, %rev3A_421 : vector<16xi1>, vector<16xi32>
              %masked_sort3A_425 = arith.constant dense<true> : vector<16xi1>
              %masked_sort3A_426, %masked_sort3A_427, %masked_sort3A_428 = tpu.sort %select_n3A_423, %select_n3A_424 masked %masked_sort3A_425 : (vector<16xf32>, vector<16xi32>, vector<16xi1>) -> (vector<16xi1>, vector<16xf32>, vector<16xi32>)
              %broadcast_in_dim3A_429 = arith.constant 15 : i32
              %broadcast_in_dim3A_430 = vector.broadcast %broadcast_in_dim3A_429 : i32 to vector<16xi32>
              %lt3A_431 = arith.constant 0 : i32
              %lt3A_432 = vector.broadcast %lt3A_431 : i32 to vector<16xi32>
              %lt3A_433 = arith.cmpi slt, %broadcast_in_dim3A_430, %lt3A_432 : vector<16xi32>
              %add3A_434 = arith.constant 16 : i32
              %add3A_435 = vector.broadcast %add3A_434 : i32 to vector<16xi32>
              %add3A_436 = arith.addi %broadcast_in_dim3A_430, %add3A_435 : vector<16xi32>
              %select_n3A_437 = arith.select %lt3A_433, %add3A_436, %broadcast_in_dim3A_430 : vector<16xi1>, vector<16xi32>
              %broadcast_in_dim3A_438 = vector.shape_cast %select_n3A_437 : vector<16xi32> to vector<16x1xi32>
              %gather3A = vector.shape_cast %broadcast_in_dim3A_438 : vector<16x1xi32> to vector<16xi32>
              %gather3A_439 = tpu.dynamic_gather %masked_sort3A_427[%gather3A] in [0] : vector<16xf32>, vector<16xi32> -> vector<16xf32>
              scf.yield %masked_sort3A_406, %masked_sort3A_407, %masked_sort3A_427, %masked_sort3A_428, %gather3A_439 : vector<16xf32>, vector<16xi32>, vector<16xf32>, vector<16xi32>, vector<16xf32>
            } else {
              scf.yield %cond3A_250#0, %cond3A_250#1, %cond3A_250#2, %cond3A_250#3, %cond3A_250#4 : vector<16xf32>, vector<16xi32>, vector<16xf32>, vector<16xi32>, vector<16xf32>
            }
            %add3A_277 = arith.constant 1024 : i32
            %add3A_278 = arith.addi %multiple_of3A_139, %add3A_277 : i32
            %add3A_279 = arith.addi %add3A_278, %multiple_of3A_154 : i32
            %get3A_280 = arith.index_cast %add3A_279 : i32 to index
            %get3A_281 = tpu.vector_load %arg7[%get3A_280] {strides = array<i32>} : memref<20480xf32, #tpu.memory_space<vmem>>, vector<16xf32>,
            %add3A_282 = arith.constant 61440 : i32
            %add3A_283 = arith.addi %add3A_282, %multiple_of3A_139 : i32
            %add3A_284 = arith.constant 1024 : i32
            %add3A_285 = arith.addi %add3A_283, %add3A_284 : i32
            %add3A_286 = arith.addi %add3A_285, %multiple_of3A_154 : i32
            %lt3A_287 = arith.cmpf olt, %get3A_281, %cond3A_276#4 : vector<16xf32>
            %reduce_or3A_288 = arith.constant 1.000000e+00 : f32
            %reduce_or3A_289 = arith.constant 0.000000e+00 : f32
            %reduce_or3A_290 = vector.broadcast %reduce_or3A_288 : f32 to vector<16xf32>
            %reduce_or3A_291 = vector.broadcast %reduce_or3A_289 : f32 to vector<16xf32>
            %reduce_or3A_292 = arith.select %lt3A_287, %reduce_or3A_290, %reduce_or3A_291 : vector<16xi1>, vector<16xf32>
            %reduce_or3A_293 = arith.constant true
            %reduce_or3A_294 = vector.broadcast %reduce_or3A_293 : i1 to vector<16xi1>
            %reduce_or3A_295 = tpu.scan <max>, %reduce_or3A_292 masked %reduce_or3A_294 : vector<16xf32>, vector<16xi1> -> vector<16xf32>
            %reduce_or3A_296 = vector.extract %reduce_or3A_295[15] : f32 from vector<16xf32>
            %reduce_or3A_297 = arith.constant 0.000000e+00 : f32
            %reduce_or3A_298 = arith.cmpf ogt, %reduce_or3A_296, %reduce_or3A_297 : f32
            %convert_element_type3A_299 = arith.extui %reduce_or3A_298 : i1 to i32
            %cond3A_300 = arith.constant 0 : i32
            %cond3A_301 = arith.cmpi ne, %convert_element_type3A_299, %cond3A_300 : i32
            %cond3A_302:5 = scf.if %cond3A_301 -> (vector<16xf32>, vector<16xi32>, vector<16xf32>, vector<16xi32>, vector<16xf32>) {
              %iota3A = tpu.iota {dimensions = array<i32: 0>} : vector<16xi32>
              %lt3A_381 = arith.cmpf olt, %get3A_281, %cond3A_276#4 : vector<16xf32>
              %jit3A = arith.constant 0x7F800000 : f32
              %broadcast_in_dim3A_382 = vector.broadcast %jit3A : f32 to vector<16xf32>
              %select_n3A = arith.select %lt3A_381, %get3A_281, %broadcast_in_dim3A_382 : vector<16xi1>, vector<16xf32>
              %broadcast_in_dim3A_383 = vector.broadcast %add3A_286 : i32 to vector<16xi32>
              %add3A_384 = arith.addi %broadcast_in_dim3A_383, %iota3A : vector<16xi32>
              %jit3A_385 = arith.constant 1073741824 : i32
              %broadcast_in_dim3A_386 = vector.broadcast %jit3A_385 : i32 to vector<16xi32>
              %select_n3A_387 = arith.select %lt3A_381, %add3A_384, %broadcast_in_dim3A_386 : vector<16xi1>, vector<16xi32>
              %masked_sort3A = arith.constant dense<true> : vector<16xi1>
              %masked_sort3A_388, %masked_sort3A_389, %masked_sort3A_390 = tpu.sort %select_n3A, %select_n3A_387 masked %masked_sort3A : (vector<16xf32>, vector<16xi32>, vector<16xi1>) -> (vector<16xi1>, vector<16xf32>, vector<16xi32>)
              %rev3A = arith.constant 15 : i32
              %rev3A_391 = vector.broadcast %rev3A : i32 to vector<16xi32>
              %rev3A_392 = tpu.iota {dimensions = array<i32: 0>} : vector<16xi32>
              %rev3A_393 = arith.subi %rev3A_391, %rev3A_392 : vector<16xi32>
              %rev3A_394 = tpu.dynamic_gather %masked_sort3A_389[%rev3A_393] in [0] : vector<16xf32>, vector<16xi32> -> vector<16xf32>
              %rev3A_395 = arith.constant 15 : i32
              %rev3A_396 = vector.broadcast %rev3A_395 : i32 to vector<16xi32>
              %rev3A_397 = tpu.iota {dimensions = array<i32: 0>} : vector<16xi32>
              %rev3A_398 = arith.subi %rev3A_396, %rev3A_397 : vector<16xi32>
              %rev3A_399 = tpu.dynamic_gather %masked_sort3A_390[%rev3A_398] in [0] : vector<16xi32>, vector<16xi32> -> vector<16xi32>
              %le3A = arith.cmpf ole, %cond3A_276#0, %rev3A_394 : vector<16xf32>
              %select_n3A_400 = arith.select %le3A, %cond3A_276#0, %rev3A_394 : vector<16xi1>, vector<16xf32>
              %select_n3A_401 = arith.select %le3A, %cond3A_276#1, %rev3A_399 : vector<16xi1>, vector<16xi32>
              %select_n3A_402 = arith.select %le3A, %rev3A_394, %cond3A_276#0 : vector<16xi1>, vector<16xf32>
              %select_n3A_403 = arith.select %le3A, %rev3A_399, %cond3A_276#1 : vector<16xi1>, vector<16xi32>
              %masked_sort3A_404 = arith.constant dense<true> : vector<16xi1>
              %masked_sort3A_405, %masked_sort3A_406, %masked_sort3A_407 = tpu.sort %select_n3A_400, %select_n3A_401 masked %masked_sort3A_404 : (vector<16xf32>, vector<16xi32>, vector<16xi1>) -> (vector<16xi1>, vector<16xf32>, vector<16xi32>)
              %masked_sort3A_408 = arith.constant dense<true> : vector<16xi1>
              %masked_sort3A_409, %masked_sort3A_410, %masked_sort3A_411 = tpu.sort %select_n3A_402, %select_n3A_403 masked %masked_sort3A_408 : (vector<16xf32>, vector<16xi32>, vector<16xi1>) -> (vector<16xi1>, vector<16xf32>, vector<16xi32>)
              %rev3A_412 = arith.constant 15 : i32
              %rev3A_413 = vector.broadcast %rev3A_412 : i32 to vector<16xi32>
              %rev3A_414 = tpu.iota {dimensions = array<i32: 0>} : vector<16xi32>
              %rev3A_415 = arith.subi %rev3A_413, %rev3A_414 : vector<16xi32>
              %rev3A_416 = tpu.dynamic_gather %masked_sort3A_410[%rev3A_415] in [0] : vector<16xf32>, vector<16xi32> -> vector<16xf32>
              %rev3A_417 = arith.constant 15 : i32
              %rev3A_418 = vector.broadcast %rev3A_417 : i32 to vector<16xi32>
              %rev3A_419 = tpu.iota {dimensions = array<i32: 0>} : vector<16xi32>
              %rev3A_420 = arith.subi %rev3A_418, %rev3A_419 : vector<16xi32>
              %rev3A_421 = tpu.dynamic_gather %masked_sort3A_411[%rev3A_420] in [0] : vector<16xi32>, vector<16xi32> -> vector<16xi32>
              %le3A_422 = arith.cmpf ole, %cond3A_276#2, %rev3A_416 : vector<16xf32>
              %select_n3A_423 = arith.select %le3A_422, %cond3A_276#2, %rev3A_416 : vector<16xi1>, vector<16xf32>
              %select_n3A_424 = arith.select %le3A_422, %cond3A_276#3, %rev3A_421 : vector<16xi1>, vector<16xi32>
              %masked_sort3A_425 = arith.constant dense<true> : vector<16xi1>
              %masked_sort3A_426, %masked_sort3A_427, %masked_sort3A_428 = tpu.sort %select_n3A_423, %select_n3A_424 masked %masked_sort3A_425 : (vector<16xf32>, vector<16xi32>, vector<16xi1>) -> (vector<16xi1>, vector<16xf32>, vector<16xi32>)
              %broadcast_in_dim3A_429 = arith.constant 15 : i32
              %broadcast_in_dim3A_430 = vector.broadcast %broadcast_in_dim3A_429 : i32 to vector<16xi32>
              %lt3A_431 = arith.constant 0 : i32
              %lt3A_432 = vector.broadcast %lt3A_431 : i32 to vector<16xi32>
              %lt3A_433 = arith.cmpi slt, %broadcast_in_dim3A_430, %lt3A_432 : vector<16xi32>
              %add3A_434 = arith.constant 16 : i32
              %add3A_435 = vector.broadcast %add3A_434 : i32 to vector<16xi32>
              %add3A_436 = arith.addi %broadcast_in_dim3A_430, %add3A_435 : vector<16xi32>
              %select_n3A_437 = arith.select %lt3A_433, %add3A_436, %broadcast_in_dim3A_430 : vector<16xi1>, vector<16xi32>
              %broadcast_in_dim3A_438 = vector.shape_cast %select_n3A_437 : vector<16xi32> to vector<16x1xi32>
              %gather3A = vector.shape_cast %broadcast_in_dim3A_438 : vector<16x1xi32> to vector<16xi32>
              %gather3A_439 = tpu.dynamic_gather %masked_sort3A_427[%gather3A] in [0] : vector<16xf32>, vector<16xi32> -> vector<16xf32>
              scf.yield %masked_sort3A_406, %masked_sort3A_407, %masked_sort3A_427, %masked_sort3A_428, %gather3A_439 : vector<16xf32>, vector<16xi32>, vector<16xf32>, vector<16xi32>, vector<16xf32>
            } else {
              scf.yield %cond3A_276#0, %cond3A_276#1, %cond3A_276#2, %cond3A_276#3, %cond3A_276#4 : vector<16xf32>, vector<16xi32>, vector<16xf32>, vector<16xi32>, vector<16xf32>
            }
            %add3A_303 = arith.constant 1280 : i32
            %add3A_304 = arith.addi %multiple_of3A_139, %add3A_303 : i32
            %add3A_305 = arith.addi %add3A_304, %multiple_of3A_154 : i32
            %get3A_306 = arith.index_cast %add3A_305 : i32 to index
            %get3A_307 = tpu.vector_load %arg7[%get3A_306] {strides = array<i32>} : memref<20480xf32, #tpu.memory_space<vmem>>, vector<16xf32>,
            %add3A_308 = arith.constant 61440 : i32
            %add3A_309 = arith.addi %add3A_308, %multiple_of3A_139 : i32
            %add3A_310 = arith.constant 1280 : i32
            %add3A_311 = arith.addi %add3A_309, %add3A_310 : i32
            %add3A_312 = arith.addi %add3A_311, %multiple_of3A_154 : i32
            %lt3A_313 = arith.cmpf olt, %get3A_307, %cond3A_302#4 : vector<16xf32>
            %reduce_or3A_314 = arith.constant 1.000000e+00 : f32
            %reduce_or3A_315 = arith.constant 0.000000e+00 : f32
            %reduce_or3A_316 = vector.broadcast %reduce_or3A_314 : f32 to vector<16xf32>
            %reduce_or3A_317 = vector.broadcast %reduce_or3A_315 : f32 to vector<16xf32>
            %reduce_or3A_318 = arith.select %lt3A_313, %reduce_or3A_316, %reduce_or3A_317 : vector<16xi1>, vector<16xf32>
            %reduce_or3A_319 = arith.constant true
            %reduce_or3A_320 = vector.broadcast %reduce_or3A_319 : i1 to vector<16xi1>
            %reduce_or3A_321 = tpu.scan <max>, %reduce_or3A_318 masked %reduce_or3A_320 : vector<16xf32>, vector<16xi1> -> vector<16xf32>
            %reduce_or3A_322 = vector.extract %reduce_or3A_321[15] : f32 from vector<16xf32>
            %reduce_or3A_323 = arith.constant 0.000000e+00 : f32
            %reduce_or3A_324 = arith.cmpf ogt, %reduce_or3A_322, %reduce_or3A_323 : f32
            %convert_element_type3A_325 = arith.extui %reduce_or3A_324 : i1 to i32
            %cond3A_326 = arith.constant 0 : i32
            %cond3A_327 = arith.cmpi ne, %convert_element_type3A_325, %cond3A_326 : i32
            %cond3A_328:5 = scf.if %cond3A_327 -> (vector<16xf32>, vector<16xi32>, vector<16xf32>, vector<16xi32>, vector<16xf32>) {
              %iota3A = tpu.iota {dimensions = array<i32: 0>} : vector<16xi32>
              %lt3A_381 = arith.cmpf olt, %get3A_307, %cond3A_302#4 : vector<16xf32>
              %jit3A = arith.constant 0x7F800000 : f32
              %broadcast_in_dim3A_382 = vector.broadcast %jit3A : f32 to vector<16xf32>
              %select_n3A = arith.select %lt3A_381, %get3A_307, %broadcast_in_dim3A_382 : vector<16xi1>, vector<16xf32>
              %broadcast_in_dim3A_383 = vector.broadcast %add3A_312 : i32 to vector<16xi32>
              %add3A_384 = arith.addi %broadcast_in_dim3A_383, %iota3A : vector<16xi32>
              %jit3A_385 = arith.constant 1073741824 : i32
              %broadcast_in_dim3A_386 = vector.broadcast %jit3A_385 : i32 to vector<16xi32>
              %select_n3A_387 = arith.select %lt3A_381, %add3A_384, %broadcast_in_dim3A_386 : vector<16xi1>, vector<16xi32>
              %masked_sort3A = arith.constant dense<true> : vector<16xi1>
              %masked_sort3A_388, %masked_sort3A_389, %masked_sort3A_390 = tpu.sort %select_n3A, %select_n3A_387 masked %masked_sort3A : (vector<16xf32>, vector<16xi32>, vector<16xi1>) -> (vector<16xi1>, vector<16xf32>, vector<16xi32>)
              %rev3A = arith.constant 15 : i32
              %rev3A_391 = vector.broadcast %rev3A : i32 to vector<16xi32>
              %rev3A_392 = tpu.iota {dimensions = array<i32: 0>} : vector<16xi32>
              %rev3A_393 = arith.subi %rev3A_391, %rev3A_392 : vector<16xi32>
              %rev3A_394 = tpu.dynamic_gather %masked_sort3A_389[%rev3A_393] in [0] : vector<16xf32>, vector<16xi32> -> vector<16xf32>
              %rev3A_395 = arith.constant 15 : i32
              %rev3A_396 = vector.broadcast %rev3A_395 : i32 to vector<16xi32>
              %rev3A_397 = tpu.iota {dimensions = array<i32: 0>} : vector<16xi32>
              %rev3A_398 = arith.subi %rev3A_396, %rev3A_397 : vector<16xi32>
              %rev3A_399 = tpu.dynamic_gather %masked_sort3A_390[%rev3A_398] in [0] : vector<16xi32>, vector<16xi32> -> vector<16xi32>
              %le3A = arith.cmpf ole, %cond3A_302#0, %rev3A_394 : vector<16xf32>
              %select_n3A_400 = arith.select %le3A, %cond3A_302#0, %rev3A_394 : vector<16xi1>, vector<16xf32>
              %select_n3A_401 = arith.select %le3A, %cond3A_302#1, %rev3A_399 : vector<16xi1>, vector<16xi32>
              %select_n3A_402 = arith.select %le3A, %rev3A_394, %cond3A_302#0 : vector<16xi1>, vector<16xf32>
              %select_n3A_403 = arith.select %le3A, %rev3A_399, %cond3A_302#1 : vector<16xi1>, vector<16xi32>
              %masked_sort3A_404 = arith.constant dense<true> : vector<16xi1>
              %masked_sort3A_405, %masked_sort3A_406, %masked_sort3A_407 = tpu.sort %select_n3A_400, %select_n3A_401 masked %masked_sort3A_404 : (vector<16xf32>, vector<16xi32>, vector<16xi1>) -> (vector<16xi1>, vector<16xf32>, vector<16xi32>)
              %masked_sort3A_408 = arith.constant dense<true> : vector<16xi1>
              %masked_sort3A_409, %masked_sort3A_410, %masked_sort3A_411 = tpu.sort %select_n3A_402, %select_n3A_403 masked %masked_sort3A_408 : (vector<16xf32>, vector<16xi32>, vector<16xi1>) -> (vector<16xi1>, vector<16xf32>, vector<16xi32>)
              %rev3A_412 = arith.constant 15 : i32
              %rev3A_413 = vector.broadcast %rev3A_412 : i32 to vector<16xi32>
              %rev3A_414 = tpu.iota {dimensions = array<i32: 0>} : vector<16xi32>
              %rev3A_415 = arith.subi %rev3A_413, %rev3A_414 : vector<16xi32>
              %rev3A_416 = tpu.dynamic_gather %masked_sort3A_410[%rev3A_415] in [0] : vector<16xf32>, vector<16xi32> -> vector<16xf32>
              %rev3A_417 = arith.constant 15 : i32
              %rev3A_418 = vector.broadcast %rev3A_417 : i32 to vector<16xi32>
              %rev3A_419 = tpu.iota {dimensions = array<i32: 0>} : vector<16xi32>
              %rev3A_420 = arith.subi %rev3A_418, %rev3A_419 : vector<16xi32>
              %rev3A_421 = tpu.dynamic_gather %masked_sort3A_411[%rev3A_420] in [0] : vector<16xi32>, vector<16xi32> -> vector<16xi32>
              %le3A_422 = arith.cmpf ole, %cond3A_302#2, %rev3A_416 : vector<16xf32>
              %select_n3A_423 = arith.select %le3A_422, %cond3A_302#2, %rev3A_416 : vector<16xi1>, vector<16xf32>
              %select_n3A_424 = arith.select %le3A_422, %cond3A_302#3, %rev3A_421 : vector<16xi1>, vector<16xi32>
              %masked_sort3A_425 = arith.constant dense<true> : vector<16xi1>
              %masked_sort3A_426, %masked_sort3A_427, %masked_sort3A_428 = tpu.sort %select_n3A_423, %select_n3A_424 masked %masked_sort3A_425 : (vector<16xf32>, vector<16xi32>, vector<16xi1>) -> (vector<16xi1>, vector<16xf32>, vector<16xi32>)
              %broadcast_in_dim3A_429 = arith.constant 15 : i32
              %broadcast_in_dim3A_430 = vector.broadcast %broadcast_in_dim3A_429 : i32 to vector<16xi32>
              %lt3A_431 = arith.constant 0 : i32
              %lt3A_432 = vector.broadcast %lt3A_431 : i32 to vector<16xi32>
              %lt3A_433 = arith.cmpi slt, %broadcast_in_dim3A_430, %lt3A_432 : vector<16xi32>
              %add3A_434 = arith.constant 16 : i32
              %add3A_435 = vector.broadcast %add3A_434 : i32 to vector<16xi32>
              %add3A_436 = arith.addi %broadcast_in_dim3A_430, %add3A_435 : vector<16xi32>
              %select_n3A_437 = arith.select %lt3A_433, %add3A_436, %broadcast_in_dim3A_430 : vector<16xi1>, vector<16xi32>
              %broadcast_in_dim3A_438 = vector.shape_cast %select_n3A_437 : vector<16xi32> to vector<16x1xi32>
              %gather3A = vector.shape_cast %broadcast_in_dim3A_438 : vector<16x1xi32> to vector<16xi32>
              %gather3A_439 = tpu.dynamic_gather %masked_sort3A_427[%gather3A] in [0] : vector<16xf32>, vector<16xi32> -> vector<16xf32>
              scf.yield %masked_sort3A_406, %masked_sort3A_407, %masked_sort3A_427, %masked_sort3A_428, %gather3A_439 : vector<16xf32>, vector<16xi32>, vector<16xf32>, vector<16xi32>, vector<16xf32>
            } else {
              scf.yield %cond3A_302#0, %cond3A_302#1, %cond3A_302#2, %cond3A_302#3, %cond3A_302#4 : vector<16xf32>, vector<16xi32>, vector<16xf32>, vector<16xi32>, vector<16xf32>
            }
            %add3A_329 = arith.constant 1536 : i32
            %add3A_330 = arith.addi %multiple_of3A_139, %add3A_329 : i32
            %add3A_331 = arith.addi %add3A_330, %multiple_of3A_154 : i32
            %get3A_332 = arith.index_cast %add3A_331 : i32 to index
            %get3A_333 = tpu.vector_load %arg7[%get3A_332] {strides = array<i32>} : memref<20480xf32, #tpu.memory_space<vmem>>, vector<16xf32>,
            %add3A_334 = arith.constant 61440 : i32
            %add3A_335 = arith.addi %add3A_334, %multiple_of3A_139 : i32
            %add3A_336 = arith.constant 1536 : i32
            %add3A_337 = arith.addi %add3A_335, %add3A_336 : i32
            %add3A_338 = arith.addi %add3A_337, %multiple_of3A_154 : i32
            %lt3A_339 = arith.cmpf olt, %get3A_333, %cond3A_328#4 : vector<16xf32>
            %reduce_or3A_340 = arith.constant 1.000000e+00 : f32
            %reduce_or3A_341 = arith.constant 0.000000e+00 : f32
            %reduce_or3A_342 = vector.broadcast %reduce_or3A_340 : f32 to vector<16xf32>
            %reduce_or3A_343 = vector.broadcast %reduce_or3A_341 : f32 to vector<16xf32>
            %reduce_or3A_344 = arith.select %lt3A_339, %reduce_or3A_342, %reduce_or3A_343 : vector<16xi1>, vector<16xf32>
            %reduce_or3A_345 = arith.constant true
            %reduce_or3A_346 = vector.broadcast %reduce_or3A_345 : i1 to vector<16xi1>
            %reduce_or3A_347 = tpu.scan <max>, %reduce_or3A_344 masked %reduce_or3A_346 : vector<16xf32>, vector<16xi1> -> vector<16xf32>
            %reduce_or3A_348 = vector.extract %reduce_or3A_347[15] : f32 from vector<16xf32>
            %reduce_or3A_349 = arith.constant 0.000000e+00 : f32
            %reduce_or3A_350 = arith.cmpf ogt, %reduce_or3A_348, %reduce_or3A_349 : f32
            %convert_element_type3A_351 = arith.extui %reduce_or3A_350 : i1 to i32
            %cond3A_352 = arith.constant 0 : i32
            %cond3A_353 = arith.cmpi ne, %convert_element_type3A_351, %cond3A_352 : i32
            %cond3A_354:5 = scf.if %cond3A_353 -> (vector<16xf32>, vector<16xi32>, vector<16xf32>, vector<16xi32>, vector<16xf32>) {
              %iota3A = tpu.iota {dimensions = array<i32: 0>} : vector<16xi32>
              %lt3A_381 = arith.cmpf olt, %get3A_333, %cond3A_328#4 : vector<16xf32>
              %jit3A = arith.constant 0x7F800000 : f32
              %broadcast_in_dim3A_382 = vector.broadcast %jit3A : f32 to vector<16xf32>
              %select_n3A = arith.select %lt3A_381, %get3A_333, %broadcast_in_dim3A_382 : vector<16xi1>, vector<16xf32>
              %broadcast_in_dim3A_383 = vector.broadcast %add3A_338 : i32 to vector<16xi32>
              %add3A_384 = arith.addi %broadcast_in_dim3A_383, %iota3A : vector<16xi32>
              %jit3A_385 = arith.constant 1073741824 : i32
              %broadcast_in_dim3A_386 = vector.broadcast %jit3A_385 : i32 to vector<16xi32>
              %select_n3A_387 = arith.select %lt3A_381, %add3A_384, %broadcast_in_dim3A_386 : vector<16xi1>, vector<16xi32>
              %masked_sort3A = arith.constant dense<true> : vector<16xi1>
              %masked_sort3A_388, %masked_sort3A_389, %masked_sort3A_390 = tpu.sort %select_n3A, %select_n3A_387 masked %masked_sort3A : (vector<16xf32>, vector<16xi32>, vector<16xi1>) -> (vector<16xi1>, vector<16xf32>, vector<16xi32>)
              %rev3A = arith.constant 15 : i32
              %rev3A_391 = vector.broadcast %rev3A : i32 to vector<16xi32>
              %rev3A_392 = tpu.iota {dimensions = array<i32: 0>} : vector<16xi32>
              %rev3A_393 = arith.subi %rev3A_391, %rev3A_392 : vector<16xi32>
              %rev3A_394 = tpu.dynamic_gather %masked_sort3A_389[%rev3A_393] in [0] : vector<16xf32>, vector<16xi32> -> vector<16xf32>
              %rev3A_395 = arith.constant 15 : i32
              %rev3A_396 = vector.broadcast %rev3A_395 : i32 to vector<16xi32>
              %rev3A_397 = tpu.iota {dimensions = array<i32: 0>} : vector<16xi32>
              %rev3A_398 = arith.subi %rev3A_396, %rev3A_397 : vector<16xi32>
              %rev3A_399 = tpu.dynamic_gather %masked_sort3A_390[%rev3A_398] in [0] : vector<16xi32>, vector<16xi32> -> vector<16xi32>
              %le3A = arith.cmpf ole, %cond3A_328#0, %rev3A_394 : vector<16xf32>
              %select_n3A_400 = arith.select %le3A, %cond3A_328#0, %rev3A_394 : vector<16xi1>, vector<16xf32>
              %select_n3A_401 = arith.select %le3A, %cond3A_328#1, %rev3A_399 : vector<16xi1>, vector<16xi32>
              %select_n3A_402 = arith.select %le3A, %rev3A_394, %cond3A_328#0 : vector<16xi1>, vector<16xf32>
              %select_n3A_403 = arith.select %le3A, %rev3A_399, %cond3A_328#1 : vector<16xi1>, vector<16xi32>
              %masked_sort3A_404 = arith.constant dense<true> : vector<16xi1>
              %masked_sort3A_405, %masked_sort3A_406, %masked_sort3A_407 = tpu.sort %select_n3A_400, %select_n3A_401 masked %masked_sort3A_404 : (vector<16xf32>, vector<16xi32>, vector<16xi1>) -> (vector<16xi1>, vector<16xf32>, vector<16xi32>)
              %masked_sort3A_408 = arith.constant dense<true> : vector<16xi1>
              %masked_sort3A_409, %masked_sort3A_410, %masked_sort3A_411 = tpu.sort %select_n3A_402, %select_n3A_403 masked %masked_sort3A_408 : (vector<16xf32>, vector<16xi32>, vector<16xi1>) -> (vector<16xi1>, vector<16xf32>, vector<16xi32>)
              %rev3A_412 = arith.constant 15 : i32
              %rev3A_413 = vector.broadcast %rev3A_412 : i32 to vector<16xi32>
              %rev3A_414 = tpu.iota {dimensions = array<i32: 0>} : vector<16xi32>
              %rev3A_415 = arith.subi %rev3A_413, %rev3A_414 : vector<16xi32>
              %rev3A_416 = tpu.dynamic_gather %masked_sort3A_410[%rev3A_415] in [0] : vector<16xf32>, vector<16xi32> -> vector<16xf32>
              %rev3A_417 = arith.constant 15 : i32
              %rev3A_418 = vector.broadcast %rev3A_417 : i32 to vector<16xi32>
              %rev3A_419 = tpu.iota {dimensions = array<i32: 0>} : vector<16xi32>
              %rev3A_420 = arith.subi %rev3A_418, %rev3A_419 : vector<16xi32>
              %rev3A_421 = tpu.dynamic_gather %masked_sort3A_411[%rev3A_420] in [0] : vector<16xi32>, vector<16xi32> -> vector<16xi32>
              %le3A_422 = arith.cmpf ole, %cond3A_328#2, %rev3A_416 : vector<16xf32>
              %select_n3A_423 = arith.select %le3A_422, %cond3A_328#2, %rev3A_416 : vector<16xi1>, vector<16xf32>
              %select_n3A_424 = arith.select %le3A_422, %cond3A_328#3, %rev3A_421 : vector<16xi1>, vector<16xi32>
              %masked_sort3A_425 = arith.constant dense<true> : vector<16xi1>
              %masked_sort3A_426, %masked_sort3A_427, %masked_sort3A_428 = tpu.sort %select_n3A_423, %select_n3A_424 masked %masked_sort3A_425 : (vector<16xf32>, vector<16xi32>, vector<16xi1>) -> (vector<16xi1>, vector<16xf32>, vector<16xi32>)
              %broadcast_in_dim3A_429 = arith.constant 15 : i32
              %broadcast_in_dim3A_430 = vector.broadcast %broadcast_in_dim3A_429 : i32 to vector<16xi32>
              %lt3A_431 = arith.constant 0 : i32
              %lt3A_432 = vector.broadcast %lt3A_431 : i32 to vector<16xi32>
              %lt3A_433 = arith.cmpi slt, %broadcast_in_dim3A_430, %lt3A_432 : vector<16xi32>
              %add3A_434 = arith.constant 16 : i32
              %add3A_435 = vector.broadcast %add3A_434 : i32 to vector<16xi32>
              %add3A_436 = arith.addi %broadcast_in_dim3A_430, %add3A_435 : vector<16xi32>
              %select_n3A_437 = arith.select %lt3A_433, %add3A_436, %broadcast_in_dim3A_430 : vector<16xi1>, vector<16xi32>
              %broadcast_in_dim3A_438 = vector.shape_cast %select_n3A_437 : vector<16xi32> to vector<16x1xi32>
              %gather3A = vector.shape_cast %broadcast_in_dim3A_438 : vector<16x1xi32> to vector<16xi32>
              %gather3A_439 = tpu.dynamic_gather %masked_sort3A_427[%gather3A] in [0] : vector<16xf32>, vector<16xi32> -> vector<16xf32>
              scf.yield %masked_sort3A_406, %masked_sort3A_407, %masked_sort3A_427, %masked_sort3A_428, %gather3A_439 : vector<16xf32>, vector<16xi32>, vector<16xf32>, vector<16xi32>, vector<16xf32>
            } else {
              scf.yield %cond3A_328#0, %cond3A_328#1, %cond3A_328#2, %cond3A_328#3, %cond3A_328#4 : vector<16xf32>, vector<16xi32>, vector<16xf32>, vector<16xi32>, vector<16xf32>
            }
            %add3A_355 = arith.constant 1792 : i32
            %add3A_356 = arith.addi %multiple_of3A_139, %add3A_355 : i32
            %add3A_357 = arith.addi %add3A_356, %multiple_of3A_154 : i32
            %get3A_358 = arith.index_cast %add3A_357 : i32 to index
            %get3A_359 = tpu.vector_load %arg7[%get3A_358] {strides = array<i32>} : memref<20480xf32, #tpu.memory_space<vmem>>, vector<16xf32>,
            %add3A_360 = arith.constant 61440 : i32
            %add3A_361 = arith.addi %add3A_360, %multiple_of3A_139 : i32
            %add3A_362 = arith.constant 1792 : i32
            %add3A_363 = arith.addi %add3A_361, %add3A_362 : i32
            %add3A_364 = arith.addi %add3A_363, %multiple_of3A_154 : i32
            %lt3A_365 = arith.cmpf olt, %get3A_359, %cond3A_354#4 : vector<16xf32>
            %reduce_or3A_366 = arith.constant 1.000000e+00 : f32
            %reduce_or3A_367 = arith.constant 0.000000e+00 : f32
            %reduce_or3A_368 = vector.broadcast %reduce_or3A_366 : f32 to vector<16xf32>
            %reduce_or3A_369 = vector.broadcast %reduce_or3A_367 : f32 to vector<16xf32>
            %reduce_or3A_370 = arith.select %lt3A_365, %reduce_or3A_368, %reduce_or3A_369 : vector<16xi1>, vector<16xf32>
            %reduce_or3A_371 = arith.constant true
            %reduce_or3A_372 = vector.broadcast %reduce_or3A_371 : i1 to vector<16xi1>
            %reduce_or3A_373 = tpu.scan <max>, %reduce_or3A_370 masked %reduce_or3A_372 : vector<16xf32>, vector<16xi1> -> vector<16xf32>
            %reduce_or3A_374 = vector.extract %reduce_or3A_373[15] : f32 from vector<16xf32>
            %reduce_or3A_375 = arith.constant 0.000000e+00 : f32
            %reduce_or3A_376 = arith.cmpf ogt, %reduce_or3A_374, %reduce_or3A_375 : f32
            %convert_element_type3A_377 = arith.extui %reduce_or3A_376 : i1 to i32
            %cond3A_378 = arith.constant 0 : i32
            %cond3A_379 = arith.cmpi ne, %convert_element_type3A_377, %cond3A_378 : i32
            %cond3A_380:5 = scf.if %cond3A_379 -> (vector<16xf32>, vector<16xi32>, vector<16xf32>, vector<16xi32>, vector<16xf32>) {
              %iota3A = tpu.iota {dimensions = array<i32: 0>} : vector<16xi32>
              %lt3A_381 = arith.cmpf olt, %get3A_359, %cond3A_354#4 : vector<16xf32>
              %jit3A = arith.constant 0x7F800000 : f32
              %broadcast_in_dim3A_382 = vector.broadcast %jit3A : f32 to vector<16xf32>
              %select_n3A = arith.select %lt3A_381, %get3A_359, %broadcast_in_dim3A_382 : vector<16xi1>, vector<16xf32>
              %broadcast_in_dim3A_383 = vector.broadcast %add3A_364 : i32 to vector<16xi32>
              %add3A_384 = arith.addi %broadcast_in_dim3A_383, %iota3A : vector<16xi32>
              %jit3A_385 = arith.constant 1073741824 : i32
              %broadcast_in_dim3A_386 = vector.broadcast %jit3A_385 : i32 to vector<16xi32>
              %select_n3A_387 = arith.select %lt3A_381, %add3A_384, %broadcast_in_dim3A_386 : vector<16xi1>, vector<16xi32>
              %masked_sort3A = arith.constant dense<true> : vector<16xi1>
              %masked_sort3A_388, %masked_sort3A_389, %masked_sort3A_390 = tpu.sort %select_n3A, %select_n3A_387 masked %masked_sort3A : (vector<16xf32>, vector<16xi32>, vector<16xi1>) -> (vector<16xi1>, vector<16xf32>, vector<16xi32>)
              %rev3A = arith.constant 15 : i32
              %rev3A_391 = vector.broadcast %rev3A : i32 to vector<16xi32>
              %rev3A_392 = tpu.iota {dimensions = array<i32: 0>} : vector<16xi32>
              %rev3A_393 = arith.subi %rev3A_391, %rev3A_392 : vector<16xi32>
              %rev3A_394 = tpu.dynamic_gather %masked_sort3A_389[%rev3A_393] in [0] : vector<16xf32>, vector<16xi32> -> vector<16xf32>
              %rev3A_395 = arith.constant 15 : i32
              %rev3A_396 = vector.broadcast %rev3A_395 : i32 to vector<16xi32>
              %rev3A_397 = tpu.iota {dimensions = array<i32: 0>} : vector<16xi32>
              %rev3A_398 = arith.subi %rev3A_396, %rev3A_397 : vector<16xi32>
              %rev3A_399 = tpu.dynamic_gather %masked_sort3A_390[%rev3A_398] in [0] : vector<16xi32>, vector<16xi32> -> vector<16xi32>
              %le3A = arith.cmpf ole, %cond3A_354#0, %rev3A_394 : vector<16xf32>
              %select_n3A_400 = arith.select %le3A, %cond3A_354#0, %rev3A_394 : vector<16xi1>, vector<16xf32>
              %select_n3A_401 = arith.select %le3A, %cond3A_354#1, %rev3A_399 : vector<16xi1>, vector<16xi32>
              %select_n3A_402 = arith.select %le3A, %rev3A_394, %cond3A_354#0 : vector<16xi1>, vector<16xf32>
              %select_n3A_403 = arith.select %le3A, %rev3A_399, %cond3A_354#1 : vector<16xi1>, vector<16xi32>
              %masked_sort3A_404 = arith.constant dense<true> : vector<16xi1>
              %masked_sort3A_405, %masked_sort3A_406, %masked_sort3A_407 = tpu.sort %select_n3A_400, %select_n3A_401 masked %masked_sort3A_404 : (vector<16xf32>, vector<16xi32>, vector<16xi1>) -> (vector<16xi1>, vector<16xf32>, vector<16xi32>)
              %masked_sort3A_408 = arith.constant dense<true> : vector<16xi1>
              %masked_sort3A_409, %masked_sort3A_410, %masked_sort3A_411 = tpu.sort %select_n3A_402, %select_n3A_403 masked %masked_sort3A_408 : (vector<16xf32>, vector<16xi32>, vector<16xi1>) -> (vector<16xi1>, vector<16xf32>, vector<16xi32>)
              %rev3A_412 = arith.constant 15 : i32
              %rev3A_413 = vector.broadcast %rev3A_412 : i32 to vector<16xi32>
              %rev3A_414 = tpu.iota {dimensions = array<i32: 0>} : vector<16xi32>
              %rev3A_415 = arith.subi %rev3A_413, %rev3A_414 : vector<16xi32>
              %rev3A_416 = tpu.dynamic_gather %masked_sort3A_410[%rev3A_415] in [0] : vector<16xf32>, vector<16xi32> -> vector<16xf32>
              %rev3A_417 = arith.constant 15 : i32
              %rev3A_418 = vector.broadcast %rev3A_417 : i32 to vector<16xi32>
              %rev3A_419 = tpu.iota {dimensions = array<i32: 0>} : vector<16xi32>
              %rev3A_420 = arith.subi %rev3A_418, %rev3A_419 : vector<16xi32>
              %rev3A_421 = tpu.dynamic_gather %masked_sort3A_411[%rev3A_420] in [0] : vector<16xi32>, vector<16xi32> -> vector<16xi32>
              %le3A_422 = arith.cmpf ole, %cond3A_354#2, %rev3A_416 : vector<16xf32>
              %select_n3A_423 = arith.select %le3A_422, %cond3A_354#2, %rev3A_416 : vector<16xi1>, vector<16xf32>
              %select_n3A_424 = arith.select %le3A_422, %cond3A_354#3, %rev3A_421 : vector<16xi1>, vector<16xi32>
              %masked_sort3A_425 = arith.constant dense<true> : vector<16xi1>
              %masked_sort3A_426, %masked_sort3A_427, %masked_sort3A_428 = tpu.sort %select_n3A_423, %select_n3A_424 masked %masked_sort3A_425 : (vector<16xf32>, vector<16xi32>, vector<16xi1>) -> (vector<16xi1>, vector<16xf32>, vector<16xi32>)
              %broadcast_in_dim3A_429 = arith.constant 15 : i32
              %broadcast_in_dim3A_430 = vector.broadcast %broadcast_in_dim3A_429 : i32 to vector<16xi32>
              %lt3A_431 = arith.constant 0 : i32
              %lt3A_432 = vector.broadcast %lt3A_431 : i32 to vector<16xi32>
              %lt3A_433 = arith.cmpi slt, %broadcast_in_dim3A_430, %lt3A_432 : vector<16xi32>
              %add3A_434 = arith.constant 16 : i32
              %add3A_435 = vector.broadcast %add3A_434 : i32 to vector<16xi32>
              %add3A_436 = arith.addi %broadcast_in_dim3A_430, %add3A_435 : vector<16xi32>
              %select_n3A_437 = arith.select %lt3A_433, %add3A_436, %broadcast_in_dim3A_430 : vector<16xi1>, vector<16xi32>
              %broadcast_in_dim3A_438 = vector.shape_cast %select_n3A_437 : vector<16xi32> to vector<16x1xi32>
              %gather3A = vector.shape_cast %broadcast_in_dim3A_438 : vector<16x1xi32> to vector<16xi32>
              %gather3A_439 = tpu.dynamic_gather %masked_sort3A_427[%gather3A] in [0] : vector<16xf32>, vector<16xi32> -> vector<16xf32>
              scf.yield %masked_sort3A_406, %masked_sort3A_407, %masked_sort3A_427, %masked_sort3A_428, %gather3A_439 : vector<16xf32>, vector<16xi32>, vector<16xf32>, vector<16xi32>, vector<16xf32>
            } else {
              scf.yield %cond3A_354#0, %cond3A_354#1, %cond3A_354#2, %cond3A_354#3, %cond3A_354#4 : vector<16xf32>, vector<16xi32>, vector<16xf32>, vector<16xi32>, vector<16xf32>
            }
            scf.yield %cond3A_380#0, %cond3A_380#1, %cond3A_380#2, %cond3A_380#3, %cond3A_380#4 : vector<16xf32>, vector<16xi32>, vector<16xf32>, vector<16xi32>, vector<16xf32>
          } else {
            scf.yield %scan3A_147, %scan3A_148, %scan3A_149, %scan3A_150, %scan3A_151 : vector<16xf32>, vector<16xi32>, vector<16xf32>, vector<16xi32>, vector<16xf32>
          }
          scf.yield %cond3A_172#0, %cond3A_172#1, %cond3A_172#2, %cond3A_172#3, %cond3A_172#4 : vector<16xf32>, vector<16xi32>, vector<16xf32>, vector<16xi32>, vector<16xf32>
        }
        %scan3A_145 = arith.constant 16 : i32
        scf.yield %scan3A_144#0, %scan3A_144#1, %scan3A_144#2, %scan3A_144#3, %scan3A_144#4 : vector<16xf32>, vector<16xi32>, vector<16xf32>, vector<16xi32>, vector<16xf32>
      }
      %scan3A_108 = arith.constant 10 : i32
      %dma_wait3A_109 = arith.constant 81920 : i32
      %dma_wait3A_110 = tpu.memref_slice %arg2[%add3A_11, %dma_wait3A_109] : memref<1024x102400xf32, #tpu.memory_space<hbm>> -> memref<1x20480xf32, #tpu.memory_space<hbm>>
      %dma_wait3A_111 = tpu.memref_squeeze %dma_wait3A_110 : memref<1x20480xf32, #tpu.memory_space<hbm>> -> memref<20480xf32, #tpu.memory_space<hbm>>
      %dma_wait3A_112 = arith.constant 81920 : i32
      %dma_wait3A_113 = tpu.memref_slice %arg2[%add3A_11, %dma_wait3A_112] : memref<1024x102400xf32, #tpu.memory_space<hbm>> -> memref<1x20480xf32, #tpu.memory_space<hbm>>
      %dma_wait3A_114 = tpu.memref_squeeze %dma_wait3A_113 : memref<1x20480xf32, #tpu.memory_space<hbm>> -> memref<20480xf32, #tpu.memory_space<hbm>>
      tpu.wait_dma2 semaphore(%arg11 : memref<!tpu.dma_semaphore, #tpu.memory_space<semaphore_mem>>) src(%dma_wait3A_114 : memref<20480xf32, #tpu.memory_space<hbm>>) dst(%arg6 : memref<20480xf32, #tpu.memory_space<vmem>>)
      %scan3A_115 = arith.constant 0 : i32
      %scan3A_116 = arith.constant 10 : i32
      %scan3A_117 = arith.addi %scan3A_115, %scan3A_116 : i32
      %scan3A_118 = arith.constant 1 : i32
      %scan3A_119:5 = scf.for %scan3A_131 = %scan3A_115 to %scan3A_117 step %scan3A_118 iter_args(%scan3A_132 = %scan3A_107#0, %scan3A_133 = %scan3A_107#1, %scan3A_134 = %scan3A_107#2, %scan3A_135 = %scan3A_107#3, %scan3A_136 = %scan3A_107#4) -> (vector<16xf32>, vector<16xi32>, vector<16xf32>, vector<16xi32>, vector<16xf32>)  : i32 {
        %mul3A_137 = arith.constant 2048 : i32
        %mul3A_138 = arith.muli %scan3A_131, %mul3A_137 : i32
        %multiple_of3A_139 = tpu.assume_multiple %mul3A_138, 2048 : i32
        %scan3A_140 = arith.constant 0 : i32
        %scan3A_141 = arith.constant 16 : i32
        %scan3A_142 = arith.addi %scan3A_140, %scan3A_141 : i32
        %scan3A_143 = arith.constant 1 : i32
        %scan3A_144:5 = scf.for %scan3A_146 = %scan3A_140 to %scan3A_142 step %scan3A_143 iter_args(%scan3A_147 = %scan3A_132, %scan3A_148 = %scan3A_133, %scan3A_149 = %scan3A_134, %scan3A_150 = %scan3A_135, %scan3A_151 = %scan3A_136) -> (vector<16xf32>, vector<16xi32>, vector<16xf32>, vector<16xi32>, vector<16xf32>)  : i32 {
          %mul3A_152 = arith.constant 16 : i32
          %mul3A_153 = arith.muli %scan3A_146, %mul3A_152 : i32
          %multiple_of3A_154 = tpu.assume_multiple %mul3A_153, 16 : i32
          %mul3A_155 = arith.constant 256 : i32
          %mul3A_156 = arith.muli %scan3A_131, %mul3A_155 : i32
          %add3A_157 = arith.constant 10240 : i32
          %add3A_158 = arith.addi %add3A_157, %mul3A_156 : i32
          %add3A_159 = arith.addi %add3A_158, %multiple_of3A_154 : i32
          %get3A = arith.index_cast %add3A_159 : i32 to index
          %get3A_160 = tpu.vector_load %arg8[%get3A] {strides = array<i32>} : memref<12800xf32, #tpu.memory_space<vmem>>, vector<16xf32>,
          %lt3A = arith.cmpf olt, %get3A_160, %scan3A_151 : vector<16xf32>
          %reduce_or3A = arith.constant 1.000000e+00 : f32
          %reduce_or3A_161 = arith.constant 0.000000e+00 : f32
          %reduce_or3A_162 = vector.broadcast %reduce_or3A : f32 to vector<16xf32>
          %reduce_or3A_163 = vector.broadcast %reduce_or3A_161 : f32 to vector<16xf32>
          %reduce_or3A_164 = arith.select %lt3A, %reduce_or3A_162, %reduce_or3A_163 : vector<16xi1>, vector<16xf32>
          %reduce_or3A_165 = arith.constant true
          %reduce_or3A_166 = vector.broadcast %reduce_or3A_165 : i1 to vector<16xi1>
          %reduce_or3A_167 = tpu.scan <max>, %reduce_or3A_164 masked %reduce_or3A_166 : vector<16xf32>, vector<16xi1> -> vector<16xf32>
          %reduce_or3A_168 = vector.extract %reduce_or3A_167[15] : f32 from vector<16xf32>
          %reduce_or3A_169 = arith.constant 0.000000e+00 : f32
          %reduce_or3A_170 = arith.cmpf ogt, %reduce_or3A_168, %reduce_or3A_169 : f32
          %convert_element_type3A = arith.extui %reduce_or3A_170 : i1 to i32
          %cond3A = arith.constant 0 : i32
          %cond3A_171 = arith.cmpi ne, %convert_element_type3A, %cond3A : i32
          %cond3A_172:5 = scf.if %cond3A_171 -> (vector<16xf32>, vector<16xi32>, vector<16xf32>, vector<16xi32>, vector<16xf32>) {
            %add3A_173 = arith.constant 0 : i32
            %add3A_174 = arith.addi %multiple_of3A_139, %add3A_173 : i32
            %add3A_175 = arith.addi %add3A_174, %multiple_of3A_154 : i32
            %get3A_176 = arith.index_cast %add3A_175 : i32 to index
            %get3A_177 = tpu.vector_load %arg6[%get3A_176] {strides = array<i32>} : memref<20480xf32, #tpu.memory_space<vmem>>, vector<16xf32>,
            %add3A_178 = arith.constant 81920 : i32
            %add3A_179 = arith.addi %add3A_178, %multiple_of3A_139 : i32
            %add3A_180 = arith.constant 0 : i32
            %add3A_181 = arith.addi %add3A_179, %add3A_180 : i32
            %add3A_182 = arith.addi %add3A_181, %multiple_of3A_154 : i32
            %lt3A_183 = arith.cmpf olt, %get3A_177, %scan3A_151 : vector<16xf32>
            %reduce_or3A_184 = arith.constant 1.000000e+00 : f32
            %reduce_or3A_185 = arith.constant 0.000000e+00 : f32
            %reduce_or3A_186 = vector.broadcast %reduce_or3A_184 : f32 to vector<16xf32>
            %reduce_or3A_187 = vector.broadcast %reduce_or3A_185 : f32 to vector<16xf32>
            %reduce_or3A_188 = arith.select %lt3A_183, %reduce_or3A_186, %reduce_or3A_187 : vector<16xi1>, vector<16xf32>
            %reduce_or3A_189 = arith.constant true
            %reduce_or3A_190 = vector.broadcast %reduce_or3A_189 : i1 to vector<16xi1>
            %reduce_or3A_191 = tpu.scan <max>, %reduce_or3A_188 masked %reduce_or3A_190 : vector<16xf32>, vector<16xi1> -> vector<16xf32>
            %reduce_or3A_192 = vector.extract %reduce_or3A_191[15] : f32 from vector<16xf32>
            %reduce_or3A_193 = arith.constant 0.000000e+00 : f32
            %reduce_or3A_194 = arith.cmpf ogt, %reduce_or3A_192, %reduce_or3A_193 : f32
            %convert_element_type3A_195 = arith.extui %reduce_or3A_194 : i1 to i32
            %cond3A_196 = arith.constant 0 : i32
            %cond3A_197 = arith.cmpi ne, %convert_element_type3A_195, %cond3A_196 : i32
            %cond3A_198:5 = scf.if %cond3A_197 -> (vector<16xf32>, vector<16xi32>, vector<16xf32>, vector<16xi32>, vector<16xf32>) {
              %iota3A = tpu.iota {dimensions = array<i32: 0>} : vector<16xi32>
              %lt3A_381 = arith.cmpf olt, %get3A_177, %scan3A_151 : vector<16xf32>
              %jit3A = arith.constant 0x7F800000 : f32
              %broadcast_in_dim3A_382 = vector.broadcast %jit3A : f32 to vector<16xf32>
              %select_n3A = arith.select %lt3A_381, %get3A_177, %broadcast_in_dim3A_382 : vector<16xi1>, vector<16xf32>
              %broadcast_in_dim3A_383 = vector.broadcast %add3A_182 : i32 to vector<16xi32>
              %add3A_384 = arith.addi %broadcast_in_dim3A_383, %iota3A : vector<16xi32>
              %jit3A_385 = arith.constant 1073741824 : i32
              %broadcast_in_dim3A_386 = vector.broadcast %jit3A_385 : i32 to vector<16xi32>
              %select_n3A_387 = arith.select %lt3A_381, %add3A_384, %broadcast_in_dim3A_386 : vector<16xi1>, vector<16xi32>
              %masked_sort3A = arith.constant dense<true> : vector<16xi1>
              %masked_sort3A_388, %masked_sort3A_389, %masked_sort3A_390 = tpu.sort %select_n3A, %select_n3A_387 masked %masked_sort3A : (vector<16xf32>, vector<16xi32>, vector<16xi1>) -> (vector<16xi1>, vector<16xf32>, vector<16xi32>)
              %rev3A = arith.constant 15 : i32
              %rev3A_391 = vector.broadcast %rev3A : i32 to vector<16xi32>
              %rev3A_392 = tpu.iota {dimensions = array<i32: 0>} : vector<16xi32>
              %rev3A_393 = arith.subi %rev3A_391, %rev3A_392 : vector<16xi32>
              %rev3A_394 = tpu.dynamic_gather %masked_sort3A_389[%rev3A_393] in [0] : vector<16xf32>, vector<16xi32> -> vector<16xf32>
              %rev3A_395 = arith.constant 15 : i32
              %rev3A_396 = vector.broadcast %rev3A_395 : i32 to vector<16xi32>
              %rev3A_397 = tpu.iota {dimensions = array<i32: 0>} : vector<16xi32>
              %rev3A_398 = arith.subi %rev3A_396, %rev3A_397 : vector<16xi32>
              %rev3A_399 = tpu.dynamic_gather %masked_sort3A_390[%rev3A_398] in [0] : vector<16xi32>, vector<16xi32> -> vector<16xi32>
              %le3A = arith.cmpf ole, %scan3A_147, %rev3A_394 : vector<16xf32>
              %select_n3A_400 = arith.select %le3A, %scan3A_147, %rev3A_394 : vector<16xi1>, vector<16xf32>
              %select_n3A_401 = arith.select %le3A, %scan3A_148, %rev3A_399 : vector<16xi1>, vector<16xi32>
              %select_n3A_402 = arith.select %le3A, %rev3A_394, %scan3A_147 : vector<16xi1>, vector<16xf32>
              %select_n3A_403 = arith.select %le3A, %rev3A_399, %scan3A_148 : vector<16xi1>, vector<16xi32>
              %masked_sort3A_404 = arith.constant dense<true> : vector<16xi1>
              %masked_sort3A_405, %masked_sort3A_406, %masked_sort3A_407 = tpu.sort %select_n3A_400, %select_n3A_401 masked %masked_sort3A_404 : (vector<16xf32>, vector<16xi32>, vector<16xi1>) -> (vector<16xi1>, vector<16xf32>, vector<16xi32>)
              %masked_sort3A_408 = arith.constant dense<true> : vector<16xi1>
              %masked_sort3A_409, %masked_sort3A_410, %masked_sort3A_411 = tpu.sort %select_n3A_402, %select_n3A_403 masked %masked_sort3A_408 : (vector<16xf32>, vector<16xi32>, vector<16xi1>) -> (vector<16xi1>, vector<16xf32>, vector<16xi32>)
              %rev3A_412 = arith.constant 15 : i32
              %rev3A_413 = vector.broadcast %rev3A_412 : i32 to vector<16xi32>
              %rev3A_414 = tpu.iota {dimensions = array<i32: 0>} : vector<16xi32>
              %rev3A_415 = arith.subi %rev3A_413, %rev3A_414 : vector<16xi32>
              %rev3A_416 = tpu.dynamic_gather %masked_sort3A_410[%rev3A_415] in [0] : vector<16xf32>, vector<16xi32> -> vector<16xf32>
              %rev3A_417 = arith.constant 15 : i32
              %rev3A_418 = vector.broadcast %rev3A_417 : i32 to vector<16xi32>
              %rev3A_419 = tpu.iota {dimensions = array<i32: 0>} : vector<16xi32>
              %rev3A_420 = arith.subi %rev3A_418, %rev3A_419 : vector<16xi32>
              %rev3A_421 = tpu.dynamic_gather %masked_sort3A_411[%rev3A_420] in [0] : vector<16xi32>, vector<16xi32> -> vector<16xi32>
              %le3A_422 = arith.cmpf ole, %scan3A_149, %rev3A_416 : vector<16xf32>
              %select_n3A_423 = arith.select %le3A_422, %scan3A_149, %rev3A_416 : vector<16xi1>, vector<16xf32>
              %select_n3A_424 = arith.select %le3A_422, %scan3A_150, %rev3A_421 : vector<16xi1>, vector<16xi32>
              %masked_sort3A_425 = arith.constant dense<true> : vector<16xi1>
              %masked_sort3A_426, %masked_sort3A_427, %masked_sort3A_428 = tpu.sort %select_n3A_423, %select_n3A_424 masked %masked_sort3A_425 : (vector<16xf32>, vector<16xi32>, vector<16xi1>) -> (vector<16xi1>, vector<16xf32>, vector<16xi32>)
              %broadcast_in_dim3A_429 = arith.constant 15 : i32
              %broadcast_in_dim3A_430 = vector.broadcast %broadcast_in_dim3A_429 : i32 to vector<16xi32>
              %lt3A_431 = arith.constant 0 : i32
              %lt3A_432 = vector.broadcast %lt3A_431 : i32 to vector<16xi32>
              %lt3A_433 = arith.cmpi slt, %broadcast_in_dim3A_430, %lt3A_432 : vector<16xi32>
              %add3A_434 = arith.constant 16 : i32
              %add3A_435 = vector.broadcast %add3A_434 : i32 to vector<16xi32>
              %add3A_436 = arith.addi %broadcast_in_dim3A_430, %add3A_435 : vector<16xi32>
              %select_n3A_437 = arith.select %lt3A_433, %add3A_436, %broadcast_in_dim3A_430 : vector<16xi1>, vector<16xi32>
              %broadcast_in_dim3A_438 = vector.shape_cast %select_n3A_437 : vector<16xi32> to vector<16x1xi32>
              %gather3A = vector.shape_cast %broadcast_in_dim3A_438 : vector<16x1xi32> to vector<16xi32>
              %gather3A_439 = tpu.dynamic_gather %masked_sort3A_427[%gather3A] in [0] : vector<16xf32>, vector<16xi32> -> vector<16xf32>
              scf.yield %masked_sort3A_406, %masked_sort3A_407, %masked_sort3A_427, %masked_sort3A_428, %gather3A_439 : vector<16xf32>, vector<16xi32>, vector<16xf32>, vector<16xi32>, vector<16xf32>
            } else {
              scf.yield %scan3A_147, %scan3A_148, %scan3A_149, %scan3A_150, %scan3A_151 : vector<16xf32>, vector<16xi32>, vector<16xf32>, vector<16xi32>, vector<16xf32>
            }
            %add3A_199 = arith.constant 256 : i32
            %add3A_200 = arith.addi %multiple_of3A_139, %add3A_199 : i32
            %add3A_201 = arith.addi %add3A_200, %multiple_of3A_154 : i32
            %get3A_202 = arith.index_cast %add3A_201 : i32 to index
            %get3A_203 = tpu.vector_load %arg6[%get3A_202] {strides = array<i32>} : memref<20480xf32, #tpu.memory_space<vmem>>, vector<16xf32>,
            %add3A_204 = arith.constant 81920 : i32
            %add3A_205 = arith.addi %add3A_204, %multiple_of3A_139 : i32
            %add3A_206 = arith.constant 256 : i32
            %add3A_207 = arith.addi %add3A_205, %add3A_206 : i32
            %add3A_208 = arith.addi %add3A_207, %multiple_of3A_154 : i32
            %lt3A_209 = arith.cmpf olt, %get3A_203, %cond3A_198#4 : vector<16xf32>
            %reduce_or3A_210 = arith.constant 1.000000e+00 : f32
            %reduce_or3A_211 = arith.constant 0.000000e+00 : f32
            %reduce_or3A_212 = vector.broadcast %reduce_or3A_210 : f32 to vector<16xf32>
            %reduce_or3A_213 = vector.broadcast %reduce_or3A_211 : f32 to vector<16xf32>
            %reduce_or3A_214 = arith.select %lt3A_209, %reduce_or3A_212, %reduce_or3A_213 : vector<16xi1>, vector<16xf32>
            %reduce_or3A_215 = arith.constant true
            %reduce_or3A_216 = vector.broadcast %reduce_or3A_215 : i1 to vector<16xi1>
            %reduce_or3A_217 = tpu.scan <max>, %reduce_or3A_214 masked %reduce_or3A_216 : vector<16xf32>, vector<16xi1> -> vector<16xf32>
            %reduce_or3A_218 = vector.extract %reduce_or3A_217[15] : f32 from vector<16xf32>
            %reduce_or3A_219 = arith.constant 0.000000e+00 : f32
            %reduce_or3A_220 = arith.cmpf ogt, %reduce_or3A_218, %reduce_or3A_219 : f32
            %convert_element_type3A_221 = arith.extui %reduce_or3A_220 : i1 to i32
            %cond3A_222 = arith.constant 0 : i32
            %cond3A_223 = arith.cmpi ne, %convert_element_type3A_221, %cond3A_222 : i32
            %cond3A_224:5 = scf.if %cond3A_223 -> (vector<16xf32>, vector<16xi32>, vector<16xf32>, vector<16xi32>, vector<16xf32>) {
              %iota3A = tpu.iota {dimensions = array<i32: 0>} : vector<16xi32>
              %lt3A_381 = arith.cmpf olt, %get3A_203, %cond3A_198#4 : vector<16xf32>
              %jit3A = arith.constant 0x7F800000 : f32
              %broadcast_in_dim3A_382 = vector.broadcast %jit3A : f32 to vector<16xf32>
              %select_n3A = arith.select %lt3A_381, %get3A_203, %broadcast_in_dim3A_382 : vector<16xi1>, vector<16xf32>
              %broadcast_in_dim3A_383 = vector.broadcast %add3A_208 : i32 to vector<16xi32>
              %add3A_384 = arith.addi %broadcast_in_dim3A_383, %iota3A : vector<16xi32>
              %jit3A_385 = arith.constant 1073741824 : i32
              %broadcast_in_dim3A_386 = vector.broadcast %jit3A_385 : i32 to vector<16xi32>
              %select_n3A_387 = arith.select %lt3A_381, %add3A_384, %broadcast_in_dim3A_386 : vector<16xi1>, vector<16xi32>
              %masked_sort3A = arith.constant dense<true> : vector<16xi1>
              %masked_sort3A_388, %masked_sort3A_389, %masked_sort3A_390 = tpu.sort %select_n3A, %select_n3A_387 masked %masked_sort3A : (vector<16xf32>, vector<16xi32>, vector<16xi1>) -> (vector<16xi1>, vector<16xf32>, vector<16xi32>)
              %rev3A = arith.constant 15 : i32
              %rev3A_391 = vector.broadcast %rev3A : i32 to vector<16xi32>
              %rev3A_392 = tpu.iota {dimensions = array<i32: 0>} : vector<16xi32>
              %rev3A_393 = arith.subi %rev3A_391, %rev3A_392 : vector<16xi32>
              %rev3A_394 = tpu.dynamic_gather %masked_sort3A_389[%rev3A_393] in [0] : vector<16xf32>, vector<16xi32> -> vector<16xf32>
              %rev3A_395 = arith.constant 15 : i32
              %rev3A_396 = vector.broadcast %rev3A_395 : i32 to vector<16xi32>
              %rev3A_397 = tpu.iota {dimensions = array<i32: 0>} : vector<16xi32>
              %rev3A_398 = arith.subi %rev3A_396, %rev3A_397 : vector<16xi32>
              %rev3A_399 = tpu.dynamic_gather %masked_sort3A_390[%rev3A_398] in [0] : vector<16xi32>, vector<16xi32> -> vector<16xi32>
              %le3A = arith.cmpf ole, %cond3A_198#0, %rev3A_394 : vector<16xf32>
              %select_n3A_400 = arith.select %le3A, %cond3A_198#0, %rev3A_394 : vector<16xi1>, vector<16xf32>
              %select_n3A_401 = arith.select %le3A, %cond3A_198#1, %rev3A_399 : vector<16xi1>, vector<16xi32>
              %select_n3A_402 = arith.select %le3A, %rev3A_394, %cond3A_198#0 : vector<16xi1>, vector<16xf32>
              %select_n3A_403 = arith.select %le3A, %rev3A_399, %cond3A_198#1 : vector<16xi1>, vector<16xi32>
              %masked_sort3A_404 = arith.constant dense<true> : vector<16xi1>
              %masked_sort3A_405, %masked_sort3A_406, %masked_sort3A_407 = tpu.sort %select_n3A_400, %select_n3A_401 masked %masked_sort3A_404 : (vector<16xf32>, vector<16xi32>, vector<16xi1>) -> (vector<16xi1>, vector<16xf32>, vector<16xi32>)
              %masked_sort3A_408 = arith.constant dense<true> : vector<16xi1>
              %masked_sort3A_409, %masked_sort3A_410, %masked_sort3A_411 = tpu.sort %select_n3A_402, %select_n3A_403 masked %masked_sort3A_408 : (vector<16xf32>, vector<16xi32>, vector<16xi1>) -> (vector<16xi1>, vector<16xf32>, vector<16xi32>)
              %rev3A_412 = arith.constant 15 : i32
              %rev3A_413 = vector.broadcast %rev3A_412 : i32 to vector<16xi32>
              %rev3A_414 = tpu.iota {dimensions = array<i32: 0>} : vector<16xi32>
              %rev3A_415 = arith.subi %rev3A_413, %rev3A_414 : vector<16xi32>
              %rev3A_416 = tpu.dynamic_gather %masked_sort3A_410[%rev3A_415] in [0] : vector<16xf32>, vector<16xi32> -> vector<16xf32>
              %rev3A_417 = arith.constant 15 : i32
              %rev3A_418 = vector.broadcast %rev3A_417 : i32 to vector<16xi32>
              %rev3A_419 = tpu.iota {dimensions = array<i32: 0>} : vector<16xi32>
              %rev3A_420 = arith.subi %rev3A_418, %rev3A_419 : vector<16xi32>
              %rev3A_421 = tpu.dynamic_gather %masked_sort3A_411[%rev3A_420] in [0] : vector<16xi32>, vector<16xi32> -> vector<16xi32>
              %le3A_422 = arith.cmpf ole, %cond3A_198#2, %rev3A_416 : vector<16xf32>
              %select_n3A_423 = arith.select %le3A_422, %cond3A_198#2, %rev3A_416 : vector<16xi1>, vector<16xf32>
              %select_n3A_424 = arith.select %le3A_422, %cond3A_198#3, %rev3A_421 : vector<16xi1>, vector<16xi32>
              %masked_sort3A_425 = arith.constant dense<true> : vector<16xi1>
              %masked_sort3A_426, %masked_sort3A_427, %masked_sort3A_428 = tpu.sort %select_n3A_423, %select_n3A_424 masked %masked_sort3A_425 : (vector<16xf32>, vector<16xi32>, vector<16xi1>) -> (vector<16xi1>, vector<16xf32>, vector<16xi32>)
              %broadcast_in_dim3A_429 = arith.constant 15 : i32
              %broadcast_in_dim3A_430 = vector.broadcast %broadcast_in_dim3A_429 : i32 to vector<16xi32>
              %lt3A_431 = arith.constant 0 : i32
              %lt3A_432 = vector.broadcast %lt3A_431 : i32 to vector<16xi32>
              %lt3A_433 = arith.cmpi slt, %broadcast_in_dim3A_430, %lt3A_432 : vector<16xi32>
              %add3A_434 = arith.constant 16 : i32
              %add3A_435 = vector.broadcast %add3A_434 : i32 to vector<16xi32>
              %add3A_436 = arith.addi %broadcast_in_dim3A_430, %add3A_435 : vector<16xi32>
              %select_n3A_437 = arith.select %lt3A_433, %add3A_436, %broadcast_in_dim3A_430 : vector<16xi1>, vector<16xi32>
              %broadcast_in_dim3A_438 = vector.shape_cast %select_n3A_437 : vector<16xi32> to vector<16x1xi32>
              %gather3A = vector.shape_cast %broadcast_in_dim3A_438 : vector<16x1xi32> to vector<16xi32>
              %gather3A_439 = tpu.dynamic_gather %masked_sort3A_427[%gather3A] in [0] : vector<16xf32>, vector<16xi32> -> vector<16xf32>
              scf.yield %masked_sort3A_406, %masked_sort3A_407, %masked_sort3A_427, %masked_sort3A_428, %gather3A_439 : vector<16xf32>, vector<16xi32>, vector<16xf32>, vector<16xi32>, vector<16xf32>
            } else {
              scf.yield %cond3A_198#0, %cond3A_198#1, %cond3A_198#2, %cond3A_198#3, %cond3A_198#4 : vector<16xf32>, vector<16xi32>, vector<16xf32>, vector<16xi32>, vector<16xf32>
            }
            %add3A_225 = arith.constant 512 : i32
            %add3A_226 = arith.addi %multiple_of3A_139, %add3A_225 : i32
            %add3A_227 = arith.addi %add3A_226, %multiple_of3A_154 : i32
            %get3A_228 = arith.index_cast %add3A_227 : i32 to index
            %get3A_229 = tpu.vector_load %arg6[%get3A_228] {strides = array<i32>} : memref<20480xf32, #tpu.memory_space<vmem>>, vector<16xf32>,
            %add3A_230 = arith.constant 81920 : i32
            %add3A_231 = arith.addi %add3A_230, %multiple_of3A_139 : i32
            %add3A_232 = arith.constant 512 : i32
            %add3A_233 = arith.addi %add3A_231, %add3A_232 : i32
            %add3A_234 = arith.addi %add3A_233, %multiple_of3A_154 : i32
            %lt3A_235 = arith.cmpf olt, %get3A_229, %cond3A_224#4 : vector<16xf32>
            %reduce_or3A_236 = arith.constant 1.000000e+00 : f32
            %reduce_or3A_237 = arith.constant 0.000000e+00 : f32
            %reduce_or3A_238 = vector.broadcast %reduce_or3A_236 : f32 to vector<16xf32>
            %reduce_or3A_239 = vector.broadcast %reduce_or3A_237 : f32 to vector<16xf32>
            %reduce_or3A_240 = arith.select %lt3A_235, %reduce_or3A_238, %reduce_or3A_239 : vector<16xi1>, vector<16xf32>
            %reduce_or3A_241 = arith.constant true
            %reduce_or3A_242 = vector.broadcast %reduce_or3A_241 : i1 to vector<16xi1>
            %reduce_or3A_243 = tpu.scan <max>, %reduce_or3A_240 masked %reduce_or3A_242 : vector<16xf32>, vector<16xi1> -> vector<16xf32>
            %reduce_or3A_244 = vector.extract %reduce_or3A_243[15] : f32 from vector<16xf32>
            %reduce_or3A_245 = arith.constant 0.000000e+00 : f32
            %reduce_or3A_246 = arith.cmpf ogt, %reduce_or3A_244, %reduce_or3A_245 : f32
            %convert_element_type3A_247 = arith.extui %reduce_or3A_246 : i1 to i32
            %cond3A_248 = arith.constant 0 : i32
            %cond3A_249 = arith.cmpi ne, %convert_element_type3A_247, %cond3A_248 : i32
            %cond3A_250:5 = scf.if %cond3A_249 -> (vector<16xf32>, vector<16xi32>, vector<16xf32>, vector<16xi32>, vector<16xf32>) {
              %iota3A = tpu.iota {dimensions = array<i32: 0>} : vector<16xi32>
              %lt3A_381 = arith.cmpf olt, %get3A_229, %cond3A_224#4 : vector<16xf32>
              %jit3A = arith.constant 0x7F800000 : f32
              %broadcast_in_dim3A_382 = vector.broadcast %jit3A : f32 to vector<16xf32>
              %select_n3A = arith.select %lt3A_381, %get3A_229, %broadcast_in_dim3A_382 : vector<16xi1>, vector<16xf32>
              %broadcast_in_dim3A_383 = vector.broadcast %add3A_234 : i32 to vector<16xi32>
              %add3A_384 = arith.addi %broadcast_in_dim3A_383, %iota3A : vector<16xi32>
              %jit3A_385 = arith.constant 1073741824 : i32
              %broadcast_in_dim3A_386 = vector.broadcast %jit3A_385 : i32 to vector<16xi32>
              %select_n3A_387 = arith.select %lt3A_381, %add3A_384, %broadcast_in_dim3A_386 : vector<16xi1>, vector<16xi32>
              %masked_sort3A = arith.constant dense<true> : vector<16xi1>
              %masked_sort3A_388, %masked_sort3A_389, %masked_sort3A_390 = tpu.sort %select_n3A, %select_n3A_387 masked %masked_sort3A : (vector<16xf32>, vector<16xi32>, vector<16xi1>) -> (vector<16xi1>, vector<16xf32>, vector<16xi32>)
              %rev3A = arith.constant 15 : i32
              %rev3A_391 = vector.broadcast %rev3A : i32 to vector<16xi32>
              %rev3A_392 = tpu.iota {dimensions = array<i32: 0>} : vector<16xi32>
              %rev3A_393 = arith.subi %rev3A_391, %rev3A_392 : vector<16xi32>
              %rev3A_394 = tpu.dynamic_gather %masked_sort3A_389[%rev3A_393] in [0] : vector<16xf32>, vector<16xi32> -> vector<16xf32>
              %rev3A_395 = arith.constant 15 : i32
              %rev3A_396 = vector.broadcast %rev3A_395 : i32 to vector<16xi32>
              %rev3A_397 = tpu.iota {dimensions = array<i32: 0>} : vector<16xi32>
              %rev3A_398 = arith.subi %rev3A_396, %rev3A_397 : vector<16xi32>
              %rev3A_399 = tpu.dynamic_gather %masked_sort3A_390[%rev3A_398] in [0] : vector<16xi32>, vector<16xi32> -> vector<16xi32>
              %le3A = arith.cmpf ole, %cond3A_224#0, %rev3A_394 : vector<16xf32>
              %select_n3A_400 = arith.select %le3A, %cond3A_224#0, %rev3A_394 : vector<16xi1>, vector<16xf32>
              %select_n3A_401 = arith.select %le3A, %cond3A_224#1, %rev3A_399 : vector<16xi1>, vector<16xi32>
              %select_n3A_402 = arith.select %le3A, %rev3A_394, %cond3A_224#0 : vector<16xi1>, vector<16xf32>
              %select_n3A_403 = arith.select %le3A, %rev3A_399, %cond3A_224#1 : vector<16xi1>, vector<16xi32>
              %masked_sort3A_404 = arith.constant dense<true> : vector<16xi1>
              %masked_sort3A_405, %masked_sort3A_406, %masked_sort3A_407 = tpu.sort %select_n3A_400, %select_n3A_401 masked %masked_sort3A_404 : (vector<16xf32>, vector<16xi32>, vector<16xi1>) -> (vector<16xi1>, vector<16xf32>, vector<16xi32>)
              %masked_sort3A_408 = arith.constant dense<true> : vector<16xi1>
              %masked_sort3A_409, %masked_sort3A_410, %masked_sort3A_411 = tpu.sort %select_n3A_402, %select_n3A_403 masked %masked_sort3A_408 : (vector<16xf32>, vector<16xi32>, vector<16xi1>) -> (vector<16xi1>, vector<16xf32>, vector<16xi32>)
              %rev3A_412 = arith.constant 15 : i32
              %rev3A_413 = vector.broadcast %rev3A_412 : i32 to vector<16xi32>
              %rev3A_414 = tpu.iota {dimensions = array<i32: 0>} : vector<16xi32>
              %rev3A_415 = arith.subi %rev3A_413, %rev3A_414 : vector<16xi32>
              %rev3A_416 = tpu.dynamic_gather %masked_sort3A_410[%rev3A_415] in [0] : vector<16xf32>, vector<16xi32> -> vector<16xf32>
              %rev3A_417 = arith.constant 15 : i32
              %rev3A_418 = vector.broadcast %rev3A_417 : i32 to vector<16xi32>
              %rev3A_419 = tpu.iota {dimensions = array<i32: 0>} : vector<16xi32>
              %rev3A_420 = arith.subi %rev3A_418, %rev3A_419 : vector<16xi32>
              %rev3A_421 = tpu.dynamic_gather %masked_sort3A_411[%rev3A_420] in [0] : vector<16xi32>, vector<16xi32> -> vector<16xi32>
              %le3A_422 = arith.cmpf ole, %cond3A_224#2, %rev3A_416 : vector<16xf32>
              %select_n3A_423 = arith.select %le3A_422, %cond3A_224#2, %rev3A_416 : vector<16xi1>, vector<16xf32>
              %select_n3A_424 = arith.select %le3A_422, %cond3A_224#3, %rev3A_421 : vector<16xi1>, vector<16xi32>
              %masked_sort3A_425 = arith.constant dense<true> : vector<16xi1>
              %masked_sort3A_426, %masked_sort3A_427, %masked_sort3A_428 = tpu.sort %select_n3A_423, %select_n3A_424 masked %masked_sort3A_425 : (vector<16xf32>, vector<16xi32>, vector<16xi1>) -> (vector<16xi1>, vector<16xf32>, vector<16xi32>)
              %broadcast_in_dim3A_429 = arith.constant 15 : i32
              %broadcast_in_dim3A_430 = vector.broadcast %broadcast_in_dim3A_429 : i32 to vector<16xi32>
              %lt3A_431 = arith.constant 0 : i32
              %lt3A_432 = vector.broadcast %lt3A_431 : i32 to vector<16xi32>
              %lt3A_433 = arith.cmpi slt, %broadcast_in_dim3A_430, %lt3A_432 : vector<16xi32>
              %add3A_434 = arith.constant 16 : i32
              %add3A_435 = vector.broadcast %add3A_434 : i32 to vector<16xi32>
              %add3A_436 = arith.addi %broadcast_in_dim3A_430, %add3A_435 : vector<16xi32>
              %select_n3A_437 = arith.select %lt3A_433, %add3A_436, %broadcast_in_dim3A_430 : vector<16xi1>, vector<16xi32>
              %broadcast_in_dim3A_438 = vector.shape_cast %select_n3A_437 : vector<16xi32> to vector<16x1xi32>
              %gather3A = vector.shape_cast %broadcast_in_dim3A_438 : vector<16x1xi32> to vector<16xi32>
              %gather3A_439 = tpu.dynamic_gather %masked_sort3A_427[%gather3A] in [0] : vector<16xf32>, vector<16xi32> -> vector<16xf32>
              scf.yield %masked_sort3A_406, %masked_sort3A_407, %masked_sort3A_427, %masked_sort3A_428, %gather3A_439 : vector<16xf32>, vector<16xi32>, vector<16xf32>, vector<16xi32>, vector<16xf32>
            } else {
              scf.yield %cond3A_224#0, %cond3A_224#1, %cond3A_224#2, %cond3A_224#3, %cond3A_224#4 : vector<16xf32>, vector<16xi32>, vector<16xf32>, vector<16xi32>, vector<16xf32>
            }
            %add3A_251 = arith.constant 768 : i32
            %add3A_252 = arith.addi %multiple_of3A_139, %add3A_251 : i32
            %add3A_253 = arith.addi %add3A_252, %multiple_of3A_154 : i32
            %get3A_254 = arith.index_cast %add3A_253 : i32 to index
            %get3A_255 = tpu.vector_load %arg6[%get3A_254] {strides = array<i32>} : memref<20480xf32, #tpu.memory_space<vmem>>, vector<16xf32>,
            %add3A_256 = arith.constant 81920 : i32
            %add3A_257 = arith.addi %add3A_256, %multiple_of3A_139 : i32
            %add3A_258 = arith.constant 768 : i32
            %add3A_259 = arith.addi %add3A_257, %add3A_258 : i32
            %add3A_260 = arith.addi %add3A_259, %multiple_of3A_154 : i32
            %lt3A_261 = arith.cmpf olt, %get3A_255, %cond3A_250#4 : vector<16xf32>
            %reduce_or3A_262 = arith.constant 1.000000e+00 : f32
            %reduce_or3A_263 = arith.constant 0.000000e+00 : f32
            %reduce_or3A_264 = vector.broadcast %reduce_or3A_262 : f32 to vector<16xf32>
            %reduce_or3A_265 = vector.broadcast %reduce_or3A_263 : f32 to vector<16xf32>
            %reduce_or3A_266 = arith.select %lt3A_261, %reduce_or3A_264, %reduce_or3A_265 : vector<16xi1>, vector<16xf32>
            %reduce_or3A_267 = arith.constant true
            %reduce_or3A_268 = vector.broadcast %reduce_or3A_267 : i1 to vector<16xi1>
            %reduce_or3A_269 = tpu.scan <max>, %reduce_or3A_266 masked %reduce_or3A_268 : vector<16xf32>, vector<16xi1> -> vector<16xf32>
            %reduce_or3A_270 = vector.extract %reduce_or3A_269[15] : f32 from vector<16xf32>
            %reduce_or3A_271 = arith.constant 0.000000e+00 : f32
            %reduce_or3A_272 = arith.cmpf ogt, %reduce_or3A_270, %reduce_or3A_271 : f32
            %convert_element_type3A_273 = arith.extui %reduce_or3A_272 : i1 to i32
            %cond3A_274 = arith.constant 0 : i32
            %cond3A_275 = arith.cmpi ne, %convert_element_type3A_273, %cond3A_274 : i32
            %cond3A_276:5 = scf.if %cond3A_275 -> (vector<16xf32>, vector<16xi32>, vector<16xf32>, vector<16xi32>, vector<16xf32>) {
              %iota3A = tpu.iota {dimensions = array<i32: 0>} : vector<16xi32>
              %lt3A_381 = arith.cmpf olt, %get3A_255, %cond3A_250#4 : vector<16xf32>
              %jit3A = arith.constant 0x7F800000 : f32
              %broadcast_in_dim3A_382 = vector.broadcast %jit3A : f32 to vector<16xf32>
              %select_n3A = arith.select %lt3A_381, %get3A_255, %broadcast_in_dim3A_382 : vector<16xi1>, vector<16xf32>
              %broadcast_in_dim3A_383 = vector.broadcast %add3A_260 : i32 to vector<16xi32>
              %add3A_384 = arith.addi %broadcast_in_dim3A_383, %iota3A : vector<16xi32>
              %jit3A_385 = arith.constant 1073741824 : i32
              %broadcast_in_dim3A_386 = vector.broadcast %jit3A_385 : i32 to vector<16xi32>
              %select_n3A_387 = arith.select %lt3A_381, %add3A_384, %broadcast_in_dim3A_386 : vector<16xi1>, vector<16xi32>
              %masked_sort3A = arith.constant dense<true> : vector<16xi1>
              %masked_sort3A_388, %masked_sort3A_389, %masked_sort3A_390 = tpu.sort %select_n3A, %select_n3A_387 masked %masked_sort3A : (vector<16xf32>, vector<16xi32>, vector<16xi1>) -> (vector<16xi1>, vector<16xf32>, vector<16xi32>)
              %rev3A = arith.constant 15 : i32
              %rev3A_391 = vector.broadcast %rev3A : i32 to vector<16xi32>
              %rev3A_392 = tpu.iota {dimensions = array<i32: 0>} : vector<16xi32>
              %rev3A_393 = arith.subi %rev3A_391, %rev3A_392 : vector<16xi32>
              %rev3A_394 = tpu.dynamic_gather %masked_sort3A_389[%rev3A_393] in [0] : vector<16xf32>, vector<16xi32> -> vector<16xf32>
              %rev3A_395 = arith.constant 15 : i32
              %rev3A_396 = vector.broadcast %rev3A_395 : i32 to vector<16xi32>
              %rev3A_397 = tpu.iota {dimensions = array<i32: 0>} : vector<16xi32>
              %rev3A_398 = arith.subi %rev3A_396, %rev3A_397 : vector<16xi32>
              %rev3A_399 = tpu.dynamic_gather %masked_sort3A_390[%rev3A_398] in [0] : vector<16xi32>, vector<16xi32> -> vector<16xi32>
              %le3A = arith.cmpf ole, %cond3A_250#0, %rev3A_394 : vector<16xf32>
              %select_n3A_400 = arith.select %le3A, %cond3A_250#0, %rev3A_394 : vector<16xi1>, vector<16xf32>
              %select_n3A_401 = arith.select %le3A, %cond3A_250#1, %rev3A_399 : vector<16xi1>, vector<16xi32>
              %select_n3A_402 = arith.select %le3A, %rev3A_394, %cond3A_250#0 : vector<16xi1>, vector<16xf32>
              %select_n3A_403 = arith.select %le3A, %rev3A_399, %cond3A_250#1 : vector<16xi1>, vector<16xi32>
              %masked_sort3A_404 = arith.constant dense<true> : vector<16xi1>
              %masked_sort3A_405, %masked_sort3A_406, %masked_sort3A_407 = tpu.sort %select_n3A_400, %select_n3A_401 masked %masked_sort3A_404 : (vector<16xf32>, vector<16xi32>, vector<16xi1>) -> (vector<16xi1>, vector<16xf32>, vector<16xi32>)
              %masked_sort3A_408 = arith.constant dense<true> : vector<16xi1>
              %masked_sort3A_409, %masked_sort3A_410, %masked_sort3A_411 = tpu.sort %select_n3A_402, %select_n3A_403 masked %masked_sort3A_408 : (vector<16xf32>, vector<16xi32>, vector<16xi1>) -> (vector<16xi1>, vector<16xf32>, vector<16xi32>)
              %rev3A_412 = arith.constant 15 : i32
              %rev3A_413 = vector.broadcast %rev3A_412 : i32 to vector<16xi32>
              %rev3A_414 = tpu.iota {dimensions = array<i32: 0>} : vector<16xi32>
              %rev3A_415 = arith.subi %rev3A_413, %rev3A_414 : vector<16xi32>
              %rev3A_416 = tpu.dynamic_gather %masked_sort3A_410[%rev3A_415] in [0] : vector<16xf32>, vector<16xi32> -> vector<16xf32>
              %rev3A_417 = arith.constant 15 : i32
              %rev3A_418 = vector.broadcast %rev3A_417 : i32 to vector<16xi32>
              %rev3A_419 = tpu.iota {dimensions = array<i32: 0>} : vector<16xi32>
              %rev3A_420 = arith.subi %rev3A_418, %rev3A_419 : vector<16xi32>
              %rev3A_421 = tpu.dynamic_gather %masked_sort3A_411[%rev3A_420] in [0] : vector<16xi32>, vector<16xi32> -> vector<16xi32>
              %le3A_422 = arith.cmpf ole, %cond3A_250#2, %rev3A_416 : vector<16xf32>
              %select_n3A_423 = arith.select %le3A_422, %cond3A_250#2, %rev3A_416 : vector<16xi1>, vector<16xf32>
              %select_n3A_424 = arith.select %le3A_422, %cond3A_250#3, %rev3A_421 : vector<16xi1>, vector<16xi32>
              %masked_sort3A_425 = arith.constant dense<true> : vector<16xi1>
              %masked_sort3A_426, %masked_sort3A_427, %masked_sort3A_428 = tpu.sort %select_n3A_423, %select_n3A_424 masked %masked_sort3A_425 : (vector<16xf32>, vector<16xi32>, vector<16xi1>) -> (vector<16xi1>, vector<16xf32>, vector<16xi32>)
              %broadcast_in_dim3A_429 = arith.constant 15 : i32
              %broadcast_in_dim3A_430 = vector.broadcast %broadcast_in_dim3A_429 : i32 to vector<16xi32>
              %lt3A_431 = arith.constant 0 : i32
              %lt3A_432 = vector.broadcast %lt3A_431 : i32 to vector<16xi32>
              %lt3A_433 = arith.cmpi slt, %broadcast_in_dim3A_430, %lt3A_432 : vector<16xi32>
              %add3A_434 = arith.constant 16 : i32
              %add3A_435 = vector.broadcast %add3A_434 : i32 to vector<16xi32>
              %add3A_436 = arith.addi %broadcast_in_dim3A_430, %add3A_435 : vector<16xi32>
              %select_n3A_437 = arith.select %lt3A_433, %add3A_436, %broadcast_in_dim3A_430 : vector<16xi1>, vector<16xi32>
              %broadcast_in_dim3A_438 = vector.shape_cast %select_n3A_437 : vector<16xi32> to vector<16x1xi32>
              %gather3A = vector.shape_cast %broadcast_in_dim3A_438 : vector<16x1xi32> to vector<16xi32>
              %gather3A_439 = tpu.dynamic_gather %masked_sort3A_427[%gather3A] in [0] : vector<16xf32>, vector<16xi32> -> vector<16xf32>
              scf.yield %masked_sort3A_406, %masked_sort3A_407, %masked_sort3A_427, %masked_sort3A_428, %gather3A_439 : vector<16xf32>, vector<16xi32>, vector<16xf32>, vector<16xi32>, vector<16xf32>
            } else {
              scf.yield %cond3A_250#0, %cond3A_250#1, %cond3A_250#2, %cond3A_250#3, %cond3A_250#4 : vector<16xf32>, vector<16xi32>, vector<16xf32>, vector<16xi32>, vector<16xf32>
            }
            %add3A_277 = arith.constant 1024 : i32
            %add3A_278 = arith.addi %multiple_of3A_139, %add3A_277 : i32
            %add3A_279 = arith.addi %add3A_278, %multiple_of3A_154 : i32
            %get3A_280 = arith.index_cast %add3A_279 : i32 to index
            %get3A_281 = tpu.vector_load %arg6[%get3A_280] {strides = array<i32>} : memref<20480xf32, #tpu.memory_space<vmem>>, vector<16xf32>,
            %add3A_282 = arith.constant 81920 : i32
            %add3A_283 = arith.addi %add3A_282, %multiple_of3A_139 : i32
            %add3A_284 = arith.constant 1024 : i32
            %add3A_285 = arith.addi %add3A_283, %add3A_284 : i32
            %add3A_286 = arith.addi %add3A_285, %multiple_of3A_154 : i32
            %lt3A_287 = arith.cmpf olt, %get3A_281, %cond3A_276#4 : vector<16xf32>
            %reduce_or3A_288 = arith.constant 1.000000e+00 : f32
            %reduce_or3A_289 = arith.constant 0.000000e+00 : f32
            %reduce_or3A_290 = vector.broadcast %reduce_or3A_288 : f32 to vector<16xf32>
            %reduce_or3A_291 = vector.broadcast %reduce_or3A_289 : f32 to vector<16xf32>
            %reduce_or3A_292 = arith.select %lt3A_287, %reduce_or3A_290, %reduce_or3A_291 : vector<16xi1>, vector<16xf32>
            %reduce_or3A_293 = arith.constant true
            %reduce_or3A_294 = vector.broadcast %reduce_or3A_293 : i1 to vector<16xi1>
            %reduce_or3A_295 = tpu.scan <max>, %reduce_or3A_292 masked %reduce_or3A_294 : vector<16xf32>, vector<16xi1> -> vector<16xf32>
            %reduce_or3A_296 = vector.extract %reduce_or3A_295[15] : f32 from vector<16xf32>
            %reduce_or3A_297 = arith.constant 0.000000e+00 : f32
            %reduce_or3A_298 = arith.cmpf ogt, %reduce_or3A_296, %reduce_or3A_297 : f32
            %convert_element_type3A_299 = arith.extui %reduce_or3A_298 : i1 to i32
            %cond3A_300 = arith.constant 0 : i32
            %cond3A_301 = arith.cmpi ne, %convert_element_type3A_299, %cond3A_300 : i32
            %cond3A_302:5 = scf.if %cond3A_301 -> (vector<16xf32>, vector<16xi32>, vector<16xf32>, vector<16xi32>, vector<16xf32>) {
              %iota3A = tpu.iota {dimensions = array<i32: 0>} : vector<16xi32>
              %lt3A_381 = arith.cmpf olt, %get3A_281, %cond3A_276#4 : vector<16xf32>
              %jit3A = arith.constant 0x7F800000 : f32
              %broadcast_in_dim3A_382 = vector.broadcast %jit3A : f32 to vector<16xf32>
              %select_n3A = arith.select %lt3A_381, %get3A_281, %broadcast_in_dim3A_382 : vector<16xi1>, vector<16xf32>
              %broadcast_in_dim3A_383 = vector.broadcast %add3A_286 : i32 to vector<16xi32>
              %add3A_384 = arith.addi %broadcast_in_dim3A_383, %iota3A : vector<16xi32>
              %jit3A_385 = arith.constant 1073741824 : i32
              %broadcast_in_dim3A_386 = vector.broadcast %jit3A_385 : i32 to vector<16xi32>
              %select_n3A_387 = arith.select %lt3A_381, %add3A_384, %broadcast_in_dim3A_386 : vector<16xi1>, vector<16xi32>
              %masked_sort3A = arith.constant dense<true> : vector<16xi1>
              %masked_sort3A_388, %masked_sort3A_389, %masked_sort3A_390 = tpu.sort %select_n3A, %select_n3A_387 masked %masked_sort3A : (vector<16xf32>, vector<16xi32>, vector<16xi1>) -> (vector<16xi1>, vector<16xf32>, vector<16xi32>)
              %rev3A = arith.constant 15 : i32
              %rev3A_391 = vector.broadcast %rev3A : i32 to vector<16xi32>
              %rev3A_392 = tpu.iota {dimensions = array<i32: 0>} : vector<16xi32>
              %rev3A_393 = arith.subi %rev3A_391, %rev3A_392 : vector<16xi32>
              %rev3A_394 = tpu.dynamic_gather %masked_sort3A_389[%rev3A_393] in [0] : vector<16xf32>, vector<16xi32> -> vector<16xf32>
              %rev3A_395 = arith.constant 15 : i32
              %rev3A_396 = vector.broadcast %rev3A_395 : i32 to vector<16xi32>
              %rev3A_397 = tpu.iota {dimensions = array<i32: 0>} : vector<16xi32>
              %rev3A_398 = arith.subi %rev3A_396, %rev3A_397 : vector<16xi32>
              %rev3A_399 = tpu.dynamic_gather %masked_sort3A_390[%rev3A_398] in [0] : vector<16xi32>, vector<16xi32> -> vector<16xi32>
              %le3A = arith.cmpf ole, %cond3A_276#0, %rev3A_394 : vector<16xf32>
              %select_n3A_400 = arith.select %le3A, %cond3A_276#0, %rev3A_394 : vector<16xi1>, vector<16xf32>
              %select_n3A_401 = arith.select %le3A, %cond3A_276#1, %rev3A_399 : vector<16xi1>, vector<16xi32>
              %select_n3A_402 = arith.select %le3A, %rev3A_394, %cond3A_276#0 : vector<16xi1>, vector<16xf32>
              %select_n3A_403 = arith.select %le3A, %rev3A_399, %cond3A_276#1 : vector<16xi1>, vector<16xi32>
              %masked_sort3A_404 = arith.constant dense<true> : vector<16xi1>
              %masked_sort3A_405, %masked_sort3A_406, %masked_sort3A_407 = tpu.sort %select_n3A_400, %select_n3A_401 masked %masked_sort3A_404 : (vector<16xf32>, vector<16xi32>, vector<16xi1>) -> (vector<16xi1>, vector<16xf32>, vector<16xi32>)
              %masked_sort3A_408 = arith.constant dense<true> : vector<16xi1>
              %masked_sort3A_409, %masked_sort3A_410, %masked_sort3A_411 = tpu.sort %select_n3A_402, %select_n3A_403 masked %masked_sort3A_408 : (vector<16xf32>, vector<16xi32>, vector<16xi1>) -> (vector<16xi1>, vector<16xf32>, vector<16xi32>)
              %rev3A_412 = arith.constant 15 : i32
              %rev3A_413 = vector.broadcast %rev3A_412 : i32 to vector<16xi32>
              %rev3A_414 = tpu.iota {dimensions = array<i32: 0>} : vector<16xi32>
              %rev3A_415 = arith.subi %rev3A_413, %rev3A_414 : vector<16xi32>
              %rev3A_416 = tpu.dynamic_gather %masked_sort3A_410[%rev3A_415] in [0] : vector<16xf32>, vector<16xi32> -> vector<16xf32>
              %rev3A_417 = arith.constant 15 : i32
              %rev3A_418 = vector.broadcast %rev3A_417 : i32 to vector<16xi32>
              %rev3A_419 = tpu.iota {dimensions = array<i32: 0>} : vector<16xi32>
              %rev3A_420 = arith.subi %rev3A_418, %rev3A_419 : vector<16xi32>
              %rev3A_421 = tpu.dynamic_gather %masked_sort3A_411[%rev3A_420] in [0] : vector<16xi32>, vector<16xi32> -> vector<16xi32>
              %le3A_422 = arith.cmpf ole, %cond3A_276#2, %rev3A_416 : vector<16xf32>
              %select_n3A_423 = arith.select %le3A_422, %cond3A_276#2, %rev3A_416 : vector<16xi1>, vector<16xf32>
              %select_n3A_424 = arith.select %le3A_422, %cond3A_276#3, %rev3A_421 : vector<16xi1>, vector<16xi32>
              %masked_sort3A_425 = arith.constant dense<true> : vector<16xi1>
              %masked_sort3A_426, %masked_sort3A_427, %masked_sort3A_428 = tpu.sort %select_n3A_423, %select_n3A_424 masked %masked_sort3A_425 : (vector<16xf32>, vector<16xi32>, vector<16xi1>) -> (vector<16xi1>, vector<16xf32>, vector<16xi32>)
              %broadcast_in_dim3A_429 = arith.constant 15 : i32
              %broadcast_in_dim3A_430 = vector.broadcast %broadcast_in_dim3A_429 : i32 to vector<16xi32>
              %lt3A_431 = arith.constant 0 : i32
              %lt3A_432 = vector.broadcast %lt3A_431 : i32 to vector<16xi32>
              %lt3A_433 = arith.cmpi slt, %broadcast_in_dim3A_430, %lt3A_432 : vector<16xi32>
              %add3A_434 = arith.constant 16 : i32
              %add3A_435 = vector.broadcast %add3A_434 : i32 to vector<16xi32>
              %add3A_436 = arith.addi %broadcast_in_dim3A_430, %add3A_435 : vector<16xi32>
              %select_n3A_437 = arith.select %lt3A_433, %add3A_436, %broadcast_in_dim3A_430 : vector<16xi1>, vector<16xi32>
              %broadcast_in_dim3A_438 = vector.shape_cast %select_n3A_437 : vector<16xi32> to vector<16x1xi32>
              %gather3A = vector.shape_cast %broadcast_in_dim3A_438 : vector<16x1xi32> to vector<16xi32>
              %gather3A_439 = tpu.dynamic_gather %masked_sort3A_427[%gather3A] in [0] : vector<16xf32>, vector<16xi32> -> vector<16xf32>
              scf.yield %masked_sort3A_406, %masked_sort3A_407, %masked_sort3A_427, %masked_sort3A_428, %gather3A_439 : vector<16xf32>, vector<16xi32>, vector<16xf32>, vector<16xi32>, vector<16xf32>
            } else {
              scf.yield %cond3A_276#0, %cond3A_276#1, %cond3A_276#2, %cond3A_276#3, %cond3A_276#4 : vector<16xf32>, vector<16xi32>, vector<16xf32>, vector<16xi32>, vector<16xf32>
            }
            %add3A_303 = arith.constant 1280 : i32
            %add3A_304 = arith.addi %multiple_of3A_139, %add3A_303 : i32
            %add3A_305 = arith.addi %add3A_304, %multiple_of3A_154 : i32
            %get3A_306 = arith.index_cast %add3A_305 : i32 to index
            %get3A_307 = tpu.vector_load %arg6[%get3A_306] {strides = array<i32>} : memref<20480xf32, #tpu.memory_space<vmem>>, vector<16xf32>,
            %add3A_308 = arith.constant 81920 : i32
            %add3A_309 = arith.addi %add3A_308, %multiple_of3A_139 : i32
            %add3A_310 = arith.constant 1280 : i32
            %add3A_311 = arith.addi %add3A_309, %add3A_310 : i32
            %add3A_312 = arith.addi %add3A_311, %multiple_of3A_154 : i32
            %lt3A_313 = arith.cmpf olt, %get3A_307, %cond3A_302#4 : vector<16xf32>
            %reduce_or3A_314 = arith.constant 1.000000e+00 : f32
            %reduce_or3A_315 = arith.constant 0.000000e+00 : f32
            %reduce_or3A_316 = vector.broadcast %reduce_or3A_314 : f32 to vector<16xf32>
            %reduce_or3A_317 = vector.broadcast %reduce_or3A_315 : f32 to vector<16xf32>
            %reduce_or3A_318 = arith.select %lt3A_313, %reduce_or3A_316, %reduce_or3A_317 : vector<16xi1>, vector<16xf32>
            %reduce_or3A_319 = arith.constant true
            %reduce_or3A_320 = vector.broadcast %reduce_or3A_319 : i1 to vector<16xi1>
            %reduce_or3A_321 = tpu.scan <max>, %reduce_or3A_318 masked %reduce_or3A_320 : vector<16xf32>, vector<16xi1> -> vector<16xf32>
            %reduce_or3A_322 = vector.extract %reduce_or3A_321[15] : f32 from vector<16xf32>
            %reduce_or3A_323 = arith.constant 0.000000e+00 : f32
            %reduce_or3A_324 = arith.cmpf ogt, %reduce_or3A_322, %reduce_or3A_323 : f32
            %convert_element_type3A_325 = arith.extui %reduce_or3A_324 : i1 to i32
            %cond3A_326 = arith.constant 0 : i32
            %cond3A_327 = arith.cmpi ne, %convert_element_type3A_325, %cond3A_326 : i32
            %cond3A_328:5 = scf.if %cond3A_327 -> (vector<16xf32>, vector<16xi32>, vector<16xf32>, vector<16xi32>, vector<16xf32>) {
              %iota3A = tpu.iota {dimensions = array<i32: 0>} : vector<16xi32>
              %lt3A_381 = arith.cmpf olt, %get3A_307, %cond3A_302#4 : vector<16xf32>
              %jit3A = arith.constant 0x7F800000 : f32
              %broadcast_in_dim3A_382 = vector.broadcast %jit3A : f32 to vector<16xf32>
              %select_n3A = arith.select %lt3A_381, %get3A_307, %broadcast_in_dim3A_382 : vector<16xi1>, vector<16xf32>
              %broadcast_in_dim3A_383 = vector.broadcast %add3A_312 : i32 to vector<16xi32>
              %add3A_384 = arith.addi %broadcast_in_dim3A_383, %iota3A : vector<16xi32>
              %jit3A_385 = arith.constant 1073741824 : i32
              %broadcast_in_dim3A_386 = vector.broadcast %jit3A_385 : i32 to vector<16xi32>
              %select_n3A_387 = arith.select %lt3A_381, %add3A_384, %broadcast_in_dim3A_386 : vector<16xi1>, vector<16xi32>
              %masked_sort3A = arith.constant dense<true> : vector<16xi1>
              %masked_sort3A_388, %masked_sort3A_389, %masked_sort3A_390 = tpu.sort %select_n3A, %select_n3A_387 masked %masked_sort3A : (vector<16xf32>, vector<16xi32>, vector<16xi1>) -> (vector<16xi1>, vector<16xf32>, vector<16xi32>)
              %rev3A = arith.constant 15 : i32
              %rev3A_391 = vector.broadcast %rev3A : i32 to vector<16xi32>
              %rev3A_392 = tpu.iota {dimensions = array<i32: 0>} : vector<16xi32>
              %rev3A_393 = arith.subi %rev3A_391, %rev3A_392 : vector<16xi32>
              %rev3A_394 = tpu.dynamic_gather %masked_sort3A_389[%rev3A_393] in [0] : vector<16xf32>, vector<16xi32> -> vector<16xf32>
              %rev3A_395 = arith.constant 15 : i32
              %rev3A_396 = vector.broadcast %rev3A_395 : i32 to vector<16xi32>
              %rev3A_397 = tpu.iota {dimensions = array<i32: 0>} : vector<16xi32>
              %rev3A_398 = arith.subi %rev3A_396, %rev3A_397 : vector<16xi32>
              %rev3A_399 = tpu.dynamic_gather %masked_sort3A_390[%rev3A_398] in [0] : vector<16xi32>, vector<16xi32> -> vector<16xi32>
              %le3A = arith.cmpf ole, %cond3A_302#0, %rev3A_394 : vector<16xf32>
              %select_n3A_400 = arith.select %le3A, %cond3A_302#0, %rev3A_394 : vector<16xi1>, vector<16xf32>
              %select_n3A_401 = arith.select %le3A, %cond3A_302#1, %rev3A_399 : vector<16xi1>, vector<16xi32>
              %select_n3A_402 = arith.select %le3A, %rev3A_394, %cond3A_302#0 : vector<16xi1>, vector<16xf32>
              %select_n3A_403 = arith.select %le3A, %rev3A_399, %cond3A_302#1 : vector<16xi1>, vector<16xi32>
              %masked_sort3A_404 = arith.constant dense<true> : vector<16xi1>
              %masked_sort3A_405, %masked_sort3A_406, %masked_sort3A_407 = tpu.sort %select_n3A_400, %select_n3A_401 masked %masked_sort3A_404 : (vector<16xf32>, vector<16xi32>, vector<16xi1>) -> (vector<16xi1>, vector<16xf32>, vector<16xi32>)
              %masked_sort3A_408 = arith.constant dense<true> : vector<16xi1>
              %masked_sort3A_409, %masked_sort3A_410, %masked_sort3A_411 = tpu.sort %select_n3A_402, %select_n3A_403 masked %masked_sort3A_408 : (vector<16xf32>, vector<16xi32>, vector<16xi1>) -> (vector<16xi1>, vector<16xf32>, vector<16xi32>)
              %rev3A_412 = arith.constant 15 : i32
              %rev3A_413 = vector.broadcast %rev3A_412 : i32 to vector<16xi32>
              %rev3A_414 = tpu.iota {dimensions = array<i32: 0>} : vector<16xi32>
              %rev3A_415 = arith.subi %rev3A_413, %rev3A_414 : vector<16xi32>
              %rev3A_416 = tpu.dynamic_gather %masked_sort3A_410[%rev3A_415] in [0] : vector<16xf32>, vector<16xi32> -> vector<16xf32>
              %rev3A_417 = arith.constant 15 : i32
              %rev3A_418 = vector.broadcast %rev3A_417 : i32 to vector<16xi32>
              %rev3A_419 = tpu.iota {dimensions = array<i32: 0>} : vector<16xi32>
              %rev3A_420 = arith.subi %rev3A_418, %rev3A_419 : vector<16xi32>
              %rev3A_421 = tpu.dynamic_gather %masked_sort3A_411[%rev3A_420] in [0] : vector<16xi32>, vector<16xi32> -> vector<16xi32>
              %le3A_422 = arith.cmpf ole, %cond3A_302#2, %rev3A_416 : vector<16xf32>
              %select_n3A_423 = arith.select %le3A_422, %cond3A_302#2, %rev3A_416 : vector<16xi1>, vector<16xf32>
              %select_n3A_424 = arith.select %le3A_422, %cond3A_302#3, %rev3A_421 : vector<16xi1>, vector<16xi32>
              %masked_sort3A_425 = arith.constant dense<true> : vector<16xi1>
              %masked_sort3A_426, %masked_sort3A_427, %masked_sort3A_428 = tpu.sort %select_n3A_423, %select_n3A_424 masked %masked_sort3A_425 : (vector<16xf32>, vector<16xi32>, vector<16xi1>) -> (vector<16xi1>, vector<16xf32>, vector<16xi32>)
              %broadcast_in_dim3A_429 = arith.constant 15 : i32
              %broadcast_in_dim3A_430 = vector.broadcast %broadcast_in_dim3A_429 : i32 to vector<16xi32>
              %lt3A_431 = arith.constant 0 : i32
              %lt3A_432 = vector.broadcast %lt3A_431 : i32 to vector<16xi32>
              %lt3A_433 = arith.cmpi slt, %broadcast_in_dim3A_430, %lt3A_432 : vector<16xi32>
              %add3A_434 = arith.constant 16 : i32
              %add3A_435 = vector.broadcast %add3A_434 : i32 to vector<16xi32>
              %add3A_436 = arith.addi %broadcast_in_dim3A_430, %add3A_435 : vector<16xi32>
              %select_n3A_437 = arith.select %lt3A_433, %add3A_436, %broadcast_in_dim3A_430 : vector<16xi1>, vector<16xi32>
              %broadcast_in_dim3A_438 = vector.shape_cast %select_n3A_437 : vector<16xi32> to vector<16x1xi32>
              %gather3A = vector.shape_cast %broadcast_in_dim3A_438 : vector<16x1xi32> to vector<16xi32>
              %gather3A_439 = tpu.dynamic_gather %masked_sort3A_427[%gather3A] in [0] : vector<16xf32>, vector<16xi32> -> vector<16xf32>
              scf.yield %masked_sort3A_406, %masked_sort3A_407, %masked_sort3A_427, %masked_sort3A_428, %gather3A_439 : vector<16xf32>, vector<16xi32>, vector<16xf32>, vector<16xi32>, vector<16xf32>
            } else {
              scf.yield %cond3A_302#0, %cond3A_302#1, %cond3A_302#2, %cond3A_302#3, %cond3A_302#4 : vector<16xf32>, vector<16xi32>, vector<16xf32>, vector<16xi32>, vector<16xf32>
            }
            %add3A_329 = arith.constant 1536 : i32
            %add3A_330 = arith.addi %multiple_of3A_139, %add3A_329 : i32
            %add3A_331 = arith.addi %add3A_330, %multiple_of3A_154 : i32
            %get3A_332 = arith.index_cast %add3A_331 : i32 to index
            %get3A_333 = tpu.vector_load %arg6[%get3A_332] {strides = array<i32>} : memref<20480xf32, #tpu.memory_space<vmem>>, vector<16xf32>,
            %add3A_334 = arith.constant 81920 : i32
            %add3A_335 = arith.addi %add3A_334, %multiple_of3A_139 : i32
            %add3A_336 = arith.constant 1536 : i32
            %add3A_337 = arith.addi %add3A_335, %add3A_336 : i32
            %add3A_338 = arith.addi %add3A_337, %multiple_of3A_154 : i32
            %lt3A_339 = arith.cmpf olt, %get3A_333, %cond3A_328#4 : vector<16xf32>
            %reduce_or3A_340 = arith.constant 1.000000e+00 : f32
            %reduce_or3A_341 = arith.constant 0.000000e+00 : f32
            %reduce_or3A_342 = vector.broadcast %reduce_or3A_340 : f32 to vector<16xf32>
            %reduce_or3A_343 = vector.broadcast %reduce_or3A_341 : f32 to vector<16xf32>
            %reduce_or3A_344 = arith.select %lt3A_339, %reduce_or3A_342, %reduce_or3A_343 : vector<16xi1>, vector<16xf32>
            %reduce_or3A_345 = arith.constant true
            %reduce_or3A_346 = vector.broadcast %reduce_or3A_345 : i1 to vector<16xi1>
            %reduce_or3A_347 = tpu.scan <max>, %reduce_or3A_344 masked %reduce_or3A_346 : vector<16xf32>, vector<16xi1> -> vector<16xf32>
            %reduce_or3A_348 = vector.extract %reduce_or3A_347[15] : f32 from vector<16xf32>
            %reduce_or3A_349 = arith.constant 0.000000e+00 : f32
            %reduce_or3A_350 = arith.cmpf ogt, %reduce_or3A_348, %reduce_or3A_349 : f32
            %convert_element_type3A_351 = arith.extui %reduce_or3A_350 : i1 to i32
            %cond3A_352 = arith.constant 0 : i32
            %cond3A_353 = arith.cmpi ne, %convert_element_type3A_351, %cond3A_352 : i32
            %cond3A_354:5 = scf.if %cond3A_353 -> (vector<16xf32>, vector<16xi32>, vector<16xf32>, vector<16xi32>, vector<16xf32>) {
              %iota3A = tpu.iota {dimensions = array<i32: 0>} : vector<16xi32>
              %lt3A_381 = arith.cmpf olt, %get3A_333, %cond3A_328#4 : vector<16xf32>
              %jit3A = arith.constant 0x7F800000 : f32
              %broadcast_in_dim3A_382 = vector.broadcast %jit3A : f32 to vector<16xf32>
              %select_n3A = arith.select %lt3A_381, %get3A_333, %broadcast_in_dim3A_382 : vector<16xi1>, vector<16xf32>
              %broadcast_in_dim3A_383 = vector.broadcast %add3A_338 : i32 to vector<16xi32>
              %add3A_384 = arith.addi %broadcast_in_dim3A_383, %iota3A : vector<16xi32>
              %jit3A_385 = arith.constant 1073741824 : i32
              %broadcast_in_dim3A_386 = vector.broadcast %jit3A_385 : i32 to vector<16xi32>
              %select_n3A_387 = arith.select %lt3A_381, %add3A_384, %broadcast_in_dim3A_386 : vector<16xi1>, vector<16xi32>
              %masked_sort3A = arith.constant dense<true> : vector<16xi1>
              %masked_sort3A_388, %masked_sort3A_389, %masked_sort3A_390 = tpu.sort %select_n3A, %select_n3A_387 masked %masked_sort3A : (vector<16xf32>, vector<16xi32>, vector<16xi1>) -> (vector<16xi1>, vector<16xf32>, vector<16xi32>)
              %rev3A = arith.constant 15 : i32
              %rev3A_391 = vector.broadcast %rev3A : i32 to vector<16xi32>
              %rev3A_392 = tpu.iota {dimensions = array<i32: 0>} : vector<16xi32>
              %rev3A_393 = arith.subi %rev3A_391, %rev3A_392 : vector<16xi32>
              %rev3A_394 = tpu.dynamic_gather %masked_sort3A_389[%rev3A_393] in [0] : vector<16xf32>, vector<16xi32> -> vector<16xf32>
              %rev3A_395 = arith.constant 15 : i32
              %rev3A_396 = vector.broadcast %rev3A_395 : i32 to vector<16xi32>
              %rev3A_397 = tpu.iota {dimensions = array<i32: 0>} : vector<16xi32>
              %rev3A_398 = arith.subi %rev3A_396, %rev3A_397 : vector<16xi32>
              %rev3A_399 = tpu.dynamic_gather %masked_sort3A_390[%rev3A_398] in [0] : vector<16xi32>, vector<16xi32> -> vector<16xi32>
              %le3A = arith.cmpf ole, %cond3A_328#0, %rev3A_394 : vector<16xf32>
              %select_n3A_400 = arith.select %le3A, %cond3A_328#0, %rev3A_394 : vector<16xi1>, vector<16xf32>
              %select_n3A_401 = arith.select %le3A, %cond3A_328#1, %rev3A_399 : vector<16xi1>, vector<16xi32>
              %select_n3A_402 = arith.select %le3A, %rev3A_394, %cond3A_328#0 : vector<16xi1>, vector<16xf32>
              %select_n3A_403 = arith.select %le3A, %rev3A_399, %cond3A_328#1 : vector<16xi1>, vector<16xi32>
              %masked_sort3A_404 = arith.constant dense<true> : vector<16xi1>
              %masked_sort3A_405, %masked_sort3A_406, %masked_sort3A_407 = tpu.sort %select_n3A_400, %select_n3A_401 masked %masked_sort3A_404 : (vector<16xf32>, vector<16xi32>, vector<16xi1>) -> (vector<16xi1>, vector<16xf32>, vector<16xi32>)
              %masked_sort3A_408 = arith.constant dense<true> : vector<16xi1>
              %masked_sort3A_409, %masked_sort3A_410, %masked_sort3A_411 = tpu.sort %select_n3A_402, %select_n3A_403 masked %masked_sort3A_408 : (vector<16xf32>, vector<16xi32>, vector<16xi1>) -> (vector<16xi1>, vector<16xf32>, vector<16xi32>)
              %rev3A_412 = arith.constant 15 : i32
              %rev3A_413 = vector.broadcast %rev3A_412 : i32 to vector<16xi32>
              %rev3A_414 = tpu.iota {dimensions = array<i32: 0>} : vector<16xi32>
              %rev3A_415 = arith.subi %rev3A_413, %rev3A_414 : vector<16xi32>
              %rev3A_416 = tpu.dynamic_gather %masked_sort3A_410[%rev3A_415] in [0] : vector<16xf32>, vector<16xi32> -> vector<16xf32>
              %rev3A_417 = arith.constant 15 : i32
              %rev3A_418 = vector.broadcast %rev3A_417 : i32 to vector<16xi32>
              %rev3A_419 = tpu.iota {dimensions = array<i32: 0>} : vector<16xi32>
              %rev3A_420 = arith.subi %rev3A_418, %rev3A_419 : vector<16xi32>
              %rev3A_421 = tpu.dynamic_gather %masked_sort3A_411[%rev3A_420] in [0] : vector<16xi32>, vector<16xi32> -> vector<16xi32>
              %le3A_422 = arith.cmpf ole, %cond3A_328#2, %rev3A_416 : vector<16xf32>
              %select_n3A_423 = arith.select %le3A_422, %cond3A_328#2, %rev3A_416 : vector<16xi1>, vector<16xf32>
              %select_n3A_424 = arith.select %le3A_422, %cond3A_328#3, %rev3A_421 : vector<16xi1>, vector<16xi32>
              %masked_sort3A_425 = arith.constant dense<true> : vector<16xi1>
              %masked_sort3A_426, %masked_sort3A_427, %masked_sort3A_428 = tpu.sort %select_n3A_423, %select_n3A_424 masked %masked_sort3A_425 : (vector<16xf32>, vector<16xi32>, vector<16xi1>) -> (vector<16xi1>, vector<16xf32>, vector<16xi32>)
              %broadcast_in_dim3A_429 = arith.constant 15 : i32
              %broadcast_in_dim3A_430 = vector.broadcast %broadcast_in_dim3A_429 : i32 to vector<16xi32>
              %lt3A_431 = arith.constant 0 : i32
              %lt3A_432 = vector.broadcast %lt3A_431 : i32 to vector<16xi32>
              %lt3A_433 = arith.cmpi slt, %broadcast_in_dim3A_430, %lt3A_432 : vector<16xi32>
              %add3A_434 = arith.constant 16 : i32
              %add3A_435 = vector.broadcast %add3A_434 : i32 to vector<16xi32>
              %add3A_436 = arith.addi %broadcast_in_dim3A_430, %add3A_435 : vector<16xi32>
              %select_n3A_437 = arith.select %lt3A_433, %add3A_436, %broadcast_in_dim3A_430 : vector<16xi1>, vector<16xi32>
              %broadcast_in_dim3A_438 = vector.shape_cast %select_n3A_437 : vector<16xi32> to vector<16x1xi32>
              %gather3A = vector.shape_cast %broadcast_in_dim3A_438 : vector<16x1xi32> to vector<16xi32>
              %gather3A_439 = tpu.dynamic_gather %masked_sort3A_427[%gather3A] in [0] : vector<16xf32>, vector<16xi32> -> vector<16xf32>
              scf.yield %masked_sort3A_406, %masked_sort3A_407, %masked_sort3A_427, %masked_sort3A_428, %gather3A_439 : vector<16xf32>, vector<16xi32>, vector<16xf32>, vector<16xi32>, vector<16xf32>
            } else {
              scf.yield %cond3A_328#0, %cond3A_328#1, %cond3A_328#2, %cond3A_328#3, %cond3A_328#4 : vector<16xf32>, vector<16xi32>, vector<16xf32>, vector<16xi32>, vector<16xf32>
            }
            %add3A_355 = arith.constant 1792 : i32
            %add3A_356 = arith.addi %multiple_of3A_139, %add3A_355 : i32
            %add3A_357 = arith.addi %add3A_356, %multiple_of3A_154 : i32
            %get3A_358 = arith.index_cast %add3A_357 : i32 to index
            %get3A_359 = tpu.vector_load %arg6[%get3A_358] {strides = array<i32>} : memref<20480xf32, #tpu.memory_space<vmem>>, vector<16xf32>,
            %add3A_360 = arith.constant 81920 : i32
            %add3A_361 = arith.addi %add3A_360, %multiple_of3A_139 : i32
            %add3A_362 = arith.constant 1792 : i32
            %add3A_363 = arith.addi %add3A_361, %add3A_362 : i32
            %add3A_364 = arith.addi %add3A_363, %multiple_of3A_154 : i32
            %lt3A_365 = arith.cmpf olt, %get3A_359, %cond3A_354#4 : vector<16xf32>
            %reduce_or3A_366 = arith.constant 1.000000e+00 : f32
            %reduce_or3A_367 = arith.constant 0.000000e+00 : f32
            %reduce_or3A_368 = vector.broadcast %reduce_or3A_366 : f32 to vector<16xf32>
            %reduce_or3A_369 = vector.broadcast %reduce_or3A_367 : f32 to vector<16xf32>
            %reduce_or3A_370 = arith.select %lt3A_365, %reduce_or3A_368, %reduce_or3A_369 : vector<16xi1>, vector<16xf32>
            %reduce_or3A_371 = arith.constant true
            %reduce_or3A_372 = vector.broadcast %reduce_or3A_371 : i1 to vector<16xi1>
            %reduce_or3A_373 = tpu.scan <max>, %reduce_or3A_370 masked %reduce_or3A_372 : vector<16xf32>, vector<16xi1> -> vector<16xf32>
            %reduce_or3A_374 = vector.extract %reduce_or3A_373[15] : f32 from vector<16xf32>
            %reduce_or3A_375 = arith.constant 0.000000e+00 : f32
            %reduce_or3A_376 = arith.cmpf ogt, %reduce_or3A_374, %reduce_or3A_375 : f32
            %convert_element_type3A_377 = arith.extui %reduce_or3A_376 : i1 to i32
            %cond3A_378 = arith.constant 0 : i32
            %cond3A_379 = arith.cmpi ne, %convert_element_type3A_377, %cond3A_378 : i32
            %cond3A_380:5 = scf.if %cond3A_379 -> (vector<16xf32>, vector<16xi32>, vector<16xf32>, vector<16xi32>, vector<16xf32>) {
              %iota3A = tpu.iota {dimensions = array<i32: 0>} : vector<16xi32>
              %lt3A_381 = arith.cmpf olt, %get3A_359, %cond3A_354#4 : vector<16xf32>
              %jit3A = arith.constant 0x7F800000 : f32
              %broadcast_in_dim3A_382 = vector.broadcast %jit3A : f32 to vector<16xf32>
              %select_n3A = arith.select %lt3A_381, %get3A_359, %broadcast_in_dim3A_382 : vector<16xi1>, vector<16xf32>
              %broadcast_in_dim3A_383 = vector.broadcast %add3A_364 : i32 to vector<16xi32>
              %add3A_384 = arith.addi %broadcast_in_dim3A_383, %iota3A : vector<16xi32>
              %jit3A_385 = arith.constant 1073741824 : i32
              %broadcast_in_dim3A_386 = vector.broadcast %jit3A_385 : i32 to vector<16xi32>
              %select_n3A_387 = arith.select %lt3A_381, %add3A_384, %broadcast_in_dim3A_386 : vector<16xi1>, vector<16xi32>
              %masked_sort3A = arith.constant dense<true> : vector<16xi1>
              %masked_sort3A_388, %masked_sort3A_389, %masked_sort3A_390 = tpu.sort %select_n3A, %select_n3A_387 masked %masked_sort3A : (vector<16xf32>, vector<16xi32>, vector<16xi1>) -> (vector<16xi1>, vector<16xf32>, vector<16xi32>)
              %rev3A = arith.constant 15 : i32
              %rev3A_391 = vector.broadcast %rev3A : i32 to vector<16xi32>
              %rev3A_392 = tpu.iota {dimensions = array<i32: 0>} : vector<16xi32>
              %rev3A_393 = arith.subi %rev3A_391, %rev3A_392 : vector<16xi32>
              %rev3A_394 = tpu.dynamic_gather %masked_sort3A_389[%rev3A_393] in [0] : vector<16xf32>, vector<16xi32> -> vector<16xf32>
              %rev3A_395 = arith.constant 15 : i32
              %rev3A_396 = vector.broadcast %rev3A_395 : i32 to vector<16xi32>
              %rev3A_397 = tpu.iota {dimensions = array<i32: 0>} : vector<16xi32>
              %rev3A_398 = arith.subi %rev3A_396, %rev3A_397 : vector<16xi32>
              %rev3A_399 = tpu.dynamic_gather %masked_sort3A_390[%rev3A_398] in [0] : vector<16xi32>, vector<16xi32> -> vector<16xi32>
              %le3A = arith.cmpf ole, %cond3A_354#0, %rev3A_394 : vector<16xf32>
              %select_n3A_400 = arith.select %le3A, %cond3A_354#0, %rev3A_394 : vector<16xi1>, vector<16xf32>
              %select_n3A_401 = arith.select %le3A, %cond3A_354#1, %rev3A_399 : vector<16xi1>, vector<16xi32>
              %select_n3A_402 = arith.select %le3A, %rev3A_394, %cond3A_354#0 : vector<16xi1>, vector<16xf32>
              %select_n3A_403 = arith.select %le3A, %rev3A_399, %cond3A_354#1 : vector<16xi1>, vector<16xi32>
              %masked_sort3A_404 = arith.constant dense<true> : vector<16xi1>
              %masked_sort3A_405, %masked_sort3A_406, %masked_sort3A_407 = tpu.sort %select_n3A_400, %select_n3A_401 masked %masked_sort3A_404 : (vector<16xf32>, vector<16xi32>, vector<16xi1>) -> (vector<16xi1>, vector<16xf32>, vector<16xi32>)
              %masked_sort3A_408 = arith.constant dense<true> : vector<16xi1>
              %masked_sort3A_409, %masked_sort3A_410, %masked_sort3A_411 = tpu.sort %select_n3A_402, %select_n3A_403 masked %masked_sort3A_408 : (vector<16xf32>, vector<16xi32>, vector<16xi1>) -> (vector<16xi1>, vector<16xf32>, vector<16xi32>)
              %rev3A_412 = arith.constant 15 : i32
              %rev3A_413 = vector.broadcast %rev3A_412 : i32 to vector<16xi32>
              %rev3A_414 = tpu.iota {dimensions = array<i32: 0>} : vector<16xi32>
              %rev3A_415 = arith.subi %rev3A_413, %rev3A_414 : vector<16xi32>
              %rev3A_416 = tpu.dynamic_gather %masked_sort3A_410[%rev3A_415] in [0] : vector<16xf32>, vector<16xi32> -> vector<16xf32>
              %rev3A_417 = arith.constant 15 : i32
              %rev3A_418 = vector.broadcast %rev3A_417 : i32 to vector<16xi32>
              %rev3A_419 = tpu.iota {dimensions = array<i32: 0>} : vector<16xi32>
              %rev3A_420 = arith.subi %rev3A_418, %rev3A_419 : vector<16xi32>
              %rev3A_421 = tpu.dynamic_gather %masked_sort3A_411[%rev3A_420] in [0] : vector<16xi32>, vector<16xi32> -> vector<16xi32>
              %le3A_422 = arith.cmpf ole, %cond3A_354#2, %rev3A_416 : vector<16xf32>
              %select_n3A_423 = arith.select %le3A_422, %cond3A_354#2, %rev3A_416 : vector<16xi1>, vector<16xf32>
              %select_n3A_424 = arith.select %le3A_422, %cond3A_354#3, %rev3A_421 : vector<16xi1>, vector<16xi32>
              %masked_sort3A_425 = arith.constant dense<true> : vector<16xi1>
              %masked_sort3A_426, %masked_sort3A_427, %masked_sort3A_428 = tpu.sort %select_n3A_423, %select_n3A_424 masked %masked_sort3A_425 : (vector<16xf32>, vector<16xi32>, vector<16xi1>) -> (vector<16xi1>, vector<16xf32>, vector<16xi32>)
              %broadcast_in_dim3A_429 = arith.constant 15 : i32
              %broadcast_in_dim3A_430 = vector.broadcast %broadcast_in_dim3A_429 : i32 to vector<16xi32>
              %lt3A_431 = arith.constant 0 : i32
              %lt3A_432 = vector.broadcast %lt3A_431 : i32 to vector<16xi32>
              %lt3A_433 = arith.cmpi slt, %broadcast_in_dim3A_430, %lt3A_432 : vector<16xi32>
              %add3A_434 = arith.constant 16 : i32
              %add3A_435 = vector.broadcast %add3A_434 : i32 to vector<16xi32>
              %add3A_436 = arith.addi %broadcast_in_dim3A_430, %add3A_435 : vector<16xi32>
              %select_n3A_437 = arith.select %lt3A_433, %add3A_436, %broadcast_in_dim3A_430 : vector<16xi1>, vector<16xi32>
              %broadcast_in_dim3A_438 = vector.shape_cast %select_n3A_437 : vector<16xi32> to vector<16x1xi32>
              %gather3A = vector.shape_cast %broadcast_in_dim3A_438 : vector<16x1xi32> to vector<16xi32>
              %gather3A_439 = tpu.dynamic_gather %masked_sort3A_427[%gather3A] in [0] : vector<16xf32>, vector<16xi32> -> vector<16xf32>
              scf.yield %masked_sort3A_406, %masked_sort3A_407, %masked_sort3A_427, %masked_sort3A_428, %gather3A_439 : vector<16xf32>, vector<16xi32>, vector<16xf32>, vector<16xi32>, vector<16xf32>
            } else {
              scf.yield %cond3A_354#0, %cond3A_354#1, %cond3A_354#2, %cond3A_354#3, %cond3A_354#4 : vector<16xf32>, vector<16xi32>, vector<16xf32>, vector<16xi32>, vector<16xf32>
            }
            scf.yield %cond3A_380#0, %cond3A_380#1, %cond3A_380#2, %cond3A_380#3, %cond3A_380#4 : vector<16xf32>, vector<16xi32>, vector<16xf32>, vector<16xi32>, vector<16xf32>
          } else {
            scf.yield %scan3A_147, %scan3A_148, %scan3A_149, %scan3A_150, %scan3A_151 : vector<16xf32>, vector<16xi32>, vector<16xf32>, vector<16xi32>, vector<16xf32>
          }
          scf.yield %cond3A_172#0, %cond3A_172#1, %cond3A_172#2, %cond3A_172#3, %cond3A_172#4 : vector<16xf32>, vector<16xi32>, vector<16xf32>, vector<16xi32>, vector<16xf32>
        }
        %scan3A_145 = arith.constant 16 : i32
        scf.yield %scan3A_144#0, %scan3A_144#1, %scan3A_144#2, %scan3A_144#3, %scan3A_144#4 : vector<16xf32>, vector<16xi32>, vector<16xf32>, vector<16xi32>, vector<16xf32>
      }
      %scan3A_120 = arith.constant 10 : i32
      %swap3A = arith.constant 0 : index
      %swap3A_121 = tpu.vector_load %arg9[%swap3A] {strides = array<i32>} : memref<32xf32, #tpu.memory_space<vmem>>, vector<16xf32>,
      tpu.vector_store %arg9[%swap3A], %scan3A_119#0 {strides = array<i32>} : memref<32xf32, #tpu.memory_space<vmem>>, vector<16xf32>,
      %swap3A_122 = arith.constant 16 : index
      %swap3A_123 = tpu.vector_load %arg9[%swap3A_122] {strides = array<i32>} : memref<32xf32, #tpu.memory_space<vmem>>, vector<16xf32>,
      tpu.vector_store %arg9[%swap3A_122], %scan3A_119#2 {strides = array<i32>} : memref<32xf32, #tpu.memory_space<vmem>>, vector<16xf32>,
      %swap3A_124 = arith.constant 0 : index
      %swap3A_125 = tpu.vector_load %arg10[%swap3A_124] {strides = array<i32>} : memref<32xi32, #tpu.memory_space<vmem>>, vector<16xi32>,
      tpu.vector_store %arg10[%swap3A_124], %scan3A_119#1 {strides = array<i32>} : memref<32xi32, #tpu.memory_space<vmem>>, vector<16xi32>,
      %swap3A_126 = arith.constant 16 : index
      %swap3A_127 = tpu.vector_load %arg10[%swap3A_126] {strides = array<i32>} : memref<32xi32, #tpu.memory_space<vmem>>, vector<16xi32>,
      tpu.vector_store %arg10[%swap3A_126], %scan3A_119#3 {strides = array<i32>} : memref<32xi32, #tpu.memory_space<vmem>>, vector<16xi32>,
      %mul3A_128 = arith.constant 32 : i32
      %mul3A_129 = arith.muli %add3A_11, %mul3A_128 : i32
      %multiple_of3A = tpu.assume_multiple %mul3A_129, 32 : i32
      "tpu.region"() ({
        %run_scoped3A = tpu.sem_alloc : memref<!tpu.dma_semaphore, #tpu.memory_space<semaphore_mem>>
        %dma_start3A_131 = tpu.memref_slice %arg4[%multiple_of3A] : memref<32768xf32, #tpu.memory_space<hbm>> -> memref<32xf32, #tpu.memory_space<hbm>>
        %dma_start3A_132 = tpu.memref_slice %arg4[%multiple_of3A] : memref<32768xf32, #tpu.memory_space<hbm>> -> memref<32xf32, #tpu.memory_space<hbm>>
        tpu.enqueue_dma source(%arg9 : memref<32xf32, #tpu.memory_space<vmem>>) target(%dma_start3A_132 : memref<32xf32, #tpu.memory_space<hbm>>) target_semaphore(%run_scoped3A : memref<!tpu.dma_semaphore, #tpu.memory_space<semaphore_mem>>)
        %dma_wait3A_133 = tpu.memref_slice %arg4[%multiple_of3A] : memref<32768xf32, #tpu.memory_space<hbm>> -> memref<32xf32, #tpu.memory_space<hbm>>
        %dma_wait3A_134 = tpu.memref_slice %arg4[%multiple_of3A] : memref<32768xf32, #tpu.memory_space<hbm>> -> memref<32xf32, #tpu.memory_space<hbm>>
        tpu.wait_dma2 semaphore(%run_scoped3A : memref<!tpu.dma_semaphore, #tpu.memory_space<semaphore_mem>>) src(%arg9 : memref<32xf32, #tpu.memory_space<vmem>>) dst(%dma_wait3A_134 : memref<32xf32, #tpu.memory_space<hbm>>)
        tpu.yield
      }) : () -> ()
      "tpu.region"() ({
        %run_scoped3A = tpu.sem_alloc : memref<!tpu.dma_semaphore, #tpu.memory_space<semaphore_mem>>
        %dma_start3A_131 = tpu.memref_slice %arg5[%multiple_of3A] : memref<32768xi32, #tpu.memory_space<hbm>> -> memref<32xi32, #tpu.memory_space<hbm>>
        %dma_start3A_132 = tpu.memref_slice %arg5[%multiple_of3A] : memref<32768xi32, #tpu.memory_space<hbm>> -> memref<32xi32, #tpu.memory_space<hbm>>
        tpu.enqueue_dma source(%arg10 : memref<32xi32, #tpu.memory_space<vmem>>) target(%dma_start3A_132 : memref<32xi32, #tpu.memory_space<hbm>>) target_semaphore(%run_scoped3A : memref<!tpu.dma_semaphore, #tpu.memory_space<semaphore_mem>>)
        %dma_wait3A_133 = tpu.memref_slice %arg5[%multiple_of3A] : memref<32768xi32, #tpu.memory_space<hbm>> -> memref<32xi32, #tpu.memory_space<hbm>>
        %dma_wait3A_134 = tpu.memref_slice %arg5[%multiple_of3A] : memref<32768xi32, #tpu.memory_space<hbm>> -> memref<32xi32, #tpu.memory_space<hbm>>
        tpu.wait_dma2 semaphore(%run_scoped3A : memref<!tpu.dma_semaphore, #tpu.memory_space<semaphore_mem>>) src(%arg10 : memref<32xi32, #tpu.memory_space<vmem>>) dst(%dma_wait3A_134 : memref<32xi32, #tpu.memory_space<hbm>>)
        tpu.yield
      }) : () -> ()
      %scan3A_130 = arith.constant 0 : i32
      scf.yield %scan3A_130 : i32
    }
    %scan3A_8 = arith.constant 32 : i32
    return
  }
}

module attributes {stable_mosaic.version = 14 : i64} {
  func.func @_dist_body(%arg0: i32, %arg1: memref<1024x64xf32, #tpu.memory_space<vmem>>, %arg2: memref<2048x64xf32, #tpu.memory_space<vmem>>, %arg3: memref<1024x1xf32, #tpu.memory_space<vmem>>, %arg4: memref<1x1x2048xf32, #tpu.memory_space<vmem>>, %arg5: memref<1024x2048xf32, #tpu.memory_space<vmem>>, %arg6: memref<1024x256xf32, #tpu.memory_space<vmem>>) attributes {dimension_semantics = [#tpu.dimension_semantics<arbitrary>], iteration_bounds = array<i64: 50>, scalar_prefetch = 0 : i64, scratch_operands = 0 : i64, tpu.core_type = #tpu.core_type<tc>, window_params = [{pipeline_mode = #tpu.pipeline_mode<synchronous>, transform_indices = @transform_0, window_bounds = array<i64: 1024, 64>}, {transform_indices = @transform_1, window_bounds = array<i64: 2048, 64>}, {pipeline_mode = #tpu.pipeline_mode<synchronous>, transform_indices = @transform_2, window_bounds = array<i64: 1024, 1>}, {transform_indices = @transform_3, window_bounds = array<i64: 1, 1, 2048>}, {transform_indices = @transform_4, window_bounds = array<i64: 1024, 2048>}, {transform_indices = @transform_5, window_bounds = array<i64: 1024, 256>}]} {
    %get3A = arith.constant 0 : index
    %get3A_0 = arith.constant 0 : index
    %get3A_1 = vector.load %arg1[%get3A, %get3A_0] : memref<1024x64xf32, #tpu.memory_space<vmem>>, vector<1024x64xf32>
    %get3A_2 = arith.constant 0 : index
    %get3A_3 = arith.constant 0 : index
    %get3A_4 = vector.load %arg2[%get3A_2, %get3A_3] : memref<2048x64xf32, #tpu.memory_space<vmem>>, vector<2048x64xf32>
    %get3A_5 = arith.constant 0 : index
    %get3A_6 = arith.constant 0 : index
    %get3A_7 = vector.load %arg3[%get3A_5, %get3A_6] : memref<1024x1xf32, #tpu.memory_space<vmem>>, vector<1024x1xf32>
    %squeeze3A = vector.shape_cast %get3A_7 : vector<1024x1xf32> to vector<1024xf32>
    %get3A_8 = arith.constant 0 : index
    %get3A_9 = arith.constant 0 : index
    %get3A_10 = arith.constant 0 : index
    %get3A_11 = vector.load %arg4[%get3A_8, %get3A_9, %get3A_10] : memref<1x1x2048xf32, #tpu.memory_space<vmem>>, vector<1x1x2048xf32>
    %squeeze3A_12 = vector.shape_cast %get3A_11 : vector<1x1x2048xf32> to vector<2048xf32>
    %dot_general3A = arith.constant dense<0.000000e+00> : vector<1024x2048xf32>
    %dot_general3A_13 = tpu.matmul %get3A_1, %get3A_4, %dot_general3A {dimension_numbers = #tpu.dot_dimension_numbers<[1], [1], [0], [0], [0, 0, 1, 0], [], []>, transpose_lhs_hint = false} : vector<1024x64xf32>, vector<2048x64xf32>, vector<1024x2048xf32> -> vector<1024x2048xf32>
    %broadcast_in_dim3A = vector.shape_cast %squeeze3A : vector<1024xf32> to vector<1024x1xf32>
    %mul3A = arith.constant 2.000000e+00 : f32
    %mul3A_14 = vector.broadcast %mul3A : f32 to vector<1024x2048xf32>
    %mul3A_15 = arith.mulf %mul3A_14, %dot_general3A_13 : vector<1024x2048xf32>
    %sub3A = vector.broadcast %broadcast_in_dim3A : vector<1024x1xf32> to vector<1024x2048xf32>
    %sub3A_16 = arith.subf %sub3A, %mul3A_15 : vector<1024x2048xf32>
    %broadcast_in_dim3A_17 = vector.shape_cast %squeeze3A_12 : vector<2048xf32> to vector<1x2048xf32>
    %add3A = vector.broadcast %broadcast_in_dim3A_17 : vector<1x2048xf32> to vector<1024x2048xf32>
    %add3A_18 = arith.addf %sub3A_16, %add3A : vector<1024x2048xf32>
    %mul3A_19 = arith.constant 2048 : i32
    %mul3A_20 = arith.muli %arg0, %mul3A_19 : i32
    %iota3A = tpu.iota {dimensions = array<i32: 1>} : vector<1024x2048xi32>
    %add3A_21 = vector.broadcast %mul3A_20 : i32 to vector<1024x2048xi32>
    %add3A_22 = arith.addi %add3A_21, %iota3A : vector<1024x2048xi32>
    %lt3A = arith.constant 100000 : i32
    %lt3A_23 = vector.broadcast %lt3A : i32 to vector<1024x2048xi32>
    %lt3A_24 = arith.cmpi slt, %add3A_22, %lt3A_23 : vector<1024x2048xi32>
    %jit3A = arith.constant 0x7F800000 : f32
    %broadcast_in_dim3A_25 = vector.broadcast %jit3A : f32 to vector<1024x2048xf32>
    %select_n3A = arith.select %lt3A_24, %add3A_18, %broadcast_in_dim3A_25 : vector<1024x2048xi1>, vector<1024x2048xf32>
    %swap3A = arith.constant 0 : index
    %swap3A_26 = arith.constant 0 : index
    %swap3A_27 = vector.load %arg5[%swap3A, %swap3A_26] : memref<1024x2048xf32, #tpu.memory_space<vmem>>, vector<1024x2048xf32>
    tpu.vector_store %arg5[%swap3A, %swap3A_26], %select_n3A {strides = array<i32>} : memref<1024x2048xf32, #tpu.memory_space<vmem>>, vector<1024x2048xf32>,
    %slice3A = vector.extract_strided_slice %select_n3A {offsets = [0, 0], sizes = [1024, 256], strides = [1, 1]} : vector<1024x2048xf32> to vector<1024x256xf32>
    %slice3A_28 = vector.extract_strided_slice %select_n3A {offsets = [0, 256], sizes = [1024, 256], strides = [1, 1]} : vector<1024x2048xf32> to vector<1024x256xf32>
    %min3A = arith.minimumf %slice3A, %slice3A_28 : vector<1024x256xf32>
    %slice3A_29 = vector.extract_strided_slice %select_n3A {offsets = [0, 512], sizes = [1024, 256], strides = [1, 1]} : vector<1024x2048xf32> to vector<1024x256xf32>
    %min3A_30 = arith.minimumf %min3A, %slice3A_29 : vector<1024x256xf32>
    %slice3A_31 = vector.extract_strided_slice %select_n3A {offsets = [0, 768], sizes = [1024, 256], strides = [1, 1]} : vector<1024x2048xf32> to vector<1024x256xf32>
    %min3A_32 = arith.minimumf %min3A_30, %slice3A_31 : vector<1024x256xf32>
    %slice3A_33 = vector.extract_strided_slice %select_n3A {offsets = [0, 1024], sizes = [1024, 256], strides = [1, 1]} : vector<1024x2048xf32> to vector<1024x256xf32>
    %min3A_34 = arith.minimumf %min3A_32, %slice3A_33 : vector<1024x256xf32>
    %slice3A_35 = vector.extract_strided_slice %select_n3A {offsets = [0, 1280], sizes = [1024, 256], strides = [1, 1]} : vector<1024x2048xf32> to vector<1024x256xf32>
    %min3A_36 = arith.minimumf %min3A_34, %slice3A_35 : vector<1024x256xf32>
    %slice3A_37 = vector.extract_strided_slice %select_n3A {offsets = [0, 1536], sizes = [1024, 256], strides = [1, 1]} : vector<1024x2048xf32> to vector<1024x256xf32>
    %min3A_38 = arith.minimumf %min3A_36, %slice3A_37 : vector<1024x256xf32>
    %slice3A_39 = vector.extract_strided_slice %select_n3A {offsets = [0, 1792], sizes = [1024, 256], strides = [1, 1]} : vector<1024x2048xf32> to vector<1024x256xf32>
    %min3A_40 = arith.minimumf %min3A_38, %slice3A_39 : vector<1024x256xf32>
    %swap3A_41 = arith.constant 0 : index
    %swap3A_42 = arith.constant 0 : index
    %swap3A_43 = vector.load %arg6[%swap3A_41, %swap3A_42] : memref<1024x256xf32, #tpu.memory_space<vmem>>, vector<1024x256xf32>
    tpu.vector_store %arg6[%swap3A_41, %swap3A_42], %min3A_40 {strides = array<i32>} : memref<1024x256xf32, #tpu.memory_space<vmem>>, vector<1024x256xf32>,
    return
  }
  func.func @transform_0(%arg0: i32) -> (i32, i32) {
    %c0_i32 = arith.constant 0 : i32
    %c0_i32_0 = arith.constant 0 : i32
    %c0_i32_1 = arith.constant 0 : i32
    return %c0_i32, %c0_i32_0 : i32, i32
  }
  func.func @transform_1(%arg0: i32) -> (i32, i32) {
    %c0_i32 = arith.constant 0 : i32
    %c0_i32_0 = arith.constant 0 : i32
    return %arg0, %c0_i32 : i32, i32
  }
  func.func @transform_2(%arg0: i32) -> (i32, i32) {
    %c0_i32 = arith.constant 0 : i32
    %c0_i32_0 = arith.constant 0 : i32
    %c0_i32_1 = arith.constant 0 : i32
    return %c0_i32, %c0_i32_0 : i32, i32
  }
  func.func @transform_3(%arg0: i32) -> (i32, i32, i32) {
    %c0_i32 = arith.constant 0 : i32
    %c0_i32_0 = arith.constant 0 : i32
    %c0_i32_1 = arith.constant 0 : i32
    return %arg0, %c0_i32, %c0_i32_0 : i32, i32, i32
  }
  func.func @transform_4(%arg0: i32) -> (i32, i32) {
    %c0_i32 = arith.constant 0 : i32
    %c0_i32_0 = arith.constant 0 : i32
    return %c0_i32, %arg0 : i32, i32
  }
  func.func @transform_5(%arg0: i32) -> (i32, i32) {
    %c0_i32 = arith.constant 0 : i32
    %c0_i32_0 = arith.constant 0 : i32
    return %c0_i32, %arg0 : i32, i32
  }
}

</mosaic_0001>

<sc_bundles>
// kernel: kernel.4.cloned.1.call-start
scs
__scs_entry_jumppad:
0x0: {  	(pc) =	sbr.rel $0x88, $3  }
0x1: {  	(tag) =	ssettag $0x0;
	lr =	simm.s32 $0x1  }
0x2: {  	[smem:$0x3F9F] =	sst lr;
	_ =	strace $0xD0000000  }
0x3: {  	_ = 	snop  }
0x4: {  	_ = 	snop  }
0x5: {  	_ = 	snop  }
0x6: {  	_ = 	snop  }
0x7: {  	_ = 	snop  }
__scs_overlays_trampoline_lowered:
0x8: {  	[smem:$0x3FAE] =	sst s0  }
0x9: {  	[smem:$0x3FAF] =	sst s1  }
0xa: {  	[smem:$0x3FB0] =	sst s2  }
0xb: {  	[smem:$0x3FB1] =	sst s3  }
0xc: {  	[smem:$0x3FB2] =	sst s4  }
0xd: {  	[smem:$0x3FB3] =	sst s5  }
0xe: {  	[smem:$0x3FB4] =	sst s6  }
0xf: {  	[smem:$0x3FB5] =	sst s7  }
0x10: {  	[smem:$0x3FB6] =	sst s8  }
0x11: {  	[smem:$0x3FB7] =	sst s9;
	s0 =	simm.s32 @!p0 $0x0  }
0x12: {  	s1 =	sld [smem:$0x3F9D];
	s0 =	simm.s32 @p0 $0x1  }
0x13: {  	[smem:$0x3FB8] =	sst s0;
	s0 =	simm.s32 @!p1 $0x0  }
0x14: {  	s2 =	sld [smem:$0x3F9C];
	s0 =	simm.s32 @p1 $0x1  }
0x15: {  	[smem:$0x3FB9] =	sst s0;
	s0 =	simm.s32 @!p2 $0x0  }
0x16: {  	s3 =	sld [smem:$0x3FDB];
	s0 =	simm.s32 @p2 $0x1  }
0x17: {  	s4 =	simm.s32 $0x1BF5;
	[smem:$0x3FBB] =	sst s0  }
0x18: {  	s0 =	sld [smem:$0x3F9E];
	_ =	swait.ge [sflag:s4], $0x0  }
0x19: {  	s7 =	sld [smem:$0x3F9F]  }
0x1a: {  	s8 =	sadd.s32 $0xFFFFE003, lr  }
0x1b: {  	s9 =	sadd.s32 $0xFFFFFEF7, lr;
	s5 =	simm.s32 $0xFFFFFFFF;
	p2 =	slt.u32 s8, $0xFFFFF086  }
0x1c: {  	p1 =	slt.u32 s9, $0xF7A;
	s5 =	simm.s32 @!p2 $0x0  }
0x1d: {  	s5 =	simm.s32 @p1 $0x1;
	p0 =	seq.s32 s7, s2  }
0x1e: {  	s7 =	smul.u32 @!p0 $0xF7A, s2;
	p2 =	seq.s32 @!p0 s5, $0x0  }
0x1f: {  	s9 =	smul.u32 $0xF7A, s1;
	s8 =	simm.s32 @!p0 $0x1BF5;
	p2 =	por !p2, p0  }
0x20: {  	[sflag:s8] =	ssyncset.s32 @!p0 $0xFFFFF086;
	s6 =	sadd.s32 @!p0 s3, s7;
	s7 =	simm.s32 @!p0 $0x108  }
0x21: {  	s3 =	sadd.s32 s3, s9;
	s6 =	sadd.s32 @!p0 $0x88, s6;
	s7 =	simm.s32 @p2 $0x1082  }
0x22: {  	[simem:s7], [sflag:s8] =	dma.local @!p0 [hbm:s6], $0xF7A  }
0x23: {  	s9 =	sor.u32 $0xD0000000, s2;
	s6 =	simm.s32 $0x108;
	_ =	swait.ge @!p0 [sflag:s8], $0x0  }
0x24: {  	s3 =	sadd.s32 $0x88, s3;
	s6 =	simm.s32 @!p1 $0x1082;
	[sflag:s4] =	ssyncset.s32 $0xFFFFF086  }
0x25: {  	[simem:s6], [sflag:s4] =	dma.local [hbm:s3], $0xF7A  }
0x26: {  	[smem:$0x3F9F] =	sst s1;
	(tag) =	ssettag s2;
	_ =	strace s9  }
0x27: {  	s1 =	sld [smem:$0x3FAF]  }
0x28: {  	s2 =	sld [smem:$0x3FB0]  }
0x29: {  	s4 =	sld [smem:$0x3FB2]  }
0x2a: {  	p0 =	seq.s32 s5, $0x0;
	s5 =	sld [smem:$0x3FB3]  }
0x2b: {  	s6 =	sld [smem:$0x3FB4]  }
0x2c: {  	s7 =	sld [smem:$0x3FB5]  }
0x2d: {  	s3 =	simm.s32 $0x108;
	s8 =	sld [smem:$0x3FB6]  }
0x2e: {  	s3 =	simm.s32 @!p0 $0x1082;
	s9 =	sld [smem:$0x3FB7]  }
0x2f: {  	lr =	sadd.s32 s0, s3;
	s0 =	sld [smem:$0x3FAE]  }
0x30: {  	s3 =	sld [smem:$0x3FB1]  }
0x31: {  	[smem:$0x3FBA] =	sst s10  }
0x32: {  	s10 =	sld [smem:$0x3FB8];
	_ =	sdelay $0x3  }
0x33: {  	p0 =	seq.s32 s10, $0x1;
	s10 =	sld [smem:$0x3FBA];
	_ =	sdelay $0x3  }
0x34: {  	[smem:$0x3FBA] =	sst s10  }
0x35: {  	s10 =	sld [smem:$0x3FB9];
	_ =	sdelay $0x3  }
0x36: {  	p1 =	seq.s32 s10, $0x1;
	s10 =	sld [smem:$0x3FBA];
	_ =	sdelay $0x3  }
0x37: {  	[smem:$0x3FBA] =	sst s10  }
0x38: {  	s10 =	sld [smem:$0x3FBB]  }
0x39: {  	_ = 	snop;
	(pc) =	sbr.ind lr, $3  }
0x3a: {  	_ = 	snop  }
0x3b: {  	_ = 	snop  }
0x3c: {  	p2 =	seq.s32 s10, $0x1;
	s10 =	sld [smem:$0x3FBA]  }
0x3d: {  	_ =	shalt  }
0x3e: {  	_ =	shalt  }
0x3f: {  	_ =	shalt  }
0x40: {  	_ =	shalt  }
0x41: {  	_ =	shalt  }
0x42: {  	_ =	shalt  }
0x43: {  	_ =	shalt  }
0x44: {  	_ =	shalt  }
0x45: {  	_ =	shalt  }
0x46: {  	_ =	shalt  }
0x47: {  	_ =	shalt  }
0x48: {  	_ =	shalt  }
0x49: {  	_ =	shalt  }
0x4a: {  	_ =	shalt  }
0x4b: {  	_ =	shalt  }
0x4c: {  	_ =	shalt  }
0x4d: {  	_ =	shalt  }
0x4e: {  	_ =	shalt  }
0x4f: {  	_ =	shalt  }
0x50: {  	_ =	shalt  }
0x51: {  	_ =	shalt  }
0x52: {  	_ =	shalt  }
0x53: {  	_ =	shalt  }
0x54: {  	_ =	shalt  }
0x55: {  	_ =	shalt  }
0x56: {  	_ =	shalt  }
0x57: {  	_ =	shalt  }
0x58: {  	_ =	shalt  }
0x59: {  	_ =	shalt  }
0x5a: {  	_ =	shalt  }
0x5b: {  	_ =	shalt  }
0x5c: {  	_ =	shalt  }
0x5d: {  	_ =	shalt  }
0x5e: {  	_ =	shalt  }
0x5f: {  	_ =	shalt  }
0x60: {  	_ =	shalt  }
0x61: {  	_ =	shalt  }
0x62: {  	_ =	shalt  }
0x63: {  	_ =	shalt  }
0x64: {  	_ =	shalt  }
0x65: {  	_ =	shalt  }
0x66: {  	_ =	shalt  }
0x67: {  	_ =	shalt  }
0x68: {  	_ =	shalt  }
0x69: {  	_ =	shalt  }
0x6a: {  	_ =	shalt  }
0x6b: {  	_ =	shalt  }
0x6c: {  	_ =	shalt  }
0x6d: {  	_ =	shalt  }
0x6e: {  	_ =	shalt  }
0x6f: {  	_ =	shalt  }
0x70: {  	_ =	shalt  }
0x71: {  	_ =	shalt  }
0x72: {  	_ =	shalt  }
0x73: {  	_ =	shalt  }
0x74: {  	_ =	shalt  }
0x75: {  	_ =	shalt  }
0x76: {  	_ =	shalt  }
0x77: {  	_ =	shalt  }
0x78: {  	_ =	shalt  }
0x79: {  	_ =	shalt  }
0x7a: {  	_ =	shalt  }
0x7b: {  	_ =	shalt  }
0x7c: {  	_ =	shalt  }
0x7d: {  	_ =	shalt  }
0x7e: {  	_ =	shalt  }
0x7f: {  	_ =	shalt  }
0x80: {  	_ =	shalt  }
0x81: {  	_ =	shalt  }
0x82: {  	_ =	shalt  }
0x83: {  	_ =	shalt  }
0x84: {  	_ =	shalt  }
0x85: {  	_ =	shalt  }
0x86: {  	_ =	shalt  }
0x87: {  	_ =	shalt  }
.Lfunc_end0:
.L_simem_size_0:
called_computation_lowered:
.L_overlay_start_0:
0x88: {  	s2 =	sld [smem:$0x3FD9]  }
0x89: {  	s3 =	sld [smem:$0x3FFE];
	_ =	sdelay $0x1  }
0x8a: {  	s1 =	srdreg.scid  }
0x8b: {  	s0 =	sand.u32 $0x1, s1  }
0x8c: {  	s14 =	sshll.u32 s0, $0xA;
	s2 =	sadd.s32 s3, s2  }
0x8d: {  	s2 =	sadd.s32 s2, s14  }
0x8e: {  	[smem:$0x3FC6] =	sst s2  }
0x8f: {  	_ = 	snop  }
0x90: {  	s2 =	sld [smem:$0x3FD0];
	_ =	sdelay $0x2  }
0x91: {  	s15 =	simm.s32 $0xA;
	s4 =	simm.s32 $0x10  }
0x92: {  	[smem:s4], [sflag:s15] =	dma.local [hbm:s2], $0x1  }
0x93: {  	_ =	swait.eq [sflag:s15], $0x1  }
0x94: {  	[sflag:s15] =	ssyncset.done $0x0  }
0x95: {  	[sflag:s15] =	ssyncadd.s32 $0xFFFFFFFF  }
0x96: {  	s16 =	sld [smem:$0x11];
	(tm) =	ssettm $0x1  }
0x97: {  	s17 =	sld [smem:$0x3FFB];
	_ =	sdelay $0x3  }
0x98: {  	_ =	strace s17  }
0x99: {  	s3 =	sld [smem:$0x3FFC];
	_ =	sdelay $0x3  }
0x9a: {  	_ =	strace s3  }
0x9b: {  	s3 =	sld [smem:$0x3FFD];
	_ =	sdelay $0x3  }
0x9c: {  	_ =	strace s3  }
0x9d: {  	_ =	strace $0x8FFFFFFF  }
0x9e: {  	s18 =	sld [smem:$0x3FDB];
	_ =	sdelay $0x1  }
0x9f: {  	s19 =	simm.s32 $_scs_section_size  }
0xa0: {  	s5 =	simm.s32 $_size__tile_overlayer_lowered;
	s6 =	simm.s32 $_tile_overlayer_lowered  }
0xa1: {  	s22 =	simm.s32 $0x1BFF;
	s21 =	sshll.u32 s6, $0x1;
	s3 =	sadd.s32 s19, s18  }
0xa2: {  	s7 =	simm.s32 $0x0;
	s20 =	sshll.u32 s5, $0x1;
	s5 =	sadd.s32 s21, s3  }
0xa3: {  	[timem:s7], [sflag:s22] =	dma.local [hbm:s5], s20  }
0xa4: {  	_ =	swait.ge [sflag:s22], s20  }
0xa5: {  	s4 =	ssub.s32 $0x0, s20;
	[sflag:s22] =	ssyncset.done $0x0  }
0xa6: {  	[sflag:s22] =	ssyncadd.s32 s4;
	_ =	sdelay $0x1  }
0xa7: {  	s23 =	simm.s32 $0x1B8B  }
0xa8: {  	_ =	swait.ge [sflag:s23], $0x1  }
0xa9: {  	[sflag:s23] =	ssyncset.done $0x0  }
0xaa: {  	s25 =	simm.s32 $0x1B8E;
	s24 =	sld [smem:$0x3FFE];
	[sflag:s23] =	ssyncadd.s32 $0xFFFFFFFF  }
0xab: {  	s26 =	simm.s32 $execute0_lowered;
	[smem:$0x3FD2] =	sst s25  }
0xac: {  	s5 =	sshll.u32 s26, $0x1;
	_ =	strace $0x80000046;
	[dreg:$0x1] =	wrdreg $0xFFFFFFFF  }
0xad: {  	s28 =	simm.s32 $_size_execute0_lowered;
	s3 =	sadd.s32 s3, s5;
	[dreg:$0x0] =	wrdreg $0x0  }
0xae: {  	s5 =	sshll.u32 s28, $0x1;
	[dreg:$0x2] =	wrdreg s3  }
0xaf: {  	[dreg:$0x3] =	wrdreg s5  }
0xb0: {  	[dreg:$0x4] =	wrdreg $0xC0  }
0xb1: {  	_ =	task [dreg:s7], $0x5FFFF  }
0xb2: {  	[dreg:$0x1] =	wrdreg $0xFFFFFFFF  }
0xb3: {  	[dreg:$0x0] =	wrdreg $0x60  }
0xb4: {  	[dreg:$0x2] =	wrdreg s24  }
0xb5: {  	[dreg:$0x3] =	wrdreg s16  }
0xb6: {  	[dreg:$0x4] =	wrdreg $0x9  }
0xb7: {  	_ =	task.clear_ibuf [dreg:s7], $0x5FFFF;
	_ =	strace $0x90000046  }
0xb8: {  	s29 =	simm.s32 $0x9;
	_ =	strace $0x80000048  }
0xb9: {  	_ =	swait.ge [sflag:s29], $0x1  }
0xba: {  	[sflag:s29] =	ssyncadd.s32 $0xFFFFFFFF  }
0xbb: {  	_ =	strace $0x90000048  }
0xbc: {  	_ =	sfence  }
0xbd: {  	s30 =	sld [smem:$0x0];
	_ =	sdelay $0x2  }
0xbe: {  	s31 =	sshll.u32 s1, $0xD;
	s1 =	sshrl.u32 s1, $0x2  }
0xbf: {  	s3 =	sand.u32 $0x4000, s31;
	s1 =	sadd.s32 s1, s30  }
0xc0: {  	s0 =	sor.u32 s3, s0;
	s1 =	sshll.u32 s1, $0x11  }
0xc1: {  	s0 =	sor.u32 s1, s0  }
0xc2: {  	s0 =	sadd.s32 $0x8F2B, s0  }
0xc3: {  	[sflag:s0] =	ssyncadd.remote.s32 $0x1  }
0xc4: {  	_ =	sfence.sel $0xFFFF  }
0xc5: {  	[dreg:$0x0] =	wrdreg $0xFFFFFFFF;
	(pc) =	sbr.abs _section_cstart, $3  }
0xc6: {  	[dreg:$0x1] =	wrdreg $0xFFFFFFFF  }
0xc7: {  	_ =	task.clear_ibuf [dreg:s7], $0x2FFFF;
	_ =	strace $0x9FFFFFFF  }
0xc8: {  	(tm) =	ssettm $0x7FFFFFFF  }
0xc9: {  	_ =	shalt  }
tec
execute0_lowered:
.L_overlay_start_1:
0x0: {  	(tag) =	ssettag $0x1  }
0x1: {  	s1 =	rddreg [dreg:$0x0]  }
0x2: {  	s2 =	rddreg [dreg:$0x1]  }
0x3: {  	s3 =	simm.s32 $0x0;
	s4 =	srdreg.scid;
	s11 =	simm.s32 $0xA000  }
0x4: {  	s12 =	simm.s32 $0x3;
	s13 =	simm.s32 $0x1;
	s14 =	simm.s32 $0x5000  }
0x5: {  	s15 =	simm.s32 $0x2;
	s16 =	simm.s32 $0xD200;
	s17 =	simm.s32 $0x4  }
0x6: {  	s18 =	simm.s32 $0xD280;
	s19 =	simm.s32 $0x0;
	[smem:$0x7FF] =	sst s3  }
.Ltmp0:
0x7: {  	s6 =	sand.u32 $0x1, s4;
	s5 =	sadd.s32 $0x316A00, s1;
	(pc) =	sbr.rel .LBB2_1-.Ltmp0, $4  }
0x8: {  	s4 =	stileid.u32;
	_ =	strace $0x80000047;
	s7 =	ssub.s32 $0x2, s6  }
0x9: {  	s9 =	sshll.u32 s4, $0x6;
	s10 =	sshll.u32 s6, $0x5;
	s8 =	sshrl.u32 s7, $0x1  }
0xa: {  	s6 =	sadd.s32 $0xF96A00, s1;
	s8 =	ssub.s32 s7, s8;
	s7 =	sor.u32 s10, s9  }
0xb: {  	v0 =	vimm.f32 $0.0e+00;
	s9 =	simm.s32 $0x80;
	s10 =	simm.s32 $0x400;
	s8 =	smax.u32 s8, $0x1  }
.LBB2_33:
0xc: {  	s19 =	sadd.s32 $0x1, s19  }
0xd: {  	p0 =	sne.s32 s19, s8  }
.Ltmp1:
0xe: {  	_ = 	snop;
	(pc) =	sbr.rel @!p0 .LBB2_34-.Ltmp1, $1  }
0xf: {  	_ =	sdelay $0x3  }
.LBB2_1:
.Ltmp2:
0x10: {  	(pc) =	sbr.rel .LBB2_2-.Ltmp2, $2  }
0x11: {  	_ =	sdelay $0x2  }
0x12: {  	s20 =	simm.s32 $0x0  }
.LBB2_32:
0x13: {  	[tilespmem:$0xD200] =	vst v4  }
0x14: {  	[tilespmem:$0xD210] =	vst v2  }
0x15: {  	[tilespmem:$0xD280] =	vst v3;
	s0 =	sshll.u32 s21, $0x2  }
0x16: {  	[tilespmem:$0xD290] =	vst v1;
	s21 =	sadd.s32 s2, s0  }
0x17: {  	[hbm4b:s21+s3] =	stream.linear.scatter [tilespmem:s16], [sflag:$0x4], $0x20, $0x38;
	[tilespmem:$0xD300] =	vst v63  }
0x18: {  	s20 =	sadd.s32 $0x1, s20;
	_ =	swait.ge [sflag:s17], $0x20  }
0x19: {  	p0 =	sne.s32 s20, $0x20;
	[sflag:s17] =	ssyncset.done $0x0  }
.Ltmp3:
0x1a: {  	s0 =	sadd.s32 s1, s0;
	[sflag:s17] =	ssyncadd.s32 $0xFFFFFFE0;
	(pc) =	sbr.rel @!p0 .LBB2_33-.Ltmp3, $4  }
0x1b: {  	[hbm4b:s0+s3] =	stream.linear.scatter [tilespmem:s18], [sflag:$0x4], $0x20, $0x38;
	[tilespmem:$0xD300] =	vst v63  }
0x1c: {  	_ =	swait.ge [sflag:s17], $0x20  }
0x1d: {  	[sflag:s17] =	ssyncset.done $0x0  }
0x1e: {  	[sflag:s17] =	ssyncadd.s32 $0xFFFFFFE0  }
.LBB2_2:
0x1f: {  	s21 =	sadd.s32 s7, s20  }
0x20: {  	s23 =	sshrl.u32 s21, $0x3  }
0x21: {  	s22 =	sshll.u32 s20, $0x7;
	s24 =	smul.u32 $0x19000, s23  }
0x22: {  	s22 =	sand.u32 $0x380, s22;
	s23 =	smul.u32 $0xC8000, s23  }
0x23: {  	s24 =	sor.u32 s22, s24  }
0x24: {  	s25 =	sor.u32 s22, s23;
	s24 =	sshrl.u32 s24, $0x3  }
0x25: {  	s31 =	sshrl.u32 s25, $0x3;
	s24 =	sadd.s32 s6, s24  }
0x26: {  	[tilespmem:s11], [sflag:$0x3] =	stream.strided.gather [hbm4b:s24+s9], $0x3200, s10, s9, $0x38;
	[tilespmem:$0xD300] =	vst v63  }
0x27: {  	s26 =	sadd.s32 s5, s31;
	s24 =	simm.s32 $0x0  }
0x28: {  	[tilespmem:s24], [sflag:$0x1] =	stream.strided.gather [hbm4b:s26+s9], $0x5000, s10, s9, $0x38;
	[tilespmem:$0xD300] =	vst v63  }
0x29: {  	_ =	swait.ge [sflag:s12], $0x3200  }
0x2a: {  	[sflag:s12] =	ssyncset.done $0x0  }
0x2b: {  	[sflag:s12] =	ssyncadd.s32 $0xFFFFCE00  }
.Ltmp4:
0x2c: {  	s25 =	sadd.s32 $0x28000, s25;
	_ =	swait.ge [sflag:s13], $0x5000;
	(pc) =	sbr.rel .LBB2_3-.Ltmp4, $4  }
0x2d: {  	s25 =	sshrl.u32 s25, $0x3;
	[sflag:s13] =	ssyncset.done $0x0  }
0x2e: {  	s25 =	sadd.s32 s5, s25;
	[sflag:s13] =	ssyncadd.s32 $0xFFFFB000  }
0x2f: {  	v1 =	vimm.s32 $0x40000000;
	v5 =	vimm.f32 $+Inf;
	[tilespmem:s14], [sflag:$0x2] =	stream.strided.gather [hbm4b:s25+s9], $0x5000, s10, s9, $0x38;
	[tilespmem:$0xD300] =	vst v63  }
0x30: {  	v2 =	vimm.f32 $+Inf;
	v3 =	vimm.s32 $0x40000000;
	v4 =	vimm.f32 $+Inf;
	s25 =	simm.s32 $0x0  }
.LBB2_7:
0x31: {  	s25 =	sadd.s32 $0x1, s25  }
0x32: {  	p0 =	sne.s32 s25, $0xA  }
.Ltmp5:
0x33: {  	_ = 	snop;
	(pc) =	sbr.rel @!p0 .LBB2_8-.Ltmp5, $2  }
0x34: {  	_ =	sdelay $0x2  }
0x35: {  	s24 =	sadd.s32 $0x800, s24  }
.LBB2_3:
.Ltmp6:
0x36: {  	(pc) =	sbr.rel .LBB2_4-.Ltmp6, $4  }
0x37: {  	_ = 	snop  }
0x38: {  	s26 =	sshll.u32 s25, $0x8  }
0x39: {  	s26 =	sand.u32 $0x3FFFFF00, s26  }
0x3a: {  	s28 =	simm.s32 $0x0;
	s26 =	sadd.s32 $0xA000, s26  }
.LBB2_6:
0x3b: {  	s28 =	sadd.s32 $0x10, s28  }
0x3c: {  	p0 =	sne.s32 s28, $0x100  }
.Ltmp7:
0x3d: {  	_ = 	snop;
	(pc) =	sbr.rel @!p0 .LBB2_7-.Ltmp7, $1  }
0x3e: {  	_ =	sdelay $0x3  }
.LBB2_4:
0x3f: {  	s30 =	sand.u32 $0x80, s28  }
0x40: {  	s29 =	sand.u32 $0x70, s28;
	s30 =	sadd.s32 s30, s26  }
0x41: {  	s30 =	sadd.s32 s29, s30  }
0x42: {  	v6 =	vld [tilespmem:s30+$0x0];
	_ =	sdelay $0x4  }
0x43: {  	vm0 =	vlt.f32 v6, v5  }
0x44: {  	v6 =	vsel vm0, $0x3F800000, v0  }
0x45: {  	(xrf0) =	vmax.scan.msk.f32 $0xffff, v6;
	_ =	sdelay $0x5  }
0x46: {  	v6, _, _ =	vpop (xrf0)  }
0x47: {  	(v2sf) =	vpush v6, $0xF;
	_ =	sdelay $0xe  }
0x48: {  	s31 =	spop (v2sf)  }
0x49: {  	p0 =	sgt.f32 s31, $0.0e+00  }
.Ltmp8:
0x4a: {  	_ = 	snop;
	(pc) =	sbr.rel @!p0 .LBB2_6-.Ltmp8, $1  }
0x4b: {  	_ =	sdelay $0x3  }
0x4c: {  	s30 =	sadd.s32 s28, s24  }
0x4d: {  	s31 =	sand.u32 $0x7880, s30  }
0x4e: {  	s31 =	sor.u32 s29, s31  }
0x4f: {  	v6 =	vld [tilespmem:s31+$0x0];
	_ =	sdelay $0x4  }
0x50: {  	vm0 =	vlt.f32 v6, v5  }
0x51: {  	v7 =	vsel vm0, $0x3F800000, v0  }
0x52: {  	(xrf0) =	vmax.scan.msk.f32 $0xffff, v7;
	_ =	sdelay $0x5  }
0x53: {  	v7, _, _ =	vpop (xrf0)  }
0x54: {  	(v2sf) =	vpush v7, $0xF;
	_ =	sdelay $0xe  }
0x55: {  	s0 =	spop (v2sf)  }
0x56: {  	p1 =	sgt.f32 s0, $0.0e+00;
	_ =	sdelay $0x1  }
0x57: {  	v7 =	vlaneseq.u32 @p1  }
0x58: {  	vm0 =	vlt.f32 @p1 v6, v5;
	v8 =	vor.u32 @p1 s30, v7  }
0x59: {  	v6 =	vnsel @p1 vm0, $0x7F800000, v6;
	v8 =	vnsel @p1 vm0, $0x40000000, v8  }
0x5a: {  	(xrf1) =	vsort.ascd.msk.f32 @p1 $0xffff, v6, v8;
	_ =	sdelay $0xb  }
0x5b: {  	v6 =	vmul.u32 @p1 $0xFFFFFFFF, v7;
	_ =	sdelay $0x1  }
0x5c: {  	v6 =	vadd.s32 @p1 $0xF, v6;
	v7, v8, _ =	vpop @p1 (xrf1)  }
0x5d: {  	v7 =	vperm.xlane @p1 v7, v6  }
0x5e: {  	v8 =	vperm.xlane @p1 v8, v6  }
0x5f: {  	vm0 =	vle.f32 @p1 v4, v7  }
0x60: {  	v9 =	vsel @p1 vm0, v4, v7;
	v10 =	vsel @p1 vm0, v3, v8  }
0x61: {  	v7 =	vsel @p1 vm0, v7, v4;
	v8 =	vsel @p1 vm0, v8, v3;
	(xrf1) =	vsort.ascd.msk.f32 @p1 $0xffff, v9, v10  }
0x62: {  	(xrf1) =	vsort.ascd.msk.f32 @p1 $0xffff, v7, v8;
	_ =	sdelay $0xc  }
0x63: {  	v7, v8, _ =	vpop @p1 (xrf1)  }
0x64: {  	v9, v10, _ =	vpop @p1 (xrf1)  }
0x65: {  	v9 =	vperm.xlane @p1 v9, v6  }
0x66: {  	v6 =	vperm.xlane @p1 v10, v6  }
0x67: {  	vm0 =	vle.f32 @p1 v2, v9  }
0x68: {  	v9 =	vsel @p1 vm0, v2, v9;
	v6 =	vsel @p1 vm0, v1, v6  }
0x69: {  	(xrf1) =	vsort.ascd.msk.f32 @p1 $0xffff, v9, v6;
	_ =	sdelay $0x9  }
0x6a: {  	s31 =	sadd.s32 $0x100, s30  }
0x6b: {  	s0 =	sand.u32 $0x7980, s31  }
0x6c: {  	s0 =	sor.u32 s29, s0  }
0x6d: {  	v6 =	vld [tilespmem:s0+$0x0]  }
0x6e: {  	v11 =	vimm.s32 @p1 $0xF;
	v9, v10, _ =	vpop @p1 (xrf1)  }
0x6f: {  	v11 =	vperm.xlane @p1 v9, v11;
	_ =	sdelay $0x1  }
0x70: {  	v5 =	vpsel p1, v11, v5  }
0x71: {  	vm9 =	vlt.f32 v6, v5  }
0x72: {  	v57 =	vsel vm9, $0x3F800000, v0  }
0x73: {  	(xrf0) =	vmax.scan.msk.f32 $0xffff, v57;
	_ =	sdelay $0x5  }
0x74: {  	v11, _, _ =	vpop (xrf0)  }
0x75: {  	(v2sf) =	vpush v11, $0xF;
	_ =	sdelay $0xe  }
0x76: {  	s0 =	spop (v2sf)  }
0x77: {  	p0 =	sgt.f32 s0, $0.0e+00;
	_ =	sdelay $0x1  }
0x78: {  	v11 =	vlaneseq.u32 @p0  }
0x79: {  	vm0 =	vlt.f32 @p0 v6, v5;
	v12 =	vor.u32 @p0 s31, v11  }
0x7a: {  	v6 =	vnsel @p0 vm0, $0x7F800000, v6;
	v12 =	vnsel @p0 vm0, $0x40000000, v12  }
0x7b: {  	(xrf1) =	vsort.ascd.msk.f32 @p0 $0xffff, v6, v12;
	_ =	sdelay $0xb  }
0x7c: {  	v6 =	vmul.u32 @p0 $0xFFFFFFFF, v11;
	_ =	sdelay $0x1  }
0x7d: {  	v6 =	vadd.s32 @p0 $0xF, v6;
	v11, v12, _ =	vpop @p0 (xrf1)  }
0x7e: {  	v11 =	vperm.xlane @p0 v11, v6  }
0x7f: {  	v4 =	vpsel p1, v7, v4;
	v7 =	vperm.xlane @p0 v12, v6  }
0x80: {  	v3 =	vpsel p1, v8, v3;
	vm0 =	vle.f32 @p0 v4, v11  }
0x81: {  	v8 =	vsel @p0 vm0, v4, v11;
	v12 =	vsel @p0 vm0, v3, v7  }
0x82: {  	v11 =	vsel @p0 vm0, v11, v4;
	v7 =	vsel @p0 vm0, v7, v3;
	(xrf1) =	vsort.ascd.msk.f32 @p0 $0xffff, v8, v12  }
0x83: {  	(xrf1) =	vsort.ascd.msk.f32 @p0 $0xffff, v11, v7;
	_ =	sdelay $0xc  }
0x84: {  	v7, v8, _ =	vpop @p0 (xrf1)  }
0x85: {  	v11, v12, _ =	vpop @p0 (xrf1)  }
0x86: {  	v11 =	vperm.xlane @p0 v11, v6  }
0x87: {  	v2 =	vpsel p1, v9, v2;
	v6 =	vperm.xlane @p0 v12, v6  }
0x88: {  	v1 =	vpsel p1, v10, v1;
	vm0 =	vle.f32 @p0 v2, v11  }
0x89: {  	v9 =	vsel @p0 vm0, v2, v11;
	v6 =	vsel @p0 vm0, v1, v6  }
0x8a: {  	(xrf1) =	vsort.ascd.msk.f32 @p0 $0xffff, v9, v6;
	_ =	sdelay $0x9  }
0x8b: {  	s0 =	sadd.s32 $0x200, s30  }
0x8c: {  	s31 =	sand.u32 $0x7A80, s0  }
0x8d: {  	s31 =	sor.u32 s29, s31  }
0x8e: {  	v6 =	vld [tilespmem:s31+$0x0]  }
0x8f: {  	v11 =	vimm.s32 @p0 $0xF;
	v9, v10, _ =	vpop @p0 (xrf1)  }
0x90: {  	v11 =	vperm.xlane @p0 v9, v11;
	_ =	sdelay $0x1  }
0x91: {  	v5 =	vpsel p0, v11, v5  }
0x92: {  	vm10 =	vlt.f32 v6, v5  }
0x93: {  	v58 =	vsel vm10, $0x3F800000, v0  }
0x94: {  	(xrf0) =	vmax.scan.msk.f32 $0xffff, v58;
	_ =	sdelay $0x5  }
0x95: {  	v11, _, _ =	vpop (xrf0)  }
0x96: {  	(v2sf) =	vpush v11, $0xF;
	_ =	sdelay $0xe  }
0x97: {  	s31 =	spop (v2sf)  }
0x98: {  	p1 =	sgt.f32 s31, $0.0e+00;
	_ =	sdelay $0x1  }
0x99: {  	v11 =	vlaneseq.u32 @p1  }
0x9a: {  	vm0 =	vlt.f32 @p1 v6, v5;
	v12 =	vor.u32 @p1 s0, v11  }
0x9b: {  	v6 =	vnsel @p1 vm0, $0x7F800000, v6;
	v12 =	vnsel @p1 vm0, $0x40000000, v12  }
0x9c: {  	(xrf1) =	vsort.ascd.msk.f32 @p1 $0xffff, v6, v12;
	_ =	sdelay $0xb  }
0x9d: {  	v6 =	vmul.u32 @p1 $0xFFFFFFFF, v11;
	_ =	sdelay $0x1  }
0x9e: {  	v6 =	vadd.s32 @p1 $0xF, v6;
	v11, v12, _ =	vpop @p1 (xrf1)  }
0x9f: {  	v11 =	vperm.xlane @p1 v11, v6  }
0xa0: {  	v4 =	vpsel p0, v7, v4;
	v7 =	vperm.xlane @p1 v12, v6  }
0xa1: {  	v3 =	vpsel p0, v8, v3;
	vm0 =	vle.f32 @p1 v4, v11  }
0xa2: {  	v8 =	vsel @p1 vm0, v4, v11;
	v12 =	vsel @p1 vm0, v3, v7  }
0xa3: {  	v11 =	vsel @p1 vm0, v11, v4;
	v7 =	vsel @p1 vm0, v7, v3;
	(xrf1) =	vsort.ascd.msk.f32 @p1 $0xffff, v8, v12  }
0xa4: {  	(xrf1) =	vsort.ascd.msk.f32 @p1 $0xffff, v11, v7;
	_ =	sdelay $0xc  }
0xa5: {  	v7, v8, _ =	vpop @p1 (xrf1)  }
0xa6: {  	v11, v12, _ =	vpop @p1 (xrf1)  }
0xa7: {  	v11 =	vperm.xlane @p1 v11, v6  }
0xa8: {  	v2 =	vpsel p0, v9, v2;
	v6 =	vperm.xlane @p1 v12, v6  }
0xa9: {  	v1 =	vpsel p0, v10, v1;
	vm0 =	vle.f32 @p1 v2, v11  }
0xaa: {  	v9 =	vsel @p1 vm0, v2, v11;
	v6 =	vsel @p1 vm0, v1, v6  }
0xab: {  	(xrf1) =	vsort.ascd.msk.f32 @p1 $0xffff, v9, v6;
	_ =	sdelay $0x9  }
0xac: {  	s0 =	sadd.s32 $0x300, s30  }
0xad: {  	s31 =	sand.u32 $0x7B80, s0  }
0xae: {  	s31 =	sor.u32 s29, s31  }
0xaf: {  	v6 =	vld [tilespmem:s31+$0x0]  }
0xb0: {  	v11 =	vimm.s32 @p1 $0xF;
	v9, v10, _ =	vpop @p1 (xrf1)  }
0xb1: {  	v11 =	vperm.xlane @p1 v9, v11;
	_ =	sdelay $0x1  }
0xb2: {  	v5 =	vpsel p1, v11, v5  }
0xb3: {  	vm11 =	vlt.f32 v6, v5  }
0xb4: {  	v59 =	vsel vm11, $0x3F800000, v0  }
0xb5: {  	(xrf0) =	vmax.scan.msk.f32 $0xffff, v59;
	_ =	sdelay $0x5  }
0xb6: {  	v11, _, _ =	vpop (xrf0)  }
0xb7: {  	(v2sf) =	vpush v11, $0xF;
	_ =	sdelay $0xe  }
0xb8: {  	s31 =	spop (v2sf)  }
0xb9: {  	p0 =	sgt.f32 s31, $0.0e+00;
	_ =	sdelay $0x1  }
0xba: {  	v11 =	vlaneseq.u32 @p0  }
0xbb: {  	vm0 =	vlt.f32 @p0 v6, v5;
	v12 =	vor.u32 @p0 s0, v11  }
0xbc: {  	v6 =	vnsel @p0 vm0, $0x7F800000, v6;
	v12 =	vnsel @p0 vm0, $0x40000000, v12  }
0xbd: {  	(xrf1) =	vsort.ascd.msk.f32 @p0 $0xffff, v6, v12;
	_ =	sdelay $0xb  }
0xbe: {  	v6 =	vmul.u32 @p0 $0xFFFFFFFF, v11;
	_ =	sdelay $0x1  }
0xbf: {  	v6 =	vadd.s32 @p0 $0xF, v6;
	v11, v12, _ =	vpop @p0 (xrf1)  }
0xc0: {  	v11 =	vperm.xlane @p0 v11, v6  }
0xc1: {  	v4 =	vpsel p1, v7, v4;
	v7 =	vperm.xlane @p0 v12, v6  }
0xc2: {  	v3 =	vpsel p1, v8, v3;
	vm0 =	vle.f32 @p0 v4, v11  }
0xc3: {  	v8 =	vsel @p0 vm0, v4, v11;
	v12 =	vsel @p0 vm0, v3, v7  }
0xc4: {  	v11 =	vsel @p0 vm0, v11, v4;
	v7 =	vsel @p0 vm0, v7, v3;
	(xrf1) =	vsort.ascd.msk.f32 @p0 $0xffff, v8, v12  }
0xc5: {  	(xrf1) =	vsort.ascd.msk.f32 @p0 $0xffff, v11, v7;
	_ =	sdelay $0xc  }
0xc6: {  	v7, v8, _ =	vpop @p0 (xrf1)  }
0xc7: {  	v11, v12, _ =	vpop @p0 (xrf1)  }
0xc8: {  	v11 =	vperm.xlane @p0 v11, v6  }
0xc9: {  	v2 =	vpsel p1, v9, v2;
	v6 =	vperm.xlane @p0 v12, v6  }
0xca: {  	v1 =	vpsel p1, v10, v1;
	vm0 =	vle.f32 @p0 v2, v11  }
0xcb: {  	v9 =	vsel @p0 vm0, v2, v11;
	v6 =	vsel @p0 vm0, v1, v6  }
0xcc: {  	(xrf1) =	vsort.ascd.msk.f32 @p0 $0xffff, v9, v6;
	_ =	sdelay $0x9  }
0xcd: {  	s0 =	sadd.s32 $0x400, s30  }
0xce: {  	s31 =	sand.u32 $0x7C80, s0  }
0xcf: {  	s31 =	sor.u32 s29, s31  }
0xd0: {  	v6 =	vld [tilespmem:s31+$0x0]  }
0xd1: {  	v11 =	vimm.s32 @p0 $0xF;
	v9, v10, _ =	vpop @p0 (xrf1)  }
0xd2: {  	v11 =	vperm.xlane @p0 v9, v11;
	_ =	sdelay $0x1  }
0xd3: {  	v5 =	vpsel p0, v11, v5  }
0xd4: {  	vm12 =	vlt.f32 v6, v5  }
0xd5: {  	v60 =	vsel vm12, $0x3F800000, v0  }
0xd6: {  	(xrf0) =	vmax.scan.msk.f32 $0xffff, v60;
	_ =	sdelay $0x5  }
0xd7: {  	v11, _, _ =	vpop (xrf0)  }
0xd8: {  	(v2sf) =	vpush v11, $0xF;
	_ =	sdelay $0xe  }
0xd9: {  	s31 =	spop (v2sf)  }
0xda: {  	p1 =	sgt.f32 s31, $0.0e+00;
	_ =	sdelay $0x1  }
0xdb: {  	v11 =	vlaneseq.u32 @p1  }
0xdc: {  	vm0 =	vlt.f32 @p1 v6, v5;
	v12 =	vor.u32 @p1 s0, v11  }
0xdd: {  	v6 =	vnsel @p1 vm0, $0x7F800000, v6;
	v12 =	vnsel @p1 vm0, $0x40000000, v12  }
0xde: {  	(xrf1) =	vsort.ascd.msk.f32 @p1 $0xffff, v6, v12;
	_ =	sdelay $0xb  }
0xdf: {  	v6 =	vmul.u32 @p1 $0xFFFFFFFF, v11;
	_ =	sdelay $0x1  }
0xe0: {  	v6 =	vadd.s32 @p1 $0xF, v6;
	v11, v12, _ =	vpop @p1 (xrf1)  }
0xe1: {  	v11 =	vperm.xlane @p1 v11, v6  }
0xe2: {  	v4 =	vpsel p0, v7, v4;
	v7 =	vperm.xlane @p1 v12, v6  }
0xe3: {  	v3 =	vpsel p0, v8, v3;
	vm0 =	vle.f32 @p1 v4, v11  }
0xe4: {  	v8 =	vsel @p1 vm0, v4, v11;
	v12 =	vsel @p1 vm0, v3, v7  }
0xe5: {  	v11 =	vsel @p1 vm0, v11, v4;
	v7 =	vsel @p1 vm0, v7, v3;
	(xrf1) =	vsort.ascd.msk.f32 @p1 $0xffff, v8, v12  }
0xe6: {  	(xrf1) =	vsort.ascd.msk.f32 @p1 $0xffff, v11, v7;
	_ =	sdelay $0xc  }
0xe7: {  	v7, v8, _ =	vpop @p1 (xrf1)  }
0xe8: {  	v11, v12, _ =	vpop @p1 (xrf1)  }
0xe9: {  	v11 =	vperm.xlane @p1 v11, v6  }
0xea: {  	v2 =	vpsel p0, v9, v2;
	v6 =	vperm.xlane @p1 v12, v6  }
0xeb: {  	v1 =	vpsel p0, v10, v1;
	vm0 =	vle.f32 @p1 v2, v11  }
0xec: {  	v9 =	vsel @p1 vm0, v2, v11;
	v6 =	vsel @p1 vm0, v1, v6  }
0xed: {  	(xrf1) =	vsort.ascd.msk.f32 @p1 $0xffff, v9, v6;
	_ =	sdelay $0x9  }
0xee: {  	s0 =	sadd.s32 $0x500, s30  }
0xef: {  	s31 =	sand.u32 $0x7D80, s0  }
0xf0: {  	s31 =	sor.u32 s29, s31  }
0xf1: {  	v6 =	vld [tilespmem:s31+$0x0]  }
0xf2: {  	v11 =	vimm.s32 @p1 $0xF;
	v9, v10, _ =	vpop @p1 (xrf1)  }
0xf3: {  	v11 =	vperm.xlane @p1 v9, v11;
	_ =	sdelay $0x1  }
0xf4: {  	v5 =	vpsel p1, v11, v5  }
0xf5: {  	vm13 =	vlt.f32 v6, v5  }
0xf6: {  	v61 =	vsel vm13, $0x3F800000, v0  }
0xf7: {  	(xrf0) =	vmax.scan.msk.f32 $0xffff, v61;
	_ =	sdelay $0x5  }
0xf8: {  	v11, _, _ =	vpop (xrf0)  }
0xf9: {  	(v2sf) =	vpush v11, $0xF;
	_ =	sdelay $0xe  }
0xfa: {  	s31 =	spop (v2sf)  }
0xfb: {  	p0 =	sgt.f32 s31, $0.0e+00;
	_ =	sdelay $0x1  }
0xfc: {  	v11 =	vlaneseq.u32 @p0  }
0xfd: {  	vm0 =	vlt.f32 @p0 v6, v5;
	v12 =	vor.u32 @p0 s0, v11  }
0xfe: {  	v6 =	vnsel @p0 vm0, $0x7F800000, v6;
	v12 =	vnsel @p0 vm0, $0x40000000, v12  }
0xff: {  	(xrf1) =	vsort.ascd.msk.f32 @p0 $0xffff, v6, v12;
	_ =	sdelay $0xb  }
0x100: {  	v6 =	vmul.u32 @p0 $0xFFFFFFFF, v11;
	_ =	sdelay $0x1  }
0x101: {  	v6 =	vadd.s32 @p0 $0xF, v6;
	v11, v12, _ =	vpop @p0 (xrf1)  }
0x102: {  	v11 =	vperm.xlane @p0 v11, v6  }
0x103: {  	v4 =	vpsel p1, v7, v4;
	v7 =	vperm.xlane @p0 v12, v6  }
0x104: {  	v3 =	vpsel p1, v8, v3;
	vm0 =	vle.f32 @p0 v4, v11  }
0x105: {  	v8 =	vsel @p0 vm0, v4, v11;
	v12 =	vsel @p0 vm0, v3, v7  }
0x106: {  	v11 =	vsel @p0 vm0, v11, v4;
	v7 =	vsel @p0 vm0, v7, v3;
	(xrf1) =	vsort.ascd.msk.f32 @p0 $0xffff, v8, v12  }
0x107: {  	(xrf1) =	vsort.ascd.msk.f32 @p0 $0xffff, v11, v7;
	_ =	sdelay $0xc  }
0x108: {  	v7, v8, _ =	vpop @p0 (xrf1)  }
0x109: {  	v11, v12, _ =	vpop @p0 (xrf1)  }
0x10a: {  	v11 =	vperm.xlane @p0 v11, v6  }
0x10b: {  	v2 =	vpsel p1, v9, v2;
	v6 =	vperm.xlane @p0 v12, v6  }
0x10c: {  	v1 =	vpsel p1, v10, v1;
	vm0 =	vle.f32 @p0 v2, v11  }
0x10d: {  	v9 =	vsel @p0 vm0, v2, v11;
	v6 =	vsel @p0 vm0, v1, v6  }
0x10e: {  	(xrf1) =	vsort.ascd.msk.f32 @p0 $0xffff, v9, v6;
	_ =	sdelay $0x9  }
0x10f: {  	s0 =	sadd.s32 $0x600, s30  }
0x110: {  	s31 =	sand.u32 $0x7E80, s0  }
0x111: {  	s31 =	sor.u32 s29, s31  }
0x112: {  	v6 =	vld [tilespmem:s31+$0x0]  }
0x113: {  	v11 =	vimm.s32 @p0 $0xF;
	v9, v10, _ =	vpop @p0 (xrf1)  }
0x114: {  	v11 =	vperm.xlane @p0 v9, v11;
	_ =	sdelay $0x1  }
0x115: {  	v5 =	vpsel p0, v11, v5  }
0x116: {  	vm14 =	vlt.f32 v6, v5  }
0x117: {  	v62 =	vsel vm14, $0x3F800000, v0  }
0x118: {  	(xrf0) =	vmax.scan.msk.f32 $0xffff, v62;
	_ =	sdelay $0x5  }
0x119: {  	v11, _, _ =	vpop (xrf0)  }
0x11a: {  	(v2sf) =	vpush v11, $0xF;
	_ =	sdelay $0xe  }
0x11b: {  	s31 =	spop (v2sf)  }
0x11c: {  	p1 =	sgt.f32 s31, $0.0e+00;
	_ =	sdelay $0x1  }
0x11d: {  	v11 =	vlaneseq.u32 @p1  }
0x11e: {  	vm0 =	vlt.f32 @p1 v6, v5;
	v12 =	vor.u32 @p1 s0, v11  }
0x11f: {  	v6 =	vnsel @p1 vm0, $0x7F800000, v6;
	v12 =	vnsel @p1 vm0, $0x40000000, v12  }
0x120: {  	(xrf1) =	vsort.ascd.msk.f32 @p1 $0xffff, v6, v12;
	_ =	sdelay $0xb  }
0x121: {  	v6 =	vmul.u32 @p1 $0xFFFFFFFF, v11;
	_ =	sdelay $0x1  }
0x122: {  	v6 =	vadd.s32 @p1 $0xF, v6;
	v11, v12, _ =	vpop @p1 (xrf1)  }
0x123: {  	v11 =	vperm.xlane @p1 v11, v6  }
0x124: {  	v4 =	vpsel p0, v7, v4;
	v7 =	vperm.xlane @p1 v12, v6  }
0x125: {  	v3 =	vpsel p0, v8, v3;
	vm0 =	vle.f32 @p1 v4, v11  }
0x126: {  	v8 =	vsel @p1 vm0, v4, v11;
	v12 =	vsel @p1 vm0, v3, v7  }
0x127: {  	v11 =	vsel @p1 vm0, v11, v4;
	v7 =	vsel @p1 vm0, v7, v3;
	(xrf1) =	vsort.ascd.msk.f32 @p1 $0xffff, v8, v12  }
0x128: {  	(xrf1) =	vsort.ascd.msk.f32 @p1 $0xffff, v11, v7;
	_ =	sdelay $0xc  }
0x129: {  	v7, v8, _ =	vpop @p1 (xrf1)  }
0x12a: {  	v11, v12, _ =	vpop @p1 (xrf1)  }
0x12b: {  	v11 =	vperm.xlane @p1 v11, v6  }
0x12c: {  	v2 =	vpsel p0, v9, v2;
	v6 =	vperm.xlane @p1 v12, v6  }
0x12d: {  	v1 =	vpsel p0, v10, v1;
	vm0 =	vle.f32 @p1 v2, v11  }
0x12e: {  	v9 =	vsel @p1 vm0, v2, v11;
	v6 =	vsel @p1 vm0, v1, v6  }
0x12f: {  	(xrf1) =	vsort.ascd.msk.f32 @p1 $0xffff, v9, v6;
	_ =	sdelay $0x9  }
0x130: {  	s0 =	sadd.s32 $0x700, s30  }
0x131: {  	s30 =	sand.u32 $0x7F80, s0  }
0x132: {  	s30 =	sor.u32 s29, s30  }
0x133: {  	v6 =	vld [tilespmem:s30+$0x0]  }
0x134: {  	v11 =	vimm.s32 @p1 $0xF;
	v9, v10, _ =	vpop @p1 (xrf1)  }
0x135: {  	v11 =	vperm.xlane @p1 v9, v11;
	_ =	sdelay $0x1  }
0x136: {  	v5 =	vpsel p1, v11, v5  }
0x137: {  	vm15 =	vlt.f32 v6, v5  }
0x138: {  	v63 =	vsel vm15, $0x3F800000, v0  }
0x139: {  	(xrf0) =	vmax.scan.msk.f32 $0xffff, v63;
	_ =	sdelay $0x5  }
0x13a: {  	v11, _, _ =	vpop (xrf0)  }
0x13b: {  	(v2sf) =	vpush v11, $0xF;
	_ =	sdelay $0xe  }
0x13c: {  	s31 =	spop (v2sf)  }
0x13d: {  	p0 =	sgt.f32 s31, $0.0e+00;
	_ =	sdelay $0x1  }
0x13e: {  	v11 =	vlaneseq.u32 @p0  }
0x13f: {  	vm0 =	vlt.f32 @p0 v6, v5;
	v12 =	vor.u32 @p0 s0, v11  }
0x140: {  	v6 =	vnsel @p0 vm0, $0x7F800000, v6;
	v12 =	vnsel @p0 vm0, $0x40000000, v12  }
0x141: {  	(xrf1) =	vsort.ascd.msk.f32 @p0 $0xffff, v6, v12;
	_ =	sdelay $0xb  }
0x142: {  	v6 =	vmul.u32 @p0 $0xFFFFFFFF, v11;
	_ =	sdelay $0x1  }
0x143: {  	v6 =	vadd.s32 @p0 $0xF, v6;
	v11, v12, _ =	vpop @p0 (xrf1)  }
0x144: {  	v11 =	vperm.xlane @p0 v11, v6  }
0x145: {  	v4 =	vpsel p1, v7, v4;
	v7 =	vperm.xlane @p0 v12, v6  }
0x146: {  	v3 =	vpsel p1, v8, v3;
	vm0 =	vle.f32 @p0 v4, v11  }
0x147: {  	v8 =	vsel @p0 vm0, v4, v11;
	v12 =	vsel @p0 vm0, v3, v7  }
0x148: {  	v11 =	vsel @p0 vm0, v11, v4;
	v7 =	vsel @p0 vm0, v7, v3;
	(xrf1) =	vsort.ascd.msk.f32 @p0 $0xffff, v8, v12  }
0x149: {  	(xrf1) =	vsort.ascd.msk.f32 @p0 $0xffff, v11, v7;
	_ =	sdelay $0xc  }
0x14a: {  	v7, v8, _ =	vpop @p0 (xrf1)  }
0x14b: {  	v11, v12, _ =	vpop @p0 (xrf1)  }
0x14c: {  	v11 =	vperm.xlane @p0 v11, v6  }
0x14d: {  	v2 =	vpsel p1, v9, v2;
	v6 =	vperm.xlane @p0 v12, v6  }
0x14e: {  	v1 =	vpsel p1, v10, v1;
	vm0 =	vle.f32 @p0 v2, v11  }
0x14f: {  	v9 =	vsel @p0 vm0, v2, v11;
	v6 =	vsel @p0 vm0, v1, v6  }
0x150: {  	(xrf1) =	vsort.ascd.msk.f32 @p0 $0xffff, v9, v6;
	_ =	sdelay $0xc  }
.Ltmp9:
0x151: {  	_ = 	snop;
	(pc) =	sbr.rel .LBB2_6-.Ltmp9, $4  }
0x152: {  	v10 =	vimm.s32 @p0 $0xF;
	v6, v9, _ =	vpop @p0 (xrf1)  }
0x153: {  	v10 =	vperm.xlane @p0 v6, v10  }
0x154: {  	v4 =	vpsel p0, v7, v4;
	v3 =	vpsel p0, v8, v3  }
0x155: {  	v2 =	vpsel p0, v6, v2;
	v1 =	vpsel p0, v9, v1;
	v5 =	vpsel p0, v10, v5  }
.LBB2_8:
.Ltmp10:
0x156: {  	s22 =	sadd.s32 s22, s23;
	(pc) =	sbr.rel .LBB2_9-.Ltmp10, $4  }
0x157: {  	_ =	swait.ge [sflag:s15], $0x5000;
	s0 =	sadd.s32 $0x50000, s22  }
0x158: {  	s23 =	simm.s32 $0x0;
	[sflag:s15] =	ssyncset.done $0x0;
	s0 =	sshrl.u32 s0, $0x3  }
0x159: {  	s24 =	simm.s32 $0x0;
	[sflag:s15] =	ssyncadd.s32 $0xFFFFB000;
	s0 =	sadd.s32 s5, s0  }
0x15a: {  	[tilespmem:s23], [sflag:$0x1] =	stream.strided.gather [hbm4b:s0+s9], $0x5000, s10, s9, $0x38;
	[tilespmem:$0xD300] =	vst v63  }
.LBB2_13:
0x15b: {  	s24 =	sadd.s32 $0x1, s24  }
0x15c: {  	p0 =	sne.s32 s24, $0xA  }
.Ltmp11:
0x15d: {  	_ = 	snop;
	(pc) =	sbr.rel @!p0 .LBB2_14-.Ltmp11, $2  }
0x15e: {  	_ =	sdelay $0x2  }
0x15f: {  	s23 =	sadd.s32 $0x800, s23  }
.LBB2_9:
.Ltmp12:
0x160: {  	(pc) =	sbr.rel .LBB2_10-.Ltmp12, $4  }
0x161: {  	_ = 	snop  }
0x162: {  	s0 =	sshll.u32 s24, $0x8  }
0x163: {  	s26 =	sshll.u32 s24, $0xB;
	s0 =	sand.u32 $0x3FFFFF00, s0  }
0x164: {  	s28 =	simm.s32 $0x0;
	s26 =	sadd.s32 $0x5000, s26;
	s25 =	sadd.s32 $0xAA00, s0  }
.LBB2_12:
0x165: {  	s28 =	sadd.s32 $0x10, s28  }
0x166: {  	p0 =	sne.s32 s28, $0x100  }
.Ltmp13:
0x167: {  	_ = 	snop;
	(pc) =	sbr.rel @!p0 .LBB2_13-.Ltmp13, $1  }
0x168: {  	_ =	sdelay $0x3  }
.LBB2_10:
0x169: {  	s29 =	sand.u32 $0x80, s28  }
0x16a: {  	s30 =	sand.u32 $0x70, s28;
	s0 =	sadd.s32 s29, s25  }
0x16b: {  	s0 =	sadd.s32 s30, s0  }
0x16c: {  	v6 =	vld [tilespmem:s0+$0x0];
	_ =	sdelay $0x4  }
0x16d: {  	vm0 =	vlt.f32 v6, v5  }
0x16e: {  	v6 =	vsel vm0, $0x3F800000, v0  }
0x16f: {  	(xrf0) =	vmax.scan.msk.f32 $0xffff, v6;
	_ =	sdelay $0x5  }
0x170: {  	v6, _, _ =	vpop (xrf0)  }
0x171: {  	(v2sf) =	vpush v6, $0xF;
	_ =	sdelay $0xe  }
0x172: {  	s31 =	spop (v2sf)  }
0x173: {  	p0 =	sgt.f32 s31, $0.0e+00  }
.Ltmp14:
0x174: {  	_ = 	snop;
	(pc) =	sbr.rel @!p0 .LBB2_12-.Ltmp14, $1  }
0x175: {  	_ =	sdelay $0x3  }
0x176: {  	s0 =	sadd.s32 s29, s26  }
0x177: {  	s29 =	sadd.s32 s30, s0  }
0x178: {  	v6 =	vld [tilespmem:s29+$0x0];
	_ =	sdelay $0x4  }
0x179: {  	vm0 =	vlt.f32 v6, v5  }
0x17a: {  	v7 =	vsel vm0, $0x3F800000, v0  }
0x17b: {  	(xrf0) =	vmax.scan.msk.f32 $0xffff, v7;
	_ =	sdelay $0x5  }
0x17c: {  	v7, _, _ =	vpop (xrf0)  }
0x17d: {  	(v2sf) =	vpush v7, $0xF;
	_ =	sdelay $0xe  }
0x17e: {  	s30 =	spop (v2sf)  }
0x17f: {  	p1 =	sgt.f32 s30, $0.0e+00;
	_ =	sdelay $0x1  }
0x180: {  	s0 =	sadd.s32 @p1 s28, s23  }
0x181: {  	v7 =	vlaneseq.u32 @p1;
	s0 =	sadd.s32 @p1 $0x5000, s0  }
0x182: {  	vm0 =	vlt.f32 @p1 v6, v5;
	v8 =	vor.u32 @p1 s0, v7  }
0x183: {  	v6 =	vnsel @p1 vm0, $0x7F800000, v6;
	v8 =	vnsel @p1 vm0, $0x40000000, v8  }
0x184: {  	(xrf1) =	vsort.ascd.msk.f32 @p1 $0xffff, v6, v8;
	_ =	sdelay $0xb  }
0x185: {  	v6 =	vmul.u32 @p1 $0xFFFFFFFF, v7;
	_ =	sdelay $0x1  }
0x186: {  	v6 =	vadd.s32 @p1 $0xF, v6;
	v7, v8, _ =	vpop @p1 (xrf1)  }
0x187: {  	v7 =	vperm.xlane @p1 v7, v6  }
0x188: {  	v8 =	vperm.xlane @p1 v8, v6  }
0x189: {  	vm0 =	vle.f32 @p1 v4, v7  }
0x18a: {  	v9 =	vsel @p1 vm0, v4, v7;
	v10 =	vsel @p1 vm0, v3, v8  }
0x18b: {  	v7 =	vsel @p1 vm0, v7, v4;
	v8 =	vsel @p1 vm0, v8, v3;
	(xrf1) =	vsort.ascd.msk.f32 @p1 $0xffff, v9, v10  }
0x18c: {  	(xrf1) =	vsort.ascd.msk.f32 @p1 $0xffff, v7, v8;
	_ =	sdelay $0xc  }
0x18d: {  	v7, v8, _ =	vpop @p1 (xrf1)  }
0x18e: {  	v9, v10, _ =	vpop @p1 (xrf1)  }
0x18f: {  	v9 =	vperm.xlane @p1 v9, v6  }
0x190: {  	v6 =	vperm.xlane @p1 v10, v6  }
0x191: {  	vm0 =	vle.f32 @p1 v2, v9  }
0x192: {  	v9 =	vsel @p1 vm0, v2, v9;
	v6 =	vsel @p1 vm0, v1, v6  }
0x193: {  	(xrf1) =	vsort.ascd.msk.f32 @p1 $0xffff, v9, v6;
	_ =	sdelay $0xc  }
0x194: {  	v6 =	vld [tilespmem:s29+$0x100]  }
0x195: {  	v11 =	vimm.s32 @p1 $0xF;
	v9, v10, _ =	vpop @p1 (xrf1)  }
0x196: {  	v11 =	vperm.xlane @p1 v9, v11;
	_ =	sdelay $0x1  }
0x197: {  	v5 =	vpsel p1, v11, v5  }
0x198: {  	vm9 =	vlt.f32 v6, v5  }
0x199: {  	v57 =	vsel vm9, $0x3F800000, v0  }
0x19a: {  	(xrf0) =	vmax.scan.msk.f32 $0xffff, v57;
	_ =	sdelay $0x5  }
0x19b: {  	v11, _, _ =	vpop (xrf0)  }
0x19c: {  	(v2sf) =	vpush v11, $0xF;
	_ =	sdelay $0xe  }
0x19d: {  	s31 =	spop (v2sf)  }
0x19e: {  	p0 =	sgt.f32 s31, $0.0e+00;
	_ =	sdelay $0x1  }
0x19f: {  	s0 =	sadd.s32 @p0 s28, s23  }
0x1a0: {  	v11 =	vlaneseq.u32 @p0;
	s0 =	sadd.s32 @p0 $0x5100, s0  }
0x1a1: {  	vm0 =	vlt.f32 @p0 v6, v5;
	v12 =	vor.u32 @p0 s0, v11  }
0x1a2: {  	v6 =	vnsel @p0 vm0, $0x7F800000, v6;
	v12 =	vnsel @p0 vm0, $0x40000000, v12  }
0x1a3: {  	(xrf1) =	vsort.ascd.msk.f32 @p0 $0xffff, v6, v12;
	_ =	sdelay $0xb  }
0x1a4: {  	v6 =	vmul.u32 @p0 $0xFFFFFFFF, v11;
	_ =	sdelay $0x1  }
0x1a5: {  	v6 =	vadd.s32 @p0 $0xF, v6;
	v11, v12, _ =	vpop @p0 (xrf1)  }
0x1a6: {  	v11 =	vperm.xlane @p0 v11, v6  }
0x1a7: {  	v4 =	vpsel p1, v7, v4;
	v7 =	vperm.xlane @p0 v12, v6  }
0x1a8: {  	v3 =	vpsel p1, v8, v3;
	vm0 =	vle.f32 @p0 v4, v11  }
0x1a9: {  	v8 =	vsel @p0 vm0, v4, v11;
	v12 =	vsel @p0 vm0, v3, v7  }
0x1aa: {  	v11 =	vsel @p0 vm0, v11, v4;
	v7 =	vsel @p0 vm0, v7, v3;
	(xrf1) =	vsort.ascd.msk.f32 @p0 $0xffff, v8, v12  }
0x1ab: {  	(xrf1) =	vsort.ascd.msk.f32 @p0 $0xffff, v11, v7;
	_ =	sdelay $0xc  }
0x1ac: {  	v7, v8, _ =	vpop @p0 (xrf1)  }
0x1ad: {  	v11, v12, _ =	vpop @p0 (xrf1)  }
0x1ae: {  	v11 =	vperm.xlane @p0 v11, v6  }
0x1af: {  	v2 =	vpsel p1, v9, v2;
	v6 =	vperm.xlane @p0 v12, v6  }
0x1b0: {  	v1 =	vpsel p1, v10, v1;
	vm0 =	vle.f32 @p0 v2, v11  }
0x1b1: {  	v9 =	vsel @p0 vm0, v2, v11;
	v6 =	vsel @p0 vm0, v1, v6  }
0x1b2: {  	(xrf1) =	vsort.ascd.msk.f32 @p0 $0xffff, v9, v6;
	_ =	sdelay $0xc  }
0x1b3: {  	v6 =	vld [tilespmem:s29+$0x200]  }
0x1b4: {  	v11 =	vimm.s32 @p0 $0xF;
	v9, v10, _ =	vpop @p0 (xrf1)  }
0x1b5: {  	v11 =	vperm.xlane @p0 v9, v11;
	_ =	sdelay $0x1  }
0x1b6: {  	v5 =	vpsel p0, v11, v5  }
0x1b7: {  	vm10 =	vlt.f32 v6, v5  }
0x1b8: {  	v58 =	vsel vm10, $0x3F800000, v0  }
0x1b9: {  	(xrf0) =	vmax.scan.msk.f32 $0xffff, v58;
	_ =	sdelay $0x5  }
0x1ba: {  	v11, _, _ =	vpop (xrf0)  }
0x1bb: {  	(v2sf) =	vpush v11, $0xF;
	_ =	sdelay $0xe  }
0x1bc: {  	s30 =	spop (v2sf)  }
0x1bd: {  	p1 =	sgt.f32 s30, $0.0e+00;
	_ =	sdelay $0x1  }
0x1be: {  	s0 =	sadd.s32 @p1 s28, s23  }
0x1bf: {  	v11 =	vlaneseq.u32 @p1;
	s0 =	sadd.s32 @p1 $0x5200, s0  }
0x1c0: {  	vm0 =	vlt.f32 @p1 v6, v5;
	v12 =	vor.u32 @p1 s0, v11  }
0x1c1: {  	v6 =	vnsel @p1 vm0, $0x7F800000, v6;
	v12 =	vnsel @p1 vm0, $0x40000000, v12  }
0x1c2: {  	(xrf1) =	vsort.ascd.msk.f32 @p1 $0xffff, v6, v12;
	_ =	sdelay $0xb  }
0x1c3: {  	v6 =	vmul.u32 @p1 $0xFFFFFFFF, v11;
	_ =	sdelay $0x1  }
0x1c4: {  	v6 =	vadd.s32 @p1 $0xF, v6;
	v11, v12, _ =	vpop @p1 (xrf1)  }
0x1c5: {  	v11 =	vperm.xlane @p1 v11, v6  }
0x1c6: {  	v4 =	vpsel p0, v7, v4;
	v7 =	vperm.xlane @p1 v12, v6  }
0x1c7: {  	v3 =	vpsel p0, v8, v3;
	vm0 =	vle.f32 @p1 v4, v11  }
0x1c8: {  	v8 =	vsel @p1 vm0, v4, v11;
	v12 =	vsel @p1 vm0, v3, v7  }
0x1c9: {  	v11 =	vsel @p1 vm0, v11, v4;
	v7 =	vsel @p1 vm0, v7, v3;
	(xrf1) =	vsort.ascd.msk.f32 @p1 $0xffff, v8, v12  }
0x1ca: {  	(xrf1) =	vsort.ascd.msk.f32 @p1 $0xffff, v11, v7;
	_ =	sdelay $0xc  }
0x1cb: {  	v7, v8, _ =	vpop @p1 (xrf1)  }
0x1cc: {  	v11, v12, _ =	vpop @p1 (xrf1)  }
0x1cd: {  	v11 =	vperm.xlane @p1 v11, v6  }
0x1ce: {  	v2 =	vpsel p0, v9, v2;
	v6 =	vperm.xlane @p1 v12, v6  }
0x1cf: {  	v1 =	vpsel p0, v10, v1;
	vm0 =	vle.f32 @p1 v2, v11  }
0x1d0: {  	v9 =	vsel @p1 vm0, v2, v11;
	v6 =	vsel @p1 vm0, v1, v6  }
0x1d1: {  	(xrf1) =	vsort.ascd.msk.f32 @p1 $0xffff, v9, v6;
	_ =	sdelay $0xc  }
0x1d2: {  	v6 =	vld [tilespmem:s29+$0x300]  }
0x1d3: {  	v11 =	vimm.s32 @p1 $0xF;
	v9, v10, _ =	vpop @p1 (xrf1)  }
0x1d4: {  	v11 =	vperm.xlane @p1 v9, v11;
	_ =	sdelay $0x1  }
0x1d5: {  	v5 =	vpsel p1, v11, v5  }
0x1d6: {  	vm11 =	vlt.f32 v6, v5  }
0x1d7: {  	v59 =	vsel vm11, $0x3F800000, v0  }
0x1d8: {  	(xrf0) =	vmax.scan.msk.f32 $0xffff, v59;
	_ =	sdelay $0x5  }
0x1d9: {  	v11, _, _ =	vpop (xrf0)  }
0x1da: {  	(v2sf) =	vpush v11, $0xF;
	_ =	sdelay $0xe  }
0x1db: {  	s31 =	spop (v2sf)  }
0x1dc: {  	p0 =	sgt.f32 s31, $0.0e+00;
	_ =	sdelay $0x1  }
0x1dd: {  	s0 =	sadd.s32 @p0 s28, s23  }
0x1de: {  	v11 =	vlaneseq.u32 @p0;
	s0 =	sadd.s32 @p0 $0x5300, s0  }
0x1df: {  	vm0 =	vlt.f32 @p0 v6, v5;
	v12 =	vor.u32 @p0 s0, v11  }
0x1e0: {  	v6 =	vnsel @p0 vm0, $0x7F800000, v6;
	v12 =	vnsel @p0 vm0, $0x40000000, v12  }
0x1e1: {  	(xrf1) =	vsort.ascd.msk.f32 @p0 $0xffff, v6, v12;
	_ =	sdelay $0xb  }
0x1e2: {  	v6 =	vmul.u32 @p0 $0xFFFFFFFF, v11;
	_ =	sdelay $0x1  }
0x1e3: {  	v6 =	vadd.s32 @p0 $0xF, v6;
	v11, v12, _ =	vpop @p0 (xrf1)  }
0x1e4: {  	v11 =	vperm.xlane @p0 v11, v6  }
0x1e5: {  	v4 =	vpsel p1, v7, v4;
	v7 =	vperm.xlane @p0 v12, v6  }
0x1e6: {  	v3 =	vpsel p1, v8, v3;
	vm0 =	vle.f32 @p0 v4, v11  }
0x1e7: {  	v8 =	vsel @p0 vm0, v4, v11;
	v12 =	vsel @p0 vm0, v3, v7  }
0x1e8: {  	v11 =	vsel @p0 vm0, v11, v4;
	v7 =	vsel @p0 vm0, v7, v3;
	(xrf1) =	vsort.ascd.msk.f32 @p0 $0xffff, v8, v12  }
0x1e9: {  	(xrf1) =	vsort.ascd.msk.f32 @p0 $0xffff, v11, v7;
	_ =	sdelay $0xc  }
0x1ea: {  	v7, v8, _ =	vpop @p0 (xrf1)  }
0x1eb: {  	v11, v12, _ =	vpop @p0 (xrf1)  }
0x1ec: {  	v11 =	vperm.xlane @p0 v11, v6  }
0x1ed: {  	v2 =	vpsel p1, v9, v2;
	v6 =	vperm.xlane @p0 v12, v6  }
0x1ee: {  	v1 =	vpsel p1, v10, v1;
	vm0 =	vle.f32 @p0 v2, v11  }
0x1ef: {  	v9 =	vsel @p0 vm0, v2, v11;
	v6 =	vsel @p0 vm0, v1, v6  }
0x1f0: {  	(xrf1) =	vsort.ascd.msk.f32 @p0 $0xffff, v9, v6;
	_ =	sdelay $0xc  }
0x1f1: {  	v6 =	vld [tilespmem:s29+$0x400]  }
0x1f2: {  	v11 =	vimm.s32 @p0 $0xF;
	v9, v10, _ =	vpop @p0 (xrf1)  }
0x1f3: {  	v11 =	vperm.xlane @p0 v9, v11;
	_ =	sdelay $0x1  }
0x1f4: {  	v5 =	vpsel p0, v11, v5  }
0x1f5: {  	vm12 =	vlt.f32 v6, v5  }
0x1f6: {  	v60 =	vsel vm12, $0x3F800000, v0  }
0x1f7: {  	(xrf0) =	vmax.scan.msk.f32 $0xffff, v60;
	_ =	sdelay $0x5  }
0x1f8: {  	v11, _, _ =	vpop (xrf0)  }
0x1f9: {  	(v2sf) =	vpush v11, $0xF;
	_ =	sdelay $0xe  }
0x1fa: {  	s30 =	spop (v2sf)  }
0x1fb: {  	p1 =	sgt.f32 s30, $0.0e+00;
	_ =	sdelay $0x1  }
0x1fc: {  	s0 =	sadd.s32 @p1 s28, s23  }
0x1fd: {  	v11 =	vlaneseq.u32 @p1;
	s0 =	sadd.s32 @p1 $0x5400, s0  }
0x1fe: {  	vm0 =	vlt.f32 @p1 v6, v5;
	v12 =	vor.u32 @p1 s0, v11  }
0x1ff: {  	v6 =	vnsel @p1 vm0, $0x7F800000, v6;
	v12 =	vnsel @p1 vm0, $0x40000000, v12  }
0x200: {  	(xrf1) =	vsort.ascd.msk.f32 @p1 $0xffff, v6, v12;
	_ =	sdelay $0xb  }
0x201: {  	v6 =	vmul.u32 @p1 $0xFFFFFFFF, v11;
	_ =	sdelay $0x1  }
0x202: {  	v6 =	vadd.s32 @p1 $0xF, v6;
	v11, v12, _ =	vpop @p1 (xrf1)  }
0x203: {  	v11 =	vperm.xlane @p1 v11, v6  }
0x204: {  	v4 =	vpsel p0, v7, v4;
	v7 =	vperm.xlane @p1 v12, v6  }
0x205: {  	v3 =	vpsel p0, v8, v3;
	vm0 =	vle.f32 @p1 v4, v11  }
0x206: {  	v8 =	vsel @p1 vm0, v4, v11;
	v12 =	vsel @p1 vm0, v3, v7  }
0x207: {  	v11 =	vsel @p1 vm0, v11, v4;
	v7 =	vsel @p1 vm0, v7, v3;
	(xrf1) =	vsort.ascd.msk.f32 @p1 $0xffff, v8, v12  }
0x208: {  	(xrf1) =	vsort.ascd.msk.f32 @p1 $0xffff, v11, v7;
	_ =	sdelay $0xc  }
0x209: {  	v7, v8, _ =	vpop @p1 (xrf1)  }
0x20a: {  	v11, v12, _ =	vpop @p1 (xrf1)  }
0x20b: {  	v11 =	vperm.xlane @p1 v11, v6  }
0x20c: {  	v2 =	vpsel p0, v9, v2;
	v6 =	vperm.xlane @p1 v12, v6  }
0x20d: {  	v1 =	vpsel p0, v10, v1;
	vm0 =	vle.f32 @p1 v2, v11  }
0x20e: {  	v9 =	vsel @p1 vm0, v2, v11;
	v6 =	vsel @p1 vm0, v1, v6  }
0x20f: {  	(xrf1) =	vsort.ascd.msk.f32 @p1 $0xffff, v9, v6;
	_ =	sdelay $0xc  }
0x210: {  	v6 =	vld [tilespmem:s29+$0x500]  }
0x211: {  	v11 =	vimm.s32 @p1 $0xF;
	v9, v10, _ =	vpop @p1 (xrf1)  }
0x212: {  	v11 =	vperm.xlane @p1 v9, v11;
	_ =	sdelay $0x1  }
0x213: {  	v5 =	vpsel p1, v11, v5  }
0x214: {  	vm13 =	vlt.f32 v6, v5  }
0x215: {  	v61 =	vsel vm13, $0x3F800000, v0  }
0x216: {  	(xrf0) =	vmax.scan.msk.f32 $0xffff, v61;
	_ =	sdelay $0x5  }
0x217: {  	v11, _, _ =	vpop (xrf0)  }
0x218: {  	(v2sf) =	vpush v11, $0xF;
	_ =	sdelay $0xe  }
0x219: {  	s31 =	spop (v2sf)  }
0x21a: {  	p0 =	sgt.f32 s31, $0.0e+00;
	_ =	sdelay $0x1  }
0x21b: {  	s0 =	sadd.s32 @p0 s28, s23  }
0x21c: {  	v11 =	vlaneseq.u32 @p0;
	s0 =	sadd.s32 @p0 $0x5500, s0  }
0x21d: {  	vm0 =	vlt.f32 @p0 v6, v5;
	v12 =	vor.u32 @p0 s0, v11  }
0x21e: {  	v6 =	vnsel @p0 vm0, $0x7F800000, v6;
	v12 =	vnsel @p0 vm0, $0x40000000, v12  }
0x21f: {  	(xrf1) =	vsort.ascd.msk.f32 @p0 $0xffff, v6, v12;
	_ =	sdelay $0xb  }
0x220: {  	v6 =	vmul.u32 @p0 $0xFFFFFFFF, v11;
	_ =	sdelay $0x1  }
0x221: {  	v6 =	vadd.s32 @p0 $0xF, v6;
	v11, v12, _ =	vpop @p0 (xrf1)  }
0x222: {  	v11 =	vperm.xlane @p0 v11, v6  }
0x223: {  	v4 =	vpsel p1, v7, v4;
	v7 =	vperm.xlane @p0 v12, v6  }
0x224: {  	v3 =	vpsel p1, v8, v3;
	vm0 =	vle.f32 @p0 v4, v11  }
0x225: {  	v8 =	vsel @p0 vm0, v4, v11;
	v12 =	vsel @p0 vm0, v3, v7  }
0x226: {  	v11 =	vsel @p0 vm0, v11, v4;
	v7 =	vsel @p0 vm0, v7, v3;
	(xrf1) =	vsort.ascd.msk.f32 @p0 $0xffff, v8, v12  }
0x227: {  	(xrf1) =	vsort.ascd.msk.f32 @p0 $0xffff, v11, v7;
	_ =	sdelay $0xc  }
0x228: {  	v7, v8, _ =	vpop @p0 (xrf1)  }
0x229: {  	v11, v12, _ =	vpop @p0 (xrf1)  }
0x22a: {  	v11 =	vperm.xlane @p0 v11, v6  }
0x22b: {  	v2 =	vpsel p1, v9, v2;
	v6 =	vperm.xlane @p0 v12, v6  }
0x22c: {  	v1 =	vpsel p1, v10, v1;
	vm0 =	vle.f32 @p0 v2, v11  }
0x22d: {  	v9 =	vsel @p0 vm0, v2, v11;
	v6 =	vsel @p0 vm0, v1, v6  }
0x22e: {  	(xrf1) =	vsort.ascd.msk.f32 @p0 $0xffff, v9, v6;
	_ =	sdelay $0xc  }
0x22f: {  	v6 =	vld [tilespmem:s29+$0x600]  }
0x230: {  	v11 =	vimm.s32 @p0 $0xF;
	v9, v10, _ =	vpop @p0 (xrf1)  }
0x231: {  	v11 =	vperm.xlane @p0 v9, v11;
	_ =	sdelay $0x1  }
0x232: {  	v5 =	vpsel p0, v11, v5  }
0x233: {  	vm14 =	vlt.f32 v6, v5  }
0x234: {  	v62 =	vsel vm14, $0x3F800000, v0  }
0x235: {  	(xrf0) =	vmax.scan.msk.f32 $0xffff, v62;
	_ =	sdelay $0x5  }
0x236: {  	v11, _, _ =	vpop (xrf0)  }
0x237: {  	(v2sf) =	vpush v11, $0xF;
	_ =	sdelay $0xe  }
0x238: {  	s30 =	spop (v2sf)  }
0x239: {  	p1 =	sgt.f32 s30, $0.0e+00;
	_ =	sdelay $0x1  }
0x23a: {  	s0 =	sadd.s32 @p1 s28, s23  }
0x23b: {  	v11 =	vlaneseq.u32 @p1;
	s0 =	sadd.s32 @p1 $0x5600, s0  }
0x23c: {  	vm0 =	vlt.f32 @p1 v6, v5;
	v12 =	vor.u32 @p1 s0, v11  }
0x23d: {  	v6 =	vnsel @p1 vm0, $0x7F800000, v6;
	v12 =	vnsel @p1 vm0, $0x40000000, v12  }
0x23e: {  	(xrf1) =	vsort.ascd.msk.f32 @p1 $0xffff, v6, v12;
	_ =	sdelay $0xb  }
0x23f: {  	v6 =	vmul.u32 @p1 $0xFFFFFFFF, v11;
	_ =	sdelay $0x1  }
0x240: {  	v6 =	vadd.s32 @p1 $0xF, v6;
	v11, v12, _ =	vpop @p1 (xrf1)  }
0x241: {  	v11 =	vperm.xlane @p1 v11, v6  }
0x242: {  	v4 =	vpsel p0, v7, v4;
	v7 =	vperm.xlane @p1 v12, v6  }
0x243: {  	v3 =	vpsel p0, v8, v3;
	vm0 =	vle.f32 @p1 v4, v11  }
0x244: {  	v8 =	vsel @p1 vm0, v4, v11;
	v12 =	vsel @p1 vm0, v3, v7  }
0x245: {  	v11 =	vsel @p1 vm0, v11, v4;
	v7 =	vsel @p1 vm0, v7, v3;
	(xrf1) =	vsort.ascd.msk.f32 @p1 $0xffff, v8, v12  }
0x246: {  	(xrf1) =	vsort.ascd.msk.f32 @p1 $0xffff, v11, v7;
	_ =	sdelay $0xc  }
0x247: {  	v7, v8, _ =	vpop @p1 (xrf1)  }
0x248: {  	v11, v12, _ =	vpop @p1 (xrf1)  }
0x249: {  	v11 =	vperm.xlane @p1 v11, v6  }
0x24a: {  	v2 =	vpsel p0, v9, v2;
	v6 =	vperm.xlane @p1 v12, v6  }
0x24b: {  	v1 =	vpsel p0, v10, v1;
	vm0 =	vle.f32 @p1 v2, v11  }
0x24c: {  	v9 =	vsel @p1 vm0, v2, v11;
	v6 =	vsel @p1 vm0, v1, v6  }
0x24d: {  	(xrf1) =	vsort.ascd.msk.f32 @p1 $0xffff, v9, v6;
	_ =	sdelay $0xc  }
0x24e: {  	v6 =	vld [tilespmem:s29+$0x700]  }
0x24f: {  	v11 =	vimm.s32 @p1 $0xF;
	v9, v10, _ =	vpop @p1 (xrf1)  }
0x250: {  	v11 =	vperm.xlane @p1 v9, v11;
	_ =	sdelay $0x1  }
0x251: {  	v5 =	vpsel p1, v11, v5  }
0x252: {  	vm15 =	vlt.f32 v6, v5  }
0x253: {  	v63 =	vsel vm15, $0x3F800000, v0  }
0x254: {  	(xrf0) =	vmax.scan.msk.f32 $0xffff, v63;
	_ =	sdelay $0x5  }
0x255: {  	v11, _, _ =	vpop (xrf0)  }
0x256: {  	(v2sf) =	vpush v11, $0xF;
	_ =	sdelay $0xe  }
0x257: {  	s31 =	spop (v2sf)  }
0x258: {  	p0 =	sgt.f32 s31, $0.0e+00;
	_ =	sdelay $0x1  }
0x259: {  	s0 =	sadd.s32 @p0 s28, s23  }
0x25a: {  	v11 =	vlaneseq.u32 @p0;
	s0 =	sadd.s32 @p0 $0x5700, s0  }
0x25b: {  	vm0 =	vlt.f32 @p0 v6, v5;
	v12 =	vor.u32 @p0 s0, v11  }
0x25c: {  	v6 =	vnsel @p0 vm0, $0x7F800000, v6;
	v12 =	vnsel @p0 vm0, $0x40000000, v12  }
0x25d: {  	(xrf1) =	vsort.ascd.msk.f32 @p0 $0xffff, v6, v12;
	_ =	sdelay $0xb  }
0x25e: {  	v6 =	vmul.u32 @p0 $0xFFFFFFFF, v11;
	_ =	sdelay $0x1  }
0x25f: {  	v6 =	vadd.s32 @p0 $0xF, v6;
	v11, v12, _ =	vpop @p0 (xrf1)  }
0x260: {  	v11 =	vperm.xlane @p0 v11, v6  }
0x261: {  	v4 =	vpsel p1, v7, v4;
	v7 =	vperm.xlane @p0 v12, v6  }
0x262: {  	v3 =	vpsel p1, v8, v3;
	vm0 =	vle.f32 @p0 v4, v11  }
0x263: {  	v8 =	vsel @p0 vm0, v4, v11;
	v12 =	vsel @p0 vm0, v3, v7  }
0x264: {  	v11 =	vsel @p0 vm0, v11, v4;
	v7 =	vsel @p0 vm0, v7, v3;
	(xrf1) =	vsort.ascd.msk.f32 @p0 $0xffff, v8, v12  }
0x265: {  	(xrf1) =	vsort.ascd.msk.f32 @p0 $0xffff, v11, v7;
	_ =	sdelay $0xc  }
0x266: {  	v7, v8, _ =	vpop @p0 (xrf1)  }
0x267: {  	v11, v12, _ =	vpop @p0 (xrf1)  }
0x268: {  	v11 =	vperm.xlane @p0 v11, v6  }
0x269: {  	v2 =	vpsel p1, v9, v2;
	v6 =	vperm.xlane @p0 v12, v6  }
0x26a: {  	v1 =	vpsel p1, v10, v1;
	vm0 =	vle.f32 @p0 v2, v11  }
0x26b: {  	v9 =	vsel @p0 vm0, v2, v11;
	v6 =	vsel @p0 vm0, v1, v6  }
0x26c: {  	(xrf1) =	vsort.ascd.msk.f32 @p0 $0xffff, v9, v6;
	_ =	sdelay $0xc  }
.Ltmp15:
0x26d: {  	_ = 	snop;
	(pc) =	sbr.rel .LBB2_12-.Ltmp15, $4  }
0x26e: {  	v10 =	vimm.s32 @p0 $0xF;
	v6, v9, _ =	vpop @p0 (xrf1)  }
0x26f: {  	v10 =	vperm.xlane @p0 v6, v10  }
0x270: {  	v4 =	vpsel p0, v7, v4;
	v3 =	vpsel p0, v8, v3  }
0x271: {  	v2 =	vpsel p0, v6, v2;
	v1 =	vpsel p0, v9, v1;
	v5 =	vpsel p0, v10, v5  }
.LBB2_14:
.Ltmp16:
0x272: {  	(pc) =	sbr.rel .LBB2_15-.Ltmp16, $4  }
0x273: {  	_ =	swait.ge [sflag:s13], $0x5000;
	s0 =	sadd.s32 $0x78000, s22  }
0x274: {  	s23 =	simm.s32 $0x0;
	[sflag:s13] =	ssyncset.done $0x0;
	s0 =	sshrl.u32 s0, $0x3  }
0x275: {  	s24 =	simm.s32 $0x0;
	[sflag:s13] =	ssyncadd.s32 $0xFFFFB000;
	s0 =	sadd.s32 s5, s0  }
0x276: {  	[tilespmem:s14], [sflag:$0x2] =	stream.strided.gather [hbm4b:s0+s9], $0x5000, s10, s9, $0x38;
	[tilespmem:$0xD300] =	vst v63  }
.LBB2_19:
0x277: {  	s24 =	sadd.s32 $0x1, s24  }
0x278: {  	p0 =	sne.s32 s24, $0xA  }
.Ltmp17:
0x279: {  	_ = 	snop;
	(pc) =	sbr.rel @!p0 .LBB2_20-.Ltmp17, $2  }
0x27a: {  	_ =	sdelay $0x2  }
0x27b: {  	s23 =	sadd.s32 $0x800, s23  }
.LBB2_15:
.Ltmp18:
0x27c: {  	(pc) =	sbr.rel .LBB2_16-.Ltmp18, $4  }
0x27d: {  	_ = 	snop  }
0x27e: {  	s0 =	sshll.u32 s24, $0x8  }
0x27f: {  	s0 =	sand.u32 $0x3FFFFF00, s0  }
0x280: {  	s25 =	sshll.u32 s24, $0xB;
	s28 =	simm.s32 $0x0;
	s26 =	sadd.s32 $0xB400, s0  }
.LBB2_18:
0x281: {  	s28 =	sadd.s32 $0x10, s28  }
0x282: {  	p0 =	sne.s32 s28, $0x100  }
.Ltmp19:
0x283: {  	_ = 	snop;
	(pc) =	sbr.rel @!p0 .LBB2_19-.Ltmp19, $1  }
0x284: {  	_ =	sdelay $0x3  }
.LBB2_16:
0x285: {  	s29 =	sand.u32 $0x80, s28  }
0x286: {  	s30 =	sand.u32 $0x70, s28;
	s0 =	sadd.s32 s29, s26  }
0x287: {  	s0 =	sadd.s32 s30, s0  }
0x288: {  	v6 =	vld [tilespmem:s0+$0x0];
	_ =	sdelay $0x4  }
0x289: {  	vm0 =	vlt.f32 v6, v5  }
0x28a: {  	v6 =	vsel vm0, $0x3F800000, v0  }
0x28b: {  	(xrf0) =	vmax.scan.msk.f32 $0xffff, v6;
	_ =	sdelay $0x5  }
0x28c: {  	v6, _, _ =	vpop (xrf0)  }
0x28d: {  	(v2sf) =	vpush v6, $0xF;
	_ =	sdelay $0xe  }
0x28e: {  	s31 =	spop (v2sf)  }
0x28f: {  	p0 =	sgt.f32 s31, $0.0e+00  }
.Ltmp20:
0x290: {  	_ = 	snop;
	(pc) =	sbr.rel @!p0 .LBB2_18-.Ltmp20, $1  }
0x291: {  	_ =	sdelay $0x3  }
0x292: {  	s0 =	sadd.s32 s29, s25  }
0x293: {  	s29 =	sadd.s32 s30, s0  }
0x294: {  	v6 =	vld [tilespmem:s29+$0x0];
	_ =	sdelay $0x4  }
0x295: {  	vm0 =	vlt.f32 v6, v5  }
0x296: {  	v7 =	vsel vm0, $0x3F800000, v0  }
0x297: {  	(xrf0) =	vmax.scan.msk.f32 $0xffff, v7;
	_ =	sdelay $0x5  }
0x298: {  	v7, _, _ =	vpop (xrf0)  }
0x299: {  	(v2sf) =	vpush v7, $0xF;
	_ =	sdelay $0xe  }
0x29a: {  	s30 =	spop (v2sf)  }
0x29b: {  	p1 =	sgt.f32 s30, $0.0e+00;
	_ =	sdelay $0x1  }
0x29c: {  	s0 =	sadd.s32 @p1 s28, s23  }
0x29d: {  	v7 =	vlaneseq.u32 @p1;
	s0 =	sadd.s32 @p1 $0xA000, s0  }
0x29e: {  	vm0 =	vlt.f32 @p1 v6, v5;
	v8 =	vor.u32 @p1 s0, v7  }
0x29f: {  	v6 =	vnsel @p1 vm0, $0x7F800000, v6;
	v8 =	vnsel @p1 vm0, $0x40000000, v8  }
0x2a0: {  	(xrf1) =	vsort.ascd.msk.f32 @p1 $0xffff, v6, v8;
	_ =	sdelay $0xb  }
0x2a1: {  	v6 =	vmul.u32 @p1 $0xFFFFFFFF, v7;
	_ =	sdelay $0x1  }
0x2a2: {  	v6 =	vadd.s32 @p1 $0xF, v6;
	v7, v8, _ =	vpop @p1 (xrf1)  }
0x2a3: {  	v7 =	vperm.xlane @p1 v7, v6  }
0x2a4: {  	v8 =	vperm.xlane @p1 v8, v6  }
0x2a5: {  	vm0 =	vle.f32 @p1 v4, v7  }
0x2a6: {  	v9 =	vsel @p1 vm0, v4, v7;
	v10 =	vsel @p1 vm0, v3, v8  }
0x2a7: {  	v7 =	vsel @p1 vm0, v7, v4;
	v8 =	vsel @p1 vm0, v8, v3;
	(xrf1) =	vsort.ascd.msk.f32 @p1 $0xffff, v9, v10  }
0x2a8: {  	(xrf1) =	vsort.ascd.msk.f32 @p1 $0xffff, v7, v8;
	_ =	sdelay $0xc  }
0x2a9: {  	v7, v8, _ =	vpop @p1 (xrf1)  }
0x2aa: {  	v9, v10, _ =	vpop @p1 (xrf1)  }
0x2ab: {  	v9 =	vperm.xlane @p1 v9, v6  }
0x2ac: {  	v6 =	vperm.xlane @p1 v10, v6  }
0x2ad: {  	vm0 =	vle.f32 @p1 v2, v9  }
0x2ae: {  	v9 =	vsel @p1 vm0, v2, v9;
	v6 =	vsel @p1 vm0, v1, v6  }
0x2af: {  	(xrf1) =	vsort.ascd.msk.f32 @p1 $0xffff, v9, v6;
	_ =	sdelay $0xc  }
0x2b0: {  	v6 =	vld [tilespmem:s29+$0x100]  }
0x2b1: {  	v11 =	vimm.s32 @p1 $0xF;
	v9, v10, _ =	vpop @p1 (xrf1)  }
0x2b2: {  	v11 =	vperm.xlane @p1 v9, v11;
	_ =	sdelay $0x1  }
0x2b3: {  	v5 =	vpsel p1, v11, v5  }
0x2b4: {  	vm9 =	vlt.f32 v6, v5  }
0x2b5: {  	v57 =	vsel vm9, $0x3F800000, v0  }
0x2b6: {  	(xrf0) =	vmax.scan.msk.f32 $0xffff, v57;
	_ =	sdelay $0x5  }
0x2b7: {  	v11, _, _ =	vpop (xrf0)  }
0x2b8: {  	(v2sf) =	vpush v11, $0xF;
	_ =	sdelay $0xe  }
0x2b9: {  	s31 =	spop (v2sf)  }
0x2ba: {  	p0 =	sgt.f32 s31, $0.0e+00;
	_ =	sdelay $0x1  }
0x2bb: {  	s0 =	sadd.s32 @p0 s28, s23  }
0x2bc: {  	v11 =	vlaneseq.u32 @p0;
	s0 =	sadd.s32 @p0 $0xA100, s0  }
0x2bd: {  	vm0 =	vlt.f32 @p0 v6, v5;
	v12 =	vor.u32 @p0 s0, v11  }
0x2be: {  	v6 =	vnsel @p0 vm0, $0x7F800000, v6;
	v12 =	vnsel @p0 vm0, $0x40000000, v12  }
0x2bf: {  	(xrf1) =	vsort.ascd.msk.f32 @p0 $0xffff, v6, v12;
	_ =	sdelay $0xb  }
0x2c0: {  	v6 =	vmul.u32 @p0 $0xFFFFFFFF, v11;
	_ =	sdelay $0x1  }
0x2c1: {  	v6 =	vadd.s32 @p0 $0xF, v6;
	v11, v12, _ =	vpop @p0 (xrf1)  }
0x2c2: {  	v11 =	vperm.xlane @p0 v11, v6  }
0x2c3: {  	v4 =	vpsel p1, v7, v4;
	v7 =	vperm.xlane @p0 v12, v6  }
0x2c4: {  	v3 =	vpsel p1, v8, v3;
	vm0 =	vle.f32 @p0 v4, v11  }
0x2c5: {  	v8 =	vsel @p0 vm0, v4, v11;
	v12 =	vsel @p0 vm0, v3, v7  }
0x2c6: {  	v11 =	vsel @p0 vm0, v11, v4;
	v7 =	vsel @p0 vm0, v7, v3;
	(xrf1) =	vsort.ascd.msk.f32 @p0 $0xffff, v8, v12  }
0x2c7: {  	(xrf1) =	vsort.ascd.msk.f32 @p0 $0xffff, v11, v7;
	_ =	sdelay $0xc  }
0x2c8: {  	v7, v8, _ =	vpop @p0 (xrf1)  }
0x2c9: {  	v11, v12, _ =	vpop @p0 (xrf1)  }
0x2ca: {  	v11 =	vperm.xlane @p0 v11, v6  }
0x2cb: {  	v2 =	vpsel p1, v9, v2;
	v6 =	vperm.xlane @p0 v12, v6  }
0x2cc: {  	v1 =	vpsel p1, v10, v1;
	vm0 =	vle.f32 @p0 v2, v11  }
0x2cd: {  	v9 =	vsel @p0 vm0, v2, v11;
	v6 =	vsel @p0 vm0, v1, v6  }
0x2ce: {  	(xrf1) =	vsort.ascd.msk.f32 @p0 $0xffff, v9, v6;
	_ =	sdelay $0xc  }
0x2cf: {  	v6 =	vld [tilespmem:s29+$0x200]  }
0x2d0: {  	v11 =	vimm.s32 @p0 $0xF;
	v9, v10, _ =	vpop @p0 (xrf1)  }
0x2d1: {  	v11 =	vperm.xlane @p0 v9, v11;
	_ =	sdelay $0x1  }
0x2d2: {  	v5 =	vpsel p0, v11, v5  }
0x2d3: {  	vm10 =	vlt.f32 v6, v5  }
0x2d4: {  	v58 =	vsel vm10, $0x3F800000, v0  }
0x2d5: {  	(xrf0) =	vmax.scan.msk.f32 $0xffff, v58;
	_ =	sdelay $0x5  }
0x2d6: {  	v11, _, _ =	vpop (xrf0)  }
0x2d7: {  	(v2sf) =	vpush v11, $0xF;
	_ =	sdelay $0xe  }
0x2d8: {  	s30 =	spop (v2sf)  }
0x2d9: {  	p1 =	sgt.f32 s30, $0.0e+00;
	_ =	sdelay $0x1  }
0x2da: {  	s0 =	sadd.s32 @p1 s28, s23  }
0x2db: {  	v11 =	vlaneseq.u32 @p1;
	s0 =	sadd.s32 @p1 $0xA200, s0  }
0x2dc: {  	vm0 =	vlt.f32 @p1 v6, v5;
	v12 =	vor.u32 @p1 s0, v11  }
0x2dd: {  	v6 =	vnsel @p1 vm0, $0x7F800000, v6;
	v12 =	vnsel @p1 vm0, $0x40000000, v12  }
0x2de: {  	(xrf1) =	vsort.ascd.msk.f32 @p1 $0xffff, v6, v12;
	_ =	sdelay $0xb  }
0x2df: {  	v6 =	vmul.u32 @p1 $0xFFFFFFFF, v11;
	_ =	sdelay $0x1  }
0x2e0: {  	v6 =	vadd.s32 @p1 $0xF, v6;
	v11, v12, _ =	vpop @p1 (xrf1)  }
0x2e1: {  	v11 =	vperm.xlane @p1 v11, v6  }
0x2e2: {  	v4 =	vpsel p0, v7, v4;
	v7 =	vperm.xlane @p1 v12, v6  }
0x2e3: {  	v3 =	vpsel p0, v8, v3;
	vm0 =	vle.f32 @p1 v4, v11  }
0x2e4: {  	v8 =	vsel @p1 vm0, v4, v11;
	v12 =	vsel @p1 vm0, v3, v7  }
0x2e5: {  	v11 =	vsel @p1 vm0, v11, v4;
	v7 =	vsel @p1 vm0, v7, v3;
	(xrf1) =	vsort.ascd.msk.f32 @p1 $0xffff, v8, v12  }
0x2e6: {  	(xrf1) =	vsort.ascd.msk.f32 @p1 $0xffff, v11, v7;
	_ =	sdelay $0xc  }
0x2e7: {  	v7, v8, _ =	vpop @p1 (xrf1)  }
0x2e8: {  	v11, v12, _ =	vpop @p1 (xrf1)  }
0x2e9: {  	v11 =	vperm.xlane @p1 v11, v6  }
0x2ea: {  	v2 =	vpsel p0, v9, v2;
	v6 =	vperm.xlane @p1 v12, v6  }
0x2eb: {  	v1 =	vpsel p0, v10, v1;
	vm0 =	vle.f32 @p1 v2, v11  }
0x2ec: {  	v9 =	vsel @p1 vm0, v2, v11;
	v6 =	vsel @p1 vm0, v1, v6  }
0x2ed: {  	(xrf1) =	vsort.ascd.msk.f32 @p1 $0xffff, v9, v6;
	_ =	sdelay $0xc  }
0x2ee: {  	v6 =	vld [tilespmem:s29+$0x300]  }
0x2ef: {  	v11 =	vimm.s32 @p1 $0xF;
	v9, v10, _ =	vpop @p1 (xrf1)  }
0x2f0: {  	v11 =	vperm.xlane @p1 v9, v11;
	_ =	sdelay $0x1  }
0x2f1: {  	v5 =	vpsel p1, v11, v5  }
0x2f2: {  	vm11 =	vlt.f32 v6, v5  }
0x2f3: {  	v59 =	vsel vm11, $0x3F800000, v0  }
0x2f4: {  	(xrf0) =	vmax.scan.msk.f32 $0xffff, v59;
	_ =	sdelay $0x5  }
0x2f5: {  	v11, _, _ =	vpop (xrf0)  }
0x2f6: {  	(v2sf) =	vpush v11, $0xF;
	_ =	sdelay $0xe  }
0x2f7: {  	s31 =	spop (v2sf)  }
0x2f8: {  	p0 =	sgt.f32 s31, $0.0e+00;
	_ =	sdelay $0x1  }
0x2f9: {  	s0 =	sadd.s32 @p0 s28, s23  }
0x2fa: {  	v11 =	vlaneseq.u32 @p0;
	s0 =	sadd.s32 @p0 $0xA300, s0  }
0x2fb: {  	vm0 =	vlt.f32 @p0 v6, v5;
	v12 =	vor.u32 @p0 s0, v11  }
0x2fc: {  	v6 =	vnsel @p0 vm0, $0x7F800000, v6;
	v12 =	vnsel @p0 vm0, $0x40000000, v12  }
0x2fd: {  	(xrf1) =	vsort.ascd.msk.f32 @p0 $0xffff, v6, v12;
	_ =	sdelay $0xb  }
0x2fe: {  	v6 =	vmul.u32 @p0 $0xFFFFFFFF, v11;
	_ =	sdelay $0x1  }
0x2ff: {  	v6 =	vadd.s32 @p0 $0xF, v6;
	v11, v12, _ =	vpop @p0 (xrf1)  }
0x300: {  	v11 =	vperm.xlane @p0 v11, v6  }
0x301: {  	v4 =	vpsel p1, v7, v4;
	v7 =	vperm.xlane @p0 v12, v6  }
0x302: {  	v3 =	vpsel p1, v8, v3;
	vm0 =	vle.f32 @p0 v4, v11  }
0x303: {  	v8 =	vsel @p0 vm0, v4, v11;
	v12 =	vsel @p0 vm0, v3, v7  }
0x304: {  	v11 =	vsel @p0 vm0, v11, v4;
	v7 =	vsel @p0 vm0, v7, v3;
	(xrf1) =	vsort.ascd.msk.f32 @p0 $0xffff, v8, v12  }
0x305: {  	(xrf1) =	vsort.ascd.msk.f32 @p0 $0xffff, v11, v7;
	_ =	sdelay $0xc  }
0x306: {  	v7, v8, _ =	vpop @p0 (xrf1)  }
0x307: {  	v11, v12, _ =	vpop @p0 (xrf1)  }
0x308: {  	v11 =	vperm.xlane @p0 v11, v6  }
0x309: {  	v2 =	vpsel p1, v9, v2;
	v6 =	vperm.xlane @p0 v12, v6  }
0x30a: {  	v1 =	vpsel p1, v10, v1;
	vm0 =	vle.f32 @p0 v2, v11  }
0x30b: {  	v9 =	vsel @p0 vm0, v2, v11;
	v6 =	vsel @p0 vm0, v1, v6  }
0x30c: {  	(xrf1) =	vsort.ascd.msk.f32 @p0 $0xffff, v9, v6;
	_ =	sdelay $0xc  }
0x30d: {  	v6 =	vld [tilespmem:s29+$0x400]  }
0x30e: {  	v11 =	vimm.s32 @p0 $0xF;
	v9, v10, _ =	vpop @p0 (xrf1)  }
0x30f: {  	v11 =	vperm.xlane @p0 v9, v11;
	_ =	sdelay $0x1  }
0x310: {  	v5 =	vpsel p0, v11, v5  }
0x311: {  	vm12 =	vlt.f32 v6, v5  }
0x312: {  	v60 =	vsel vm12, $0x3F800000, v0  }
0x313: {  	(xrf0) =	vmax.scan.msk.f32 $0xffff, v60;
	_ =	sdelay $0x5  }
0x314: {  	v11, _, _ =	vpop (xrf0)  }
0x315: {  	(v2sf) =	vpush v11, $0xF;
	_ =	sdelay $0xe  }
0x316: {  	s30 =	spop (v2sf)  }
0x317: {  	p1 =	sgt.f32 s30, $0.0e+00;
	_ =	sdelay $0x1  }
0x318: {  	s0 =	sadd.s32 @p1 s28, s23  }
0x319: {  	v11 =	vlaneseq.u32 @p1;
	s0 =	sadd.s32 @p1 $0xA400, s0  }
0x31a: {  	vm0 =	vlt.f32 @p1 v6, v5;
	v12 =	vor.u32 @p1 s0, v11  }
0x31b: {  	v6 =	vnsel @p1 vm0, $0x7F800000, v6;
	v12 =	vnsel @p1 vm0, $0x40000000, v12  }
0x31c: {  	(xrf1) =	vsort.ascd.msk.f32 @p1 $0xffff, v6, v12;
	_ =	sdelay $0xb  }
0x31d: {  	v6 =	vmul.u32 @p1 $0xFFFFFFFF, v11;
	_ =	sdelay $0x1  }
0x31e: {  	v6 =	vadd.s32 @p1 $0xF, v6;
	v11, v12, _ =	vpop @p1 (xrf1)  }
0x31f: {  	v11 =	vperm.xlane @p1 v11, v6  }
0x320: {  	v4 =	vpsel p0, v7, v4;
	v7 =	vperm.xlane @p1 v12, v6  }
0x321: {  	v3 =	vpsel p0, v8, v3;
	vm0 =	vle.f32 @p1 v4, v11  }
0x322: {  	v8 =	vsel @p1 vm0, v4, v11;
	v12 =	vsel @p1 vm0, v3, v7  }
0x323: {  	v11 =	vsel @p1 vm0, v11, v4;
	v7 =	vsel @p1 vm0, v7, v3;
	(xrf1) =	vsort.ascd.msk.f32 @p1 $0xffff, v8, v12  }
0x324: {  	(xrf1) =	vsort.ascd.msk.f32 @p1 $0xffff, v11, v7;
	_ =	sdelay $0xc  }
0x325: {  	v7, v8, _ =	vpop @p1 (xrf1)  }
0x326: {  	v11, v12, _ =	vpop @p1 (xrf1)  }
0x327: {  	v11 =	vperm.xlane @p1 v11, v6  }
0x328: {  	v2 =	vpsel p0, v9, v2;
	v6 =	vperm.xlane @p1 v12, v6  }
0x329: {  	v1 =	vpsel p0, v10, v1;
	vm0 =	vle.f32 @p1 v2, v11  }
0x32a: {  	v9 =	vsel @p1 vm0, v2, v11;
	v6 =	vsel @p1 vm0, v1, v6  }
0x32b: {  	(xrf1) =	vsort.ascd.msk.f32 @p1 $0xffff, v9, v6;
	_ =	sdelay $0xc  }
0x32c: {  	v6 =	vld [tilespmem:s29+$0x500]  }
0x32d: {  	v11 =	vimm.s32 @p1 $0xF;
	v9, v10, _ =	vpop @p1 (xrf1)  }
0x32e: {  	v11 =	vperm.xlane @p1 v9, v11;
	_ =	sdelay $0x1  }
0x32f: {  	v5 =	vpsel p1, v11, v5  }
0x330: {  	vm13 =	vlt.f32 v6, v5  }
0x331: {  	v61 =	vsel vm13, $0x3F800000, v0  }
0x332: {  	(xrf0) =	vmax.scan.msk.f32 $0xffff, v61;
	_ =	sdelay $0x5  }
0x333: {  	v11, _, _ =	vpop (xrf0)  }
0x334: {  	(v2sf) =	vpush v11, $0xF;
	_ =	sdelay $0xe  }
0x335: {  	s31 =	spop (v2sf)  }
0x336: {  	p0 =	sgt.f32 s31, $0.0e+00;
	_ =	sdelay $0x1  }
0x337: {  	s0 =	sadd.s32 @p0 s28, s23  }
0x338: {  	v11 =	vlaneseq.u32 @p0;
	s0 =	sadd.s32 @p0 $0xA500, s0  }
0x339: {  	vm0 =	vlt.f32 @p0 v6, v5;
	v12 =	vor.u32 @p0 s0, v11  }
0x33a: {  	v6 =	vnsel @p0 vm0, $0x7F800000, v6;
	v12 =	vnsel @p0 vm0, $0x40000000, v12  }
0x33b: {  	(xrf1) =	vsort.ascd.msk.f32 @p0 $0xffff, v6, v12;
	_ =	sdelay $0xb  }
0x33c: {  	v6 =	vmul.u32 @p0 $0xFFFFFFFF, v11;
	_ =	sdelay $0x1  }
0x33d: {  	v6 =	vadd.s32 @p0 $0xF, v6;
	v11, v12, _ =	vpop @p0 (xrf1)  }
0x33e: {  	v11 =	vperm.xlane @p0 v11, v6  }
0x33f: {  	v4 =	vpsel p1, v7, v4;
	v7 =	vperm.xlane @p0 v12, v6  }
0x340: {  	v3 =	vpsel p1, v8, v3;
	vm0 =	vle.f32 @p0 v4, v11  }
0x341: {  	v8 =	vsel @p0 vm0, v4, v11;
	v12 =	vsel @p0 vm0, v3, v7  }
0x342: {  	v11 =	vsel @p0 vm0, v11, v4;
	v7 =	vsel @p0 vm0, v7, v3;
	(xrf1) =	vsort.ascd.msk.f32 @p0 $0xffff, v8, v12  }
0x343: {  	(xrf1) =	vsort.ascd.msk.f32 @p0 $0xffff, v11, v7;
	_ =	sdelay $0xc  }
0x344: {  	v7, v8, _ =	vpop @p0 (xrf1)  }
0x345: {  	v11, v12, _ =	vpop @p0 (xrf1)  }
0x346: {  	v11 =	vperm.xlane @p0 v11, v6  }
0x347: {  	v2 =	vpsel p1, v9, v2;
	v6 =	vperm.xlane @p0 v12, v6  }
0x348: {  	v1 =	vpsel p1, v10, v1;
	vm0 =	vle.f32 @p0 v2, v11  }
0x349: {  	v9 =	vsel @p0 vm0, v2, v11;
	v6 =	vsel @p0 vm0, v1, v6  }
0x34a: {  	(xrf1) =	vsort.ascd.msk.f32 @p0 $0xffff, v9, v6;
	_ =	sdelay $0xc  }
0x34b: {  	v6 =	vld [tilespmem:s29+$0x600]  }
0x34c: {  	v11 =	vimm.s32 @p0 $0xF;
	v9, v10, _ =	vpop @p0 (xrf1)  }
0x34d: {  	v11 =	vperm.xlane @p0 v9, v11;
	_ =	sdelay $0x1  }
0x34e: {  	v5 =	vpsel p0, v11, v5  }
0x34f: {  	vm14 =	vlt.f32 v6, v5  }
0x350: {  	v62 =	vsel vm14, $0x3F800000, v0  }
0x351: {  	(xrf0) =	vmax.scan.msk.f32 $0xffff, v62;
	_ =	sdelay $0x5  }
0x352: {  	v11, _, _ =	vpop (xrf0)  }
0x353: {  	(v2sf) =	vpush v11, $0xF;
	_ =	sdelay $0xe  }
0x354: {  	s30 =	spop (v2sf)  }
0x355: {  	p1 =	sgt.f32 s30, $0.0e+00;
	_ =	sdelay $0x1  }
0x356: {  	s0 =	sadd.s32 @p1 s28, s23  }
0x357: {  	v11 =	vlaneseq.u32 @p1;
	s0 =	sadd.s32 @p1 $0xA600, s0  }
0x358: {  	vm0 =	vlt.f32 @p1 v6, v5;
	v12 =	vor.u32 @p1 s0, v11  }
0x359: {  	v6 =	vnsel @p1 vm0, $0x7F800000, v6;
	v12 =	vnsel @p1 vm0, $0x40000000, v12  }
0x35a: {  	(xrf1) =	vsort.ascd.msk.f32 @p1 $0xffff, v6, v12;
	_ =	sdelay $0xb  }
0x35b: {  	v6 =	vmul.u32 @p1 $0xFFFFFFFF, v11;
	_ =	sdelay $0x1  }
0x35c: {  	v6 =	vadd.s32 @p1 $0xF, v6;
	v11, v12, _ =	vpop @p1 (xrf1)  }
0x35d: {  	v11 =	vperm.xlane @p1 v11, v6  }
0x35e: {  	v4 =	vpsel p0, v7, v4;
	v7 =	vperm.xlane @p1 v12, v6  }
0x35f: {  	v3 =	vpsel p0, v8, v3;
	vm0 =	vle.f32 @p1 v4, v11  }
0x360: {  	v8 =	vsel @p1 vm0, v4, v11;
	v12 =	vsel @p1 vm0, v3, v7  }
0x361: {  	v11 =	vsel @p1 vm0, v11, v4;
	v7 =	vsel @p1 vm0, v7, v3;
	(xrf1) =	vsort.ascd.msk.f32 @p1 $0xffff, v8, v12  }
0x362: {  	(xrf1) =	vsort.ascd.msk.f32 @p1 $0xffff, v11, v7;
	_ =	sdelay $0xc  }
0x363: {  	v7, v8, _ =	vpop @p1 (xrf1)  }
0x364: {  	v11, v12, _ =	vpop @p1 (xrf1)  }
0x365: {  	v11 =	vperm.xlane @p1 v11, v6  }
0x366: {  	v2 =	vpsel p0, v9, v2;
	v6 =	vperm.xlane @p1 v12, v6  }
0x367: {  	v1 =	vpsel p0, v10, v1;
	vm0 =	vle.f32 @p1 v2, v11  }
0x368: {  	v9 =	vsel @p1 vm0, v2, v11;
	v6 =	vsel @p1 vm0, v1, v6  }
0x369: {  	(xrf1) =	vsort.ascd.msk.f32 @p1 $0xffff, v9, v6;
	_ =	sdelay $0xc  }
0x36a: {  	v6 =	vld [tilespmem:s29+$0x700]  }
0x36b: {  	v11 =	vimm.s32 @p1 $0xF;
	v9, v10, _ =	vpop @p1 (xrf1)  }
0x36c: {  	v11 =	vperm.xlane @p1 v9, v11;
	_ =	sdelay $0x1  }
0x36d: {  	v5 =	vpsel p1, v11, v5  }
0x36e: {  	vm15 =	vlt.f32 v6, v5  }
0x36f: {  	v63 =	vsel vm15, $0x3F800000, v0  }
0x370: {  	(xrf0) =	vmax.scan.msk.f32 $0xffff, v63;
	_ =	sdelay $0x5  }
0x371: {  	v11, _, _ =	vpop (xrf0)  }
0x372: {  	(v2sf) =	vpush v11, $0xF;
	_ =	sdelay $0xe  }
0x373: {  	s31 =	spop (v2sf)  }
0x374: {  	p0 =	sgt.f32 s31, $0.0e+00;
	_ =	sdelay $0x1  }
0x375: {  	s0 =	sadd.s32 @p0 s28, s23  }
0x376: {  	v11 =	vlaneseq.u32 @p0;
	s0 =	sadd.s32 @p0 $0xA700, s0  }
0x377: {  	vm0 =	vlt.f32 @p0 v6, v5;
	v12 =	vor.u32 @p0 s0, v11  }
0x378: {  	v6 =	vnsel @p0 vm0, $0x7F800000, v6;
	v12 =	vnsel @p0 vm0, $0x40000000, v12  }
0x379: {  	(xrf1) =	vsort.ascd.msk.f32 @p0 $0xffff, v6, v12;
	_ =	sdelay $0xb  }
0x37a: {  	v6 =	vmul.u32 @p0 $0xFFFFFFFF, v11;
	_ =	sdelay $0x1  }
0x37b: {  	v6 =	vadd.s32 @p0 $0xF, v6;
	v11, v12, _ =	vpop @p0 (xrf1)  }
0x37c: {  	v11 =	vperm.xlane @p0 v11, v6  }
0x37d: {  	v4 =	vpsel p1, v7, v4;
	v7 =	vperm.xlane @p0 v12, v6  }
0x37e: {  	v3 =	vpsel p1, v8, v3;
	vm0 =	vle.f32 @p0 v4, v11  }
0x37f: {  	v8 =	vsel @p0 vm0, v4, v11;
	v12 =	vsel @p0 vm0, v3, v7  }
0x380: {  	v11 =	vsel @p0 vm0, v11, v4;
	v7 =	vsel @p0 vm0, v7, v3;
	(xrf1) =	vsort.ascd.msk.f32 @p0 $0xffff, v8, v12  }
0x381: {  	(xrf1) =	vsort.ascd.msk.f32 @p0 $0xffff, v11, v7;
	_ =	sdelay $0xc  }
0x382: {  	v7, v8, _ =	vpop @p0 (xrf1)  }
0x383: {  	v11, v12, _ =	vpop @p0 (xrf1)  }
0x384: {  	v11 =	vperm.xlane @p0 v11, v6  }
0x385: {  	v2 =	vpsel p1, v9, v2;
	v6 =	vperm.xlane @p0 v12, v6  }
0x386: {  	v1 =	vpsel p1, v10, v1;
	vm0 =	vle.f32 @p0 v2, v11  }
0x387: {  	v9 =	vsel @p0 vm0, v2, v11;
	v6 =	vsel @p0 vm0, v1, v6  }
0x388: {  	(xrf1) =	vsort.ascd.msk.f32 @p0 $0xffff, v9, v6;
	_ =	sdelay $0xc  }
.Ltmp21:
0x389: {  	_ = 	snop;
	(pc) =	sbr.rel .LBB2_18-.Ltmp21, $4  }
0x38a: {  	v10 =	vimm.s32 @p0 $0xF;
	v6, v9, _ =	vpop @p0 (xrf1)  }
0x38b: {  	v10 =	vperm.xlane @p0 v6, v10  }
0x38c: {  	v4 =	vpsel p0, v7, v4;
	v3 =	vpsel p0, v8, v3  }
0x38d: {  	v2 =	vpsel p0, v6, v2;
	v1 =	vpsel p0, v9, v1;
	v5 =	vpsel p0, v10, v5  }
.LBB2_20:
.Ltmp22:
0x38e: {  	(pc) =	sbr.rel .LBB2_21-.Ltmp22, $4  }
0x38f: {  	_ =	swait.ge [sflag:s15], $0x5000;
	s0 =	sadd.s32 $0xA0000, s22  }
0x390: {  	s22 =	simm.s32 $0x0;
	[sflag:s15] =	ssyncset.done $0x0;
	s0 =	sshrl.u32 s0, $0x3  }
0x391: {  	s23 =	simm.s32 $0x0;
	[sflag:s15] =	ssyncadd.s32 $0xFFFFB000;
	s0 =	sadd.s32 s5, s0  }
0x392: {  	[tilespmem:s22], [sflag:$0x1] =	stream.strided.gather [hbm4b:s0+s9], $0x5000, s10, s9, $0x38;
	[tilespmem:$0xD300] =	vst v63  }
.LBB2_25:
0x393: {  	s23 =	sadd.s32 $0x1, s23  }
0x394: {  	p0 =	sne.s32 s23, $0xA  }
.Ltmp23:
0x395: {  	_ = 	snop;
	(pc) =	sbr.rel @!p0 .LBB2_26-.Ltmp23, $2  }
0x396: {  	_ =	sdelay $0x2  }
0x397: {  	s22 =	sadd.s32 $0x800, s22  }
.LBB2_21:
.Ltmp24:
0x398: {  	(pc) =	sbr.rel .LBB2_22-.Ltmp24, $4  }
0x399: {  	_ = 	snop  }
0x39a: {  	s0 =	sshll.u32 s23, $0x8  }
0x39b: {  	s25 =	sshll.u32 s23, $0xB;
	s0 =	sand.u32 $0x3FFFFF00, s0  }
0x39c: {  	s26 =	simm.s32 $0x0;
	s25 =	sadd.s32 $0x5000, s25;
	s24 =	sadd.s32 $0xBE00, s0  }
.LBB2_24:
0x39d: {  	s26 =	sadd.s32 $0x10, s26  }
0x39e: {  	p0 =	sne.s32 s26, $0x100  }
.Ltmp25:
0x39f: {  	_ = 	snop;
	(pc) =	sbr.rel @!p0 .LBB2_25-.Ltmp25, $1  }
0x3a0: {  	_ =	sdelay $0x3  }
.LBB2_22:
0x3a1: {  	s28 =	sand.u32 $0x80, s26  }
0x3a2: {  	s29 =	sand.u32 $0x70, s26;
	s0 =	sadd.s32 s28, s24  }
0x3a3: {  	s0 =	sadd.s32 s29, s0  }
0x3a4: {  	v6 =	vld [tilespmem:s0+$0x0];
	_ =	sdelay $0x4  }
0x3a5: {  	vm0 =	vlt.f32 v6, v5  }
0x3a6: {  	v6 =	vsel vm0, $0x3F800000, v0  }
0x3a7: {  	(xrf0) =	vmax.scan.msk.f32 $0xffff, v6;
	_ =	sdelay $0x5  }
0x3a8: {  	v6, _, _ =	vpop (xrf0)  }
0x3a9: {  	(v2sf) =	vpush v6, $0xF;
	_ =	sdelay $0xe  }
0x3aa: {  	s31 =	spop (v2sf)  }
0x3ab: {  	p0 =	sgt.f32 s31, $0.0e+00  }
.Ltmp26:
0x3ac: {  	_ = 	snop;
	(pc) =	sbr.rel @!p0 .LBB2_24-.Ltmp26, $1  }
0x3ad: {  	_ =	sdelay $0x3  }
0x3ae: {  	s0 =	sadd.s32 s28, s25  }
0x3af: {  	s28 =	sadd.s32 s29, s0  }
0x3b0: {  	v6 =	vld [tilespmem:s28+$0x0];
	_ =	sdelay $0x4  }
0x3b1: {  	vm0 =	vlt.f32 v6, v5  }
0x3b2: {  	v7 =	vsel vm0, $0x3F800000, v0  }
0x3b3: {  	(xrf0) =	vmax.scan.msk.f32 $0xffff, v7;
	_ =	sdelay $0x5  }
0x3b4: {  	v7, _, _ =	vpop (xrf0)  }
0x3b5: {  	(v2sf) =	vpush v7, $0xF;
	_ =	sdelay $0xe  }
0x3b6: {  	s30 =	spop (v2sf)  }
0x3b7: {  	p1 =	sgt.f32 s30, $0.0e+00;
	_ =	sdelay $0x1  }
0x3b8: {  	s0 =	sadd.s32 @p1 s26, s22  }
0x3b9: {  	v7 =	vlaneseq.u32 @p1;
	s0 =	sadd.s32 @p1 $0xF000, s0  }
0x3ba: {  	vm0 =	vlt.f32 @p1 v6, v5;
	v8 =	vor.u32 @p1 s0, v7  }
0x3bb: {  	v6 =	vnsel @p1 vm0, $0x7F800000, v6;
	v8 =	vnsel @p1 vm0, $0x40000000, v8  }
0x3bc: {  	(xrf1) =	vsort.ascd.msk.f32 @p1 $0xffff, v6, v8;
	_ =	sdelay $0xb  }
0x3bd: {  	v6 =	vmul.u32 @p1 $0xFFFFFFFF, v7;
	_ =	sdelay $0x1  }
0x3be: {  	v6 =	vadd.s32 @p1 $0xF, v6;
	v7, v8, _ =	vpop @p1 (xrf1)  }
0x3bf: {  	v7 =	vperm.xlane @p1 v7, v6  }
0x3c0: {  	v8 =	vperm.xlane @p1 v8, v6  }
0x3c1: {  	vm0 =	vle.f32 @p1 v4, v7  }
0x3c2: {  	v9 =	vsel @p1 vm0, v4, v7;
	v10 =	vsel @p1 vm0, v3, v8  }
0x3c3: {  	v7 =	vsel @p1 vm0, v7, v4;
	v8 =	vsel @p1 vm0, v8, v3;
	(xrf1) =	vsort.ascd.msk.f32 @p1 $0xffff, v9, v10  }
0x3c4: {  	(xrf1) =	vsort.ascd.msk.f32 @p1 $0xffff, v7, v8;
	_ =	sdelay $0xc  }
0x3c5: {  	v7, v8, _ =	vpop @p1 (xrf1)  }
0x3c6: {  	v9, v10, _ =	vpop @p1 (xrf1)  }
0x3c7: {  	v9 =	vperm.xlane @p1 v9, v6  }
0x3c8: {  	v6 =	vperm.xlane @p1 v10, v6  }
0x3c9: {  	vm0 =	vle.f32 @p1 v2, v9  }
0x3ca: {  	v9 =	vsel @p1 vm0, v2, v9;
	v6 =	vsel @p1 vm0, v1, v6  }
0x3cb: {  	(xrf1) =	vsort.ascd.msk.f32 @p1 $0xffff, v9, v6;
	_ =	sdelay $0xc  }
0x3cc: {  	v6 =	vld [tilespmem:s28+$0x100]  }
0x3cd: {  	v11 =	vimm.s32 @p1 $0xF;
	v9, v10, _ =	vpop @p1 (xrf1)  }
0x3ce: {  	v11 =	vperm.xlane @p1 v9, v11;
	_ =	sdelay $0x1  }
0x3cf: {  	v5 =	vpsel p1, v11, v5  }
0x3d0: {  	vm9 =	vlt.f32 v6, v5  }
0x3d1: {  	v57 =	vsel vm9, $0x3F800000, v0  }
0x3d2: {  	(xrf0) =	vmax.scan.msk.f32 $0xffff, v57;
	_ =	sdelay $0x5  }
0x3d3: {  	v11, _, _ =	vpop (xrf0)  }
0x3d4: {  	(v2sf) =	vpush v11, $0xF;
	_ =	sdelay $0xe  }
0x3d5: {  	s31 =	spop (v2sf)  }
0x3d6: {  	p0 =	sgt.f32 s31, $0.0e+00;
	_ =	sdelay $0x1  }
0x3d7: {  	s0 =	sadd.s32 @p0 s26, s22  }
0x3d8: {  	v11 =	vlaneseq.u32 @p0;
	s0 =	sadd.s32 @p0 $0xF100, s0  }
0x3d9: {  	vm0 =	vlt.f32 @p0 v6, v5;
	v12 =	vor.u32 @p0 s0, v11  }
0x3da: {  	v6 =	vnsel @p0 vm0, $0x7F800000, v6;
	v12 =	vnsel @p0 vm0, $0x40000000, v12  }
0x3db: {  	(xrf1) =	vsort.ascd.msk.f32 @p0 $0xffff, v6, v12;
	_ =	sdelay $0xb  }
0x3dc: {  	v6 =	vmul.u32 @p0 $0xFFFFFFFF, v11;
	_ =	sdelay $0x1  }
0x3dd: {  	v6 =	vadd.s32 @p0 $0xF, v6;
	v11, v12, _ =	vpop @p0 (xrf1)  }
0x3de: {  	v11 =	vperm.xlane @p0 v11, v6  }
0x3df: {  	v4 =	vpsel p1, v7, v4;
	v7 =	vperm.xlane @p0 v12, v6  }
0x3e0: {  	v3 =	vpsel p1, v8, v3;
	vm0 =	vle.f32 @p0 v4, v11  }
0x3e1: {  	v8 =	vsel @p0 vm0, v4, v11;
	v12 =	vsel @p0 vm0, v3, v7  }
0x3e2: {  	v11 =	vsel @p0 vm0, v11, v4;
	v7 =	vsel @p0 vm0, v7, v3;
	(xrf1) =	vsort.ascd.msk.f32 @p0 $0xffff, v8, v12  }
0x3e3: {  	(xrf1) =	vsort.ascd.msk.f32 @p0 $0xffff, v11, v7;
	_ =	sdelay $0xc  }
0x3e4: {  	v7, v8, _ =	vpop @p0 (xrf1)  }
0x3e5: {  	v11, v12, _ =	vpop @p0 (xrf1)  }
0x3e6: {  	v11 =	vperm.xlane @p0 v11, v6  }
0x3e7: {  	v2 =	vpsel p1, v9, v2;
	v6 =	vperm.xlane @p0 v12, v6  }
0x3e8: {  	v1 =	vpsel p1, v10, v1;
	vm0 =	vle.f32 @p0 v2, v11  }
0x3e9: {  	v9 =	vsel @p0 vm0, v2, v11;
	v6 =	vsel @p0 vm0, v1, v6  }
0x3ea: {  	(xrf1) =	vsort.ascd.msk.f32 @p0 $0xffff, v9, v6;
	_ =	sdelay $0xc  }
0x3eb: {  	v6 =	vld [tilespmem:s28+$0x200]  }
0x3ec: {  	v11 =	vimm.s32 @p0 $0xF;
	v9, v10, _ =	vpop @p0 (xrf1)  }
0x3ed: {  	v11 =	vperm.xlane @p0 v9, v11;
	_ =	sdelay $0x1  }
0x3ee: {  	v5 =	vpsel p0, v11, v5  }
0x3ef: {  	vm10 =	vlt.f32 v6, v5  }
0x3f0: {  	v58 =	vsel vm10, $0x3F800000, v0  }
0x3f1: {  	(xrf0) =	vmax.scan.msk.f32 $0xffff, v58;
	_ =	sdelay $0x5  }
0x3f2: {  	v11, _, _ =	vpop (xrf0)  }
0x3f3: {  	(v2sf) =	vpush v11, $0xF;
	_ =	sdelay $0xe  }
0x3f4: {  	s29 =	spop (v2sf)  }
0x3f5: {  	p1 =	sgt.f32 s29, $0.0e+00;
	_ =	sdelay $0x1  }
0x3f6: {  	s0 =	sadd.s32 @p1 s26, s22  }
0x3f7: {  	v11 =	vlaneseq.u32 @p1;
	s0 =	sadd.s32 @p1 $0xF200, s0  }
0x3f8: {  	vm0 =	vlt.f32 @p1 v6, v5;
	v12 =	vor.u32 @p1 s0, v11  }
0x3f9: {  	v6 =	vnsel @p1 vm0, $0x7F800000, v6;
	v12 =	vnsel @p1 vm0, $0x40000000, v12  }
0x3fa: {  	(xrf1) =	vsort.ascd.msk.f32 @p1 $0xffff, v6, v12;
	_ =	sdelay $0xb  }
0x3fb: {  	v6 =	vmul.u32 @p1 $0xFFFFFFFF, v11;
	_ =	sdelay $0x1  }
0x3fc: {  	v6 =	vadd.s32 @p1 $0xF, v6;
	v11, v12, _ =	vpop @p1 (xrf1)  }
0x3fd: {  	v11 =	vperm.xlane @p1 v11, v6  }
0x3fe: {  	v4 =	vpsel p0, v7, v4;
	v7 =	vperm.xlane @p1 v12, v6  }
0x3ff: {  	v3 =	vpsel p0, v8, v3;
	vm0 =	vle.f32 @p1 v4, v11  }
0x400: {  	v8 =	vsel @p1 vm0, v4, v11;
	v12 =	vsel @p1 vm0, v3, v7  }
0x401: {  	v11 =	vsel @p1 vm0, v11, v4;
	v7 =	vsel @p1 vm0, v7, v3;
	(xrf1) =	vsort.ascd.msk.f32 @p1 $0xffff, v8, v12  }
0x402: {  	(xrf1) =	vsort.ascd.msk.f32 @p1 $0xffff, v11, v7;
	_ =	sdelay $0xc  }
0x403: {  	v7, v8, _ =	vpop @p1 (xrf1)  }
0x404: {  	v11, v12, _ =	vpop @p1 (xrf1)  }
0x405: {  	v11 =	vperm.xlane @p1 v11, v6  }
0x406: {  	v2 =	vpsel p0, v9, v2;
	v6 =	vperm.xlane @p1 v12, v6  }
0x407: {  	v1 =	vpsel p0, v10, v1;
	vm0 =	vle.f32 @p1 v2, v11  }
0x408: {  	v9 =	vsel @p1 vm0, v2, v11;
	v6 =	vsel @p1 vm0, v1, v6  }
0x409: {  	(xrf1) =	vsort.ascd.msk.f32 @p1 $0xffff, v9, v6;
	_ =	sdelay $0xc  }
0x40a: {  	v6 =	vld [tilespmem:s28+$0x300]  }
0x40b: {  	v11 =	vimm.s32 @p1 $0xF;
	v9, v10, _ =	vpop @p1 (xrf1)  }
0x40c: {  	v11 =	vperm.xlane @p1 v9, v11;
	_ =	sdelay $0x1  }
0x40d: {  	v5 =	vpsel p1, v11, v5  }
0x40e: {  	vm11 =	vlt.f32 v6, v5  }
0x40f: {  	v59 =	vsel vm11, $0x3F800000, v0  }
0x410: {  	(xrf0) =	vmax.scan.msk.f32 $0xffff, v59;
	_ =	sdelay $0x5  }
0x411: {  	v11, _, _ =	vpop (xrf0)  }
0x412: {  	(v2sf) =	vpush v11, $0xF;
	_ =	sdelay $0xe  }
0x413: {  	s30 =	spop (v2sf)  }
0x414: {  	p0 =	sgt.f32 s30, $0.0e+00;
	_ =	sdelay $0x1  }
0x415: {  	s0 =	sadd.s32 @p0 s26, s22  }
0x416: {  	v11 =	vlaneseq.u32 @p0;
	s0 =	sadd.s32 @p0 $0xF300, s0  }
0x417: {  	vm0 =	vlt.f32 @p0 v6, v5;
	v12 =	vor.u32 @p0 s0, v11  }
0x418: {  	v6 =	vnsel @p0 vm0, $0x7F800000, v6;
	v12 =	vnsel @p0 vm0, $0x40000000, v12  }
0x419: {  	(xrf1) =	vsort.ascd.msk.f32 @p0 $0xffff, v6, v12;
	_ =	sdelay $0xb  }
0x41a: {  	v6 =	vmul.u32 @p0 $0xFFFFFFFF, v11;
	_ =	sdelay $0x1  }
0x41b: {  	v6 =	vadd.s32 @p0 $0xF, v6;
	v11, v12, _ =	vpop @p0 (xrf1)  }
0x41c: {  	v11 =	vperm.xlane @p0 v11, v6  }
0x41d: {  	v4 =	vpsel p1, v7, v4;
	v7 =	vperm.xlane @p0 v12, v6  }
0x41e: {  	v3 =	vpsel p1, v8, v3;
	vm0 =	vle.f32 @p0 v4, v11  }
0x41f: {  	v8 =	vsel @p0 vm0, v4, v11;
	v12 =	vsel @p0 vm0, v3, v7  }
0x420: {  	v11 =	vsel @p0 vm0, v11, v4;
	v7 =	vsel @p0 vm0, v7, v3;
	(xrf1) =	vsort.ascd.msk.f32 @p0 $0xffff, v8, v12  }
0x421: {  	(xrf1) =	vsort.ascd.msk.f32 @p0 $0xffff, v11, v7;
	_ =	sdelay $0xc  }
0x422: {  	v7, v8, _ =	vpop @p0 (xrf1)  }
0x423: {  	v11, v12, _ =	vpop @p0 (xrf1)  }
0x424: {  	v11 =	vperm.xlane @p0 v11, v6  }
0x425: {  	v2 =	vpsel p1, v9, v2;
	v6 =	vperm.xlane @p0 v12, v6  }
0x426: {  	v1 =	vpsel p1, v10, v1;
	vm0 =	vle.f32 @p0 v2, v11  }
0x427: {  	v9 =	vsel @p0 vm0, v2, v11;
	v6 =	vsel @p0 vm0, v1, v6  }
0x428: {  	(xrf1) =	vsort.ascd.msk.f32 @p0 $0xffff, v9, v6;
	_ =	sdelay $0xc  }
0x429: {  	v6 =	vld [tilespmem:s28+$0x400]  }
0x42a: {  	v11 =	vimm.s32 @p0 $0xF;
	v9, v10, _ =	vpop @p0 (xrf1)  }
0x42b: {  	v11 =	vperm.xlane @p0 v9, v11;
	_ =	sdelay $0x1  }
0x42c: {  	v5 =	vpsel p0, v11, v5  }
0x42d: {  	vm12 =	vlt.f32 v6, v5  }
0x42e: {  	v60 =	vsel vm12, $0x3F800000, v0  }
0x42f: {  	(xrf0) =	vmax.scan.msk.f32 $0xffff, v60;
	_ =	sdelay $0x5  }
0x430: {  	v11, _, _ =	vpop (xrf0)  }
0x431: {  	(v2sf) =	vpush v11, $0xF;
	_ =	sdelay $0xe  }
0x432: {  	s31 =	spop (v2sf)  }
0x433: {  	p1 =	sgt.f32 s31, $0.0e+00;
	_ =	sdelay $0x1  }
0x434: {  	s0 =	sadd.s32 @p1 s26, s22  }
0x435: {  	v11 =	vlaneseq.u32 @p1;
	s0 =	sadd.s32 @p1 $0xF400, s0  }
0x436: {  	vm0 =	vlt.f32 @p1 v6, v5;
	v12 =	vor.u32 @p1 s0, v11  }
0x437: {  	v6 =	vnsel @p1 vm0, $0x7F800000, v6;
	v12 =	vnsel @p1 vm0, $0x40000000, v12  }
0x438: {  	(xrf1) =	vsort.ascd.msk.f32 @p1 $0xffff, v6, v12;
	_ =	sdelay $0xb  }
0x439: {  	v6 =	vmul.u32 @p1 $0xFFFFFFFF, v11;
	_ =	sdelay $0x1  }
0x43a: {  	v6 =	vadd.s32 @p1 $0xF, v6;
	v11, v12, _ =	vpop @p1 (xrf1)  }
0x43b: {  	v11 =	vperm.xlane @p1 v11, v6  }
0x43c: {  	v4 =	vpsel p0, v7, v4;
	v7 =	vperm.xlane @p1 v12, v6  }
0x43d: {  	v3 =	vpsel p0, v8, v3;
	vm0 =	vle.f32 @p1 v4, v11  }
0x43e: {  	v8 =	vsel @p1 vm0, v4, v11;
	v12 =	vsel @p1 vm0, v3, v7  }
0x43f: {  	v11 =	vsel @p1 vm0, v11, v4;
	v7 =	vsel @p1 vm0, v7, v3;
	(xrf1) =	vsort.ascd.msk.f32 @p1 $0xffff, v8, v12  }
0x440: {  	(xrf1) =	vsort.ascd.msk.f32 @p1 $0xffff, v11, v7;
	_ =	sdelay $0xc  }
0x441: {  	v7, v8, _ =	vpop @p1 (xrf1)  }
0x442: {  	v11, v12, _ =	vpop @p1 (xrf1)  }
0x443: {  	v11 =	vperm.xlane @p1 v11, v6  }
0x444: {  	v2 =	vpsel p0, v9, v2;
	v6 =	vperm.xlane @p1 v12, v6  }
0x445: {  	v1 =	vpsel p0, v10, v1;
	vm0 =	vle.f32 @p1 v2, v11  }
0x446: {  	v9 =	vsel @p1 vm0, v2, v11;
	v6 =	vsel @p1 vm0, v1, v6  }
0x447: {  	(xrf1) =	vsort.ascd.msk.f32 @p1 $0xffff, v9, v6;
	_ =	sdelay $0xc  }
0x448: {  	v6 =	vld [tilespmem:s28+$0x500]  }
0x449: {  	v11 =	vimm.s32 @p1 $0xF;
	v9, v10, _ =	vpop @p1 (xrf1)  }
0x44a: {  	v11 =	vperm.xlane @p1 v9, v11;
	_ =	sdelay $0x1  }
0x44b: {  	v5 =	vpsel p1, v11, v5  }
0x44c: {  	vm13 =	vlt.f32 v6, v5  }
0x44d: {  	v61 =	vsel vm13, $0x3F800000, v0  }
0x44e: {  	(xrf0) =	vmax.scan.msk.f32 $0xffff, v61;
	_ =	sdelay $0x5  }
0x44f: {  	v11, _, _ =	vpop (xrf0)  }
0x450: {  	(v2sf) =	vpush v11, $0xF;
	_ =	sdelay $0xe  }
0x451: {  	s29 =	spop (v2sf)  }
0x452: {  	p0 =	sgt.f32 s29, $0.0e+00;
	_ =	sdelay $0x1  }
0x453: {  	s0 =	sadd.s32 @p0 s26, s22  }
0x454: {  	v11 =	vlaneseq.u32 @p0;
	s0 =	sadd.s32 @p0 $0xF500, s0  }
0x455: {  	vm0 =	vlt.f32 @p0 v6, v5;
	v12 =	vor.u32 @p0 s0, v11  }
0x456: {  	v6 =	vnsel @p0 vm0, $0x7F800000, v6;
	v12 =	vnsel @p0 vm0, $0x40000000, v12  }
0x457: {  	(xrf1) =	vsort.ascd.msk.f32 @p0 $0xffff, v6, v12;
	_ =	sdelay $0xb  }
0x458: {  	v6 =	vmul.u32 @p0 $0xFFFFFFFF, v11;
	_ =	sdelay $0x1  }
0x459: {  	v6 =	vadd.s32 @p0 $0xF, v6;
	v11, v12, _ =	vpop @p0 (xrf1)  }
0x45a: {  	v11 =	vperm.xlane @p0 v11, v6  }
0x45b: {  	v4 =	vpsel p1, v7, v4;
	v7 =	vperm.xlane @p0 v12, v6  }
0x45c: {  	v3 =	vpsel p1, v8, v3;
	vm0 =	vle.f32 @p0 v4, v11  }
0x45d: {  	v8 =	vsel @p0 vm0, v4, v11;
	v12 =	vsel @p0 vm0, v3, v7  }
0x45e: {  	v11 =	vsel @p0 vm0, v11, v4;
	v7 =	vsel @p0 vm0, v7, v3;
	(xrf1) =	vsort.ascd.msk.f32 @p0 $0xffff, v8, v12  }
0x45f: {  	(xrf1) =	vsort.ascd.msk.f32 @p0 $0xffff, v11, v7;
	_ =	sdelay $0xc  }
0x460: {  	v7, v8, _ =	vpop @p0 (xrf1)  }
0x461: {  	v11, v12, _ =	vpop @p0 (xrf1)  }
0x462: {  	v11 =	vperm.xlane @p0 v11, v6  }
0x463: {  	v2 =	vpsel p1, v9, v2;
	v6 =	vperm.xlane @p0 v12, v6  }
0x464: {  	v1 =	vpsel p1, v10, v1;
	vm0 =	vle.f32 @p0 v2, v11  }
0x465: {  	v9 =	vsel @p0 vm0, v2, v11;
	v6 =	vsel @p0 vm0, v1, v6  }
0x466: {  	(xrf1) =	vsort.ascd.msk.f32 @p0 $0xffff, v9, v6;
	_ =	sdelay $0xc  }
0x467: {  	v6 =	vld [tilespmem:s28+$0x600]  }
0x468: {  	v11 =	vimm.s32 @p0 $0xF;
	v9, v10, _ =	vpop @p0 (xrf1)  }
0x469: {  	v11 =	vperm.xlane @p0 v9, v11;
	_ =	sdelay $0x1  }
0x46a: {  	v5 =	vpsel p0, v11, v5  }
0x46b: {  	vm14 =	vlt.f32 v6, v5  }
0x46c: {  	v62 =	vsel vm14, $0x3F800000, v0  }
0x46d: {  	(xrf0) =	vmax.scan.msk.f32 $0xffff, v62;
	_ =	sdelay $0x5  }
0x46e: {  	v11, _, _ =	vpop (xrf0)  }
0x46f: {  	(v2sf) =	vpush v11, $0xF;
	_ =	sdelay $0xe  }
0x470: {  	s30 =	spop (v2sf)  }
0x471: {  	p1 =	sgt.f32 s30, $0.0e+00;
	_ =	sdelay $0x1  }
0x472: {  	s0 =	sadd.s32 @p1 s26, s22  }
0x473: {  	v11 =	vlaneseq.u32 @p1;
	s0 =	sadd.s32 @p1 $0xF600, s0  }
0x474: {  	vm0 =	vlt.f32 @p1 v6, v5;
	v12 =	vor.u32 @p1 s0, v11  }
0x475: {  	v6 =	vnsel @p1 vm0, $0x7F800000, v6;
	v12 =	vnsel @p1 vm0, $0x40000000, v12  }
0x476: {  	(xrf1) =	vsort.ascd.msk.f32 @p1 $0xffff, v6, v12;
	_ =	sdelay $0xb  }
0x477: {  	v6 =	vmul.u32 @p1 $0xFFFFFFFF, v11;
	_ =	sdelay $0x1  }
0x478: {  	v6 =	vadd.s32 @p1 $0xF, v6;
	v11, v12, _ =	vpop @p1 (xrf1)  }
0x479: {  	v11 =	vperm.xlane @p1 v11, v6  }
0x47a: {  	v4 =	vpsel p0, v7, v4;
	v7 =	vperm.xlane @p1 v12, v6  }
0x47b: {  	v3 =	vpsel p0, v8, v3;
	vm0 =	vle.f32 @p1 v4, v11  }
0x47c: {  	v8 =	vsel @p1 vm0, v4, v11;
	v12 =	vsel @p1 vm0, v3, v7  }
0x47d: {  	v11 =	vsel @p1 vm0, v11, v4;
	v7 =	vsel @p1 vm0, v7, v3;
	(xrf1) =	vsort.ascd.msk.f32 @p1 $0xffff, v8, v12  }
0x47e: {  	(xrf1) =	vsort.ascd.msk.f32 @p1 $0xffff, v11, v7;
	_ =	sdelay $0xc  }
0x47f: {  	v7, v8, _ =	vpop @p1 (xrf1)  }
0x480: {  	v11, v12, _ =	vpop @p1 (xrf1)  }
0x481: {  	v11 =	vperm.xlane @p1 v11, v6  }
0x482: {  	v2 =	vpsel p0, v9, v2;
	v6 =	vperm.xlane @p1 v12, v6  }
0x483: {  	v1 =	vpsel p0, v10, v1;
	vm0 =	vle.f32 @p1 v2, v11  }
0x484: {  	v9 =	vsel @p1 vm0, v2, v11;
	v6 =	vsel @p1 vm0, v1, v6  }
0x485: {  	(xrf1) =	vsort.ascd.msk.f32 @p1 $0xffff, v9, v6;
	_ =	sdelay $0xc  }
0x486: {  	v6 =	vld [tilespmem:s28+$0x700]  }
0x487: {  	v11 =	vimm.s32 @p1 $0xF;
	v9, v10, _ =	vpop @p1 (xrf1)  }
0x488: {  	v11 =	vperm.xlane @p1 v9, v11;
	_ =	sdelay $0x1  }
0x489: {  	v5 =	vpsel p1, v11, v5  }
0x48a: {  	vm15 =	vlt.f32 v6, v5  }
0x48b: {  	v63 =	vsel vm15, $0x3F800000, v0  }
0x48c: {  	(xrf0) =	vmax.scan.msk.f32 $0xffff, v63;
	_ =	sdelay $0x5  }
0x48d: {  	v11, _, _ =	vpop (xrf0)  }
0x48e: {  	(v2sf) =	vpush v11, $0xF;
	_ =	sdelay $0xe  }
0x48f: {  	s31 =	spop (v2sf)  }
0x490: {  	p0 =	sgt.f32 s31, $0.0e+00;
	_ =	sdelay $0x1  }
0x491: {  	s0 =	sadd.s32 @p0 s26, s22  }
0x492: {  	v11 =	vlaneseq.u32 @p0;
	s0 =	sadd.s32 @p0 $0xF700, s0  }
0x493: {  	vm0 =	vlt.f32 @p0 v6, v5;
	v12 =	vor.u32 @p0 s0, v11  }
0x494: {  	v6 =	vnsel @p0 vm0, $0x7F800000, v6;
	v12 =	vnsel @p0 vm0, $0x40000000, v12  }
0x495: {  	(xrf1) =	vsort.ascd.msk.f32 @p0 $0xffff, v6, v12;
	_ =	sdelay $0xb  }
0x496: {  	v6 =	vmul.u32 @p0 $0xFFFFFFFF, v11;
	_ =	sdelay $0x1  }
0x497: {  	v6 =	vadd.s32 @p0 $0xF, v6;
	v11, v12, _ =	vpop @p0 (xrf1)  }
0x498: {  	v11 =	vperm.xlane @p0 v11, v6  }
0x499: {  	v4 =	vpsel p1, v7, v4;
	v7 =	vperm.xlane @p0 v12, v6  }
0x49a: {  	v3 =	vpsel p1, v8, v3;
	vm0 =	vle.f32 @p0 v4, v11  }
0x49b: {  	v8 =	vsel @p0 vm0, v4, v11;
	v12 =	vsel @p0 vm0, v3, v7  }
0x49c: {  	v11 =	vsel @p0 vm0, v11, v4;
	v7 =	vsel @p0 vm0, v7, v3;
	(xrf1) =	vsort.ascd.msk.f32 @p0 $0xffff, v8, v12  }
0x49d: {  	(xrf1) =	vsort.ascd.msk.f32 @p0 $0xffff, v11, v7;
	_ =	sdelay $0xc  }
0x49e: {  	v7, v8, _ =	vpop @p0 (xrf1)  }
0x49f: {  	v11, v12, _ =	vpop @p0 (xrf1)  }
0x4a0: {  	v11 =	vperm.xlane @p0 v11, v6  }
0x4a1: {  	v2 =	vpsel p1, v9, v2;
	v6 =	vperm.xlane @p0 v12, v6  }
0x4a2: {  	v1 =	vpsel p1, v10, v1;
	vm0 =	vle.f32 @p0 v2, v11  }
0x4a3: {  	v9 =	vsel @p0 vm0, v2, v11;
	v6 =	vsel @p0 vm0, v1, v6  }
0x4a4: {  	(xrf1) =	vsort.ascd.msk.f32 @p0 $0xffff, v9, v6;
	_ =	sdelay $0xc  }
.Ltmp27:
0x4a5: {  	_ = 	snop;
	(pc) =	sbr.rel .LBB2_24-.Ltmp27, $4  }
0x4a6: {  	v10 =	vimm.s32 @p0 $0xF;
	v6, v9, _ =	vpop @p0 (xrf1)  }
0x4a7: {  	v10 =	vperm.xlane @p0 v6, v10  }
0x4a8: {  	v4 =	vpsel p0, v7, v4;
	v3 =	vpsel p0, v8, v3  }
0x4a9: {  	v2 =	vpsel p0, v6, v2;
	v1 =	vpsel p0, v9, v1;
	v5 =	vpsel p0, v10, v5  }
.LBB2_26:
.Ltmp28:
0x4aa: {  	(pc) =	sbr.rel .LBB2_27-.Ltmp28, $4  }
0x4ab: {  	_ = 	snop  }
0x4ac: {  	_ =	swait.ge [sflag:s13], $0x5000  }
0x4ad: {  	[sflag:s13] =	ssyncset.done $0x0  }
0x4ae: {  	s22 =	simm.s32 $0x0;
	s23 =	simm.s32 $0x0;
	[sflag:s13] =	ssyncadd.s32 $0xFFFFB000  }
.LBB2_31:
0x4af: {  	s23 =	sadd.s32 $0x1, s23  }
0x4b0: {  	p0 =	sne.s32 s23, $0xA  }
.Ltmp29:
0x4b1: {  	_ = 	snop;
	(pc) =	sbr.rel @!p0 .LBB2_32-.Ltmp29, $2  }
0x4b2: {  	_ =	sdelay $0x2  }
0x4b3: {  	s22 =	sadd.s32 $0x800, s22  }
.LBB2_27:
.Ltmp30:
0x4b4: {  	(pc) =	sbr.rel .LBB2_28-.Ltmp30, $4  }
0x4b5: {  	_ = 	snop  }
0x4b6: {  	s0 =	sshll.u32 s23, $0x8  }
0x4b7: {  	s0 =	sand.u32 $0x3FFFFF00, s0  }
0x4b8: {  	s24 =	sshll.u32 s23, $0xB;
	s26 =	simm.s32 $0x0;
	s25 =	sadd.s32 $0xC800, s0  }
.LBB2_30:
0x4b9: {  	s26 =	sadd.s32 $0x10, s26  }
0x4ba: {  	p0 =	sne.s32 s26, $0x100  }
.Ltmp31:
0x4bb: {  	_ = 	snop;
	(pc) =	sbr.rel @!p0 .LBB2_31-.Ltmp31, $1  }
0x4bc: {  	_ =	sdelay $0x3  }
.LBB2_28:
0x4bd: {  	s28 =	sand.u32 $0x80, s26  }
0x4be: {  	s29 =	sand.u32 $0x70, s26;
	s0 =	sadd.s32 s28, s25  }
0x4bf: {  	s0 =	sadd.s32 s29, s0  }
0x4c0: {  	v6 =	vld [tilespmem:s0+$0x0];
	_ =	sdelay $0x4  }
0x4c1: {  	vm0 =	vlt.f32 v6, v5  }
0x4c2: {  	v6 =	vsel vm0, $0x3F800000, v0  }
0x4c3: {  	(xrf0) =	vmax.scan.msk.f32 $0xffff, v6;
	_ =	sdelay $0x5  }
0x4c4: {  	v6, _, _ =	vpop (xrf0)  }
0x4c5: {  	(v2sf) =	vpush v6, $0xF;
	_ =	sdelay $0xe  }
0x4c6: {  	s31 =	spop (v2sf)  }
0x4c7: {  	p0 =	sgt.f32 s31, $0.0e+00  }
.Ltmp32:
0x4c8: {  	_ = 	snop;
	(pc) =	sbr.rel @!p0 .LBB2_30-.Ltmp32, $1  }
0x4c9: {  	_ =	sdelay $0x3  }
0x4ca: {  	s0 =	sadd.s32 s28, s24  }
0x4cb: {  	s28 =	sadd.s32 s29, s0  }
0x4cc: {  	v6 =	vld [tilespmem:s28+$0x0];
	_ =	sdelay $0x4  }
0x4cd: {  	vm0 =	vlt.f32 v6, v5  }
0x4ce: {  	v7 =	vsel vm0, $0x3F800000, v0  }
0x4cf: {  	(xrf0) =	vmax.scan.msk.f32 $0xffff, v7;
	_ =	sdelay $0x5  }
0x4d0: {  	v7, _, _ =	vpop (xrf0)  }
0x4d1: {  	(v2sf) =	vpush v7, $0xF;
	_ =	sdelay $0xe  }
0x4d2: {  	s30 =	spop (v2sf)  }
0x4d3: {  	p1 =	sgt.f32 s30, $0.0e+00;
	_ =	sdelay $0x1  }
0x4d4: {  	s0 =	sadd.s32 @p1 s26, s22  }
0x4d5: {  	v7 =	vlaneseq.u32 @p1;
	s0 =	sadd.s32 @p1 $0x14000, s0  }
0x4d6: {  	vm0 =	vlt.f32 @p1 v6, v5;
	v8 =	vor.u32 @p1 s0, v7  }
0x4d7: {  	v6 =	vnsel @p1 vm0, $0x7F800000, v6;
	v8 =	vnsel @p1 vm0, $0x40000000, v8  }
0x4d8: {  	(xrf1) =	vsort.ascd.msk.f32 @p1 $0xffff, v6, v8;
	_ =	sdelay $0xb  }
0x4d9: {  	v6 =	vmul.u32 @p1 $0xFFFFFFFF, v7;
	_ =	sdelay $0x1  }
0x4da: {  	v6 =	vadd.s32 @p1 $0xF, v6;
	v7, v8, _ =	vpop @p1 (xrf1)  }
0x4db: {  	v7 =	vperm.xlane @p1 v7, v6  }
0x4dc: {  	v8 =	vperm.xlane @p1 v8, v6  }
0x4dd: {  	vm0 =	vle.f32 @p1 v4, v7  }
0x4de: {  	v9 =	vsel @p1 vm0, v4, v7;
	v10 =	vsel @p1 vm0, v3, v8  }
0x4df: {  	v7 =	vsel @p1 vm0, v7, v4;
	v8 =	vsel @p1 vm0, v8, v3;
	(xrf1) =	vsort.ascd.msk.f32 @p1 $0xffff, v9, v10  }
0x4e0: {  	(xrf1) =	vsort.ascd.msk.f32 @p1 $0xffff, v7, v8;
	_ =	sdelay $0xc  }
0x4e1: {  	v7, v8, _ =	vpop @p1 (xrf1)  }
0x4e2: {  	v9, v10, _ =	vpop @p1 (xrf1)  }
0x4e3: {  	v9 =	vperm.xlane @p1 v9, v6  }
0x4e4: {  	v6 =	vperm.xlane @p1 v10, v6  }
0x4e5: {  	vm0 =	vle.f32 @p1 v2, v9  }
0x4e6: {  	v9 =	vsel @p1 vm0, v2, v9;
	v6 =	vsel @p1 vm0, v1, v6  }
0x4e7: {  	(xrf1) =	vsort.ascd.msk.f32 @p1 $0xffff, v9, v6;
	_ =	sdelay $0xc  }
0x4e8: {  	v6 =	vld [tilespmem:s28+$0x100]  }
0x4e9: {  	v11 =	vimm.s32 @p1 $0xF;
	v9, v10, _ =	vpop @p1 (xrf1)  }
0x4ea: {  	v11 =	vperm.xlane @p1 v9, v11;
	_ =	sdelay $0x1  }
0x4eb: {  	v5 =	vpsel p1, v11, v5  }
0x4ec: {  	vm9 =	vlt.f32 v6, v5  }
0x4ed: {  	v57 =	vsel vm9, $0x3F800000, v0  }
0x4ee: {  	(xrf0) =	vmax.scan.msk.f32 $0xffff, v57;
	_ =	sdelay $0x5  }
0x4ef: {  	v11, _, _ =	vpop (xrf0)  }
0x4f0: {  	(v2sf) =	vpush v11, $0xF;
	_ =	sdelay $0xe  }
0x4f1: {  	s31 =	spop (v2sf)  }
0x4f2: {  	p0 =	sgt.f32 s31, $0.0e+00;
	_ =	sdelay $0x1  }
0x4f3: {  	s0 =	sadd.s32 @p0 s26, s22  }
0x4f4: {  	v11 =	vlaneseq.u32 @p0;
	s0 =	sadd.s32 @p0 $0x14100, s0  }
0x4f5: {  	vm0 =	vlt.f32 @p0 v6, v5;
	v12 =	vor.u32 @p0 s0, v11  }
0x4f6: {  	v6 =	vnsel @p0 vm0, $0x7F800000, v6;
	v12 =	vnsel @p0 vm0, $0x40000000, v12  }
0x4f7: {  	(xrf1) =	vsort.ascd.msk.f32 @p0 $0xffff, v6, v12;
	_ =	sdelay $0xb  }
0x4f8: {  	v6 =	vmul.u32 @p0 $0xFFFFFFFF, v11;
	_ =	sdelay $0x1  }
0x4f9: {  	v6 =	vadd.s32 @p0 $0xF, v6;
	v11, v12, _ =	vpop @p0 (xrf1)  }
0x4fa: {  	v11 =	vperm.xlane @p0 v11, v6  }
0x4fb: {  	v4 =	vpsel p1, v7, v4;
	v7 =	vperm.xlane @p0 v12, v6  }
0x4fc: {  	v3 =	vpsel p1, v8, v3;
	vm0 =	vle.f32 @p0 v4, v11  }
0x4fd: {  	v8 =	vsel @p0 vm0, v4, v11;
	v12 =	vsel @p0 vm0, v3, v7  }
0x4fe: {  	v11 =	vsel @p0 vm0, v11, v4;
	v7 =	vsel @p0 vm0, v7, v3;
	(xrf1) =	vsort.ascd.msk.f32 @p0 $0xffff, v8, v12  }
0x4ff: {  	(xrf1) =	vsort.ascd.msk.f32 @p0 $0xffff, v11, v7;
	_ =	sdelay $0xc  }
0x500: {  	v7, v8, _ =	vpop @p0 (xrf1)  }
0x501: {  	v11, v12, _ =	vpop @p0 (xrf1)  }
0x502: {  	v11 =	vperm.xlane @p0 v11, v6  }
0x503: {  	v2 =	vpsel p1, v9, v2;
	v6 =	vperm.xlane @p0 v12, v6  }
0x504: {  	v1 =	vpsel p1, v10, v1;
	vm0 =	vle.f32 @p0 v2, v11  }
0x505: {  	v9 =	vsel @p0 vm0, v2, v11;
	v6 =	vsel @p0 vm0, v1, v6  }
0x506: {  	(xrf1) =	vsort.ascd.msk.f32 @p0 $0xffff, v9, v6;
	_ =	sdelay $0xc  }
0x507: {  	v6 =	vld [tilespmem:s28+$0x200]  }
0x508: {  	v11 =	vimm.s32 @p0 $0xF;
	v9, v10, _ =	vpop @p0 (xrf1)  }
0x509: {  	v11 =	vperm.xlane @p0 v9, v11;
	_ =	sdelay $0x1  }
0x50a: {  	v5 =	vpsel p0, v11, v5  }
0x50b: {  	vm10 =	vlt.f32 v6, v5  }
0x50c: {  	v58 =	vsel vm10, $0x3F800000, v0  }
0x50d: {  	(xrf0) =	vmax.scan.msk.f32 $0xffff, v58;
	_ =	sdelay $0x5  }
0x50e: {  	v11, _, _ =	vpop (xrf0)  }
0x50f: {  	(v2sf) =	vpush v11, $0xF;
	_ =	sdelay $0xe  }
0x510: {  	s29 =	spop (v2sf)  }
0x511: {  	p1 =	sgt.f32 s29, $0.0e+00;
	_ =	sdelay $0x1  }
0x512: {  	s0 =	sadd.s32 @p1 s26, s22  }
0x513: {  	v11 =	vlaneseq.u32 @p1;
	s0 =	sadd.s32 @p1 $0x14200, s0  }
0x514: {  	vm0 =	vlt.f32 @p1 v6, v5;
	v12 =	vor.u32 @p1 s0, v11  }
0x515: {  	v6 =	vnsel @p1 vm0, $0x7F800000, v6;
	v12 =	vnsel @p1 vm0, $0x40000000, v12  }
0x516: {  	(xrf1) =	vsort.ascd.msk.f32 @p1 $0xffff, v6, v12;
	_ =	sdelay $0xb  }
0x517: {  	v6 =	vmul.u32 @p1 $0xFFFFFFFF, v11;
	_ =	sdelay $0x1  }
0x518: {  	v6 =	vadd.s32 @p1 $0xF, v6;
	v11, v12, _ =	vpop @p1 (xrf1)  }
0x519: {  	v11 =	vperm.xlane @p1 v11, v6  }
0x51a: {  	v4 =	vpsel p0, v7, v4;
	v7 =	vperm.xlane @p1 v12, v6  }
0x51b: {  	v3 =	vpsel p0, v8, v3;
	vm0 =	vle.f32 @p1 v4, v11  }
0x51c: {  	v8 =	vsel @p1 vm0, v4, v11;
	v12 =	vsel @p1 vm0, v3, v7  }
0x51d: {  	v11 =	vsel @p1 vm0, v11, v4;
	v7 =	vsel @p1 vm0, v7, v3;
	(xrf1) =	vsort.ascd.msk.f32 @p1 $0xffff, v8, v12  }
0x51e: {  	(xrf1) =	vsort.ascd.msk.f32 @p1 $0xffff, v11, v7;
	_ =	sdelay $0xc  }
0x51f: {  	v7, v8, _ =	vpop @p1 (xrf1)  }
0x520: {  	v11, v12, _ =	vpop @p1 (xrf1)  }
0x521: {  	v11 =	vperm.xlane @p1 v11, v6  }
0x522: {  	v2 =	vpsel p0, v9, v2;
	v6 =	vperm.xlane @p1 v12, v6  }
0x523: {  	v1 =	vpsel p0, v10, v1;
	vm0 =	vle.f32 @p1 v2, v11  }
0x524: {  	v9 =	vsel @p1 vm0, v2, v11;
	v6 =	vsel @p1 vm0, v1, v6  }
0x525: {  	(xrf1) =	vsort.ascd.msk.f32 @p1 $0xffff, v9, v6;
	_ =	sdelay $0xc  }
0x526: {  	v6 =	vld [tilespmem:s28+$0x300]  }
0x527: {  	v11 =	vimm.s32 @p1 $0xF;
	v9, v10, _ =	vpop @p1 (xrf1)  }
0x528: {  	v11 =	vperm.xlane @p1 v9, v11;
	_ =	sdelay $0x1  }
0x529: {  	v5 =	vpsel p1, v11, v5  }
0x52a: {  	vm11 =	vlt.f32 v6, v5  }
0x52b: {  	v59 =	vsel vm11, $0x3F800000, v0  }
0x52c: {  	(xrf0) =	vmax.scan.msk.f32 $0xffff, v59;
	_ =	sdelay $0x5  }
0x52d: {  	v11, _, _ =	vpop (xrf0)  }
0x52e: {  	(v2sf) =	vpush v11, $0xF;
	_ =	sdelay $0xe  }
0x52f: {  	s30 =	spop (v2sf)  }
0x530: {  	p0 =	sgt.f32 s30, $0.0e+00;
	_ =	sdelay $0x1  }
0x531: {  	s0 =	sadd.s32 @p0 s26, s22  }
0x532: {  	v11 =	vlaneseq.u32 @p0;
	s0 =	sadd.s32 @p0 $0x14300, s0  }
0x533: {  	vm0 =	vlt.f32 @p0 v6, v5;
	v12 =	vor.u32 @p0 s0, v11  }
0x534: {  	v6 =	vnsel @p0 vm0, $0x7F800000, v6;
	v12 =	vnsel @p0 vm0, $0x40000000, v12  }
0x535: {  	(xrf1) =	vsort.ascd.msk.f32 @p0 $0xffff, v6, v12;
	_ =	sdelay $0xb  }
0x536: {  	v6 =	vmul.u32 @p0 $0xFFFFFFFF, v11;
	_ =	sdelay $0x1  }
0x537: {  	v6 =	vadd.s32 @p0 $0xF, v6;
	v11, v12, _ =	vpop @p0 (xrf1)  }
0x538: {  	v11 =	vperm.xlane @p0 v11, v6  }
0x539: {  	v4 =	vpsel p1, v7, v4;
	v7 =	vperm.xlane @p0 v12, v6  }
0x53a: {  	v3 =	vpsel p1, v8, v3;
	vm0 =	vle.f32 @p0 v4, v11  }
0x53b: {  	v8 =	vsel @p0 vm0, v4, v11;
	v12 =	vsel @p0 vm0, v3, v7  }
0x53c: {  	v11 =	vsel @p0 vm0, v11, v4;
	v7 =	vsel @p0 vm0, v7, v3;
	(xrf1) =	vsort.ascd.msk.f32 @p0 $0xffff, v8, v12  }
0x53d: {  	(xrf1) =	vsort.ascd.msk.f32 @p0 $0xffff, v11, v7;
	_ =	sdelay $0xc  }
0x53e: {  	v7, v8, _ =	vpop @p0 (xrf1)  }
0x53f: {  	v11, v12, _ =	vpop @p0 (xrf1)  }
0x540: {  	v11 =	vperm.xlane @p0 v11, v6  }
0x541: {  	v2 =	vpsel p1, v9, v2;
	v6 =	vperm.xlane @p0 v12, v6  }
0x542: {  	v1 =	vpsel p1, v10, v1;
	vm0 =	vle.f32 @p0 v2, v11  }
0x543: {  	v9 =	vsel @p0 vm0, v2, v11;
	v6 =	vsel @p0 vm0, v1, v6  }
0x544: {  	(xrf1) =	vsort.ascd.msk.f32 @p0 $0xffff, v9, v6;
	_ =	sdelay $0xc  }
0x545: {  	v6 =	vld [tilespmem:s28+$0x400]  }
0x546: {  	v11 =	vimm.s32 @p0 $0xF;
	v9, v10, _ =	vpop @p0 (xrf1)  }
0x547: {  	v11 =	vperm.xlane @p0 v9, v11;
	_ =	sdelay $0x1  }
0x548: {  	v5 =	vpsel p0, v11, v5  }
0x549: {  	vm12 =	vlt.f32 v6, v5  }
0x54a: {  	v60 =	vsel vm12, $0x3F800000, v0  }
0x54b: {  	(xrf0) =	vmax.scan.msk.f32 $0xffff, v60;
	_ =	sdelay $0x5  }
0x54c: {  	v11, _, _ =	vpop (xrf0)  }
0x54d: {  	(v2sf) =	vpush v11, $0xF;
	_ =	sdelay $0xe  }
0x54e: {  	s31 =	spop (v2sf)  }
0x54f: {  	p1 =	sgt.f32 s31, $0.0e+00;
	_ =	sdelay $0x1  }
0x550: {  	s0 =	sadd.s32 @p1 s26, s22  }
0x551: {  	v11 =	vlaneseq.u32 @p1;
	s0 =	sadd.s32 @p1 $0x14400, s0  }
0x552: {  	vm0 =	vlt.f32 @p1 v6, v5;
	v12 =	vor.u32 @p1 s0, v11  }
0x553: {  	v6 =	vnsel @p1 vm0, $0x7F800000, v6;
	v12 =	vnsel @p1 vm0, $0x40000000, v12  }
0x554: {  	(xrf1) =	vsort.ascd.msk.f32 @p1 $0xffff, v6, v12;
	_ =	sdelay $0xb  }
0x555: {  	v6 =	vmul.u32 @p1 $0xFFFFFFFF, v11;
	_ =	sdelay $0x1  }
0x556: {  	v6 =	vadd.s32 @p1 $0xF, v6;
	v11, v12, _ =	vpop @p1 (xrf1)  }
0x557: {  	v11 =	vperm.xlane @p1 v11, v6  }
0x558: {  	v4 =	vpsel p0, v7, v4;
	v7 =	vperm.xlane @p1 v12, v6  }
0x559: {  	v3 =	vpsel p0, v8, v3;
	vm0 =	vle.f32 @p1 v4, v11  }
0x55a: {  	v8 =	vsel @p1 vm0, v4, v11;
	v12 =	vsel @p1 vm0, v3, v7  }
0x55b: {  	v11 =	vsel @p1 vm0, v11, v4;
	v7 =	vsel @p1 vm0, v7, v3;
	(xrf1) =	vsort.ascd.msk.f32 @p1 $0xffff, v8, v12  }
0x55c: {  	(xrf1) =	vsort.ascd.msk.f32 @p1 $0xffff, v11, v7;
	_ =	sdelay $0xc  }
0x55d: {  	v7, v8, _ =	vpop @p1 (xrf1)  }
0x55e: {  	v11, v12, _ =	vpop @p1 (xrf1)  }
0x55f: {  	v11 =	vperm.xlane @p1 v11, v6  }
0x560: {  	v2 =	vpsel p0, v9, v2;
	v6 =	vperm.xlane @p1 v12, v6  }
0x561: {  	v1 =	vpsel p0, v10, v1;
	vm0 =	vle.f32 @p1 v2, v11  }
0x562: {  	v9 =	vsel @p1 vm0, v2, v11;
	v6 =	vsel @p1 vm0, v1, v6  }
0x563: {  	(xrf1) =	vsort.ascd.msk.f32 @p1 $0xffff, v9, v6;
	_ =	sdelay $0xc  }
0x564: {  	v6 =	vld [tilespmem:s28+$0x500]  }
0x565: {  	v11 =	vimm.s32 @p1 $0xF;
	v9, v10, _ =	vpop @p1 (xrf1)  }
0x566: {  	v11 =	vperm.xlane @p1 v9, v11;
	_ =	sdelay $0x1  }
0x567: {  	v5 =	vpsel p1, v11, v5  }
0x568: {  	vm13 =	vlt.f32 v6, v5  }
0x569: {  	v61 =	vsel vm13, $0x3F800000, v0  }
0x56a: {  	(xrf0) =	vmax.scan.msk.f32 $0xffff, v61;
	_ =	sdelay $0x5  }
0x56b: {  	v11, _, _ =	vpop (xrf0)  }
0x56c: {  	(v2sf) =	vpush v11, $0xF;
	_ =	sdelay $0xe  }
0x56d: {  	s29 =	spop (v2sf)  }
0x56e: {  	p0 =	sgt.f32 s29, $0.0e+00;
	_ =	sdelay $0x1  }
0x56f: {  	s0 =	sadd.s32 @p0 s26, s22  }
0x570: {  	v11 =	vlaneseq.u32 @p0;
	s0 =	sadd.s32 @p0 $0x14500, s0  }
0x571: {  	vm0 =	vlt.f32 @p0 v6, v5;
	v12 =	vor.u32 @p0 s0, v11  }
0x572: {  	v6 =	vnsel @p0 vm0, $0x7F800000, v6;
	v12 =	vnsel @p0 vm0, $0x40000000, v12  }
0x573: {  	(xrf1) =	vsort.ascd.msk.f32 @p0 $0xffff, v6, v12;
	_ =	sdelay $0xb  }
0x574: {  	v6 =	vmul.u32 @p0 $0xFFFFFFFF, v11;
	_ =	sdelay $0x1  }
0x575: {  	v6 =	vadd.s32 @p0 $0xF, v6;
	v11, v12, _ =	vpop @p0 (xrf1)  }
0x576: {  	v11 =	vperm.xlane @p0 v11, v6  }
0x577: {  	v4 =	vpsel p1, v7, v4;
	v7 =	vperm.xlane @p0 v12, v6  }
0x578: {  	v3 =	vpsel p1, v8, v3;
	vm0 =	vle.f32 @p0 v4, v11  }
0x579: {  	v8 =	vsel @p0 vm0, v4, v11;
	v12 =	vsel @p0 vm0, v3, v7  }
0x57a: {  	v11 =	vsel @p0 vm0, v11, v4;
	v7 =	vsel @p0 vm0, v7, v3;
	(xrf1) =	vsort.ascd.msk.f32 @p0 $0xffff, v8, v12  }
0x57b: {  	(xrf1) =	vsort.ascd.msk.f32 @p0 $0xffff, v11, v7;
	_ =	sdelay $0xc  }
0x57c: {  	v7, v8, _ =	vpop @p0 (xrf1)  }
0x57d: {  	v11, v12, _ =	vpop @p0 (xrf1)  }
0x57e: {  	v11 =	vperm.xlane @p0 v11, v6  }
0x57f: {  	v2 =	vpsel p1, v9, v2;
	v6 =	vperm.xlane @p0 v12, v6  }
0x580: {  	v1 =	vpsel p1, v10, v1;
	vm0 =	vle.f32 @p0 v2, v11  }
0x581: {  	v9 =	vsel @p0 vm0, v2, v11;
	v6 =	vsel @p0 vm0, v1, v6  }
0x582: {  	(xrf1) =	vsort.ascd.msk.f32 @p0 $0xffff, v9, v6;
	_ =	sdelay $0xc  }
0x583: {  	v6 =	vld [tilespmem:s28+$0x600]  }
0x584: {  	v11 =	vimm.s32 @p0 $0xF;
	v9, v10, _ =	vpop @p0 (xrf1)  }
0x585: {  	v11 =	vperm.xlane @p0 v9, v11;
	_ =	sdelay $0x1  }
0x586: {  	v5 =	vpsel p0, v11, v5  }
0x587: {  	vm14 =	vlt.f32 v6, v5  }
0x588: {  	v62 =	vsel vm14, $0x3F800000, v0  }
0x589: {  	(xrf0) =	vmax.scan.msk.f32 $0xffff, v62;
	_ =	sdelay $0x5  }
0x58a: {  	v11, _, _ =	vpop (xrf0)  }
0x58b: {  	(v2sf) =	vpush v11, $0xF;
	_ =	sdelay $0xe  }
0x58c: {  	s30 =	spop (v2sf)  }
0x58d: {  	p1 =	sgt.f32 s30, $0.0e+00;
	_ =	sdelay $0x1  }
0x58e: {  	s0 =	sadd.s32 @p1 s26, s22  }
0x58f: {  	v11 =	vlaneseq.u32 @p1;
	s0 =	sadd.s32 @p1 $0x14600, s0  }
0x590: {  	vm0 =	vlt.f32 @p1 v6, v5;
	v12 =	vor.u32 @p1 s0, v11  }
0x591: {  	v6 =	vnsel @p1 vm0, $0x7F800000, v6;
	v12 =	vnsel @p1 vm0, $0x40000000, v12  }
0x592: {  	(xrf1) =	vsort.ascd.msk.f32 @p1 $0xffff, v6, v12;
	_ =	sdelay $0xb  }
0x593: {  	v6 =	vmul.u32 @p1 $0xFFFFFFFF, v11;
	_ =	sdelay $0x1  }
0x594: {  	v6 =	vadd.s32 @p1 $0xF, v6;
	v11, v12, _ =	vpop @p1 (xrf1)  }
0x595: {  	v11 =	vperm.xlane @p1 v11, v6  }
0x596: {  	v4 =	vpsel p0, v7, v4;
	v7 =	vperm.xlane @p1 v12, v6  }
0x597: {  	v3 =	vpsel p0, v8, v3;
	vm0 =	vle.f32 @p1 v4, v11  }
0x598: {  	v8 =	vsel @p1 vm0, v4, v11;
	v12 =	vsel @p1 vm0, v3, v7  }
0x599: {  	v11 =	vsel @p1 vm0, v11, v4;
	v7 =	vsel @p1 vm0, v7, v3;
	(xrf1) =	vsort.ascd.msk.f32 @p1 $0xffff, v8, v12  }
0x59a: {  	(xrf1) =	vsort.ascd.msk.f32 @p1 $0xffff, v11, v7;
	_ =	sdelay $0xc  }
0x59b: {  	v7, v8, _ =	vpop @p1 (xrf1)  }
0x59c: {  	v11, v12, _ =	vpop @p1 (xrf1)  }
0x59d: {  	v11 =	vperm.xlane @p1 v11, v6  }
0x59e: {  	v2 =	vpsel p0, v9, v2;
	v6 =	vperm.xlane @p1 v12, v6  }
0x59f: {  	v1 =	vpsel p0, v10, v1;
	vm0 =	vle.f32 @p1 v2, v11  }
0x5a0: {  	v9 =	vsel @p1 vm0, v2, v11;
	v6 =	vsel @p1 vm0, v1, v6  }
0x5a1: {  	(xrf1) =	vsort.ascd.msk.f32 @p1 $0xffff, v9, v6;
	_ =	sdelay $0xc  }
0x5a2: {  	v6 =	vld [tilespmem:s28+$0x700]  }
0x5a3: {  	v11 =	vimm.s32 @p1 $0xF;
	v9, v10, _ =	vpop @p1 (xrf1)  }
0x5a4: {  	v11 =	vperm.xlane @p1 v9, v11;
	_ =	sdelay $0x1  }
0x5a5: {  	v5 =	vpsel p1, v11, v5  }
0x5a6: {  	vm15 =	vlt.f32 v6, v5  }
0x5a7: {  	v63 =	vsel vm15, $0x3F800000, v0  }
0x5a8: {  	(xrf0) =	vmax.scan.msk.f32 $0xffff, v63;
	_ =	sdelay $0x5  }
0x5a9: {  	v11, _, _ =	vpop (xrf0)  }
0x5aa: {  	(v2sf) =	vpush v11, $0xF;
	_ =	sdelay $0xe  }
0x5ab: {  	s31 =	spop (v2sf)  }
0x5ac: {  	p0 =	sgt.f32 s31, $0.0e+00;
	_ =	sdelay $0x1  }
0x5ad: {  	s0 =	sadd.s32 @p0 s26, s22  }
0x5ae: {  	v11 =	vlaneseq.u32 @p0;
	s0 =	sadd.s32 @p0 $0x14700, s0  }
0x5af: {  	vm0 =	vlt.f32 @p0 v6, v5;
	v12 =	vor.u32 @p0 s0, v11  }
0x5b0: {  	v6 =	vnsel @p0 vm0, $0x7F800000, v6;
	v12 =	vnsel @p0 vm0, $0x40000000, v12  }
0x5b1: {  	(xrf1) =	vsort.ascd.msk.f32 @p0 $0xffff, v6, v12;
	_ =	sdelay $0xb  }
0x5b2: {  	v6 =	vmul.u32 @p0 $0xFFFFFFFF, v11;
	_ =	sdelay $0x1  }
0x5b3: {  	v6 =	vadd.s32 @p0 $0xF, v6;
	v11, v12, _ =	vpop @p0 (xrf1)  }
0x5b4: {  	v11 =	vperm.xlane @p0 v11, v6  }
0x5b5: {  	v4 =	vpsel p1, v7, v4;
	v7 =	vperm.xlane @p0 v12, v6  }
0x5b6: {  	v3 =	vpsel p1, v8, v3;
	vm0 =	vle.f32 @p0 v4, v11  }
0x5b7: {  	v8 =	vsel @p0 vm0, v4, v11;
	v12 =	vsel @p0 vm0, v3, v7  }
0x5b8: {  	v11 =	vsel @p0 vm0, v11, v4;
	v7 =	vsel @p0 vm0, v7, v3;
	(xrf1) =	vsort.ascd.msk.f32 @p0 $0xffff, v8, v12  }
0x5b9: {  	(xrf1) =	vsort.ascd.msk.f32 @p0 $0xffff, v11, v7;
	_ =	sdelay $0xc  }
0x5ba: {  	v7, v8, _ =	vpop @p0 (xrf1)  }
0x5bb: {  	v11, v12, _ =	vpop @p0 (xrf1)  }
0x5bc: {  	v11 =	vperm.xlane @p0 v11, v6  }
0x5bd: {  	v2 =	vpsel p1, v9, v2;
	v6 =	vperm.xlane @p0 v12, v6  }
0x5be: {  	v1 =	vpsel p1, v10, v1;
	vm0 =	vle.f32 @p0 v2, v11  }
0x5bf: {  	v9 =	vsel @p0 vm0, v2, v11;
	v6 =	vsel @p0 vm0, v1, v6  }
0x5c0: {  	(xrf1) =	vsort.ascd.msk.f32 @p0 $0xffff, v9, v6;
	_ =	sdelay $0xc  }
.Ltmp33:
0x5c1: {  	_ = 	snop;
	(pc) =	sbr.rel .LBB2_30-.Ltmp33, $4  }
0x5c2: {  	v10 =	vimm.s32 @p0 $0xF;
	v6, v9, _ =	vpop @p0 (xrf1)  }
0x5c3: {  	v10 =	vperm.xlane @p0 v6, v10  }
0x5c4: {  	v4 =	vpsel p0, v7, v4;
	v3 =	vpsel p0, v8, v3  }
0x5c5: {  	v2 =	vpsel p0, v6, v2;
	v1 =	vpsel p0, v9, v1;
	v5 =	vpsel p0, v10, v5  }
.LBB2_34:
0x5c6: {  	_ =	sfence.sel $0x180000  }
0x5c7: {  	[bflag:$0x0] =	sbarrier.arrive $0xFFFF  }
0x5c8: {  	_ =	strace $0x90000047  }
0x5c9: {  	[bflag:$0x2] =	sbarrier.arrive $0xFFFF  }
0x5ca: {  	p0 =	sne.s32 s4, $0x0;
	s0 =	rddreg [dreg:$0x2]  }
0x5cb: {  	s0 =	sadd.s32 @!p0 $0x100000, s0  }
0x5cc: {  	[sflag:s0] =	ssyncadd.tile.s32 @!p0 $0x1;
	_ =	shalt  }
.Lfunc_end2:
_tile_overlayer_lowered:
.L_overlay_start_2:
0x5cd: {  	(tag) =	ssettag $0x2  }
0x5ce: {  	s0 =	rddreg [dreg:$0x0];
	s2 =	stileid.u32  }
0x5cf: {  	s1 =	rddreg [dreg:$0x1];
	p0 =	sne.s32 s2, $0x0  }
0x5d0: {  	s3 =	rddreg [dreg:$0x2];
	[bflag:$0x3] =	sbarrier.arrive $0xFFFF;
	s2 =	simm.s32 @!p0 $0x1C04  }
0x5d1: {  	[timem:s3], [sflag:s2] =	dma.local @!p0 [hbm:s0], s1  }
0x5d2: {  	s0 =	simm.s32 @!p0 $0x4  }
0x5d3: {  	_ =	swait.ge @!p0 [sflag:s0], s1  }
0x5d4: {  	s1 =	ssub.s32 @!p0 $0x0, s1;
	[sflag:s0] =	ssyncset.done @!p0 $0x0  }
0x5d5: {  	[sflag:s0] =	ssyncadd.s32 @!p0 s1  }
0x5d6: {  	[bflag:$0x3] =	sbarrier.arrive $0xFFFF  }
0x5d7: {  	_ =	shalt  }

</sc_bundles>
